<compile_context>
chip_gen: v7x
topology: tpu7x:2x2x1
jax: 0.10.2.dev20260603
libtpu: 0.0.44.dev20260713+nightly
codegen_flags: <defaults>
</compile_context>

<pallas_src>
import functools

import jax
import jax.numpy as jnp
from jax import lax
from jax.experimental import pallas as pl
from jax.experimental.pallas import tpu as pltpu
from jax.experimental.pallas import tpu_sc as plsc

N = 10000
NP = 10240
E = 160000
EP = 163840
NG = 64
NSUB = 16
NCORE = 2
ER = EP // 128
EPT = EP // (NSUB * NCORE)
NJ = EPT // 128
RPS = NP // NSUB
R = 1280
NBLK = NP // R
KE = 640

_PREC = lax.Precision.HIGHEST


def _dot(a, b, dims):
    return lax.dot_general(a, b, (dims, ((), ())),
                           preferred_element_type=jnp.float32,
                           precision=_PREC)


def _sc_scatter_body(nchunks, h_ref, src_ref, dst_ref, z_ref, out_ref,
                     srcv, dstv, rows, acc):
    c = lax.axis_index("c")
    s = lax.axis_index("s")
    wid = s * NCORE + c
    pltpu.sync_copy(src_ref.at[pl.ds(wid * NJ, NJ)], srcv)
    pltpu.sync_copy(dst_ref.at[pl.ds(wid * NJ, NJ)], dstv)
    for cc in range(nchunks):
        pltpu.sync_copy(z_ref, acc.at[pl.ds(s * RPS, RPS)])
        plsc.subcore_barrier()

        def step(j, carry):
            pltpu.sync_copy(h_ref.at[cc].at[srcv.at[j]], rows)
            pltpu.sync_copy(rows, acc.at[dstv.at[j]], add=True)
            return carry

        lax.fori_loop(0, NJ, step, 0, unroll=False)
        plsc.subcore_barrier()
        for co in range(NCORE):
            @pl.when(c == co)
            def _(cc=cc, co=co):
                pltpu.sync_copy(acc.at[pl.ds(s * RPS, RPS)],
                                out_ref.at[co].at[cc].at[pl.ds(s * RPS, RPS)])
        plsc.subcore_barrier()


def _sc_scatter(h3, src2, dst2, zrows):
    nchunks = h3.shape[0]
    mesh = plsc.VectorSubcoreMesh(core_axis_name="c", subcore_axis_name="s")
    kfn = pl.kernel(
        functools.partial(_sc_scatter_body, nchunks),
        out_type=jax.ShapeDtypeStruct((NCORE, nchunks, NP, 128), jnp.float32),
        mesh=mesh,
        scratch_types=[
            pltpu.VMEM((NJ, 128), jnp.int32),
            pltpu.VMEM((NJ, 128), jnp.int32),
            pltpu.VMEM((128, 128), jnp.float32),
            pltpu.VMEM_SHARED((NP, 128), jnp.float32),
        ],
    )
    return kfn(h3, src2, dst2, zrows)


def _enc_body(xb_ref, emb_ref, out_ref):
    i = pl.program_id(0)
    xb = xb_ref[...]
    col = lax.broadcasted_iota(jnp.int32, (R, KE), 1)
    oh = jnp.zeros((R, KE), jnp.float32)
    for f in range(9):
        idx = xb[:, f][:, None] + f * 64
        oh = oh + (col == idx).astype(jnp.float32)
    h = _dot(oh, emb_ref[...], ((1,), (0,)))
    row = lax.broadcasted_iota(jnp.int32, (R, 1), 0) + i * R
    h = jnp.where(row < N, h, 0.0)
    for c in range(2):
        out_ref[c] = h[:, c * 128:(c + 1) * 128]


def _encode(xb, emb):
    return pl.pallas_call(
        _enc_body,
        grid=(NBLK,),
        in_specs=[
            pl.BlockSpec((R, 128), lambda i: (i, 0)),
            pl.BlockSpec((KE, 256), lambda i: (0, 0)),
        ],
        out_specs=pl.BlockSpec((2, R, 128), lambda i: (0, i, 0)),
        out_shape=jax.ShapeDtypeStruct((2, NP, 128), jnp.float32),
    )(xb, emb)


def _l1_body(cin, aggp_ref, h_ref, wr_ref, br_ref, wt_ref,
             hp_ref, p1_ref, p2_ref):
    i = pl.program_id(0)
    agg = jnp.concatenate(
        [aggp_ref[0, cc] + aggp_ref[1, cc] for cc in range(cin)], axis=1)
    h = jnp.concatenate([h_ref[cc] for cc in range(cin)], axis=1)
    pre = _dot(agg, wr_ref[...], ((1,), (1,))) \
        + _dot(h, wt_ref[...], ((1,), (1,))) + br_ref[...]
    hp = jnp.maximum(pre, 0.0)
    row = lax.broadcasted_iota(jnp.int32, (R, 1), 0) + i * R
    hp = jnp.where(row < N, hp, 0.0)
    hp_ref[...] = hp
    p1_ref[0] = jnp.sum(hp, axis=0, keepdims=True)
    p2_ref[0] = jnp.sum(hp * hp, axis=0, keepdims=True)


def _layer_mm(aggp, h3, Wr, br2, Wt):
    cin = h3.shape[0]
    dout = Wr.shape[0]
    return pl.pallas_call(
        functools.partial(_l1_body, cin),
        grid=(NBLK,),
        in_specs=[
            pl.BlockSpec((2, cin, R, 128), lambda i: (0, 0, i, 0)),
            pl.BlockSpec((cin, R, 128), lambda i: (0, i, 0)),
            pl.BlockSpec(Wr.shape, lambda i: (0, 0)),
            pl.BlockSpec((1, dout), lambda i: (0, 0)),
            pl.BlockSpec(Wt.shape, lambda i: (0, 0)),
        ],
        out_specs=[
            pl.BlockSpec((R, dout), lambda i: (i, 0)),
            pl.BlockSpec((1, 1, dout), lambda i: (i, 0, 0)),
            pl.BlockSpec((1, 1, dout), lambda i: (i, 0, 0)),
        ],
        out_shape=[
            jax.ShapeDtypeStruct((NP, dout), jnp.float32),
            jax.ShapeDtypeStruct((NBLK, 1, dout), jnp.float32),
            jax.ShapeDtypeStruct((NBLK, 1, dout), jnp.float32),
        ],
    )(aggp, h3, Wr, br2, Wt)


def _bn_body(hp_ref, p1_ref, p2_ref, sc_ref, bb_ref, out_ref):
    i = pl.program_id(0)
    s1 = jnp.sum(p1_ref[...], axis=(0, 1))[None, :]
    s2 = jnp.sum(p2_ref[...], axis=(0, 1))[None, :]
    mu = s1 * (1.0 / N)
    var = s2 * (1.0 / N) - mu * mu
    a = sc_ref[...] * lax.rsqrt(var + 1e-5)
    b = bb_ref[...] - mu * a
    h = hp_ref[...] * a + b
    row = lax.broadcasted_iota(jnp.int32, (R, 1), 0) + i * R
    h = jnp.where(row < N, h, 0.0)
    for cc in range(out_ref.shape[0]):
        out_ref[cc] = h[:, cc * 128:(cc + 1) * 128]


def _bn_apply(hp, p1, p2, bn_scale2, bn_bias2):
    dout = hp.shape[1]
    cout = dout // 128
    return pl.pallas_call(
        _bn_body,
        grid=(NBLK,),
        in_specs=[
            pl.BlockSpec((R, dout), lambda i: (i, 0)),
            pl.BlockSpec((NBLK, 1, dout), lambda i: (0, 0, 0)),
            pl.BlockSpec((NBLK, 1, dout), lambda i: (0, 0, 0)),
            pl.BlockSpec((1, dout), lambda i: (0, 0)),
            pl.BlockSpec((1, dout), lambda i: (0, 0)),
        ],
        out_specs=pl.BlockSpec((cout, R, 128), lambda i: (0, i, 0)),
        out_shape=jax.ShapeDtypeStruct((cout, NP, 128), jnp.float32),
    )(hp, p1, p2, bn_scale2, bn_bias2)


def _pool_body(h_ref, xb_ref, w1_ref, b1_ref, w2_ref, b2_ref, out_ref,
               acc_ref, cnt_ref):
    i = pl.program_id(0)

    @pl.when(i == 0)
    def _():
        acc_ref[...] = jnp.zeros_like(acc_ref)
        cnt_ref[...] = jnp.zeros_like(cnt_ref)

    b = xb_ref[:, 9][:, None]
    g = lax.broadcasted_iota(jnp.int32, (R, NG), 1)
    oh = (g == b).astype(jnp.float32)
    acc_ref[...] += _dot(oh, h_ref[...], ((0,), (0,)))
    cnt_ref[...] += jnp.sum(oh, axis=0, keepdims=True)

    @pl.when(i == NBLK - 1)
    def _():
        cnt = jnp.maximum(cnt_ref[...], 1.0)
        inv = (1.0 / cnt)[0, :][:, None]
        pooled = acc_ref[...] * inv
        o1 = jnp.maximum(_dot(pooled, w1_ref[...], ((1,), (1,)))
                         + b1_ref[...], 0.0)
        o2 = _dot(o1, w2_ref[...], ((1,), (1,))) + b2_ref[0, 0]
        out_ref[...] = o2


def _pool_head(h, xb, w1, b12, w2, b22):
    return pl.pallas_call(
        _pool_body,
        grid=(NBLK,),
        in_specs=[
            pl.BlockSpec((R, 256), lambda i: (i, 0)),
            pl.BlockSpec((R, 128), lambda i: (i, 0)),
            pl.BlockSpec((16, 256), lambda i: (0, 0)),
            pl.BlockSpec((1, 16), lambda i: (0, 0)),
            pl.BlockSpec((128, 16), lambda i: (0, 0)),
            pl.BlockSpec((1, 1), lambda i: (0, 0)),
        ],
        out_specs=pl.BlockSpec((NG, 128), lambda i: (0, 0)),
        out_shape=jax.ShapeDtypeStruct((NG, 128), jnp.float32),
        scratch_shapes=[
            pltpu.VMEM((NG, 256), jnp.float32),
            pltpu.VMEM((1, NG), jnp.float32),
        ],
    )(h, xb, w1, b12, w2, b22)


def kernel(x, edge_index, batch, atom_emb, conv_params, bn_scale, bn_bias,
           lin1_W, lin1_b, lin2_W, lin2_b):
    x = x.astype(jnp.int32)
    batch = batch.astype(jnp.int32)
    src = edge_index[0].astype(jnp.int32)
    dst = edge_index[1].astype(jnp.int32)

    xp = jnp.pad(x, ((0, NP - N), (0, 0)))
    bp = jnp.pad(batch, (0, NP - N), constant_values=NG)[:, None]
    xb = jnp.concatenate(
        [xp, bp, jnp.zeros((NP, 128 - 10), jnp.int32)], axis=1)

    src2 = jnp.pad(src, (0, EP - E), constant_values=N).reshape(ER, 128)
    dst2 = jnp.pad(dst, (0, EP - E), constant_values=N).reshape(ER, 128)
    zrows = jnp.zeros((RPS, 128), jnp.float32)

    emb = jnp.pad(atom_emb.reshape(9 * 64, 256).astype(jnp.float32),
                  ((0, KE - 9 * 64), (0, 0)))
    bn_scale2 = bn_scale[None, :]
    bn_bias2 = bn_bias[None, :]

    h3 = _encode(xb, emb)
    L = len(conv_params)
    hp = None
    for li, (Wr, br, Wt) in enumerate(conv_params):
        aggp = _sc_scatter(h3, src2, dst2, zrows)
        hp, p1, p2 = _layer_mm(aggp, h3, Wr, br[None, :], Wt)
        if li < L - 1:
            h3 = _bn_apply(hp, p1, p2, bn_scale2, bn_bias2)

    w2p = jnp.pad(lin2_W, ((0, 127), (0, 0)))
    out = _pool_head(hp, xb, lin1_W, lin1_b[None, :], w2p, lin2_b[None, :])
    return out[:, :1]

# --- scband reference (transcript-rebuilt; emitter-appended) ---
"""Pipeline reference for scband-gcn-net-41953240547502 (READ-ONLY COPY).

The authoritative reference and input builder live on the scoring server;
editing this copy changes nothing except your own understanding.
"""

import jax, jax.numpy as jnp
import numpy as np

N_NODES = 10000
N_EDGES = 160000
N_FEATS = 9
VOCAB = 64
IN_CH = 256
HID = 512
OUT_CH = 256
N_HIDDEN = 3
N_GRAPHS = 64


def setup_inputs(seed: int = 0) -> dict:
    key = jax.random.key(seed)
    ks = jax.random.split(key, 32)
    x = jax.random.randint(ks[0], (N_NODES, N_FEATS), 0, VOCAB, dtype=jnp.int64) if jax.config.jax_enable_x64 else jax.random.randint(ks[0], (N_NODES, N_FEATS), 0, VOCAB)
    edge_index = jax.random.randint(ks[1], (2, N_EDGES), 0, N_NODES)
    batch = jnp.sort(jax.random.randint(ks[2], (N_NODES,), 0, N_GRAPHS))
    atom_emb = jax.random.normal(ks[3], (N_FEATS, VOCAB, IN_CH), dtype=jnp.float32) * 0.1
    dims = [(IN_CH, HID)] + [(HID, HID)] * N_HIDDEN + [(HID, OUT_CH)]
    conv_params = []
    for i, (din, dout) in enumerate(dims):
        Wr = jax.random.normal(ks[4 + 3 * i], (dout, din), dtype=jnp.float32) * (1.0 / np.sqrt(din))
        br = jnp.zeros((dout,), dtype=jnp.float32)
        Wt = jax.random.normal(ks[5 + 3 * i], (dout, din), dtype=jnp.float32) * (1.0 / np.sqrt(din))
        conv_params.append((Wr, br, Wt))
    conv_params = tuple(conv_params)
    bn_scale = jnp.ones((HID,), dtype=jnp.float32)
    bn_bias = jnp.zeros((HID,), dtype=jnp.float32)
    lin1_W = jax.random.normal(ks[25], (16, OUT_CH), dtype=jnp.float32) * (1.0 / np.sqrt(OUT_CH))
    lin1_b = jnp.zeros((16,), dtype=jnp.float32)
    lin2_W = jax.random.normal(ks[26], (1, 16), dtype=jnp.float32) * 0.25
    lin2_b = jnp.zeros((1,), dtype=jnp.float32)
    return {
        "x": x,
        "edge_index": edge_index,
        "batch": batch,
        "atom_emb": atom_emb,
        "conv_params": conv_params,
        "bn_scale": bn_scale,
        "bn_bias": bn_bias,
        "lin1_W": lin1_W,
        "lin1_b": lin1_b,
        "lin2_W": lin2_W,
        "lin2_b": lin2_b,
    }


def reference(x, edge_index, batch, atom_emb, conv_params, bn_scale, bn_bias, lin1_W, lin1_b, lin2_W, lin2_b):
    # AtomEncoder: sum of per-feature embedding lookups
    h = jnp.zeros((x.shape[0], atom_emb.shape[2]), dtype=jnp.float32)
    for f in range(atom_emb.shape[0]):
        h = h + jnp.take(atom_emb[f], x[:, f], axis=0)
    src = edge_index[0]
    dst = edge_index[1]
    L = len(conv_params)
    for i, (Wr, br, Wt) in enumerate(conv_params):
        # GraphConv: lin_rel(aggr_add(x_j)) + lin_root(x_i)
        agg = jax.ops.segment_sum(jnp.take(h, src, axis=0), dst, num_segments=h.shape[0])
        h = agg @ Wr.T + br + h @ Wt.T
        h = jax.nn.relu(h)
        if i < L - 1:
            mu = jnp.mean(h, axis=0)
            var = jnp.var(h, axis=0)
            h = (h - mu) / jnp.sqrt(var + 1e-5) * bn_scale + bn_bias
    # global mean pool per graph
    pooled = jax.ops.segment_sum(h, batch, num_segments=N_GRAPHS)
    cnt = jax.ops.segment_sum(jnp.ones((h.shape[0],), dtype=h.dtype), batch, num_segments=N_GRAPHS)
    pooled = pooled / jnp.clip(cnt, 1.0)[:, None]
    out = jax.nn.relu(pooled @ lin1_W.T + lin1_b)
    out = out @ lin2_W.T + lin2_b
    return out

if __name__ == "__main__":
    import jax
    _d = setup_inputs()
    print(jax.jit(kernel)(*tuple(_d.values())))

</pallas_src>

<mosaic_0001>
#map = affine_map<(d0, d1) -> (0, 0, 0)>
#map1 = affine_map<(d0, d1) -> (0, 0)>
#map2 = affine_map<(d0, d1) -> (0, 0, 0, 0)>
module attributes {stable_mosaic.version = 14 : i64} {
  func.func @_sc_scatter_body(%arg0: i32, %arg1: i32, %arg2: memref<4x10240x128xf32, #tpu.memory_space<hbm>>, %arg3: memref<1280x128xi32, #tpu.memory_space<hbm>>, %arg4: memref<1280x128xi32, #tpu.memory_space<hbm>>, %arg5: memref<640x128xf32, #tpu.memory_space<hbm>>, %arg6: memref<2x4x10240x128xf32, #tpu.memory_space<hbm>>, %arg7: memref<40x128xi32, #tpu.memory_space<vmem>>, %arg8: memref<40x128xi32, #tpu.memory_space<vmem>>, %arg9: memref<128x128xf32, #tpu.memory_space<vmem>>, %arg10: memref<10240x128xf32, #tpu.memory_space<vmem_shared>>) attributes {dimension_semantics = [#tpu.dimension_semantics<core_parallel>, #tpu.dimension_semantics<subcore_parallel>], iteration_bounds = array<i64: 2, 16>, scalar_prefetch = 0 : i64, scratch_operands = 4 : i64, tpu.core_type = #tpu.core_type<sc_vector_subcore>, window_params = [{transform_indices = #map}, {transform_indices = #map1}, {transform_indices = #map1}, {transform_indices = #map1}, {transform_indices = #map2}]} {
    %mul3A = arith.constant 2 : i32
    %mul3A_0 = arith.muli %arg1, %mul3A : i32
    %add3A = arith.addi %mul3A_0, %arg0 : i32
    %mul3A_1 = arith.constant 40 : i32
    %mul3A_2 = arith.muli %add3A, %mul3A_1 : i32
    "tpu.region"() ({
      %run_scoped3A = tpu.sem_alloc : memref<!tpu.dma_semaphore, #tpu.memory_space<semaphore_mem>>
      %dma_start3A = arith.constant 0 : i32
      %dma_start3A_84 = tpu.memref_slice %arg3[%mul3A_2, %dma_start3A] : memref<1280x128xi32, #tpu.memory_space<hbm>> -> memref<40x128xi32, #tpu.memory_space<hbm>>
      %dma_start3A_85 = arith.constant 0 : i32
      %dma_start3A_86 = tpu.memref_slice %arg3[%mul3A_2, %dma_start3A_85] : memref<1280x128xi32, #tpu.memory_space<hbm>> -> memref<40x128xi32, #tpu.memory_space<hbm>>
      tpu.enqueue_dma source(%dma_start3A_86 : memref<40x128xi32, #tpu.memory_space<hbm>>) target(%arg7 : memref<40x128xi32, #tpu.memory_space<vmem>>) target_semaphore(%run_scoped3A : memref<!tpu.dma_semaphore, #tpu.memory_space<semaphore_mem>>)
      %dma_wait3A = arith.constant 0 : i32
      %dma_wait3A_87 = tpu.memref_slice %arg3[%mul3A_2, %dma_wait3A] : memref<1280x128xi32, #tpu.memory_space<hbm>> -> memref<40x128xi32, #tpu.memory_space<hbm>>
      %dma_wait3A_88 = arith.constant 0 : i32
      %dma_wait3A_89 = tpu.memref_slice %arg3[%mul3A_2, %dma_wait3A_88] : memref<1280x128xi32, #tpu.memory_space<hbm>> -> memref<40x128xi32, #tpu.memory_space<hbm>>
      tpu.wait_dma2 semaphore(%run_scoped3A : memref<!tpu.dma_semaphore, #tpu.memory_space<semaphore_mem>>) src(%dma_wait3A_89 : memref<40x128xi32, #tpu.memory_space<hbm>>) dst(%arg7 : memref<40x128xi32, #tpu.memory_space<vmem>>)
      tpu.yield
    }) : () -> ()
    %mul3A_3 = arith.constant 40 : i32
    %mul3A_4 = arith.muli %add3A, %mul3A_3 : i32
    "tpu.region"() ({
      %run_scoped3A = tpu.sem_alloc : memref<!tpu.dma_semaphore, #tpu.memory_space<semaphore_mem>>
      %dma_start3A = arith.constant 0 : i32
      %dma_start3A_84 = tpu.memref_slice %arg4[%mul3A_4, %dma_start3A] : memref<1280x128xi32, #tpu.memory_space<hbm>> -> memref<40x128xi32, #tpu.memory_space<hbm>>
      %dma_start3A_85 = arith.constant 0 : i32
      %dma_start3A_86 = tpu.memref_slice %arg4[%mul3A_4, %dma_start3A_85] : memref<1280x128xi32, #tpu.memory_space<hbm>> -> memref<40x128xi32, #tpu.memory_space<hbm>>
      tpu.enqueue_dma source(%dma_start3A_86 : memref<40x128xi32, #tpu.memory_space<hbm>>) target(%arg8 : memref<40x128xi32, #tpu.memory_space<vmem>>) target_semaphore(%run_scoped3A : memref<!tpu.dma_semaphore, #tpu.memory_space<semaphore_mem>>)
      %dma_wait3A = arith.constant 0 : i32
      %dma_wait3A_87 = tpu.memref_slice %arg4[%mul3A_4, %dma_wait3A] : memref<1280x128xi32, #tpu.memory_space<hbm>> -> memref<40x128xi32, #tpu.memory_space<hbm>>
      %dma_wait3A_88 = arith.constant 0 : i32
      %dma_wait3A_89 = tpu.memref_slice %arg4[%mul3A_4, %dma_wait3A_88] : memref<1280x128xi32, #tpu.memory_space<hbm>> -> memref<40x128xi32, #tpu.memory_space<hbm>>
      tpu.wait_dma2 semaphore(%run_scoped3A : memref<!tpu.dma_semaphore, #tpu.memory_space<semaphore_mem>>) src(%dma_wait3A_89 : memref<40x128xi32, #tpu.memory_space<hbm>>) dst(%arg8 : memref<40x128xi32, #tpu.memory_space<vmem>>)
      tpu.yield
    }) : () -> ()
    %mul3A_5 = arith.constant 640 : i32
    %mul3A_6 = arith.muli %arg1, %mul3A_5 : i32
    "tpu.region"() ({
      %run_scoped3A = tpu.sem_alloc : memref<!tpu.dma_semaphore, #tpu.memory_space<semaphore_mem>>
      %dma_start3A = arith.constant 0 : i32
      %dma_start3A_84 = tpu.memref_slice %arg10[%mul3A_6, %dma_start3A] : memref<10240x128xf32, #tpu.memory_space<vmem_shared>> -> memref<640x128xf32, #tpu.memory_space<vmem_shared>>
      tpu.enqueue_dma source(%arg5 : memref<640x128xf32, #tpu.memory_space<hbm>>) target(%dma_start3A_84 : memref<640x128xf32, #tpu.memory_space<vmem_shared>>) target_semaphore(%run_scoped3A : memref<!tpu.dma_semaphore, #tpu.memory_space<semaphore_mem>>)
      %dma_wait3A = arith.constant 0 : i32
      %dma_wait3A_85 = tpu.memref_slice %arg10[%mul3A_6, %dma_wait3A] : memref<10240x128xf32, #tpu.memory_space<vmem_shared>> -> memref<640x128xf32, #tpu.memory_space<vmem_shared>>
      tpu.wait_dma2 semaphore(%run_scoped3A : memref<!tpu.dma_semaphore, #tpu.memory_space<semaphore_mem>>) src(%arg5 : memref<640x128xf32, #tpu.memory_space<hbm>>) dst(%dma_wait3A_85 : memref<640x128xf32, #tpu.memory_space<vmem_shared>>)
      tpu.yield
    }) : () -> ()
    %barrier3A = arith.constant 0 : index
    tpu.barrier barrier_id(%barrier3A)
    %scan3A = arith.constant 0 : i32
    %scan3A_7 = arith.constant 0 : i32
    %scan3A_8 = arith.constant 40 : i32
    %scan3A_9 = arith.addi %scan3A_7, %scan3A_8 : i32
    %scan3A_10 = arith.constant 1 : i32
    scf.for %scan3A_84 = %scan3A_7 to %scan3A_9 step %scan3A_10  : i32 {
      %run_scoped3A = arith.constant 0 : i32
      "tpu.region"() ({
        %run_scoped3A_85 = tpu.sem_alloc : memref<!tpu.dma_semaphore, #tpu.memory_space<semaphore_mem>>
        %dma_start3A = arith.constant 0 : i32
        %dma_start3A_86 = tpu.memref_slice %arg7[%scan3A_84, %dma_start3A] : memref<40x128xi32, #tpu.memory_space<vmem>> -> memref<1x128xi32, #tpu.memory_space<vmem>>
        %dma_start3A_87 = tpu.memref_squeeze %dma_start3A_86 : memref<1x128xi32, #tpu.memory_space<vmem>> -> memref<128xi32, #tpu.memory_space<vmem>>
        %dma_start3A_88 = arith.constant 0 : i32
        %dma_start3A_89 = arith.constant 0 : i32
        %dma_start3A_90 = tpu.memref_slice %arg2[%run_scoped3A, %dma_start3A_88, %dma_start3A_89] : memref<4x10240x128xf32, #tpu.memory_space<hbm>> -> memref<1x10240x128xf32, #tpu.memory_space<hbm>>
        %dma_start3A_91 = tpu.memref_squeeze %dma_start3A_90 : memref<1x10240x128xf32, #tpu.memory_space<hbm>> -> memref<10240x128xf32, #tpu.memory_space<hbm>>
        %dma_start3A_92 = arith.constant 0 : i32
        %dma_start3A_93 = arith.constant 0 : i32
        %dma_start3A_94 = tpu.memref_slice %dma_start3A_91[%dma_start3A_92, %dma_start3A_93] : memref<10240x128xf32, #tpu.memory_space<hbm>> -> memref<10240x128xf32, #tpu.memory_space<hbm>>
        tpu.enqueue_indirect_dma source(%dma_start3A_94 : memref<10240x128xf32, #tpu.memory_space<hbm>>) target(%arg9 : memref<128x128xf32, #tpu.memory_space<vmem>>) offsets(%dma_start3A_87 : memref<128xi32, #tpu.memory_space<vmem>>) semaphore(%run_scoped3A_85 : memref<!tpu.dma_semaphore, #tpu.memory_space<semaphore_mem>>)
        %dma_wait3A = arith.constant 0 : i32
        %dma_wait3A_95 = tpu.memref_slice %arg7[%scan3A_84, %dma_wait3A] : memref<40x128xi32, #tpu.memory_space<vmem>> -> memref<1x128xi32, #tpu.memory_space<vmem>>
        %dma_wait3A_96 = tpu.memref_squeeze %dma_wait3A_95 : memref<1x128xi32, #tpu.memory_space<vmem>> -> memref<128xi32, #tpu.memory_space<vmem>>
        %dma_wait3A_97 = arith.constant 0 : i32
        %dma_wait3A_98 = arith.constant 0 : i32
        %dma_wait3A_99 = tpu.memref_slice %arg2[%run_scoped3A, %dma_wait3A_97, %dma_wait3A_98] : memref<4x10240x128xf32, #tpu.memory_space<hbm>> -> memref<1x10240x128xf32, #tpu.memory_space<hbm>>
        %dma_wait3A_100 = tpu.memref_squeeze %dma_wait3A_99 : memref<1x10240x128xf32, #tpu.memory_space<hbm>> -> memref<10240x128xf32, #tpu.memory_space<hbm>>
        %dma_wait3A_101 = arith.constant 0 : i32
        %dma_wait3A_102 = arith.constant 0 : i32
        %dma_wait3A_103 = tpu.memref_slice %dma_wait3A_100[%dma_wait3A_101, %dma_wait3A_102] : memref<10240x128xf32, #tpu.memory_space<hbm>> -> memref<10240x128xf32, #tpu.memory_space<hbm>>
        tpu.wait_indirect_dma semaphore(%run_scoped3A_85 : memref<!tpu.dma_semaphore, #tpu.memory_space<semaphore_mem>>) src(%dma_wait3A_103 : memref<10240x128xf32, #tpu.memory_space<hbm>>) dst(%arg9 : memref<128x128xf32, #tpu.memory_space<vmem>>)
        tpu.yield
      }) : () -> ()
      "tpu.region"() ({
        %run_scoped3A_85 = tpu.sem_alloc : memref<!tpu.dma_semaphore, #tpu.memory_space<semaphore_mem>>
        %dma_start3A = arith.constant 0 : i32
        %dma_start3A_86 = tpu.memref_slice %arg8[%scan3A_84, %dma_start3A] : memref<40x128xi32, #tpu.memory_space<vmem>> -> memref<1x128xi32, #tpu.memory_space<vmem>>
        %dma_start3A_87 = tpu.memref_squeeze %dma_start3A_86 : memref<1x128xi32, #tpu.memory_space<vmem>> -> memref<128xi32, #tpu.memory_space<vmem>>
        %dma_start3A_88 = arith.constant 0 : i32
        %dma_start3A_89 = arith.constant 0 : i32
        %dma_start3A_90 = tpu.memref_slice %arg10[%dma_start3A_88, %dma_start3A_89] : memref<10240x128xf32, #tpu.memory_space<vmem_shared>> -> memref<10240x128xf32, #tpu.memory_space<vmem_shared>>
        tpu.enqueue_indirect_dma source(%arg9 : memref<128x128xf32, #tpu.memory_space<vmem>>) target(%dma_start3A_90 : memref<10240x128xf32, #tpu.memory_space<vmem_shared>>) offsets(%dma_start3A_87 : memref<128xi32, #tpu.memory_space<vmem>>) semaphore(%run_scoped3A_85 : memref<!tpu.dma_semaphore, #tpu.memory_space<semaphore_mem>>) {add = true}
        %dma_wait3A = arith.constant 0 : i32
        %dma_wait3A_91 = tpu.memref_slice %arg8[%scan3A_84, %dma_wait3A] : memref<40x128xi32, #tpu.memory_space<vmem>> -> memref<1x128xi32, #tpu.memory_space<vmem>>
        %dma_wait3A_92 = tpu.memref_squeeze %dma_wait3A_91 : memref<1x128xi32, #tpu.memory_space<vmem>> -> memref<128xi32, #tpu.memory_space<vmem>>
        %dma_wait3A_93 = arith.constant 0 : i32
        %dma_wait3A_94 = arith.constant 0 : i32
        %dma_wait3A_95 = tpu.memref_slice %arg10[%dma_wait3A_93, %dma_wait3A_94] : memref<10240x128xf32, #tpu.memory_space<vmem_shared>> -> memref<10240x128xf32, #tpu.memory_space<vmem_shared>>
        tpu.wait_indirect_dma semaphore(%run_scoped3A_85 : memref<!tpu.dma_semaphore, #tpu.memory_space<semaphore_mem>>) src(%arg9 : memref<128x128xf32, #tpu.memory_space<vmem>>) dst(%dma_wait3A_95 : memref<10240x128xf32, #tpu.memory_space<vmem_shared>>)
        tpu.yield
      }) : () -> ()
    }
    %scan3A_11 = arith.constant 40 : i32
    %barrier3A_12 = arith.constant 0 : index
    tpu.barrier barrier_id(%barrier3A_12)
    %eq3A = arith.constant 0 : i32
    %eq3A_13 = arith.cmpi eq, %arg0, %eq3A : i32
    %convert_element_type3A = arith.extui %eq3A_13 : i1 to i32
    %cond3A = arith.constant 0 : i32
    %cond3A_14 = arith.cmpi ne, %convert_element_type3A, %cond3A : i32
    scf.if %cond3A_14 {
      %mul3A_84 = arith.constant 640 : i32
      %mul3A_85 = arith.muli %arg1, %mul3A_84 : i32
      %mul3A_86 = arith.constant 640 : i32
      %mul3A_87 = arith.muli %arg1, %mul3A_86 : i32
      %run_scoped3A = arith.constant 0 : i32
      %run_scoped3A_88 = arith.constant 0 : i32
      "tpu.region"() ({
        %run_scoped3A_89 = tpu.sem_alloc : memref<!tpu.dma_semaphore, #tpu.memory_space<semaphore_mem>>
        %dma_start3A = arith.constant 0 : i32
        %dma_start3A_90 = arith.constant 0 : i32
        %dma_start3A_91 = arith.constant 0 : i32
        %dma_start3A_92 = tpu.memref_slice %arg6[%run_scoped3A, %dma_start3A, %dma_start3A_90, %dma_start3A_91] : memref<2x4x10240x128xf32, #tpu.memory_space<hbm>> -> memref<1x4x10240x128xf32, #tpu.memory_space<hbm>>
        %dma_start3A_93 = tpu.memref_squeeze %dma_start3A_92 : memref<1x4x10240x128xf32, #tpu.memory_space<hbm>> -> memref<4x10240x128xf32, #tpu.memory_space<hbm>>
        %dma_start3A_94 = arith.constant 0 : i32
        %dma_start3A_95 = arith.constant 0 : i32
        %dma_start3A_96 = tpu.memref_slice %dma_start3A_93[%run_scoped3A_88, %dma_start3A_94, %dma_start3A_95] : memref<4x10240x128xf32, #tpu.memory_space<hbm>> -> memref<1x10240x128xf32, #tpu.memory_space<hbm>>
        %dma_start3A_97 = tpu.memref_squeeze %dma_start3A_96 : memref<1x10240x128xf32, #tpu.memory_space<hbm>> -> memref<10240x128xf32, #tpu.memory_space<hbm>>
        %dma_start3A_98 = arith.constant 0 : i32
        %dma_start3A_99 = tpu.memref_slice %dma_start3A_97[%mul3A_87, %dma_start3A_98] : memref<10240x128xf32, #tpu.memory_space<hbm>> -> memref<640x128xf32, #tpu.memory_space<hbm>>
        %dma_start3A_100 = arith.constant 0 : i32
        %dma_start3A_101 = tpu.memref_slice %arg10[%mul3A_85, %dma_start3A_100] : memref<10240x128xf32, #tpu.memory_space<vmem_shared>> -> memref<640x128xf32, #tpu.memory_space<vmem_shared>>
        tpu.enqueue_dma source(%dma_start3A_101 : memref<640x128xf32, #tpu.memory_space<vmem_shared>>) target(%dma_start3A_99 : memref<640x128xf32, #tpu.memory_space<hbm>>) target_semaphore(%run_scoped3A_89 : memref<!tpu.dma_semaphore, #tpu.memory_space<semaphore_mem>>)
        %dma_wait3A = arith.constant 0 : i32
        %dma_wait3A_102 = arith.constant 0 : i32
        %dma_wait3A_103 = arith.constant 0 : i32
        %dma_wait3A_104 = tpu.memref_slice %arg6[%run_scoped3A, %dma_wait3A, %dma_wait3A_102, %dma_wait3A_103] : memref<2x4x10240x128xf32, #tpu.memory_space<hbm>> -> memref<1x4x10240x128xf32, #tpu.memory_space<hbm>>
        %dma_wait3A_105 = tpu.memref_squeeze %dma_wait3A_104 : memref<1x4x10240x128xf32, #tpu.memory_space<hbm>> -> memref<4x10240x128xf32, #tpu.memory_space<hbm>>
        %dma_wait3A_106 = arith.constant 0 : i32
        %dma_wait3A_107 = arith.constant 0 : i32
        %dma_wait3A_108 = tpu.memref_slice %dma_wait3A_105[%run_scoped3A_88, %dma_wait3A_106, %dma_wait3A_107] : memref<4x10240x128xf32, #tpu.memory_space<hbm>> -> memref<1x10240x128xf32, #tpu.memory_space<hbm>>
        %dma_wait3A_109 = tpu.memref_squeeze %dma_wait3A_108 : memref<1x10240x128xf32, #tpu.memory_space<hbm>> -> memref<10240x128xf32, #tpu.memory_space<hbm>>
        %dma_wait3A_110 = arith.constant 0 : i32
        %dma_wait3A_111 = tpu.memref_slice %dma_wait3A_109[%mul3A_87, %dma_wait3A_110] : memref<10240x128xf32, #tpu.memory_space<hbm>> -> memref<640x128xf32, #tpu.memory_space<hbm>>
        %dma_wait3A_112 = arith.constant 0 : i32
        %dma_wait3A_113 = tpu.memref_slice %arg10[%mul3A_85, %dma_wait3A_112] : memref<10240x128xf32, #tpu.memory_space<vmem_shared>> -> memref<640x128xf32, #tpu.memory_space<vmem_shared>>
        tpu.wait_dma2 semaphore(%run_scoped3A_89 : memref<!tpu.dma_semaphore, #tpu.memory_space<semaphore_mem>>) src(%dma_wait3A_113 : memref<640x128xf32, #tpu.memory_space<vmem_shared>>) dst(%dma_wait3A_111 : memref<640x128xf32, #tpu.memory_space<hbm>>)
        tpu.yield
      }) : () -> ()
    } else {
    }
    %eq3A_15 = arith.constant 1 : i32
    %eq3A_16 = arith.cmpi eq, %arg0, %eq3A_15 : i32
    %convert_element_type3A_17 = arith.extui %eq3A_16 : i1 to i32
    %cond3A_18 = arith.constant 0 : i32
    %cond3A_19 = arith.cmpi ne, %convert_element_type3A_17, %cond3A_18 : i32
    scf.if %cond3A_19 {
      %mul3A_84 = arith.constant 640 : i32
      %mul3A_85 = arith.muli %arg1, %mul3A_84 : i32
      %mul3A_86 = arith.constant 640 : i32
      %mul3A_87 = arith.muli %arg1, %mul3A_86 : i32
      %run_scoped3A = arith.constant 1 : i32
      %run_scoped3A_88 = arith.constant 0 : i32
      "tpu.region"() ({
        %run_scoped3A_89 = tpu.sem_alloc : memref<!tpu.dma_semaphore, #tpu.memory_space<semaphore_mem>>
        %dma_start3A = arith.constant 0 : i32
        %dma_start3A_90 = arith.constant 0 : i32
        %dma_start3A_91 = arith.constant 0 : i32
        %dma_start3A_92 = tpu.memref_slice %arg6[%run_scoped3A, %dma_start3A, %dma_start3A_90, %dma_start3A_91] : memref<2x4x10240x128xf32, #tpu.memory_space<hbm>> -> memref<1x4x10240x128xf32, #tpu.memory_space<hbm>>
        %dma_start3A_93 = tpu.memref_squeeze %dma_start3A_92 : memref<1x4x10240x128xf32, #tpu.memory_space<hbm>> -> memref<4x10240x128xf32, #tpu.memory_space<hbm>>
        %dma_start3A_94 = arith.constant 0 : i32
        %dma_start3A_95 = arith.constant 0 : i32
        %dma_start3A_96 = tpu.memref_slice %dma_start3A_93[%run_scoped3A_88, %dma_start3A_94, %dma_start3A_95] : memref<4x10240x128xf32, #tpu.memory_space<hbm>> -> memref<1x10240x128xf32, #tpu.memory_space<hbm>>
        %dma_start3A_97 = tpu.memref_squeeze %dma_start3A_96 : memref<1x10240x128xf32, #tpu.memory_space<hbm>> -> memref<10240x128xf32, #tpu.memory_space<hbm>>
        %dma_start3A_98 = arith.constant 0 : i32
        %dma_start3A_99 = tpu.memref_slice %dma_start3A_97[%mul3A_87, %dma_start3A_98] : memref<10240x128xf32, #tpu.memory_space<hbm>> -> memref<640x128xf32, #tpu.memory_space<hbm>>
        %dma_start3A_100 = arith.constant 0 : i32
        %dma_start3A_101 = tpu.memref_slice %arg10[%mul3A_85, %dma_start3A_100] : memref<10240x128xf32, #tpu.memory_space<vmem_shared>> -> memref<640x128xf32, #tpu.memory_space<vmem_shared>>
        tpu.enqueue_dma source(%dma_start3A_101 : memref<640x128xf32, #tpu.memory_space<vmem_shared>>) target(%dma_start3A_99 : memref<640x128xf32, #tpu.memory_space<hbm>>) target_semaphore(%run_scoped3A_89 : memref<!tpu.dma_semaphore, #tpu.memory_space<semaphore_mem>>)
        %dma_wait3A = arith.constant 0 : i32
        %dma_wait3A_102 = arith.constant 0 : i32
        %dma_wait3A_103 = arith.constant 0 : i32
        %dma_wait3A_104 = tpu.memref_slice %arg6[%run_scoped3A, %dma_wait3A, %dma_wait3A_102, %dma_wait3A_103] : memref<2x4x10240x128xf32, #tpu.memory_space<hbm>> -> memref<1x4x10240x128xf32, #tpu.memory_space<hbm>>
        %dma_wait3A_105 = tpu.memref_squeeze %dma_wait3A_104 : memref<1x4x10240x128xf32, #tpu.memory_space<hbm>> -> memref<4x10240x128xf32, #tpu.memory_space<hbm>>
        %dma_wait3A_106 = arith.constant 0 : i32
        %dma_wait3A_107 = arith.constant 0 : i32
        %dma_wait3A_108 = tpu.memref_slice %dma_wait3A_105[%run_scoped3A_88, %dma_wait3A_106, %dma_wait3A_107] : memref<4x10240x128xf32, #tpu.memory_space<hbm>> -> memref<1x10240x128xf32, #tpu.memory_space<hbm>>
        %dma_wait3A_109 = tpu.memref_squeeze %dma_wait3A_108 : memref<1x10240x128xf32, #tpu.memory_space<hbm>> -> memref<10240x128xf32, #tpu.memory_space<hbm>>
        %dma_wait3A_110 = arith.constant 0 : i32
        %dma_wait3A_111 = tpu.memref_slice %dma_wait3A_109[%mul3A_87, %dma_wait3A_110] : memref<10240x128xf32, #tpu.memory_space<hbm>> -> memref<640x128xf32, #tpu.memory_space<hbm>>
        %dma_wait3A_112 = arith.constant 0 : i32
        %dma_wait3A_113 = tpu.memref_slice %arg10[%mul3A_85, %dma_wait3A_112] : memref<10240x128xf32, #tpu.memory_space<vmem_shared>> -> memref<640x128xf32, #tpu.memory_space<vmem_shared>>
        tpu.wait_dma2 semaphore(%run_scoped3A_89 : memref<!tpu.dma_semaphore, #tpu.memory_space<semaphore_mem>>) src(%dma_wait3A_113 : memref<640x128xf32, #tpu.memory_space<vmem_shared>>) dst(%dma_wait3A_111 : memref<640x128xf32, #tpu.memory_space<hbm>>)
        tpu.yield
      }) : () -> ()
    } else {
    }
    %barrier3A_20 = arith.constant 0 : index
    tpu.barrier barrier_id(%barrier3A_20)
    %mul3A_21 = arith.constant 640 : i32
    %mul3A_22 = arith.muli %arg1, %mul3A_21 : i32
    "tpu.region"() ({
      %run_scoped3A = tpu.sem_alloc : memref<!tpu.dma_semaphore, #tpu.memory_space<semaphore_mem>>
      %dma_start3A = arith.constant 0 : i32
      %dma_start3A_84 = tpu.memref_slice %arg10[%mul3A_22, %dma_start3A] : memref<10240x128xf32, #tpu.memory_space<vmem_shared>> -> memref<640x128xf32, #tpu.memory_space<vmem_shared>>
      tpu.enqueue_dma source(%arg5 : memref<640x128xf32, #tpu.memory_space<hbm>>) target(%dma_start3A_84 : memref<640x128xf32, #tpu.memory_space<vmem_shared>>) target_semaphore(%run_scoped3A : memref<!tpu.dma_semaphore, #tpu.memory_space<semaphore_mem>>)
      %dma_wait3A = arith.constant 0 : i32
      %dma_wait3A_85 = tpu.memref_slice %arg10[%mul3A_22, %dma_wait3A] : memref<10240x128xf32, #tpu.memory_space<vmem_shared>> -> memref<640x128xf32, #tpu.memory_space<vmem_shared>>
      tpu.wait_dma2 semaphore(%run_scoped3A : memref<!tpu.dma_semaphore, #tpu.memory_space<semaphore_mem>>) src(%arg5 : memref<640x128xf32, #tpu.memory_space<hbm>>) dst(%dma_wait3A_85 : memref<640x128xf32, #tpu.memory_space<vmem_shared>>)
      tpu.yield
    }) : () -> ()
    %barrier3A_23 = arith.constant 0 : index
    tpu.barrier barrier_id(%barrier3A_23)
    %scan3A_24 = arith.constant 0 : i32
    %scan3A_25 = arith.constant 0 : i32
    %scan3A_26 = arith.constant 40 : i32
    %scan3A_27 = arith.addi %scan3A_25, %scan3A_26 : i32
    %scan3A_28 = arith.constant 1 : i32
    scf.for %scan3A_84 = %scan3A_25 to %scan3A_27 step %scan3A_28  : i32 {
      %run_scoped3A = arith.constant 1 : i32
      "tpu.region"() ({
        %run_scoped3A_85 = tpu.sem_alloc : memref<!tpu.dma_semaphore, #tpu.memory_space<semaphore_mem>>
        %dma_start3A = arith.constant 0 : i32
        %dma_start3A_86 = tpu.memref_slice %arg7[%scan3A_84, %dma_start3A] : memref<40x128xi32, #tpu.memory_space<vmem>> -> memref<1x128xi32, #tpu.memory_space<vmem>>
        %dma_start3A_87 = tpu.memref_squeeze %dma_start3A_86 : memref<1x128xi32, #tpu.memory_space<vmem>> -> memref<128xi32, #tpu.memory_space<vmem>>
        %dma_start3A_88 = arith.constant 0 : i32
        %dma_start3A_89 = arith.constant 0 : i32
        %dma_start3A_90 = tpu.memref_slice %arg2[%run_scoped3A, %dma_start3A_88, %dma_start3A_89] : memref<4x10240x128xf32, #tpu.memory_space<hbm>> -> memref<1x10240x128xf32, #tpu.memory_space<hbm>>
        %dma_start3A_91 = tpu.memref_squeeze %dma_start3A_90 : memref<1x10240x128xf32, #tpu.memory_space<hbm>> -> memref<10240x128xf32, #tpu.memory_space<hbm>>
        %dma_start3A_92 = arith.constant 0 : i32
        %dma_start3A_93 = arith.constant 0 : i32
        %dma_start3A_94 = tpu.memref_slice %dma_start3A_91[%dma_start3A_92, %dma_start3A_93] : memref<10240x128xf32, #tpu.memory_space<hbm>> -> memref<10240x128xf32, #tpu.memory_space<hbm>>
        tpu.enqueue_indirect_dma source(%dma_start3A_94 : memref<10240x128xf32, #tpu.memory_space<hbm>>) target(%arg9 : memref<128x128xf32, #tpu.memory_space<vmem>>) offsets(%dma_start3A_87 : memref<128xi32, #tpu.memory_space<vmem>>) semaphore(%run_scoped3A_85 : memref<!tpu.dma_semaphore, #tpu.memory_space<semaphore_mem>>)
        %dma_wait3A = arith.constant 0 : i32
        %dma_wait3A_95 = tpu.memref_slice %arg7[%scan3A_84, %dma_wait3A] : memref<40x128xi32, #tpu.memory_space<vmem>> -> memref<1x128xi32, #tpu.memory_space<vmem>>
        %dma_wait3A_96 = tpu.memref_squeeze %dma_wait3A_95 : memref<1x128xi32, #tpu.memory_space<vmem>> -> memref<128xi32, #tpu.memory_space<vmem>>
        %dma_wait3A_97 = arith.constant 0 : i32
        %dma_wait3A_98 = arith.constant 0 : i32
        %dma_wait3A_99 = tpu.memref_slice %arg2[%run_scoped3A, %dma_wait3A_97, %dma_wait3A_98] : memref<4x10240x128xf32, #tpu.memory_space<hbm>> -> memref<1x10240x128xf32, #tpu.memory_space<hbm>>
        %dma_wait3A_100 = tpu.memref_squeeze %dma_wait3A_99 : memref<1x10240x128xf32, #tpu.memory_space<hbm>> -> memref<10240x128xf32, #tpu.memory_space<hbm>>
        %dma_wait3A_101 = arith.constant 0 : i32
        %dma_wait3A_102 = arith.constant 0 : i32
        %dma_wait3A_103 = tpu.memref_slice %dma_wait3A_100[%dma_wait3A_101, %dma_wait3A_102] : memref<10240x128xf32, #tpu.memory_space<hbm>> -> memref<10240x128xf32, #tpu.memory_space<hbm>>
        tpu.wait_indirect_dma semaphore(%run_scoped3A_85 : memref<!tpu.dma_semaphore, #tpu.memory_space<semaphore_mem>>) src(%dma_wait3A_103 : memref<10240x128xf32, #tpu.memory_space<hbm>>) dst(%arg9 : memref<128x128xf32, #tpu.memory_space<vmem>>)
        tpu.yield
      }) : () -> ()
      "tpu.region"() ({
        %run_scoped3A_85 = tpu.sem_alloc : memref<!tpu.dma_semaphore, #tpu.memory_space<semaphore_mem>>
        %dma_start3A = arith.constant 0 : i32
        %dma_start3A_86 = tpu.memref_slice %arg8[%scan3A_84, %dma_start3A] : memref<40x128xi32, #tpu.memory_space<vmem>> -> memref<1x128xi32, #tpu.memory_space<vmem>>
        %dma_start3A_87 = tpu.memref_squeeze %dma_start3A_86 : memref<1x128xi32, #tpu.memory_space<vmem>> -> memref<128xi32, #tpu.memory_space<vmem>>
        %dma_start3A_88 = arith.constant 0 : i32
        %dma_start3A_89 = arith.constant 0 : i32
        %dma_start3A_90 = tpu.memref_slice %arg10[%dma_start3A_88, %dma_start3A_89] : memref<10240x128xf32, #tpu.memory_space<vmem_shared>> -> memref<10240x128xf32, #tpu.memory_space<vmem_shared>>
        tpu.enqueue_indirect_dma source(%arg9 : memref<128x128xf32, #tpu.memory_space<vmem>>) target(%dma_start3A_90 : memref<10240x128xf32, #tpu.memory_space<vmem_shared>>) offsets(%dma_start3A_87 : memref<128xi32, #tpu.memory_space<vmem>>) semaphore(%run_scoped3A_85 : memref<!tpu.dma_semaphore, #tpu.memory_space<semaphore_mem>>) {add = true}
        %dma_wait3A = arith.constant 0 : i32
        %dma_wait3A_91 = tpu.memref_slice %arg8[%scan3A_84, %dma_wait3A] : memref<40x128xi32, #tpu.memory_space<vmem>> -> memref<1x128xi32, #tpu.memory_space<vmem>>
        %dma_wait3A_92 = tpu.memref_squeeze %dma_wait3A_91 : memref<1x128xi32, #tpu.memory_space<vmem>> -> memref<128xi32, #tpu.memory_space<vmem>>
        %dma_wait3A_93 = arith.constant 0 : i32
        %dma_wait3A_94 = arith.constant 0 : i32
        %dma_wait3A_95 = tpu.memref_slice %arg10[%dma_wait3A_93, %dma_wait3A_94] : memref<10240x128xf32, #tpu.memory_space<vmem_shared>> -> memref<10240x128xf32, #tpu.memory_space<vmem_shared>>
        tpu.wait_indirect_dma semaphore(%run_scoped3A_85 : memref<!tpu.dma_semaphore, #tpu.memory_space<semaphore_mem>>) src(%arg9 : memref<128x128xf32, #tpu.memory_space<vmem>>) dst(%dma_wait3A_95 : memref<10240x128xf32, #tpu.memory_space<vmem_shared>>)
        tpu.yield
      }) : () -> ()
    }
    %scan3A_29 = arith.constant 40 : i32
    %barrier3A_30 = arith.constant 0 : index
    tpu.barrier barrier_id(%barrier3A_30)
    %eq3A_31 = arith.constant 0 : i32
    %eq3A_32 = arith.cmpi eq, %arg0, %eq3A_31 : i32
    %convert_element_type3A_33 = arith.extui %eq3A_32 : i1 to i32
    %cond3A_34 = arith.constant 0 : i32
    %cond3A_35 = arith.cmpi ne, %convert_element_type3A_33, %cond3A_34 : i32
    scf.if %cond3A_35 {
      %mul3A_84 = arith.constant 640 : i32
      %mul3A_85 = arith.muli %arg1, %mul3A_84 : i32
      %mul3A_86 = arith.constant 640 : i32
      %mul3A_87 = arith.muli %arg1, %mul3A_86 : i32
      %run_scoped3A = arith.constant 0 : i32
      %run_scoped3A_88 = arith.constant 1 : i32
      "tpu.region"() ({
        %run_scoped3A_89 = tpu.sem_alloc : memref<!tpu.dma_semaphore, #tpu.memory_space<semaphore_mem>>
        %dma_start3A = arith.constant 0 : i32
        %dma_start3A_90 = arith.constant 0 : i32
        %dma_start3A_91 = arith.constant 0 : i32
        %dma_start3A_92 = tpu.memref_slice %arg6[%run_scoped3A, %dma_start3A, %dma_start3A_90, %dma_start3A_91] : memref<2x4x10240x128xf32, #tpu.memory_space<hbm>> -> memref<1x4x10240x128xf32, #tpu.memory_space<hbm>>
        %dma_start3A_93 = tpu.memref_squeeze %dma_start3A_92 : memref<1x4x10240x128xf32, #tpu.memory_space<hbm>> -> memref<4x10240x128xf32, #tpu.memory_space<hbm>>
        %dma_start3A_94 = arith.constant 0 : i32
        %dma_start3A_95 = arith.constant 0 : i32
        %dma_start3A_96 = tpu.memref_slice %dma_start3A_93[%run_scoped3A_88, %dma_start3A_94, %dma_start3A_95] : memref<4x10240x128xf32, #tpu.memory_space<hbm>> -> memref<1x10240x128xf32, #tpu.memory_space<hbm>>
        %dma_start3A_97 = tpu.memref_squeeze %dma_start3A_96 : memref<1x10240x128xf32, #tpu.memory_space<hbm>> -> memref<10240x128xf32, #tpu.memory_space<hbm>>
        %dma_start3A_98 = arith.constant 0 : i32
        %dma_start3A_99 = tpu.memref_slice %dma_start3A_97[%mul3A_87, %dma_start3A_98] : memref<10240x128xf32, #tpu.memory_space<hbm>> -> memref<640x128xf32, #tpu.memory_space<hbm>>
        %dma_start3A_100 = arith.constant 0 : i32
        %dma_start3A_101 = tpu.memref_slice %arg10[%mul3A_85, %dma_start3A_100] : memref<10240x128xf32, #tpu.memory_space<vmem_shared>> -> memref<640x128xf32, #tpu.memory_space<vmem_shared>>
        tpu.enqueue_dma source(%dma_start3A_101 : memref<640x128xf32, #tpu.memory_space<vmem_shared>>) target(%dma_start3A_99 : memref<640x128xf32, #tpu.memory_space<hbm>>) target_semaphore(%run_scoped3A_89 : memref<!tpu.dma_semaphore, #tpu.memory_space<semaphore_mem>>)
        %dma_wait3A = arith.constant 0 : i32
        %dma_wait3A_102 = arith.constant 0 : i32
        %dma_wait3A_103 = arith.constant 0 : i32
        %dma_wait3A_104 = tpu.memref_slice %arg6[%run_scoped3A, %dma_wait3A, %dma_wait3A_102, %dma_wait3A_103] : memref<2x4x10240x128xf32, #tpu.memory_space<hbm>> -> memref<1x4x10240x128xf32, #tpu.memory_space<hbm>>
        %dma_wait3A_105 = tpu.memref_squeeze %dma_wait3A_104 : memref<1x4x10240x128xf32, #tpu.memory_space<hbm>> -> memref<4x10240x128xf32, #tpu.memory_space<hbm>>
        %dma_wait3A_106 = arith.constant 0 : i32
        %dma_wait3A_107 = arith.constant 0 : i32
        %dma_wait3A_108 = tpu.memref_slice %dma_wait3A_105[%run_scoped3A_88, %dma_wait3A_106, %dma_wait3A_107] : memref<4x10240x128xf32, #tpu.memory_space<hbm>> -> memref<1x10240x128xf32, #tpu.memory_space<hbm>>
        %dma_wait3A_109 = tpu.memref_squeeze %dma_wait3A_108 : memref<1x10240x128xf32, #tpu.memory_space<hbm>> -> memref<10240x128xf32, #tpu.memory_space<hbm>>
        %dma_wait3A_110 = arith.constant 0 : i32
        %dma_wait3A_111 = tpu.memref_slice %dma_wait3A_109[%mul3A_87, %dma_wait3A_110] : memref<10240x128xf32, #tpu.memory_space<hbm>> -> memref<640x128xf32, #tpu.memory_space<hbm>>
        %dma_wait3A_112 = arith.constant 0 : i32
        %dma_wait3A_113 = tpu.memref_slice %arg10[%mul3A_85, %dma_wait3A_112] : memref<10240x128xf32, #tpu.memory_space<vmem_shared>> -> memref<640x128xf32, #tpu.memory_space<vmem_shared>>
        tpu.wait_dma2 semaphore(%run_scoped3A_89 : memref<!tpu.dma_semaphore, #tpu.memory_space<semaphore_mem>>) src(%dma_wait3A_113 : memref<640x128xf32, #tpu.memory_space<vmem_shared>>) dst(%dma_wait3A_111 : memref<640x128xf32, #tpu.memory_space<hbm>>)
        tpu.yield
      }) : () -> ()
    } else {
    }
    %eq3A_36 = arith.constant 1 : i32
    %eq3A_37 = arith.cmpi eq, %arg0, %eq3A_36 : i32
    %convert_element_type3A_38 = arith.extui %eq3A_37 : i1 to i32
    %cond3A_39 = arith.constant 0 : i32
    %cond3A_40 = arith.cmpi ne, %convert_element_type3A_38, %cond3A_39 : i32
    scf.if %cond3A_40 {
      %mul3A_84 = arith.constant 640 : i32
      %mul3A_85 = arith.muli %arg1, %mul3A_84 : i32
      %mul3A_86 = arith.constant 640 : i32
      %mul3A_87 = arith.muli %arg1, %mul3A_86 : i32
      %run_scoped3A = arith.constant 1 : i32
      %run_scoped3A_88 = arith.constant 1 : i32
      "tpu.region"() ({
        %run_scoped3A_89 = tpu.sem_alloc : memref<!tpu.dma_semaphore, #tpu.memory_space<semaphore_mem>>
        %dma_start3A = arith.constant 0 : i32
        %dma_start3A_90 = arith.constant 0 : i32
        %dma_start3A_91 = arith.constant 0 : i32
        %dma_start3A_92 = tpu.memref_slice %arg6[%run_scoped3A, %dma_start3A, %dma_start3A_90, %dma_start3A_91] : memref<2x4x10240x128xf32, #tpu.memory_space<hbm>> -> memref<1x4x10240x128xf32, #tpu.memory_space<hbm>>
        %dma_start3A_93 = tpu.memref_squeeze %dma_start3A_92 : memref<1x4x10240x128xf32, #tpu.memory_space<hbm>> -> memref<4x10240x128xf32, #tpu.memory_space<hbm>>
        %dma_start3A_94 = arith.constant 0 : i32
        %dma_start3A_95 = arith.constant 0 : i32
        %dma_start3A_96 = tpu.memref_slice %dma_start3A_93[%run_scoped3A_88, %dma_start3A_94, %dma_start3A_95] : memref<4x10240x128xf32, #tpu.memory_space<hbm>> -> memref<1x10240x128xf32, #tpu.memory_space<hbm>>
        %dma_start3A_97 = tpu.memref_squeeze %dma_start3A_96 : memref<1x10240x128xf32, #tpu.memory_space<hbm>> -> memref<10240x128xf32, #tpu.memory_space<hbm>>
        %dma_start3A_98 = arith.constant 0 : i32
        %dma_start3A_99 = tpu.memref_slice %dma_start3A_97[%mul3A_87, %dma_start3A_98] : memref<10240x128xf32, #tpu.memory_space<hbm>> -> memref<640x128xf32, #tpu.memory_space<hbm>>
        %dma_start3A_100 = arith.constant 0 : i32
        %dma_start3A_101 = tpu.memref_slice %arg10[%mul3A_85, %dma_start3A_100] : memref<10240x128xf32, #tpu.memory_space<vmem_shared>> -> memref<640x128xf32, #tpu.memory_space<vmem_shared>>
        tpu.enqueue_dma source(%dma_start3A_101 : memref<640x128xf32, #tpu.memory_space<vmem_shared>>) target(%dma_start3A_99 : memref<640x128xf32, #tpu.memory_space<hbm>>) target_semaphore(%run_scoped3A_89 : memref<!tpu.dma_semaphore, #tpu.memory_space<semaphore_mem>>)
        %dma_wait3A = arith.constant 0 : i32
        %dma_wait3A_102 = arith.constant 0 : i32
        %dma_wait3A_103 = arith.constant 0 : i32
        %dma_wait3A_104 = tpu.memref_slice %arg6[%run_scoped3A, %dma_wait3A, %dma_wait3A_102, %dma_wait3A_103] : memref<2x4x10240x128xf32, #tpu.memory_space<hbm>> -> memref<1x4x10240x128xf32, #tpu.memory_space<hbm>>
        %dma_wait3A_105 = tpu.memref_squeeze %dma_wait3A_104 : memref<1x4x10240x128xf32, #tpu.memory_space<hbm>> -> memref<4x10240x128xf32, #tpu.memory_space<hbm>>
        %dma_wait3A_106 = arith.constant 0 : i32
        %dma_wait3A_107 = arith.constant 0 : i32
        %dma_wait3A_108 = tpu.memref_slice %dma_wait3A_105[%run_scoped3A_88, %dma_wait3A_106, %dma_wait3A_107] : memref<4x10240x128xf32, #tpu.memory_space<hbm>> -> memref<1x10240x128xf32, #tpu.memory_space<hbm>>
        %dma_wait3A_109 = tpu.memref_squeeze %dma_wait3A_108 : memref<1x10240x128xf32, #tpu.memory_space<hbm>> -> memref<10240x128xf32, #tpu.memory_space<hbm>>
        %dma_wait3A_110 = arith.constant 0 : i32
        %dma_wait3A_111 = tpu.memref_slice %dma_wait3A_109[%mul3A_87, %dma_wait3A_110] : memref<10240x128xf32, #tpu.memory_space<hbm>> -> memref<640x128xf32, #tpu.memory_space<hbm>>
        %dma_wait3A_112 = arith.constant 0 : i32
        %dma_wait3A_113 = tpu.memref_slice %arg10[%mul3A_85, %dma_wait3A_112] : memref<10240x128xf32, #tpu.memory_space<vmem_shared>> -> memref<640x128xf32, #tpu.memory_space<vmem_shared>>
        tpu.wait_dma2 semaphore(%run_scoped3A_89 : memref<!tpu.dma_semaphore, #tpu.memory_space<semaphore_mem>>) src(%dma_wait3A_113 : memref<640x128xf32, #tpu.memory_space<vmem_shared>>) dst(%dma_wait3A_111 : memref<640x128xf32, #tpu.memory_space<hbm>>)
        tpu.yield
      }) : () -> ()
    } else {
    }
    %barrier3A_41 = arith.constant 0 : index
    tpu.barrier barrier_id(%barrier3A_41)
    %mul3A_42 = arith.constant 640 : i32
    %mul3A_43 = arith.muli %arg1, %mul3A_42 : i32
    "tpu.region"() ({
      %run_scoped3A = tpu.sem_alloc : memref<!tpu.dma_semaphore, #tpu.memory_space<semaphore_mem>>
      %dma_start3A = arith.constant 0 : i32
      %dma_start3A_84 = tpu.memref_slice %arg10[%mul3A_43, %dma_start3A] : memref<10240x128xf32, #tpu.memory_space<vmem_shared>> -> memref<640x128xf32, #tpu.memory_space<vmem_shared>>
      tpu.enqueue_dma source(%arg5 : memref<640x128xf32, #tpu.memory_space<hbm>>) target(%dma_start3A_84 : memref<640x128xf32, #tpu.memory_space<vmem_shared>>) target_semaphore(%run_scoped3A : memref<!tpu.dma_semaphore, #tpu.memory_space<semaphore_mem>>)
      %dma_wait3A = arith.constant 0 : i32
      %dma_wait3A_85 = tpu.memref_slice %arg10[%mul3A_43, %dma_wait3A] : memref<10240x128xf32, #tpu.memory_space<vmem_shared>> -> memref<640x128xf32, #tpu.memory_space<vmem_shared>>
      tpu.wait_dma2 semaphore(%run_scoped3A : memref<!tpu.dma_semaphore, #tpu.memory_space<semaphore_mem>>) src(%arg5 : memref<640x128xf32, #tpu.memory_space<hbm>>) dst(%dma_wait3A_85 : memref<640x128xf32, #tpu.memory_space<vmem_shared>>)
      tpu.yield
    }) : () -> ()
    %barrier3A_44 = arith.constant 0 : index
    tpu.barrier barrier_id(%barrier3A_44)
    %scan3A_45 = arith.constant 0 : i32
    %scan3A_46 = arith.constant 0 : i32
    %scan3A_47 = arith.constant 40 : i32
    %scan3A_48 = arith.addi %scan3A_46, %scan3A_47 : i32
    %scan3A_49 = arith.constant 1 : i32
    scf.for %scan3A_84 = %scan3A_46 to %scan3A_48 step %scan3A_49  : i32 {
      %run_scoped3A = arith.constant 2 : i32
      "tpu.region"() ({
        %run_scoped3A_85 = tpu.sem_alloc : memref<!tpu.dma_semaphore, #tpu.memory_space<semaphore_mem>>
        %dma_start3A = arith.constant 0 : i32
        %dma_start3A_86 = tpu.memref_slice %arg7[%scan3A_84, %dma_start3A] : memref<40x128xi32, #tpu.memory_space<vmem>> -> memref<1x128xi32, #tpu.memory_space<vmem>>
        %dma_start3A_87 = tpu.memref_squeeze %dma_start3A_86 : memref<1x128xi32, #tpu.memory_space<vmem>> -> memref<128xi32, #tpu.memory_space<vmem>>
        %dma_start3A_88 = arith.constant 0 : i32
        %dma_start3A_89 = arith.constant 0 : i32
        %dma_start3A_90 = tpu.memref_slice %arg2[%run_scoped3A, %dma_start3A_88, %dma_start3A_89] : memref<4x10240x128xf32, #tpu.memory_space<hbm>> -> memref<1x10240x128xf32, #tpu.memory_space<hbm>>
        %dma_start3A_91 = tpu.memref_squeeze %dma_start3A_90 : memref<1x10240x128xf32, #tpu.memory_space<hbm>> -> memref<10240x128xf32, #tpu.memory_space<hbm>>
        %dma_start3A_92 = arith.constant 0 : i32
        %dma_start3A_93 = arith.constant 0 : i32
        %dma_start3A_94 = tpu.memref_slice %dma_start3A_91[%dma_start3A_92, %dma_start3A_93] : memref<10240x128xf32, #tpu.memory_space<hbm>> -> memref<10240x128xf32, #tpu.memory_space<hbm>>
        tpu.enqueue_indirect_dma source(%dma_start3A_94 : memref<10240x128xf32, #tpu.memory_space<hbm>>) target(%arg9 : memref<128x128xf32, #tpu.memory_space<vmem>>) offsets(%dma_start3A_87 : memref<128xi32, #tpu.memory_space<vmem>>) semaphore(%run_scoped3A_85 : memref<!tpu.dma_semaphore, #tpu.memory_space<semaphore_mem>>)
        %dma_wait3A = arith.constant 0 : i32
        %dma_wait3A_95 = tpu.memref_slice %arg7[%scan3A_84, %dma_wait3A] : memref<40x128xi32, #tpu.memory_space<vmem>> -> memref<1x128xi32, #tpu.memory_space<vmem>>
        %dma_wait3A_96 = tpu.memref_squeeze %dma_wait3A_95 : memref<1x128xi32, #tpu.memory_space<vmem>> -> memref<128xi32, #tpu.memory_space<vmem>>
        %dma_wait3A_97 = arith.constant 0 : i32
        %dma_wait3A_98 = arith.constant 0 : i32
        %dma_wait3A_99 = tpu.memref_slice %arg2[%run_scoped3A, %dma_wait3A_97, %dma_wait3A_98] : memref<4x10240x128xf32, #tpu.memory_space<hbm>> -> memref<1x10240x128xf32, #tpu.memory_space<hbm>>
        %dma_wait3A_100 = tpu.memref_squeeze %dma_wait3A_99 : memref<1x10240x128xf32, #tpu.memory_space<hbm>> -> memref<10240x128xf32, #tpu.memory_space<hbm>>
        %dma_wait3A_101 = arith.constant 0 : i32
        %dma_wait3A_102 = arith.constant 0 : i32
        %dma_wait3A_103 = tpu.memref_slice %dma_wait3A_100[%dma_wait3A_101, %dma_wait3A_102] : memref<10240x128xf32, #tpu.memory_space<hbm>> -> memref<10240x128xf32, #tpu.memory_space<hbm>>
        tpu.wait_indirect_dma semaphore(%run_scoped3A_85 : memref<!tpu.dma_semaphore, #tpu.memory_space<semaphore_mem>>) src(%dma_wait3A_103 : memref<10240x128xf32, #tpu.memory_space<hbm>>) dst(%arg9 : memref<128x128xf32, #tpu.memory_space<vmem>>)
        tpu.yield
      }) : () -> ()
      "tpu.region"() ({
        %run_scoped3A_85 = tpu.sem_alloc : memref<!tpu.dma_semaphore, #tpu.memory_space<semaphore_mem>>
        %dma_start3A = arith.constant 0 : i32
        %dma_start3A_86 = tpu.memref_slice %arg8[%scan3A_84, %dma_start3A] : memref<40x128xi32, #tpu.memory_space<vmem>> -> memref<1x128xi32, #tpu.memory_space<vmem>>
        %dma_start3A_87 = tpu.memref_squeeze %dma_start3A_86 : memref<1x128xi32, #tpu.memory_space<vmem>> -> memref<128xi32, #tpu.memory_space<vmem>>
        %dma_start3A_88 = arith.constant 0 : i32
        %dma_start3A_89 = arith.constant 0 : i32
        %dma_start3A_90 = tpu.memref_slice %arg10[%dma_start3A_88, %dma_start3A_89] : memref<10240x128xf32, #tpu.memory_space<vmem_shared>> -> memref<10240x128xf32, #tpu.memory_space<vmem_shared>>
        tpu.enqueue_indirect_dma source(%arg9 : memref<128x128xf32, #tpu.memory_space<vmem>>) target(%dma_start3A_90 : memref<10240x128xf32, #tpu.memory_space<vmem_shared>>) offsets(%dma_start3A_87 : memref<128xi32, #tpu.memory_space<vmem>>) semaphore(%run_scoped3A_85 : memref<!tpu.dma_semaphore, #tpu.memory_space<semaphore_mem>>) {add = true}
        %dma_wait3A = arith.constant 0 : i32
        %dma_wait3A_91 = tpu.memref_slice %arg8[%scan3A_84, %dma_wait3A] : memref<40x128xi32, #tpu.memory_space<vmem>> -> memref<1x128xi32, #tpu.memory_space<vmem>>
        %dma_wait3A_92 = tpu.memref_squeeze %dma_wait3A_91 : memref<1x128xi32, #tpu.memory_space<vmem>> -> memref<128xi32, #tpu.memory_space<vmem>>
        %dma_wait3A_93 = arith.constant 0 : i32
        %dma_wait3A_94 = arith.constant 0 : i32
        %dma_wait3A_95 = tpu.memref_slice %arg10[%dma_wait3A_93, %dma_wait3A_94] : memref<10240x128xf32, #tpu.memory_space<vmem_shared>> -> memref<10240x128xf32, #tpu.memory_space<vmem_shared>>
        tpu.wait_indirect_dma semaphore(%run_scoped3A_85 : memref<!tpu.dma_semaphore, #tpu.memory_space<semaphore_mem>>) src(%arg9 : memref<128x128xf32, #tpu.memory_space<vmem>>) dst(%dma_wait3A_95 : memref<10240x128xf32, #tpu.memory_space<vmem_shared>>)
        tpu.yield
      }) : () -> ()
    }
    %scan3A_50 = arith.constant 40 : i32
    %barrier3A_51 = arith.constant 0 : index
    tpu.barrier barrier_id(%barrier3A_51)
    %eq3A_52 = arith.constant 0 : i32
    %eq3A_53 = arith.cmpi eq, %arg0, %eq3A_52 : i32
    %convert_element_type3A_54 = arith.extui %eq3A_53 : i1 to i32
    %cond3A_55 = arith.constant 0 : i32
    %cond3A_56 = arith.cmpi ne, %convert_element_type3A_54, %cond3A_55 : i32
    scf.if %cond3A_56 {
      %mul3A_84 = arith.constant 640 : i32
      %mul3A_85 = arith.muli %arg1, %mul3A_84 : i32
      %mul3A_86 = arith.constant 640 : i32
      %mul3A_87 = arith.muli %arg1, %mul3A_86 : i32
      %run_scoped3A = arith.constant 0 : i32
      %run_scoped3A_88 = arith.constant 2 : i32
      "tpu.region"() ({
        %run_scoped3A_89 = tpu.sem_alloc : memref<!tpu.dma_semaphore, #tpu.memory_space<semaphore_mem>>
        %dma_start3A = arith.constant 0 : i32
        %dma_start3A_90 = arith.constant 0 : i32
        %dma_start3A_91 = arith.constant 0 : i32
        %dma_start3A_92 = tpu.memref_slice %arg6[%run_scoped3A, %dma_start3A, %dma_start3A_90, %dma_start3A_91] : memref<2x4x10240x128xf32, #tpu.memory_space<hbm>> -> memref<1x4x10240x128xf32, #tpu.memory_space<hbm>>
        %dma_start3A_93 = tpu.memref_squeeze %dma_start3A_92 : memref<1x4x10240x128xf32, #tpu.memory_space<hbm>> -> memref<4x10240x128xf32, #tpu.memory_space<hbm>>
        %dma_start3A_94 = arith.constant 0 : i32
        %dma_start3A_95 = arith.constant 0 : i32
        %dma_start3A_96 = tpu.memref_slice %dma_start3A_93[%run_scoped3A_88, %dma_start3A_94, %dma_start3A_95] : memref<4x10240x128xf32, #tpu.memory_space<hbm>> -> memref<1x10240x128xf32, #tpu.memory_space<hbm>>
        %dma_start3A_97 = tpu.memref_squeeze %dma_start3A_96 : memref<1x10240x128xf32, #tpu.memory_space<hbm>> -> memref<10240x128xf32, #tpu.memory_space<hbm>>
        %dma_start3A_98 = arith.constant 0 : i32
        %dma_start3A_99 = tpu.memref_slice %dma_start3A_97[%mul3A_87, %dma_start3A_98] : memref<10240x128xf32, #tpu.memory_space<hbm>> -> memref<640x128xf32, #tpu.memory_space<hbm>>
        %dma_start3A_100 = arith.constant 0 : i32
        %dma_start3A_101 = tpu.memref_slice %arg10[%mul3A_85, %dma_start3A_100] : memref<10240x128xf32, #tpu.memory_space<vmem_shared>> -> memref<640x128xf32, #tpu.memory_space<vmem_shared>>
        tpu.enqueue_dma source(%dma_start3A_101 : memref<640x128xf32, #tpu.memory_space<vmem_shared>>) target(%dma_start3A_99 : memref<640x128xf32, #tpu.memory_space<hbm>>) target_semaphore(%run_scoped3A_89 : memref<!tpu.dma_semaphore, #tpu.memory_space<semaphore_mem>>)
        %dma_wait3A = arith.constant 0 : i32
        %dma_wait3A_102 = arith.constant 0 : i32
        %dma_wait3A_103 = arith.constant 0 : i32
        %dma_wait3A_104 = tpu.memref_slice %arg6[%run_scoped3A, %dma_wait3A, %dma_wait3A_102, %dma_wait3A_103] : memref<2x4x10240x128xf32, #tpu.memory_space<hbm>> -> memref<1x4x10240x128xf32, #tpu.memory_space<hbm>>
        %dma_wait3A_105 = tpu.memref_squeeze %dma_wait3A_104 : memref<1x4x10240x128xf32, #tpu.memory_space<hbm>> -> memref<4x10240x128xf32, #tpu.memory_space<hbm>>
        %dma_wait3A_106 = arith.constant 0 : i32
        %dma_wait3A_107 = arith.constant 0 : i32
        %dma_wait3A_108 = tpu.memref_slice %dma_wait3A_105[%run_scoped3A_88, %dma_wait3A_106, %dma_wait3A_107] : memref<4x10240x128xf32, #tpu.memory_space<hbm>> -> memref<1x10240x128xf32, #tpu.memory_space<hbm>>
        %dma_wait3A_109 = tpu.memref_squeeze %dma_wait3A_108 : memref<1x10240x128xf32, #tpu.memory_space<hbm>> -> memref<10240x128xf32, #tpu.memory_space<hbm>>
        %dma_wait3A_110 = arith.constant 0 : i32
        %dma_wait3A_111 = tpu.memref_slice %dma_wait3A_109[%mul3A_87, %dma_wait3A_110] : memref<10240x128xf32, #tpu.memory_space<hbm>> -> memref<640x128xf32, #tpu.memory_space<hbm>>
        %dma_wait3A_112 = arith.constant 0 : i32
        %dma_wait3A_113 = tpu.memref_slice %arg10[%mul3A_85, %dma_wait3A_112] : memref<10240x128xf32, #tpu.memory_space<vmem_shared>> -> memref<640x128xf32, #tpu.memory_space<vmem_shared>>
        tpu.wait_dma2 semaphore(%run_scoped3A_89 : memref<!tpu.dma_semaphore, #tpu.memory_space<semaphore_mem>>) src(%dma_wait3A_113 : memref<640x128xf32, #tpu.memory_space<vmem_shared>>) dst(%dma_wait3A_111 : memref<640x128xf32, #tpu.memory_space<hbm>>)
        tpu.yield
      }) : () -> ()
    } else {
    }
    %eq3A_57 = arith.constant 1 : i32
    %eq3A_58 = arith.cmpi eq, %arg0, %eq3A_57 : i32
    %convert_element_type3A_59 = arith.extui %eq3A_58 : i1 to i32
    %cond3A_60 = arith.constant 0 : i32
    %cond3A_61 = arith.cmpi ne, %convert_element_type3A_59, %cond3A_60 : i32
    scf.if %cond3A_61 {
      %mul3A_84 = arith.constant 640 : i32
      %mul3A_85 = arith.muli %arg1, %mul3A_84 : i32
      %mul3A_86 = arith.constant 640 : i32
      %mul3A_87 = arith.muli %arg1, %mul3A_86 : i32
      %run_scoped3A = arith.constant 1 : i32
      %run_scoped3A_88 = arith.constant 2 : i32
      "tpu.region"() ({
        %run_scoped3A_89 = tpu.sem_alloc : memref<!tpu.dma_semaphore, #tpu.memory_space<semaphore_mem>>
        %dma_start3A = arith.constant 0 : i32
        %dma_start3A_90 = arith.constant 0 : i32
        %dma_start3A_91 = arith.constant 0 : i32
        %dma_start3A_92 = tpu.memref_slice %arg6[%run_scoped3A, %dma_start3A, %dma_start3A_90, %dma_start3A_91] : memref<2x4x10240x128xf32, #tpu.memory_space<hbm>> -> memref<1x4x10240x128xf32, #tpu.memory_space<hbm>>
        %dma_start3A_93 = tpu.memref_squeeze %dma_start3A_92 : memref<1x4x10240x128xf32, #tpu.memory_space<hbm>> -> memref<4x10240x128xf32, #tpu.memory_space<hbm>>
        %dma_start3A_94 = arith.constant 0 : i32
        %dma_start3A_95 = arith.constant 0 : i32
        %dma_start3A_96 = tpu.memref_slice %dma_start3A_93[%run_scoped3A_88, %dma_start3A_94, %dma_start3A_95] : memref<4x10240x128xf32, #tpu.memory_space<hbm>> -> memref<1x10240x128xf32, #tpu.memory_space<hbm>>
        %dma_start3A_97 = tpu.memref_squeeze %dma_start3A_96 : memref<1x10240x128xf32, #tpu.memory_space<hbm>> -> memref<10240x128xf32, #tpu.memory_space<hbm>>
        %dma_start3A_98 = arith.constant 0 : i32
        %dma_start3A_99 = tpu.memref_slice %dma_start3A_97[%mul3A_87, %dma_start3A_98] : memref<10240x128xf32, #tpu.memory_space<hbm>> -> memref<640x128xf32, #tpu.memory_space<hbm>>
        %dma_start3A_100 = arith.constant 0 : i32
        %dma_start3A_101 = tpu.memref_slice %arg10[%mul3A_85, %dma_start3A_100] : memref<10240x128xf32, #tpu.memory_space<vmem_shared>> -> memref<640x128xf32, #tpu.memory_space<vmem_shared>>
        tpu.enqueue_dma source(%dma_start3A_101 : memref<640x128xf32, #tpu.memory_space<vmem_shared>>) target(%dma_start3A_99 : memref<640x128xf32, #tpu.memory_space<hbm>>) target_semaphore(%run_scoped3A_89 : memref<!tpu.dma_semaphore, #tpu.memory_space<semaphore_mem>>)
        %dma_wait3A = arith.constant 0 : i32
        %dma_wait3A_102 = arith.constant 0 : i32
        %dma_wait3A_103 = arith.constant 0 : i32
        %dma_wait3A_104 = tpu.memref_slice %arg6[%run_scoped3A, %dma_wait3A, %dma_wait3A_102, %dma_wait3A_103] : memref<2x4x10240x128xf32, #tpu.memory_space<hbm>> -> memref<1x4x10240x128xf32, #tpu.memory_space<hbm>>
        %dma_wait3A_105 = tpu.memref_squeeze %dma_wait3A_104 : memref<1x4x10240x128xf32, #tpu.memory_space<hbm>> -> memref<4x10240x128xf32, #tpu.memory_space<hbm>>
        %dma_wait3A_106 = arith.constant 0 : i32
        %dma_wait3A_107 = arith.constant 0 : i32
        %dma_wait3A_108 = tpu.memref_slice %dma_wait3A_105[%run_scoped3A_88, %dma_wait3A_106, %dma_wait3A_107] : memref<4x10240x128xf32, #tpu.memory_space<hbm>> -> memref<1x10240x128xf32, #tpu.memory_space<hbm>>
        %dma_wait3A_109 = tpu.memref_squeeze %dma_wait3A_108 : memref<1x10240x128xf32, #tpu.memory_space<hbm>> -> memref<10240x128xf32, #tpu.memory_space<hbm>>
        %dma_wait3A_110 = arith.constant 0 : i32
        %dma_wait3A_111 = tpu.memref_slice %dma_wait3A_109[%mul3A_87, %dma_wait3A_110] : memref<10240x128xf32, #tpu.memory_space<hbm>> -> memref<640x128xf32, #tpu.memory_space<hbm>>
        %dma_wait3A_112 = arith.constant 0 : i32
        %dma_wait3A_113 = tpu.memref_slice %arg10[%mul3A_85, %dma_wait3A_112] : memref<10240x128xf32, #tpu.memory_space<vmem_shared>> -> memref<640x128xf32, #tpu.memory_space<vmem_shared>>
        tpu.wait_dma2 semaphore(%run_scoped3A_89 : memref<!tpu.dma_semaphore, #tpu.memory_space<semaphore_mem>>) src(%dma_wait3A_113 : memref<640x128xf32, #tpu.memory_space<vmem_shared>>) dst(%dma_wait3A_111 : memref<640x128xf32, #tpu.memory_space<hbm>>)
        tpu.yield
      }) : () -> ()
    } else {
    }
    %barrier3A_62 = arith.constant 0 : index
    tpu.barrier barrier_id(%barrier3A_62)
    %mul3A_63 = arith.constant 640 : i32
    %mul3A_64 = arith.muli %arg1, %mul3A_63 : i32
    "tpu.region"() ({
      %run_scoped3A = tpu.sem_alloc : memref<!tpu.dma_semaphore, #tpu.memory_space<semaphore_mem>>
      %dma_start3A = arith.constant 0 : i32
      %dma_start3A_84 = tpu.memref_slice %arg10[%mul3A_64, %dma_start3A] : memref<10240x128xf32, #tpu.memory_space<vmem_shared>> -> memref<640x128xf32, #tpu.memory_space<vmem_shared>>
      tpu.enqueue_dma source(%arg5 : memref<640x128xf32, #tpu.memory_space<hbm>>) target(%dma_start3A_84 : memref<640x128xf32, #tpu.memory_space<vmem_shared>>) target_semaphore(%run_scoped3A : memref<!tpu.dma_semaphore, #tpu.memory_space<semaphore_mem>>)
      %dma_wait3A = arith.constant 0 : i32
      %dma_wait3A_85 = tpu.memref_slice %arg10[%mul3A_64, %dma_wait3A] : memref<10240x128xf32, #tpu.memory_space<vmem_shared>> -> memref<640x128xf32, #tpu.memory_space<vmem_shared>>
      tpu.wait_dma2 semaphore(%run_scoped3A : memref<!tpu.dma_semaphore, #tpu.memory_space<semaphore_mem>>) src(%arg5 : memref<640x128xf32, #tpu.memory_space<hbm>>) dst(%dma_wait3A_85 : memref<640x128xf32, #tpu.memory_space<vmem_shared>>)
      tpu.yield
    }) : () -> ()
    %barrier3A_65 = arith.constant 0 : index
    tpu.barrier barrier_id(%barrier3A_65)
    %scan3A_66 = arith.constant 0 : i32
    %scan3A_67 = arith.constant 0 : i32
    %scan3A_68 = arith.constant 40 : i32
    %scan3A_69 = arith.addi %scan3A_67, %scan3A_68 : i32
    %scan3A_70 = arith.constant 1 : i32
    scf.for %scan3A_84 = %scan3A_67 to %scan3A_69 step %scan3A_70  : i32 {
      %run_scoped3A = arith.constant 3 : i32
      "tpu.region"() ({
        %run_scoped3A_85 = tpu.sem_alloc : memref<!tpu.dma_semaphore, #tpu.memory_space<semaphore_mem>>
        %dma_start3A = arith.constant 0 : i32
        %dma_start3A_86 = tpu.memref_slice %arg7[%scan3A_84, %dma_start3A] : memref<40x128xi32, #tpu.memory_space<vmem>> -> memref<1x128xi32, #tpu.memory_space<vmem>>
        %dma_start3A_87 = tpu.memref_squeeze %dma_start3A_86 : memref<1x128xi32, #tpu.memory_space<vmem>> -> memref<128xi32, #tpu.memory_space<vmem>>
        %dma_start3A_88 = arith.constant 0 : i32
        %dma_start3A_89 = arith.constant 0 : i32
        %dma_start3A_90 = tpu.memref_slice %arg2[%run_scoped3A, %dma_start3A_88, %dma_start3A_89] : memref<4x10240x128xf32, #tpu.memory_space<hbm>> -> memref<1x10240x128xf32, #tpu.memory_space<hbm>>
        %dma_start3A_91 = tpu.memref_squeeze %dma_start3A_90 : memref<1x10240x128xf32, #tpu.memory_space<hbm>> -> memref<10240x128xf32, #tpu.memory_space<hbm>>
        %dma_start3A_92 = arith.constant 0 : i32
        %dma_start3A_93 = arith.constant 0 : i32
        %dma_start3A_94 = tpu.memref_slice %dma_start3A_91[%dma_start3A_92, %dma_start3A_93] : memref<10240x128xf32, #tpu.memory_space<hbm>> -> memref<10240x128xf32, #tpu.memory_space<hbm>>
        tpu.enqueue_indirect_dma source(%dma_start3A_94 : memref<10240x128xf32, #tpu.memory_space<hbm>>) target(%arg9 : memref<128x128xf32, #tpu.memory_space<vmem>>) offsets(%dma_start3A_87 : memref<128xi32, #tpu.memory_space<vmem>>) semaphore(%run_scoped3A_85 : memref<!tpu.dma_semaphore, #tpu.memory_space<semaphore_mem>>)
        %dma_wait3A = arith.constant 0 : i32
        %dma_wait3A_95 = tpu.memref_slice %arg7[%scan3A_84, %dma_wait3A] : memref<40x128xi32, #tpu.memory_space<vmem>> -> memref<1x128xi32, #tpu.memory_space<vmem>>
        %dma_wait3A_96 = tpu.memref_squeeze %dma_wait3A_95 : memref<1x128xi32, #tpu.memory_space<vmem>> -> memref<128xi32, #tpu.memory_space<vmem>>
        %dma_wait3A_97 = arith.constant 0 : i32
        %dma_wait3A_98 = arith.constant 0 : i32
        %dma_wait3A_99 = tpu.memref_slice %arg2[%run_scoped3A, %dma_wait3A_97, %dma_wait3A_98] : memref<4x10240x128xf32, #tpu.memory_space<hbm>> -> memref<1x10240x128xf32, #tpu.memory_space<hbm>>
        %dma_wait3A_100 = tpu.memref_squeeze %dma_wait3A_99 : memref<1x10240x128xf32, #tpu.memory_space<hbm>> -> memref<10240x128xf32, #tpu.memory_space<hbm>>
        %dma_wait3A_101 = arith.constant 0 : i32
        %dma_wait3A_102 = arith.constant 0 : i32
        %dma_wait3A_103 = tpu.memref_slice %dma_wait3A_100[%dma_wait3A_101, %dma_wait3A_102] : memref<10240x128xf32, #tpu.memory_space<hbm>> -> memref<10240x128xf32, #tpu.memory_space<hbm>>
        tpu.wait_indirect_dma semaphore(%run_scoped3A_85 : memref<!tpu.dma_semaphore, #tpu.memory_space<semaphore_mem>>) src(%dma_wait3A_103 : memref<10240x128xf32, #tpu.memory_space<hbm>>) dst(%arg9 : memref<128x128xf32, #tpu.memory_space<vmem>>)
        tpu.yield
      }) : () -> ()
      "tpu.region"() ({
        %run_scoped3A_85 = tpu.sem_alloc : memref<!tpu.dma_semaphore, #tpu.memory_space<semaphore_mem>>
        %dma_start3A = arith.constant 0 : i32
        %dma_start3A_86 = tpu.memref_slice %arg8[%scan3A_84, %dma_start3A] : memref<40x128xi32, #tpu.memory_space<vmem>> -> memref<1x128xi32, #tpu.memory_space<vmem>>
        %dma_start3A_87 = tpu.memref_squeeze %dma_start3A_86 : memref<1x128xi32, #tpu.memory_space<vmem>> -> memref<128xi32, #tpu.memory_space<vmem>>
        %dma_start3A_88 = arith.constant 0 : i32
        %dma_start3A_89 = arith.constant 0 : i32
        %dma_start3A_90 = tpu.memref_slice %arg10[%dma_start3A_88, %dma_start3A_89] : memref<10240x128xf32, #tpu.memory_space<vmem_shared>> -> memref<10240x128xf32, #tpu.memory_space<vmem_shared>>
        tpu.enqueue_indirect_dma source(%arg9 : memref<128x128xf32, #tpu.memory_space<vmem>>) target(%dma_start3A_90 : memref<10240x128xf32, #tpu.memory_space<vmem_shared>>) offsets(%dma_start3A_87 : memref<128xi32, #tpu.memory_space<vmem>>) semaphore(%run_scoped3A_85 : memref<!tpu.dma_semaphore, #tpu.memory_space<semaphore_mem>>) {add = true}
        %dma_wait3A = arith.constant 0 : i32
        %dma_wait3A_91 = tpu.memref_slice %arg8[%scan3A_84, %dma_wait3A] : memref<40x128xi32, #tpu.memory_space<vmem>> -> memref<1x128xi32, #tpu.memory_space<vmem>>
        %dma_wait3A_92 = tpu.memref_squeeze %dma_wait3A_91 : memref<1x128xi32, #tpu.memory_space<vmem>> -> memref<128xi32, #tpu.memory_space<vmem>>
        %dma_wait3A_93 = arith.constant 0 : i32
        %dma_wait3A_94 = arith.constant 0 : i32
        %dma_wait3A_95 = tpu.memref_slice %arg10[%dma_wait3A_93, %dma_wait3A_94] : memref<10240x128xf32, #tpu.memory_space<vmem_shared>> -> memref<10240x128xf32, #tpu.memory_space<vmem_shared>>
        tpu.wait_indirect_dma semaphore(%run_scoped3A_85 : memref<!tpu.dma_semaphore, #tpu.memory_space<semaphore_mem>>) src(%arg9 : memref<128x128xf32, #tpu.memory_space<vmem>>) dst(%dma_wait3A_95 : memref<10240x128xf32, #tpu.memory_space<vmem_shared>>)
        tpu.yield
      }) : () -> ()
    }
    %scan3A_71 = arith.constant 40 : i32
    %barrier3A_72 = arith.constant 0 : index
    tpu.barrier barrier_id(%barrier3A_72)
    %eq3A_73 = arith.constant 0 : i32
    %eq3A_74 = arith.cmpi eq, %arg0, %eq3A_73 : i32
    %convert_element_type3A_75 = arith.extui %eq3A_74 : i1 to i32
    %cond3A_76 = arith.constant 0 : i32
    %cond3A_77 = arith.cmpi ne, %convert_element_type3A_75, %cond3A_76 : i32
    scf.if %cond3A_77 {
      %mul3A_84 = arith.constant 640 : i32
      %mul3A_85 = arith.muli %arg1, %mul3A_84 : i32
      %mul3A_86 = arith.constant 640 : i32
      %mul3A_87 = arith.muli %arg1, %mul3A_86 : i32
      %run_scoped3A = arith.constant 0 : i32
      %run_scoped3A_88 = arith.constant 3 : i32
      "tpu.region"() ({
        %run_scoped3A_89 = tpu.sem_alloc : memref<!tpu.dma_semaphore, #tpu.memory_space<semaphore_mem>>
        %dma_start3A = arith.constant 0 : i32
        %dma_start3A_90 = arith.constant 0 : i32
        %dma_start3A_91 = arith.constant 0 : i32
        %dma_start3A_92 = tpu.memref_slice %arg6[%run_scoped3A, %dma_start3A, %dma_start3A_90, %dma_start3A_91] : memref<2x4x10240x128xf32, #tpu.memory_space<hbm>> -> memref<1x4x10240x128xf32, #tpu.memory_space<hbm>>
        %dma_start3A_93 = tpu.memref_squeeze %dma_start3A_92 : memref<1x4x10240x128xf32, #tpu.memory_space<hbm>> -> memref<4x10240x128xf32, #tpu.memory_space<hbm>>
        %dma_start3A_94 = arith.constant 0 : i32
        %dma_start3A_95 = arith.constant 0 : i32
        %dma_start3A_96 = tpu.memref_slice %dma_start3A_93[%run_scoped3A_88, %dma_start3A_94, %dma_start3A_95] : memref<4x10240x128xf32, #tpu.memory_space<hbm>> -> memref<1x10240x128xf32, #tpu.memory_space<hbm>>
        %dma_start3A_97 = tpu.memref_squeeze %dma_start3A_96 : memref<1x10240x128xf32, #tpu.memory_space<hbm>> -> memref<10240x128xf32, #tpu.memory_space<hbm>>
        %dma_start3A_98 = arith.constant 0 : i32
        %dma_start3A_99 = tpu.memref_slice %dma_start3A_97[%mul3A_87, %dma_start3A_98] : memref<10240x128xf32, #tpu.memory_space<hbm>> -> memref<640x128xf32, #tpu.memory_space<hbm>>
        %dma_start3A_100 = arith.constant 0 : i32
        %dma_start3A_101 = tpu.memref_slice %arg10[%mul3A_85, %dma_start3A_100] : memref<10240x128xf32, #tpu.memory_space<vmem_shared>> -> memref<640x128xf32, #tpu.memory_space<vmem_shared>>
        tpu.enqueue_dma source(%dma_start3A_101 : memref<640x128xf32, #tpu.memory_space<vmem_shared>>) target(%dma_start3A_99 : memref<640x128xf32, #tpu.memory_space<hbm>>) target_semaphore(%run_scoped3A_89 : memref<!tpu.dma_semaphore, #tpu.memory_space<semaphore_mem>>)
        %dma_wait3A = arith.constant 0 : i32
        %dma_wait3A_102 = arith.constant 0 : i32
        %dma_wait3A_103 = arith.constant 0 : i32
        %dma_wait3A_104 = tpu.memref_slice %arg6[%run_scoped3A, %dma_wait3A, %dma_wait3A_102, %dma_wait3A_103] : memref<2x4x10240x128xf32, #tpu.memory_space<hbm>> -> memref<1x4x10240x128xf32, #tpu.memory_space<hbm>>
        %dma_wait3A_105 = tpu.memref_squeeze %dma_wait3A_104 : memref<1x4x10240x128xf32, #tpu.memory_space<hbm>> -> memref<4x10240x128xf32, #tpu.memory_space<hbm>>
        %dma_wait3A_106 = arith.constant 0 : i32
        %dma_wait3A_107 = arith.constant 0 : i32
        %dma_wait3A_108 = tpu.memref_slice %dma_wait3A_105[%run_scoped3A_88, %dma_wait3A_106, %dma_wait3A_107] : memref<4x10240x128xf32, #tpu.memory_space<hbm>> -> memref<1x10240x128xf32, #tpu.memory_space<hbm>>
        %dma_wait3A_109 = tpu.memref_squeeze %dma_wait3A_108 : memref<1x10240x128xf32, #tpu.memory_space<hbm>> -> memref<10240x128xf32, #tpu.memory_space<hbm>>
        %dma_wait3A_110 = arith.constant 0 : i32
        %dma_wait3A_111 = tpu.memref_slice %dma_wait3A_109[%mul3A_87, %dma_wait3A_110] : memref<10240x128xf32, #tpu.memory_space<hbm>> -> memref<640x128xf32, #tpu.memory_space<hbm>>
        %dma_wait3A_112 = arith.constant 0 : i32
        %dma_wait3A_113 = tpu.memref_slice %arg10[%mul3A_85, %dma_wait3A_112] : memref<10240x128xf32, #tpu.memory_space<vmem_shared>> -> memref<640x128xf32, #tpu.memory_space<vmem_shared>>
        tpu.wait_dma2 semaphore(%run_scoped3A_89 : memref<!tpu.dma_semaphore, #tpu.memory_space<semaphore_mem>>) src(%dma_wait3A_113 : memref<640x128xf32, #tpu.memory_space<vmem_shared>>) dst(%dma_wait3A_111 : memref<640x128xf32, #tpu.memory_space<hbm>>)
        tpu.yield
      }) : () -> ()
    } else {
    }
    %eq3A_78 = arith.constant 1 : i32
    %eq3A_79 = arith.cmpi eq, %arg0, %eq3A_78 : i32
    %convert_element_type3A_80 = arith.extui %eq3A_79 : i1 to i32
    %cond3A_81 = arith.constant 0 : i32
    %cond3A_82 = arith.cmpi ne, %convert_element_type3A_80, %cond3A_81 : i32
    scf.if %cond3A_82 {
      %mul3A_84 = arith.constant 640 : i32
      %mul3A_85 = arith.muli %arg1, %mul3A_84 : i32
      %mul3A_86 = arith.constant 640 : i32
      %mul3A_87 = arith.muli %arg1, %mul3A_86 : i32
      %run_scoped3A = arith.constant 1 : i32
      %run_scoped3A_88 = arith.constant 3 : i32
      "tpu.region"() ({
        %run_scoped3A_89 = tpu.sem_alloc : memref<!tpu.dma_semaphore, #tpu.memory_space<semaphore_mem>>
        %dma_start3A = arith.constant 0 : i32
        %dma_start3A_90 = arith.constant 0 : i32
        %dma_start3A_91 = arith.constant 0 : i32
        %dma_start3A_92 = tpu.memref_slice %arg6[%run_scoped3A, %dma_start3A, %dma_start3A_90, %dma_start3A_91] : memref<2x4x10240x128xf32, #tpu.memory_space<hbm>> -> memref<1x4x10240x128xf32, #tpu.memory_space<hbm>>
        %dma_start3A_93 = tpu.memref_squeeze %dma_start3A_92 : memref<1x4x10240x128xf32, #tpu.memory_space<hbm>> -> memref<4x10240x128xf32, #tpu.memory_space<hbm>>
        %dma_start3A_94 = arith.constant 0 : i32
        %dma_start3A_95 = arith.constant 0 : i32
        %dma_start3A_96 = tpu.memref_slice %dma_start3A_93[%run_scoped3A_88, %dma_start3A_94, %dma_start3A_95] : memref<4x10240x128xf32, #tpu.memory_space<hbm>> -> memref<1x10240x128xf32, #tpu.memory_space<hbm>>
        %dma_start3A_97 = tpu.memref_squeeze %dma_start3A_96 : memref<1x10240x128xf32, #tpu.memory_space<hbm>> -> memref<10240x128xf32, #tpu.memory_space<hbm>>
        %dma_start3A_98 = arith.constant 0 : i32
        %dma_start3A_99 = tpu.memref_slice %dma_start3A_97[%mul3A_87, %dma_start3A_98] : memref<10240x128xf32, #tpu.memory_space<hbm>> -> memref<640x128xf32, #tpu.memory_space<hbm>>
        %dma_start3A_100 = arith.constant 0 : i32
        %dma_start3A_101 = tpu.memref_slice %arg10[%mul3A_85, %dma_start3A_100] : memref<10240x128xf32, #tpu.memory_space<vmem_shared>> -> memref<640x128xf32, #tpu.memory_space<vmem_shared>>
        tpu.enqueue_dma source(%dma_start3A_101 : memref<640x128xf32, #tpu.memory_space<vmem_shared>>) target(%dma_start3A_99 : memref<640x128xf32, #tpu.memory_space<hbm>>) target_semaphore(%run_scoped3A_89 : memref<!tpu.dma_semaphore, #tpu.memory_space<semaphore_mem>>)
        %dma_wait3A = arith.constant 0 : i32
        %dma_wait3A_102 = arith.constant 0 : i32
        %dma_wait3A_103 = arith.constant 0 : i32
        %dma_wait3A_104 = tpu.memref_slice %arg6[%run_scoped3A, %dma_wait3A, %dma_wait3A_102, %dma_wait3A_103] : memref<2x4x10240x128xf32, #tpu.memory_space<hbm>> -> memref<1x4x10240x128xf32, #tpu.memory_space<hbm>>
        %dma_wait3A_105 = tpu.memref_squeeze %dma_wait3A_104 : memref<1x4x10240x128xf32, #tpu.memory_space<hbm>> -> memref<4x10240x128xf32, #tpu.memory_space<hbm>>
        %dma_wait3A_106 = arith.constant 0 : i32
        %dma_wait3A_107 = arith.constant 0 : i32
        %dma_wait3A_108 = tpu.memref_slice %dma_wait3A_105[%run_scoped3A_88, %dma_wait3A_106, %dma_wait3A_107] : memref<4x10240x128xf32, #tpu.memory_space<hbm>> -> memref<1x10240x128xf32, #tpu.memory_space<hbm>>
        %dma_wait3A_109 = tpu.memref_squeeze %dma_wait3A_108 : memref<1x10240x128xf32, #tpu.memory_space<hbm>> -> memref<10240x128xf32, #tpu.memory_space<hbm>>
        %dma_wait3A_110 = arith.constant 0 : i32
        %dma_wait3A_111 = tpu.memref_slice %dma_wait3A_109[%mul3A_87, %dma_wait3A_110] : memref<10240x128xf32, #tpu.memory_space<hbm>> -> memref<640x128xf32, #tpu.memory_space<hbm>>
        %dma_wait3A_112 = arith.constant 0 : i32
        %dma_wait3A_113 = tpu.memref_slice %arg10[%mul3A_85, %dma_wait3A_112] : memref<10240x128xf32, #tpu.memory_space<vmem_shared>> -> memref<640x128xf32, #tpu.memory_space<vmem_shared>>
        tpu.wait_dma2 semaphore(%run_scoped3A_89 : memref<!tpu.dma_semaphore, #tpu.memory_space<semaphore_mem>>) src(%dma_wait3A_113 : memref<640x128xf32, #tpu.memory_space<vmem_shared>>) dst(%dma_wait3A_111 : memref<640x128xf32, #tpu.memory_space<hbm>>)
        tpu.yield
      }) : () -> ()
    } else {
    }
    %barrier3A_83 = arith.constant 0 : index
    tpu.barrier barrier_id(%barrier3A_83)
    return
  }
}

#map = affine_map<(d0, d1) -> (0, 0, 0)>
#map1 = affine_map<(d0, d1) -> (0, 0)>
#map2 = affine_map<(d0, d1) -> (0, 0, 0, 0)>
module attributes {stable_mosaic.version = 14 : i64} {
  func.func @_sc_scatter_body(%arg0: i32, %arg1: i32, %arg2: memref<2x10240x128xf32, #tpu.memory_space<hbm>>, %arg3: memref<1280x128xi32, #tpu.memory_space<hbm>>, %arg4: memref<1280x128xi32, #tpu.memory_space<hbm>>, %arg5: memref<640x128xf32, #tpu.memory_space<hbm>>, %arg6: memref<2x2x10240x128xf32, #tpu.memory_space<hbm>>, %arg7: memref<40x128xi32, #tpu.memory_space<vmem>>, %arg8: memref<40x128xi32, #tpu.memory_space<vmem>>, %arg9: memref<128x128xf32, #tpu.memory_space<vmem>>, %arg10: memref<10240x128xf32, #tpu.memory_space<vmem_shared>>) attributes {dimension_semantics = [#tpu.dimension_semantics<core_parallel>, #tpu.dimension_semantics<subcore_parallel>], iteration_bounds = array<i64: 2, 16>, scalar_prefetch = 0 : i64, scratch_operands = 4 : i64, tpu.core_type = #tpu.core_type<sc_vector_subcore>, window_params = [{transform_indices = #map}, {transform_indices = #map1}, {transform_indices = #map1}, {transform_indices = #map1}, {transform_indices = #map2}]} {
    %mul3A = arith.constant 2 : i32
    %mul3A_0 = arith.muli %arg1, %mul3A : i32
    %add3A = arith.addi %mul3A_0, %arg0 : i32
    %mul3A_1 = arith.constant 40 : i32
    %mul3A_2 = arith.muli %add3A, %mul3A_1 : i32
    "tpu.region"() ({
      %run_scoped3A = tpu.sem_alloc : memref<!tpu.dma_semaphore, #tpu.memory_space<semaphore_mem>>
      %dma_start3A = arith.constant 0 : i32
      %dma_start3A_42 = tpu.memref_slice %arg3[%mul3A_2, %dma_start3A] : memref<1280x128xi32, #tpu.memory_space<hbm>> -> memref<40x128xi32, #tpu.memory_space<hbm>>
      %dma_start3A_43 = arith.constant 0 : i32
      %dma_start3A_44 = tpu.memref_slice %arg3[%mul3A_2, %dma_start3A_43] : memref<1280x128xi32, #tpu.memory_space<hbm>> -> memref<40x128xi32, #tpu.memory_space<hbm>>
      tpu.enqueue_dma source(%dma_start3A_44 : memref<40x128xi32, #tpu.memory_space<hbm>>) target(%arg7 : memref<40x128xi32, #tpu.memory_space<vmem>>) target_semaphore(%run_scoped3A : memref<!tpu.dma_semaphore, #tpu.memory_space<semaphore_mem>>)
      %dma_wait3A = arith.constant 0 : i32
      %dma_wait3A_45 = tpu.memref_slice %arg3[%mul3A_2, %dma_wait3A] : memref<1280x128xi32, #tpu.memory_space<hbm>> -> memref<40x128xi32, #tpu.memory_space<hbm>>
      %dma_wait3A_46 = arith.constant 0 : i32
      %dma_wait3A_47 = tpu.memref_slice %arg3[%mul3A_2, %dma_wait3A_46] : memref<1280x128xi32, #tpu.memory_space<hbm>> -> memref<40x128xi32, #tpu.memory_space<hbm>>
      tpu.wait_dma2 semaphore(%run_scoped3A : memref<!tpu.dma_semaphore, #tpu.memory_space<semaphore_mem>>) src(%dma_wait3A_47 : memref<40x128xi32, #tpu.memory_space<hbm>>) dst(%arg7 : memref<40x128xi32, #tpu.memory_space<vmem>>)
      tpu.yield
    }) : () -> ()
    %mul3A_3 = arith.constant 40 : i32
    %mul3A_4 = arith.muli %add3A, %mul3A_3 : i32
    "tpu.region"() ({
      %run_scoped3A = tpu.sem_alloc : memref<!tpu.dma_semaphore, #tpu.memory_space<semaphore_mem>>
      %dma_start3A = arith.constant 0 : i32
      %dma_start3A_42 = tpu.memref_slice %arg4[%mul3A_4, %dma_start3A] : memref<1280x128xi32, #tpu.memory_space<hbm>> -> memref<40x128xi32, #tpu.memory_space<hbm>>
      %dma_start3A_43 = arith.constant 0 : i32
      %dma_start3A_44 = tpu.memref_slice %arg4[%mul3A_4, %dma_start3A_43] : memref<1280x128xi32, #tpu.memory_space<hbm>> -> memref<40x128xi32, #tpu.memory_space<hbm>>
      tpu.enqueue_dma source(%dma_start3A_44 : memref<40x128xi32, #tpu.memory_space<hbm>>) target(%arg8 : memref<40x128xi32, #tpu.memory_space<vmem>>) target_semaphore(%run_scoped3A : memref<!tpu.dma_semaphore, #tpu.memory_space<semaphore_mem>>)
      %dma_wait3A = arith.constant 0 : i32
      %dma_wait3A_45 = tpu.memref_slice %arg4[%mul3A_4, %dma_wait3A] : memref<1280x128xi32, #tpu.memory_space<hbm>> -> memref<40x128xi32, #tpu.memory_space<hbm>>
      %dma_wait3A_46 = arith.constant 0 : i32
      %dma_wait3A_47 = tpu.memref_slice %arg4[%mul3A_4, %dma_wait3A_46] : memref<1280x128xi32, #tpu.memory_space<hbm>> -> memref<40x128xi32, #tpu.memory_space<hbm>>
      tpu.wait_dma2 semaphore(%run_scoped3A : memref<!tpu.dma_semaphore, #tpu.memory_space<semaphore_mem>>) src(%dma_wait3A_47 : memref<40x128xi32, #tpu.memory_space<hbm>>) dst(%arg8 : memref<40x128xi32, #tpu.memory_space<vmem>>)
      tpu.yield
    }) : () -> ()
    %mul3A_5 = arith.constant 640 : i32
    %mul3A_6 = arith.muli %arg1, %mul3A_5 : i32
    "tpu.region"() ({
      %run_scoped3A = tpu.sem_alloc : memref<!tpu.dma_semaphore, #tpu.memory_space<semaphore_mem>>
      %dma_start3A = arith.constant 0 : i32
      %dma_start3A_42 = tpu.memref_slice %arg10[%mul3A_6, %dma_start3A] : memref<10240x128xf32, #tpu.memory_space<vmem_shared>> -> memref<640x128xf32, #tpu.memory_space<vmem_shared>>
      tpu.enqueue_dma source(%arg5 : memref<640x128xf32, #tpu.memory_space<hbm>>) target(%dma_start3A_42 : memref<640x128xf32, #tpu.memory_space<vmem_shared>>) target_semaphore(%run_scoped3A : memref<!tpu.dma_semaphore, #tpu.memory_space<semaphore_mem>>)
      %dma_wait3A = arith.constant 0 : i32
      %dma_wait3A_43 = tpu.memref_slice %arg10[%mul3A_6, %dma_wait3A] : memref<10240x128xf32, #tpu.memory_space<vmem_shared>> -> memref<640x128xf32, #tpu.memory_space<vmem_shared>>
      tpu.wait_dma2 semaphore(%run_scoped3A : memref<!tpu.dma_semaphore, #tpu.memory_space<semaphore_mem>>) src(%arg5 : memref<640x128xf32, #tpu.memory_space<hbm>>) dst(%dma_wait3A_43 : memref<640x128xf32, #tpu.memory_space<vmem_shared>>)
      tpu.yield
    }) : () -> ()
    %barrier3A = arith.constant 0 : index
    tpu.barrier barrier_id(%barrier3A)
    %scan3A = arith.constant 0 : i32
    %scan3A_7 = arith.constant 0 : i32
    %scan3A_8 = arith.constant 40 : i32
    %scan3A_9 = arith.addi %scan3A_7, %scan3A_8 : i32
    %scan3A_10 = arith.constant 1 : i32
    scf.for %scan3A_42 = %scan3A_7 to %scan3A_9 step %scan3A_10  : i32 {
      %run_scoped3A = arith.constant 0 : i32
      "tpu.region"() ({
        %run_scoped3A_43 = tpu.sem_alloc : memref<!tpu.dma_semaphore, #tpu.memory_space<semaphore_mem>>
        %dma_start3A = arith.constant 0 : i32
        %dma_start3A_44 = tpu.memref_slice %arg7[%scan3A_42, %dma_start3A] : memref<40x128xi32, #tpu.memory_space<vmem>> -> memref<1x128xi32, #tpu.memory_space<vmem>>
        %dma_start3A_45 = tpu.memref_squeeze %dma_start3A_44 : memref<1x128xi32, #tpu.memory_space<vmem>> -> memref<128xi32, #tpu.memory_space<vmem>>
        %dma_start3A_46 = arith.constant 0 : i32
        %dma_start3A_47 = arith.constant 0 : i32
        %dma_start3A_48 = tpu.memref_slice %arg2[%run_scoped3A, %dma_start3A_46, %dma_start3A_47] : memref<2x10240x128xf32, #tpu.memory_space<hbm>> -> memref<1x10240x128xf32, #tpu.memory_space<hbm>>
        %dma_start3A_49 = tpu.memref_squeeze %dma_start3A_48 : memref<1x10240x128xf32, #tpu.memory_space<hbm>> -> memref<10240x128xf32, #tpu.memory_space<hbm>>
        %dma_start3A_50 = arith.constant 0 : i32
        %dma_start3A_51 = arith.constant 0 : i32
        %dma_start3A_52 = tpu.memref_slice %dma_start3A_49[%dma_start3A_50, %dma_start3A_51] : memref<10240x128xf32, #tpu.memory_space<hbm>> -> memref<10240x128xf32, #tpu.memory_space<hbm>>
        tpu.enqueue_indirect_dma source(%dma_start3A_52 : memref<10240x128xf32, #tpu.memory_space<hbm>>) target(%arg9 : memref<128x128xf32, #tpu.memory_space<vmem>>) offsets(%dma_start3A_45 : memref<128xi32, #tpu.memory_space<vmem>>) semaphore(%run_scoped3A_43 : memref<!tpu.dma_semaphore, #tpu.memory_space<semaphore_mem>>)
        %dma_wait3A = arith.constant 0 : i32
        %dma_wait3A_53 = tpu.memref_slice %arg7[%scan3A_42, %dma_wait3A] : memref<40x128xi32, #tpu.memory_space<vmem>> -> memref<1x128xi32, #tpu.memory_space<vmem>>
        %dma_wait3A_54 = tpu.memref_squeeze %dma_wait3A_53 : memref<1x128xi32, #tpu.memory_space<vmem>> -> memref<128xi32, #tpu.memory_space<vmem>>
        %dma_wait3A_55 = arith.constant 0 : i32
        %dma_wait3A_56 = arith.constant 0 : i32
        %dma_wait3A_57 = tpu.memref_slice %arg2[%run_scoped3A, %dma_wait3A_55, %dma_wait3A_56] : memref<2x10240x128xf32, #tpu.memory_space<hbm>> -> memref<1x10240x128xf32, #tpu.memory_space<hbm>>
        %dma_wait3A_58 = tpu.memref_squeeze %dma_wait3A_57 : memref<1x10240x128xf32, #tpu.memory_space<hbm>> -> memref<10240x128xf32, #tpu.memory_space<hbm>>
        %dma_wait3A_59 = arith.constant 0 : i32
        %dma_wait3A_60 = arith.constant 0 : i32
        %dma_wait3A_61 = tpu.memref_slice %dma_wait3A_58[%dma_wait3A_59, %dma_wait3A_60] : memref<10240x128xf32, #tpu.memory_space<hbm>> -> memref<10240x128xf32, #tpu.memory_space<hbm>>
        tpu.wait_indirect_dma semaphore(%run_scoped3A_43 : memref<!tpu.dma_semaphore, #tpu.memory_space<semaphore_mem>>) src(%dma_wait3A_61 : memref<10240x128xf32, #tpu.memory_space<hbm>>) dst(%arg9 : memref<128x128xf32, #tpu.memory_space<vmem>>)
        tpu.yield
      }) : () -> ()
      "tpu.region"() ({
        %run_scoped3A_43 = tpu.sem_alloc : memref<!tpu.dma_semaphore, #tpu.memory_space<semaphore_mem>>
        %dma_start3A = arith.constant 0 : i32
        %dma_start3A_44 = tpu.memref_slice %arg8[%scan3A_42, %dma_start3A] : memref<40x128xi32, #tpu.memory_space<vmem>> -> memref<1x128xi32, #tpu.memory_space<vmem>>
        %dma_start3A_45 = tpu.memref_squeeze %dma_start3A_44 : memref<1x128xi32, #tpu.memory_space<vmem>> -> memref<128xi32, #tpu.memory_space<vmem>>
        %dma_start3A_46 = arith.constant 0 : i32
        %dma_start3A_47 = arith.constant 0 : i32
        %dma_start3A_48 = tpu.memref_slice %arg10[%dma_start3A_46, %dma_start3A_47] : memref<10240x128xf32, #tpu.memory_space<vmem_shared>> -> memref<10240x128xf32, #tpu.memory_space<vmem_shared>>
        tpu.enqueue_indirect_dma source(%arg9 : memref<128x128xf32, #tpu.memory_space<vmem>>) target(%dma_start3A_48 : memref<10240x128xf32, #tpu.memory_space<vmem_shared>>) offsets(%dma_start3A_45 : memref<128xi32, #tpu.memory_space<vmem>>) semaphore(%run_scoped3A_43 : memref<!tpu.dma_semaphore, #tpu.memory_space<semaphore_mem>>) {add = true}
        %dma_wait3A = arith.constant 0 : i32
        %dma_wait3A_49 = tpu.memref_slice %arg8[%scan3A_42, %dma_wait3A] : memref<40x128xi32, #tpu.memory_space<vmem>> -> memref<1x128xi32, #tpu.memory_space<vmem>>
        %dma_wait3A_50 = tpu.memref_squeeze %dma_wait3A_49 : memref<1x128xi32, #tpu.memory_space<vmem>> -> memref<128xi32, #tpu.memory_space<vmem>>
        %dma_wait3A_51 = arith.constant 0 : i32
        %dma_wait3A_52 = arith.constant 0 : i32
        %dma_wait3A_53 = tpu.memref_slice %arg10[%dma_wait3A_51, %dma_wait3A_52] : memref<10240x128xf32, #tpu.memory_space<vmem_shared>> -> memref<10240x128xf32, #tpu.memory_space<vmem_shared>>
        tpu.wait_indirect_dma semaphore(%run_scoped3A_43 : memref<!tpu.dma_semaphore, #tpu.memory_space<semaphore_mem>>) src(%arg9 : memref<128x128xf32, #tpu.memory_space<vmem>>) dst(%dma_wait3A_53 : memref<10240x128xf32, #tpu.memory_space<vmem_shared>>)
        tpu.yield
      }) : () -> ()
    }
    %scan3A_11 = arith.constant 40 : i32
    %barrier3A_12 = arith.constant 0 : index
    tpu.barrier barrier_id(%barrier3A_12)
    %eq3A = arith.constant 0 : i32
    %eq3A_13 = arith.cmpi eq, %arg0, %eq3A : i32
    %convert_element_type3A = arith.extui %eq3A_13 : i1 to i32
    %cond3A = arith.constant 0 : i32
    %cond3A_14 = arith.cmpi ne, %convert_element_type3A, %cond3A : i32
    scf.if %cond3A_14 {
      %mul3A_42 = arith.constant 640 : i32
      %mul3A_43 = arith.muli %arg1, %mul3A_42 : i32
      %mul3A_44 = arith.constant 640 : i32
      %mul3A_45 = arith.muli %arg1, %mul3A_44 : i32
      %run_scoped3A = arith.constant 0 : i32
      %run_scoped3A_46 = arith.constant 0 : i32
      "tpu.region"() ({
        %run_scoped3A_47 = tpu.sem_alloc : memref<!tpu.dma_semaphore, #tpu.memory_space<semaphore_mem>>
        %dma_start3A = arith.constant 0 : i32
        %dma_start3A_48 = arith.constant 0 : i32
        %dma_start3A_49 = arith.constant 0 : i32
        %dma_start3A_50 = tpu.memref_slice %arg6[%run_scoped3A, %dma_start3A, %dma_start3A_48, %dma_start3A_49] : memref<2x2x10240x128xf32, #tpu.memory_space<hbm>> -> memref<1x2x10240x128xf32, #tpu.memory_space<hbm>>
        %dma_start3A_51 = tpu.memref_squeeze %dma_start3A_50 : memref<1x2x10240x128xf32, #tpu.memory_space<hbm>> -> memref<2x10240x128xf32, #tpu.memory_space<hbm>>
        %dma_start3A_52 = arith.constant 0 : i32
        %dma_start3A_53 = arith.constant 0 : i32
        %dma_start3A_54 = tpu.memref_slice %dma_start3A_51[%run_scoped3A_46, %dma_start3A_52, %dma_start3A_53] : memref<2x10240x128xf32, #tpu.memory_space<hbm>> -> memref<1x10240x128xf32, #tpu.memory_space<hbm>>
        %dma_start3A_55 = tpu.memref_squeeze %dma_start3A_54 : memref<1x10240x128xf32, #tpu.memory_space<hbm>> -> memref<10240x128xf32, #tpu.memory_space<hbm>>
        %dma_start3A_56 = arith.constant 0 : i32
        %dma_start3A_57 = tpu.memref_slice %dma_start3A_55[%mul3A_45, %dma_start3A_56] : memref<10240x128xf32, #tpu.memory_space<hbm>> -> memref<640x128xf32, #tpu.memory_space<hbm>>
        %dma_start3A_58 = arith.constant 0 : i32
        %dma_start3A_59 = tpu.memref_slice %arg10[%mul3A_43, %dma_start3A_58] : memref<10240x128xf32, #tpu.memory_space<vmem_shared>> -> memref<640x128xf32, #tpu.memory_space<vmem_shared>>
        tpu.enqueue_dma source(%dma_start3A_59 : memref<640x128xf32, #tpu.memory_space<vmem_shared>>) target(%dma_start3A_57 : memref<640x128xf32, #tpu.memory_space<hbm>>) target_semaphore(%run_scoped3A_47 : memref<!tpu.dma_semaphore, #tpu.memory_space<semaphore_mem>>)
        %dma_wait3A = arith.constant 0 : i32
        %dma_wait3A_60 = arith.constant 0 : i32
        %dma_wait3A_61 = arith.constant 0 : i32
        %dma_wait3A_62 = tpu.memref_slice %arg6[%run_scoped3A, %dma_wait3A, %dma_wait3A_60, %dma_wait3A_61] : memref<2x2x10240x128xf32, #tpu.memory_space<hbm>> -> memref<1x2x10240x128xf32, #tpu.memory_space<hbm>>
        %dma_wait3A_63 = tpu.memref_squeeze %dma_wait3A_62 : memref<1x2x10240x128xf32, #tpu.memory_space<hbm>> -> memref<2x10240x128xf32, #tpu.memory_space<hbm>>
        %dma_wait3A_64 = arith.constant 0 : i32
        %dma_wait3A_65 = arith.constant 0 : i32
        %dma_wait3A_66 = tpu.memref_slice %dma_wait3A_63[%run_scoped3A_46, %dma_wait3A_64, %dma_wait3A_65] : memref<2x10240x128xf32, #tpu.memory_space<hbm>> -> memref<1x10240x128xf32, #tpu.memory_space<hbm>>
        %dma_wait3A_67 = tpu.memref_squeeze %dma_wait3A_66 : memref<1x10240x128xf32, #tpu.memory_space<hbm>> -> memref<10240x128xf32, #tpu.memory_space<hbm>>
        %dma_wait3A_68 = arith.constant 0 : i32
        %dma_wait3A_69 = tpu.memref_slice %dma_wait3A_67[%mul3A_45, %dma_wait3A_68] : memref<10240x128xf32, #tpu.memory_space<hbm>> -> memref<640x128xf32, #tpu.memory_space<hbm>>
        %dma_wait3A_70 = arith.constant 0 : i32
        %dma_wait3A_71 = tpu.memref_slice %arg10[%mul3A_43, %dma_wait3A_70] : memref<10240x128xf32, #tpu.memory_space<vmem_shared>> -> memref<640x128xf32, #tpu.memory_space<vmem_shared>>
        tpu.wait_dma2 semaphore(%run_scoped3A_47 : memref<!tpu.dma_semaphore, #tpu.memory_space<semaphore_mem>>) src(%dma_wait3A_71 : memref<640x128xf32, #tpu.memory_space<vmem_shared>>) dst(%dma_wait3A_69 : memref<640x128xf32, #tpu.memory_space<hbm>>)
        tpu.yield
      }) : () -> ()
    } else {
    }
    %eq3A_15 = arith.constant 1 : i32
    %eq3A_16 = arith.cmpi eq, %arg0, %eq3A_15 : i32
    %convert_element_type3A_17 = arith.extui %eq3A_16 : i1 to i32
    %cond3A_18 = arith.constant 0 : i32
    %cond3A_19 = arith.cmpi ne, %convert_element_type3A_17, %cond3A_18 : i32
    scf.if %cond3A_19 {
      %mul3A_42 = arith.constant 640 : i32
      %mul3A_43 = arith.muli %arg1, %mul3A_42 : i32
      %mul3A_44 = arith.constant 640 : i32
      %mul3A_45 = arith.muli %arg1, %mul3A_44 : i32
      %run_scoped3A = arith.constant 1 : i32
      %run_scoped3A_46 = arith.constant 0 : i32
      "tpu.region"() ({
        %run_scoped3A_47 = tpu.sem_alloc : memref<!tpu.dma_semaphore, #tpu.memory_space<semaphore_mem>>
        %dma_start3A = arith.constant 0 : i32
        %dma_start3A_48 = arith.constant 0 : i32
        %dma_start3A_49 = arith.constant 0 : i32
        %dma_start3A_50 = tpu.memref_slice %arg6[%run_scoped3A, %dma_start3A, %dma_start3A_48, %dma_start3A_49] : memref<2x2x10240x128xf32, #tpu.memory_space<hbm>> -> memref<1x2x10240x128xf32, #tpu.memory_space<hbm>>
        %dma_start3A_51 = tpu.memref_squeeze %dma_start3A_50 : memref<1x2x10240x128xf32, #tpu.memory_space<hbm>> -> memref<2x10240x128xf32, #tpu.memory_space<hbm>>
        %dma_start3A_52 = arith.constant 0 : i32
        %dma_start3A_53 = arith.constant 0 : i32
        %dma_start3A_54 = tpu.memref_slice %dma_start3A_51[%run_scoped3A_46, %dma_start3A_52, %dma_start3A_53] : memref<2x10240x128xf32, #tpu.memory_space<hbm>> -> memref<1x10240x128xf32, #tpu.memory_space<hbm>>
        %dma_start3A_55 = tpu.memref_squeeze %dma_start3A_54 : memref<1x10240x128xf32, #tpu.memory_space<hbm>> -> memref<10240x128xf32, #tpu.memory_space<hbm>>
        %dma_start3A_56 = arith.constant 0 : i32
        %dma_start3A_57 = tpu.memref_slice %dma_start3A_55[%mul3A_45, %dma_start3A_56] : memref<10240x128xf32, #tpu.memory_space<hbm>> -> memref<640x128xf32, #tpu.memory_space<hbm>>
        %dma_start3A_58 = arith.constant 0 : i32
        %dma_start3A_59 = tpu.memref_slice %arg10[%mul3A_43, %dma_start3A_58] : memref<10240x128xf32, #tpu.memory_space<vmem_shared>> -> memref<640x128xf32, #tpu.memory_space<vmem_shared>>
        tpu.enqueue_dma source(%dma_start3A_59 : memref<640x128xf32, #tpu.memory_space<vmem_shared>>) target(%dma_start3A_57 : memref<640x128xf32, #tpu.memory_space<hbm>>) target_semaphore(%run_scoped3A_47 : memref<!tpu.dma_semaphore, #tpu.memory_space<semaphore_mem>>)
        %dma_wait3A = arith.constant 0 : i32
        %dma_wait3A_60 = arith.constant 0 : i32
        %dma_wait3A_61 = arith.constant 0 : i32
        %dma_wait3A_62 = tpu.memref_slice %arg6[%run_scoped3A, %dma_wait3A, %dma_wait3A_60, %dma_wait3A_61] : memref<2x2x10240x128xf32, #tpu.memory_space<hbm>> -> memref<1x2x10240x128xf32, #tpu.memory_space<hbm>>
        %dma_wait3A_63 = tpu.memref_squeeze %dma_wait3A_62 : memref<1x2x10240x128xf32, #tpu.memory_space<hbm>> -> memref<2x10240x128xf32, #tpu.memory_space<hbm>>
        %dma_wait3A_64 = arith.constant 0 : i32
        %dma_wait3A_65 = arith.constant 0 : i32
        %dma_wait3A_66 = tpu.memref_slice %dma_wait3A_63[%run_scoped3A_46, %dma_wait3A_64, %dma_wait3A_65] : memref<2x10240x128xf32, #tpu.memory_space<hbm>> -> memref<1x10240x128xf32, #tpu.memory_space<hbm>>
        %dma_wait3A_67 = tpu.memref_squeeze %dma_wait3A_66 : memref<1x10240x128xf32, #tpu.memory_space<hbm>> -> memref<10240x128xf32, #tpu.memory_space<hbm>>
        %dma_wait3A_68 = arith.constant 0 : i32
        %dma_wait3A_69 = tpu.memref_slice %dma_wait3A_67[%mul3A_45, %dma_wait3A_68] : memref<10240x128xf32, #tpu.memory_space<hbm>> -> memref<640x128xf32, #tpu.memory_space<hbm>>
        %dma_wait3A_70 = arith.constant 0 : i32
        %dma_wait3A_71 = tpu.memref_slice %arg10[%mul3A_43, %dma_wait3A_70] : memref<10240x128xf32, #tpu.memory_space<vmem_shared>> -> memref<640x128xf32, #tpu.memory_space<vmem_shared>>
        tpu.wait_dma2 semaphore(%run_scoped3A_47 : memref<!tpu.dma_semaphore, #tpu.memory_space<semaphore_mem>>) src(%dma_wait3A_71 : memref<640x128xf32, #tpu.memory_space<vmem_shared>>) dst(%dma_wait3A_69 : memref<640x128xf32, #tpu.memory_space<hbm>>)
        tpu.yield
      }) : () -> ()
    } else {
    }
    %barrier3A_20 = arith.constant 0 : index
    tpu.barrier barrier_id(%barrier3A_20)
    %mul3A_21 = arith.constant 640 : i32
    %mul3A_22 = arith.muli %arg1, %mul3A_21 : i32
    "tpu.region"() ({
      %run_scoped3A = tpu.sem_alloc : memref<!tpu.dma_semaphore, #tpu.memory_space<semaphore_mem>>
      %dma_start3A = arith.constant 0 : i32
      %dma_start3A_42 = tpu.memref_slice %arg10[%mul3A_22, %dma_start3A] : memref<10240x128xf32, #tpu.memory_space<vmem_shared>> -> memref<640x128xf32, #tpu.memory_space<vmem_shared>>
      tpu.enqueue_dma source(%arg5 : memref<640x128xf32, #tpu.memory_space<hbm>>) target(%dma_start3A_42 : memref<640x128xf32, #tpu.memory_space<vmem_shared>>) target_semaphore(%run_scoped3A : memref<!tpu.dma_semaphore, #tpu.memory_space<semaphore_mem>>)
      %dma_wait3A = arith.constant 0 : i32
      %dma_wait3A_43 = tpu.memref_slice %arg10[%mul3A_22, %dma_wait3A] : memref<10240x128xf32, #tpu.memory_space<vmem_shared>> -> memref<640x128xf32, #tpu.memory_space<vmem_shared>>
      tpu.wait_dma2 semaphore(%run_scoped3A : memref<!tpu.dma_semaphore, #tpu.memory_space<semaphore_mem>>) src(%arg5 : memref<640x128xf32, #tpu.memory_space<hbm>>) dst(%dma_wait3A_43 : memref<640x128xf32, #tpu.memory_space<vmem_shared>>)
      tpu.yield
    }) : () -> ()
    %barrier3A_23 = arith.constant 0 : index
    tpu.barrier barrier_id(%barrier3A_23)
    %scan3A_24 = arith.constant 0 : i32
    %scan3A_25 = arith.constant 0 : i32
    %scan3A_26 = arith.constant 40 : i32
    %scan3A_27 = arith.addi %scan3A_25, %scan3A_26 : i32
    %scan3A_28 = arith.constant 1 : i32
    scf.for %scan3A_42 = %scan3A_25 to %scan3A_27 step %scan3A_28  : i32 {
      %run_scoped3A = arith.constant 1 : i32
      "tpu.region"() ({
        %run_scoped3A_43 = tpu.sem_alloc : memref<!tpu.dma_semaphore, #tpu.memory_space<semaphore_mem>>
        %dma_start3A = arith.constant 0 : i32
        %dma_start3A_44 = tpu.memref_slice %arg7[%scan3A_42, %dma_start3A] : memref<40x128xi32, #tpu.memory_space<vmem>> -> memref<1x128xi32, #tpu.memory_space<vmem>>
        %dma_start3A_45 = tpu.memref_squeeze %dma_start3A_44 : memref<1x128xi32, #tpu.memory_space<vmem>> -> memref<128xi32, #tpu.memory_space<vmem>>
        %dma_start3A_46 = arith.constant 0 : i32
        %dma_start3A_47 = arith.constant 0 : i32
        %dma_start3A_48 = tpu.memref_slice %arg2[%run_scoped3A, %dma_start3A_46, %dma_start3A_47] : memref<2x10240x128xf32, #tpu.memory_space<hbm>> -> memref<1x10240x128xf32, #tpu.memory_space<hbm>>
        %dma_start3A_49 = tpu.memref_squeeze %dma_start3A_48 : memref<1x10240x128xf32, #tpu.memory_space<hbm>> -> memref<10240x128xf32, #tpu.memory_space<hbm>>
        %dma_start3A_50 = arith.constant 0 : i32
        %dma_start3A_51 = arith.constant 0 : i32
        %dma_start3A_52 = tpu.memref_slice %dma_start3A_49[%dma_start3A_50, %dma_start3A_51] : memref<10240x128xf32, #tpu.memory_space<hbm>> -> memref<10240x128xf32, #tpu.memory_space<hbm>>
        tpu.enqueue_indirect_dma source(%dma_start3A_52 : memref<10240x128xf32, #tpu.memory_space<hbm>>) target(%arg9 : memref<128x128xf32, #tpu.memory_space<vmem>>) offsets(%dma_start3A_45 : memref<128xi32, #tpu.memory_space<vmem>>) semaphore(%run_scoped3A_43 : memref<!tpu.dma_semaphore, #tpu.memory_space<semaphore_mem>>)
        %dma_wait3A = arith.constant 0 : i32
        %dma_wait3A_53 = tpu.memref_slice %arg7[%scan3A_42, %dma_wait3A] : memref<40x128xi32, #tpu.memory_space<vmem>> -> memref<1x128xi32, #tpu.memory_space<vmem>>
        %dma_wait3A_54 = tpu.memref_squeeze %dma_wait3A_53 : memref<1x128xi32, #tpu.memory_space<vmem>> -> memref<128xi32, #tpu.memory_space<vmem>>
        %dma_wait3A_55 = arith.constant 0 : i32
        %dma_wait3A_56 = arith.constant 0 : i32
        %dma_wait3A_57 = tpu.memref_slice %arg2[%run_scoped3A, %dma_wait3A_55, %dma_wait3A_56] : memref<2x10240x128xf32, #tpu.memory_space<hbm>> -> memref<1x10240x128xf32, #tpu.memory_space<hbm>>
        %dma_wait3A_58 = tpu.memref_squeeze %dma_wait3A_57 : memref<1x10240x128xf32, #tpu.memory_space<hbm>> -> memref<10240x128xf32, #tpu.memory_space<hbm>>
        %dma_wait3A_59 = arith.constant 0 : i32
        %dma_wait3A_60 = arith.constant 0 : i32
        %dma_wait3A_61 = tpu.memref_slice %dma_wait3A_58[%dma_wait3A_59, %dma_wait3A_60] : memref<10240x128xf32, #tpu.memory_space<hbm>> -> memref<10240x128xf32, #tpu.memory_space<hbm>>
        tpu.wait_indirect_dma semaphore(%run_scoped3A_43 : memref<!tpu.dma_semaphore, #tpu.memory_space<semaphore_mem>>) src(%dma_wait3A_61 : memref<10240x128xf32, #tpu.memory_space<hbm>>) dst(%arg9 : memref<128x128xf32, #tpu.memory_space<vmem>>)
        tpu.yield
      }) : () -> ()
      "tpu.region"() ({
        %run_scoped3A_43 = tpu.sem_alloc : memref<!tpu.dma_semaphore, #tpu.memory_space<semaphore_mem>>
        %dma_start3A = arith.constant 0 : i32
        %dma_start3A_44 = tpu.memref_slice %arg8[%scan3A_42, %dma_start3A] : memref<40x128xi32, #tpu.memory_space<vmem>> -> memref<1x128xi32, #tpu.memory_space<vmem>>
        %dma_start3A_45 = tpu.memref_squeeze %dma_start3A_44 : memref<1x128xi32, #tpu.memory_space<vmem>> -> memref<128xi32, #tpu.memory_space<vmem>>
        %dma_start3A_46 = arith.constant 0 : i32
        %dma_start3A_47 = arith.constant 0 : i32
        %dma_start3A_48 = tpu.memref_slice %arg10[%dma_start3A_46, %dma_start3A_47] : memref<10240x128xf32, #tpu.memory_space<vmem_shared>> -> memref<10240x128xf32, #tpu.memory_space<vmem_shared>>
        tpu.enqueue_indirect_dma source(%arg9 : memref<128x128xf32, #tpu.memory_space<vmem>>) target(%dma_start3A_48 : memref<10240x128xf32, #tpu.memory_space<vmem_shared>>) offsets(%dma_start3A_45 : memref<128xi32, #tpu.memory_space<vmem>>) semaphore(%run_scoped3A_43 : memref<!tpu.dma_semaphore, #tpu.memory_space<semaphore_mem>>) {add = true}
        %dma_wait3A = arith.constant 0 : i32
        %dma_wait3A_49 = tpu.memref_slice %arg8[%scan3A_42, %dma_wait3A] : memref<40x128xi32, #tpu.memory_space<vmem>> -> memref<1x128xi32, #tpu.memory_space<vmem>>
        %dma_wait3A_50 = tpu.memref_squeeze %dma_wait3A_49 : memref<1x128xi32, #tpu.memory_space<vmem>> -> memref<128xi32, #tpu.memory_space<vmem>>
        %dma_wait3A_51 = arith.constant 0 : i32
        %dma_wait3A_52 = arith.constant 0 : i32
        %dma_wait3A_53 = tpu.memref_slice %arg10[%dma_wait3A_51, %dma_wait3A_52] : memref<10240x128xf32, #tpu.memory_space<vmem_shared>> -> memref<10240x128xf32, #tpu.memory_space<vmem_shared>>
        tpu.wait_indirect_dma semaphore(%run_scoped3A_43 : memref<!tpu.dma_semaphore, #tpu.memory_space<semaphore_mem>>) src(%arg9 : memref<128x128xf32, #tpu.memory_space<vmem>>) dst(%dma_wait3A_53 : memref<10240x128xf32, #tpu.memory_space<vmem_shared>>)
        tpu.yield
      }) : () -> ()
    }
    %scan3A_29 = arith.constant 40 : i32
    %barrier3A_30 = arith.constant 0 : index
    tpu.barrier barrier_id(%barrier3A_30)
    %eq3A_31 = arith.constant 0 : i32
    %eq3A_32 = arith.cmpi eq, %arg0, %eq3A_31 : i32
    %convert_element_type3A_33 = arith.extui %eq3A_32 : i1 to i32
    %cond3A_34 = arith.constant 0 : i32
    %cond3A_35 = arith.cmpi ne, %convert_element_type3A_33, %cond3A_34 : i32
    scf.if %cond3A_35 {
      %mul3A_42 = arith.constant 640 : i32
      %mul3A_43 = arith.muli %arg1, %mul3A_42 : i32
      %mul3A_44 = arith.constant 640 : i32
      %mul3A_45 = arith.muli %arg1, %mul3A_44 : i32
      %run_scoped3A = arith.constant 0 : i32
      %run_scoped3A_46 = arith.constant 1 : i32
      "tpu.region"() ({
        %run_scoped3A_47 = tpu.sem_alloc : memref<!tpu.dma_semaphore, #tpu.memory_space<semaphore_mem>>
        %dma_start3A = arith.constant 0 : i32
        %dma_start3A_48 = arith.constant 0 : i32
        %dma_start3A_49 = arith.constant 0 : i32
        %dma_start3A_50 = tpu.memref_slice %arg6[%run_scoped3A, %dma_start3A, %dma_start3A_48, %dma_start3A_49] : memref<2x2x10240x128xf32, #tpu.memory_space<hbm>> -> memref<1x2x10240x128xf32, #tpu.memory_space<hbm>>
        %dma_start3A_51 = tpu.memref_squeeze %dma_start3A_50 : memref<1x2x10240x128xf32, #tpu.memory_space<hbm>> -> memref<2x10240x128xf32, #tpu.memory_space<hbm>>
        %dma_start3A_52 = arith.constant 0 : i32
        %dma_start3A_53 = arith.constant 0 : i32
        %dma_start3A_54 = tpu.memref_slice %dma_start3A_51[%run_scoped3A_46, %dma_start3A_52, %dma_start3A_53] : memref<2x10240x128xf32, #tpu.memory_space<hbm>> -> memref<1x10240x128xf32, #tpu.memory_space<hbm>>
        %dma_start3A_55 = tpu.memref_squeeze %dma_start3A_54 : memref<1x10240x128xf32, #tpu.memory_space<hbm>> -> memref<10240x128xf32, #tpu.memory_space<hbm>>
        %dma_start3A_56 = arith.constant 0 : i32
        %dma_start3A_57 = tpu.memref_slice %dma_start3A_55[%mul3A_45, %dma_start3A_56] : memref<10240x128xf32, #tpu.memory_space<hbm>> -> memref<640x128xf32, #tpu.memory_space<hbm>>
        %dma_start3A_58 = arith.constant 0 : i32
        %dma_start3A_59 = tpu.memref_slice %arg10[%mul3A_43, %dma_start3A_58] : memref<10240x128xf32, #tpu.memory_space<vmem_shared>> -> memref<640x128xf32, #tpu.memory_space<vmem_shared>>
        tpu.enqueue_dma source(%dma_start3A_59 : memref<640x128xf32, #tpu.memory_space<vmem_shared>>) target(%dma_start3A_57 : memref<640x128xf32, #tpu.memory_space<hbm>>) target_semaphore(%run_scoped3A_47 : memref<!tpu.dma_semaphore, #tpu.memory_space<semaphore_mem>>)
        %dma_wait3A = arith.constant 0 : i32
        %dma_wait3A_60 = arith.constant 0 : i32
        %dma_wait3A_61 = arith.constant 0 : i32
        %dma_wait3A_62 = tpu.memref_slice %arg6[%run_scoped3A, %dma_wait3A, %dma_wait3A_60, %dma_wait3A_61] : memref<2x2x10240x128xf32, #tpu.memory_space<hbm>> -> memref<1x2x10240x128xf32, #tpu.memory_space<hbm>>
        %dma_wait3A_63 = tpu.memref_squeeze %dma_wait3A_62 : memref<1x2x10240x128xf32, #tpu.memory_space<hbm>> -> memref<2x10240x128xf32, #tpu.memory_space<hbm>>
        %dma_wait3A_64 = arith.constant 0 : i32
        %dma_wait3A_65 = arith.constant 0 : i32
        %dma_wait3A_66 = tpu.memref_slice %dma_wait3A_63[%run_scoped3A_46, %dma_wait3A_64, %dma_wait3A_65] : memref<2x10240x128xf32, #tpu.memory_space<hbm>> -> memref<1x10240x128xf32, #tpu.memory_space<hbm>>
        %dma_wait3A_67 = tpu.memref_squeeze %dma_wait3A_66 : memref<1x10240x128xf32, #tpu.memory_space<hbm>> -> memref<10240x128xf32, #tpu.memory_space<hbm>>
        %dma_wait3A_68 = arith.constant 0 : i32
        %dma_wait3A_69 = tpu.memref_slice %dma_wait3A_67[%mul3A_45, %dma_wait3A_68] : memref<10240x128xf32, #tpu.memory_space<hbm>> -> memref<640x128xf32, #tpu.memory_space<hbm>>
        %dma_wait3A_70 = arith.constant 0 : i32
        %dma_wait3A_71 = tpu.memref_slice %arg10[%mul3A_43, %dma_wait3A_70] : memref<10240x128xf32, #tpu.memory_space<vmem_shared>> -> memref<640x128xf32, #tpu.memory_space<vmem_shared>>
        tpu.wait_dma2 semaphore(%run_scoped3A_47 : memref<!tpu.dma_semaphore, #tpu.memory_space<semaphore_mem>>) src(%dma_wait3A_71 : memref<640x128xf32, #tpu.memory_space<vmem_shared>>) dst(%dma_wait3A_69 : memref<640x128xf32, #tpu.memory_space<hbm>>)
        tpu.yield
      }) : () -> ()
    } else {
    }
    %eq3A_36 = arith.constant 1 : i32
    %eq3A_37 = arith.cmpi eq, %arg0, %eq3A_36 : i32
    %convert_element_type3A_38 = arith.extui %eq3A_37 : i1 to i32
    %cond3A_39 = arith.constant 0 : i32
    %cond3A_40 = arith.cmpi ne, %convert_element_type3A_38, %cond3A_39 : i32
    scf.if %cond3A_40 {
      %mul3A_42 = arith.constant 640 : i32
      %mul3A_43 = arith.muli %arg1, %mul3A_42 : i32
      %mul3A_44 = arith.constant 640 : i32
      %mul3A_45 = arith.muli %arg1, %mul3A_44 : i32
      %run_scoped3A = arith.constant 1 : i32
      %run_scoped3A_46 = arith.constant 1 : i32
      "tpu.region"() ({
        %run_scoped3A_47 = tpu.sem_alloc : memref<!tpu.dma_semaphore, #tpu.memory_space<semaphore_mem>>
        %dma_start3A = arith.constant 0 : i32
        %dma_start3A_48 = arith.constant 0 : i32
        %dma_start3A_49 = arith.constant 0 : i32
        %dma_start3A_50 = tpu.memref_slice %arg6[%run_scoped3A, %dma_start3A, %dma_start3A_48, %dma_start3A_49] : memref<2x2x10240x128xf32, #tpu.memory_space<hbm>> -> memref<1x2x10240x128xf32, #tpu.memory_space<hbm>>
        %dma_start3A_51 = tpu.memref_squeeze %dma_start3A_50 : memref<1x2x10240x128xf32, #tpu.memory_space<hbm>> -> memref<2x10240x128xf32, #tpu.memory_space<hbm>>
        %dma_start3A_52 = arith.constant 0 : i32
        %dma_start3A_53 = arith.constant 0 : i32
        %dma_start3A_54 = tpu.memref_slice %dma_start3A_51[%run_scoped3A_46, %dma_start3A_52, %dma_start3A_53] : memref<2x10240x128xf32, #tpu.memory_space<hbm>> -> memref<1x10240x128xf32, #tpu.memory_space<hbm>>
        %dma_start3A_55 = tpu.memref_squeeze %dma_start3A_54 : memref<1x10240x128xf32, #tpu.memory_space<hbm>> -> memref<10240x128xf32, #tpu.memory_space<hbm>>
        %dma_start3A_56 = arith.constant 0 : i32
        %dma_start3A_57 = tpu.memref_slice %dma_start3A_55[%mul3A_45, %dma_start3A_56] : memref<10240x128xf32, #tpu.memory_space<hbm>> -> memref<640x128xf32, #tpu.memory_space<hbm>>
        %dma_start3A_58 = arith.constant 0 : i32
        %dma_start3A_59 = tpu.memref_slice %arg10[%mul3A_43, %dma_start3A_58] : memref<10240x128xf32, #tpu.memory_space<vmem_shared>> -> memref<640x128xf32, #tpu.memory_space<vmem_shared>>
        tpu.enqueue_dma source(%dma_start3A_59 : memref<640x128xf32, #tpu.memory_space<vmem_shared>>) target(%dma_start3A_57 : memref<640x128xf32, #tpu.memory_space<hbm>>) target_semaphore(%run_scoped3A_47 : memref<!tpu.dma_semaphore, #tpu.memory_space<semaphore_mem>>)
        %dma_wait3A = arith.constant 0 : i32
        %dma_wait3A_60 = arith.constant 0 : i32
        %dma_wait3A_61 = arith.constant 0 : i32
        %dma_wait3A_62 = tpu.memref_slice %arg6[%run_scoped3A, %dma_wait3A, %dma_wait3A_60, %dma_wait3A_61] : memref<2x2x10240x128xf32, #tpu.memory_space<hbm>> -> memref<1x2x10240x128xf32, #tpu.memory_space<hbm>>
        %dma_wait3A_63 = tpu.memref_squeeze %dma_wait3A_62 : memref<1x2x10240x128xf32, #tpu.memory_space<hbm>> -> memref<2x10240x128xf32, #tpu.memory_space<hbm>>
        %dma_wait3A_64 = arith.constant 0 : i32
        %dma_wait3A_65 = arith.constant 0 : i32
        %dma_wait3A_66 = tpu.memref_slice %dma_wait3A_63[%run_scoped3A_46, %dma_wait3A_64, %dma_wait3A_65] : memref<2x10240x128xf32, #tpu.memory_space<hbm>> -> memref<1x10240x128xf32, #tpu.memory_space<hbm>>
        %dma_wait3A_67 = tpu.memref_squeeze %dma_wait3A_66 : memref<1x10240x128xf32, #tpu.memory_space<hbm>> -> memref<10240x128xf32, #tpu.memory_space<hbm>>
        %dma_wait3A_68 = arith.constant 0 : i32
        %dma_wait3A_69 = tpu.memref_slice %dma_wait3A_67[%mul3A_45, %dma_wait3A_68] : memref<10240x128xf32, #tpu.memory_space<hbm>> -> memref<640x128xf32, #tpu.memory_space<hbm>>
        %dma_wait3A_70 = arith.constant 0 : i32
        %dma_wait3A_71 = tpu.memref_slice %arg10[%mul3A_43, %dma_wait3A_70] : memref<10240x128xf32, #tpu.memory_space<vmem_shared>> -> memref<640x128xf32, #tpu.memory_space<vmem_shared>>
        tpu.wait_dma2 semaphore(%run_scoped3A_47 : memref<!tpu.dma_semaphore, #tpu.memory_space<semaphore_mem>>) src(%dma_wait3A_71 : memref<640x128xf32, #tpu.memory_space<vmem_shared>>) dst(%dma_wait3A_69 : memref<640x128xf32, #tpu.memory_space<hbm>>)
        tpu.yield
      }) : () -> ()
    } else {
    }
    %barrier3A_41 = arith.constant 0 : index
    tpu.barrier barrier_id(%barrier3A_41)
    return
  }
}

#map = affine_map<(d0, d1) -> (0, 0, 0)>
#map1 = affine_map<(d0, d1) -> (0, 0)>
#map2 = affine_map<(d0, d1) -> (0, 0, 0, 0)>
module attributes {stable_mosaic.version = 14 : i64} {
  func.func @_sc_scatter_body(%arg0: i32, %arg1: i32, %arg2: memref<4x10240x128xf32, #tpu.memory_space<hbm>>, %arg3: memref<1280x128xi32, #tpu.memory_space<hbm>>, %arg4: memref<1280x128xi32, #tpu.memory_space<hbm>>, %arg5: memref<640x128xf32, #tpu.memory_space<hbm>>, %arg6: memref<2x4x10240x128xf32, #tpu.memory_space<hbm>>, %arg7: memref<40x128xi32, #tpu.memory_space<vmem>>, %arg8: memref<40x128xi32, #tpu.memory_space<vmem>>, %arg9: memref<128x128xf32, #tpu.memory_space<vmem>>, %arg10: memref<10240x128xf32, #tpu.memory_space<vmem_shared>>) attributes {dimension_semantics = [#tpu.dimension_semantics<core_parallel>, #tpu.dimension_semantics<subcore_parallel>], iteration_bounds = array<i64: 2, 16>, scalar_prefetch = 0 : i64, scratch_operands = 4 : i64, tpu.core_type = #tpu.core_type<sc_vector_subcore>, window_params = [{transform_indices = #map}, {transform_indices = #map1}, {transform_indices = #map1}, {transform_indices = #map1}, {transform_indices = #map2}]} {
    %mul3A = arith.constant 2 : i32
    %mul3A_0 = arith.muli %arg1, %mul3A : i32
    %add3A = arith.addi %mul3A_0, %arg0 : i32
    %mul3A_1 = arith.constant 40 : i32
    %mul3A_2 = arith.muli %add3A, %mul3A_1 : i32
    "tpu.region"() ({
      %run_scoped3A = tpu.sem_alloc : memref<!tpu.dma_semaphore, #tpu.memory_space<semaphore_mem>>
      %dma_start3A = arith.constant 0 : i32
      %dma_start3A_84 = tpu.memref_slice %arg3[%mul3A_2, %dma_start3A] : memref<1280x128xi32, #tpu.memory_space<hbm>> -> memref<40x128xi32, #tpu.memory_space<hbm>>
      %dma_start3A_85 = arith.constant 0 : i32
      %dma_start3A_86 = tpu.memref_slice %arg3[%mul3A_2, %dma_start3A_85] : memref<1280x128xi32, #tpu.memory_space<hbm>> -> memref<40x128xi32, #tpu.memory_space<hbm>>
      tpu.enqueue_dma source(%dma_start3A_86 : memref<40x128xi32, #tpu.memory_space<hbm>>) target(%arg7 : memref<40x128xi32, #tpu.memory_space<vmem>>) target_semaphore(%run_scoped3A : memref<!tpu.dma_semaphore, #tpu.memory_space<semaphore_mem>>)
      %dma_wait3A = arith.constant 0 : i32
      %dma_wait3A_87 = tpu.memref_slice %arg3[%mul3A_2, %dma_wait3A] : memref<1280x128xi32, #tpu.memory_space<hbm>> -> memref<40x128xi32, #tpu.memory_space<hbm>>
      %dma_wait3A_88 = arith.constant 0 : i32
      %dma_wait3A_89 = tpu.memref_slice %arg3[%mul3A_2, %dma_wait3A_88] : memref<1280x128xi32, #tpu.memory_space<hbm>> -> memref<40x128xi32, #tpu.memory_space<hbm>>
      tpu.wait_dma2 semaphore(%run_scoped3A : memref<!tpu.dma_semaphore, #tpu.memory_space<semaphore_mem>>) src(%dma_wait3A_89 : memref<40x128xi32, #tpu.memory_space<hbm>>) dst(%arg7 : memref<40x128xi32, #tpu.memory_space<vmem>>)
      tpu.yield
    }) : () -> ()
    %mul3A_3 = arith.constant 40 : i32
    %mul3A_4 = arith.muli %add3A, %mul3A_3 : i32
    "tpu.region"() ({
      %run_scoped3A = tpu.sem_alloc : memref<!tpu.dma_semaphore, #tpu.memory_space<semaphore_mem>>
      %dma_start3A = arith.constant 0 : i32
      %dma_start3A_84 = tpu.memref_slice %arg4[%mul3A_4, %dma_start3A] : memref<1280x128xi32, #tpu.memory_space<hbm>> -> memref<40x128xi32, #tpu.memory_space<hbm>>
      %dma_start3A_85 = arith.constant 0 : i32
      %dma_start3A_86 = tpu.memref_slice %arg4[%mul3A_4, %dma_start3A_85] : memref<1280x128xi32, #tpu.memory_space<hbm>> -> memref<40x128xi32, #tpu.memory_space<hbm>>
      tpu.enqueue_dma source(%dma_start3A_86 : memref<40x128xi32, #tpu.memory_space<hbm>>) target(%arg8 : memref<40x128xi32, #tpu.memory_space<vmem>>) target_semaphore(%run_scoped3A : memref<!tpu.dma_semaphore, #tpu.memory_space<semaphore_mem>>)
      %dma_wait3A = arith.constant 0 : i32
      %dma_wait3A_87 = tpu.memref_slice %arg4[%mul3A_4, %dma_wait3A] : memref<1280x128xi32, #tpu.memory_space<hbm>> -> memref<40x128xi32, #tpu.memory_space<hbm>>
      %dma_wait3A_88 = arith.constant 0 : i32
      %dma_wait3A_89 = tpu.memref_slice %arg4[%mul3A_4, %dma_wait3A_88] : memref<1280x128xi32, #tpu.memory_space<hbm>> -> memref<40x128xi32, #tpu.memory_space<hbm>>
      tpu.wait_dma2 semaphore(%run_scoped3A : memref<!tpu.dma_semaphore, #tpu.memory_space<semaphore_mem>>) src(%dma_wait3A_89 : memref<40x128xi32, #tpu.memory_space<hbm>>) dst(%arg8 : memref<40x128xi32, #tpu.memory_space<vmem>>)
      tpu.yield
    }) : () -> ()
    %mul3A_5 = arith.constant 640 : i32
    %mul3A_6 = arith.muli %arg1, %mul3A_5 : i32
    "tpu.region"() ({
      %run_scoped3A = tpu.sem_alloc : memref<!tpu.dma_semaphore, #tpu.memory_space<semaphore_mem>>
      %dma_start3A = arith.constant 0 : i32
      %dma_start3A_84 = tpu.memref_slice %arg10[%mul3A_6, %dma_start3A] : memref<10240x128xf32, #tpu.memory_space<vmem_shared>> -> memref<640x128xf32, #tpu.memory_space<vmem_shared>>
      tpu.enqueue_dma source(%arg5 : memref<640x128xf32, #tpu.memory_space<hbm>>) target(%dma_start3A_84 : memref<640x128xf32, #tpu.memory_space<vmem_shared>>) target_semaphore(%run_scoped3A : memref<!tpu.dma_semaphore, #tpu.memory_space<semaphore_mem>>)
      %dma_wait3A = arith.constant 0 : i32
      %dma_wait3A_85 = tpu.memref_slice %arg10[%mul3A_6, %dma_wait3A] : memref<10240x128xf32, #tpu.memory_space<vmem_shared>> -> memref<640x128xf32, #tpu.memory_space<vmem_shared>>
      tpu.wait_dma2 semaphore(%run_scoped3A : memref<!tpu.dma_semaphore, #tpu.memory_space<semaphore_mem>>) src(%arg5 : memref<640x128xf32, #tpu.memory_space<hbm>>) dst(%dma_wait3A_85 : memref<640x128xf32, #tpu.memory_space<vmem_shared>>)
      tpu.yield
    }) : () -> ()
    %barrier3A = arith.constant 0 : index
    tpu.barrier barrier_id(%barrier3A)
    %scan3A = arith.constant 0 : i32
    %scan3A_7 = arith.constant 0 : i32
    %scan3A_8 = arith.constant 40 : i32
    %scan3A_9 = arith.addi %scan3A_7, %scan3A_8 : i32
    %scan3A_10 = arith.constant 1 : i32
    scf.for %scan3A_84 = %scan3A_7 to %scan3A_9 step %scan3A_10  : i32 {
      %run_scoped3A = arith.constant 0 : i32
      "tpu.region"() ({
        %run_scoped3A_85 = tpu.sem_alloc : memref<!tpu.dma_semaphore, #tpu.memory_space<semaphore_mem>>
        %dma_start3A = arith.constant 0 : i32
        %dma_start3A_86 = tpu.memref_slice %arg7[%scan3A_84, %dma_start3A] : memref<40x128xi32, #tpu.memory_space<vmem>> -> memref<1x128xi32, #tpu.memory_space<vmem>>
        %dma_start3A_87 = tpu.memref_squeeze %dma_start3A_86 : memref<1x128xi32, #tpu.memory_space<vmem>> -> memref<128xi32, #tpu.memory_space<vmem>>
        %dma_start3A_88 = arith.constant 0 : i32
        %dma_start3A_89 = arith.constant 0 : i32
        %dma_start3A_90 = tpu.memref_slice %arg2[%run_scoped3A, %dma_start3A_88, %dma_start3A_89] : memref<4x10240x128xf32, #tpu.memory_space<hbm>> -> memref<1x10240x128xf32, #tpu.memory_space<hbm>>
        %dma_start3A_91 = tpu.memref_squeeze %dma_start3A_90 : memref<1x10240x128xf32, #tpu.memory_space<hbm>> -> memref<10240x128xf32, #tpu.memory_space<hbm>>
        %dma_start3A_92 = arith.constant 0 : i32
        %dma_start3A_93 = arith.constant 0 : i32
        %dma_start3A_94 = tpu.memref_slice %dma_start3A_91[%dma_start3A_92, %dma_start3A_93] : memref<10240x128xf32, #tpu.memory_space<hbm>> -> memref<10240x128xf32, #tpu.memory_space<hbm>>
        tpu.enqueue_indirect_dma source(%dma_start3A_94 : memref<10240x128xf32, #tpu.memory_space<hbm>>) target(%arg9 : memref<128x128xf32, #tpu.memory_space<vmem>>) offsets(%dma_start3A_87 : memref<128xi32, #tpu.memory_space<vmem>>) semaphore(%run_scoped3A_85 : memref<!tpu.dma_semaphore, #tpu.memory_space<semaphore_mem>>)
        %dma_wait3A = arith.constant 0 : i32
        %dma_wait3A_95 = tpu.memref_slice %arg7[%scan3A_84, %dma_wait3A] : memref<40x128xi32, #tpu.memory_space<vmem>> -> memref<1x128xi32, #tpu.memory_space<vmem>>
        %dma_wait3A_96 = tpu.memref_squeeze %dma_wait3A_95 : memref<1x128xi32, #tpu.memory_space<vmem>> -> memref<128xi32, #tpu.memory_space<vmem>>
        %dma_wait3A_97 = arith.constant 0 : i32
        %dma_wait3A_98 = arith.constant 0 : i32
        %dma_wait3A_99 = tpu.memref_slice %arg2[%run_scoped3A, %dma_wait3A_97, %dma_wait3A_98] : memref<4x10240x128xf32, #tpu.memory_space<hbm>> -> memref<1x10240x128xf32, #tpu.memory_space<hbm>>
        %dma_wait3A_100 = tpu.memref_squeeze %dma_wait3A_99 : memref<1x10240x128xf32, #tpu.memory_space<hbm>> -> memref<10240x128xf32, #tpu.memory_space<hbm>>
        %dma_wait3A_101 = arith.constant 0 : i32
        %dma_wait3A_102 = arith.constant 0 : i32
        %dma_wait3A_103 = tpu.memref_slice %dma_wait3A_100[%dma_wait3A_101, %dma_wait3A_102] : memref<10240x128xf32, #tpu.memory_space<hbm>> -> memref<10240x128xf32, #tpu.memory_space<hbm>>
        tpu.wait_indirect_dma semaphore(%run_scoped3A_85 : memref<!tpu.dma_semaphore, #tpu.memory_space<semaphore_mem>>) src(%dma_wait3A_103 : memref<10240x128xf32, #tpu.memory_space<hbm>>) dst(%arg9 : memref<128x128xf32, #tpu.memory_space<vmem>>)
        tpu.yield
      }) : () -> ()
      "tpu.region"() ({
        %run_scoped3A_85 = tpu.sem_alloc : memref<!tpu.dma_semaphore, #tpu.memory_space<semaphore_mem>>
        %dma_start3A = arith.constant 0 : i32
        %dma_start3A_86 = tpu.memref_slice %arg8[%scan3A_84, %dma_start3A] : memref<40x128xi32, #tpu.memory_space<vmem>> -> memref<1x128xi32, #tpu.memory_space<vmem>>
        %dma_start3A_87 = tpu.memref_squeeze %dma_start3A_86 : memref<1x128xi32, #tpu.memory_space<vmem>> -> memref<128xi32, #tpu.memory_space<vmem>>
        %dma_start3A_88 = arith.constant 0 : i32
        %dma_start3A_89 = arith.constant 0 : i32
        %dma_start3A_90 = tpu.memref_slice %arg10[%dma_start3A_88, %dma_start3A_89] : memref<10240x128xf32, #tpu.memory_space<vmem_shared>> -> memref<10240x128xf32, #tpu.memory_space<vmem_shared>>
        tpu.enqueue_indirect_dma source(%arg9 : memref<128x128xf32, #tpu.memory_space<vmem>>) target(%dma_start3A_90 : memref<10240x128xf32, #tpu.memory_space<vmem_shared>>) offsets(%dma_start3A_87 : memref<128xi32, #tpu.memory_space<vmem>>) semaphore(%run_scoped3A_85 : memref<!tpu.dma_semaphore, #tpu.memory_space<semaphore_mem>>) {add = true}
        %dma_wait3A = arith.constant 0 : i32
        %dma_wait3A_91 = tpu.memref_slice %arg8[%scan3A_84, %dma_wait3A] : memref<40x128xi32, #tpu.memory_space<vmem>> -> memref<1x128xi32, #tpu.memory_space<vmem>>
        %dma_wait3A_92 = tpu.memref_squeeze %dma_wait3A_91 : memref<1x128xi32, #tpu.memory_space<vmem>> -> memref<128xi32, #tpu.memory_space<vmem>>
        %dma_wait3A_93 = arith.constant 0 : i32
        %dma_wait3A_94 = arith.constant 0 : i32
        %dma_wait3A_95 = tpu.memref_slice %arg10[%dma_wait3A_93, %dma_wait3A_94] : memref<10240x128xf32, #tpu.memory_space<vmem_shared>> -> memref<10240x128xf32, #tpu.memory_space<vmem_shared>>
        tpu.wait_indirect_dma semaphore(%run_scoped3A_85 : memref<!tpu.dma_semaphore, #tpu.memory_space<semaphore_mem>>) src(%arg9 : memref<128x128xf32, #tpu.memory_space<vmem>>) dst(%dma_wait3A_95 : memref<10240x128xf32, #tpu.memory_space<vmem_shared>>)
        tpu.yield
      }) : () -> ()
    }
    %scan3A_11 = arith.constant 40 : i32
    %barrier3A_12 = arith.constant 0 : index
    tpu.barrier barrier_id(%barrier3A_12)
    %eq3A = arith.constant 0 : i32
    %eq3A_13 = arith.cmpi eq, %arg0, %eq3A : i32
    %convert_element_type3A = arith.extui %eq3A_13 : i1 to i32
    %cond3A = arith.constant 0 : i32
    %cond3A_14 = arith.cmpi ne, %convert_element_type3A, %cond3A : i32
    scf.if %cond3A_14 {
      %mul3A_84 = arith.constant 640 : i32
      %mul3A_85 = arith.muli %arg1, %mul3A_84 : i32
      %mul3A_86 = arith.constant 640 : i32
      %mul3A_87 = arith.muli %arg1, %mul3A_86 : i32
      %run_scoped3A = arith.constant 0 : i32
      %run_scoped3A_88 = arith.constant 0 : i32
      "tpu.region"() ({
        %run_scoped3A_89 = tpu.sem_alloc : memref<!tpu.dma_semaphore, #tpu.memory_space<semaphore_mem>>
        %dma_start3A = arith.constant 0 : i32
        %dma_start3A_90 = arith.constant 0 : i32
        %dma_start3A_91 = arith.constant 0 : i32
        %dma_start3A_92 = tpu.memref_slice %arg6[%run_scoped3A, %dma_start3A, %dma_start3A_90, %dma_start3A_91] : memref<2x4x10240x128xf32, #tpu.memory_space<hbm>> -> memref<1x4x10240x128xf32, #tpu.memory_space<hbm>>
        %dma_start3A_93 = tpu.memref_squeeze %dma_start3A_92 : memref<1x4x10240x128xf32, #tpu.memory_space<hbm>> -> memref<4x10240x128xf32, #tpu.memory_space<hbm>>
        %dma_start3A_94 = arith.constant 0 : i32
        %dma_start3A_95 = arith.constant 0 : i32
        %dma_start3A_96 = tpu.memref_slice %dma_start3A_93[%run_scoped3A_88, %dma_start3A_94, %dma_start3A_95] : memref<4x10240x128xf32, #tpu.memory_space<hbm>> -> memref<1x10240x128xf32, #tpu.memory_space<hbm>>
        %dma_start3A_97 = tpu.memref_squeeze %dma_start3A_96 : memref<1x10240x128xf32, #tpu.memory_space<hbm>> -> memref<10240x128xf32, #tpu.memory_space<hbm>>
        %dma_start3A_98 = arith.constant 0 : i32
        %dma_start3A_99 = tpu.memref_slice %dma_start3A_97[%mul3A_87, %dma_start3A_98] : memref<10240x128xf32, #tpu.memory_space<hbm>> -> memref<640x128xf32, #tpu.memory_space<hbm>>
        %dma_start3A_100 = arith.constant 0 : i32
        %dma_start3A_101 = tpu.memref_slice %arg10[%mul3A_85, %dma_start3A_100] : memref<10240x128xf32, #tpu.memory_space<vmem_shared>> -> memref<640x128xf32, #tpu.memory_space<vmem_shared>>
        tpu.enqueue_dma source(%dma_start3A_101 : memref<640x128xf32, #tpu.memory_space<vmem_shared>>) target(%dma_start3A_99 : memref<640x128xf32, #tpu.memory_space<hbm>>) target_semaphore(%run_scoped3A_89 : memref<!tpu.dma_semaphore, #tpu.memory_space<semaphore_mem>>)
        %dma_wait3A = arith.constant 0 : i32
        %dma_wait3A_102 = arith.constant 0 : i32
        %dma_wait3A_103 = arith.constant 0 : i32
        %dma_wait3A_104 = tpu.memref_slice %arg6[%run_scoped3A, %dma_wait3A, %dma_wait3A_102, %dma_wait3A_103] : memref<2x4x10240x128xf32, #tpu.memory_space<hbm>> -> memref<1x4x10240x128xf32, #tpu.memory_space<hbm>>
        %dma_wait3A_105 = tpu.memref_squeeze %dma_wait3A_104 : memref<1x4x10240x128xf32, #tpu.memory_space<hbm>> -> memref<4x10240x128xf32, #tpu.memory_space<hbm>>
        %dma_wait3A_106 = arith.constant 0 : i32
        %dma_wait3A_107 = arith.constant 0 : i32
        %dma_wait3A_108 = tpu.memref_slice %dma_wait3A_105[%run_scoped3A_88, %dma_wait3A_106, %dma_wait3A_107] : memref<4x10240x128xf32, #tpu.memory_space<hbm>> -> memref<1x10240x128xf32, #tpu.memory_space<hbm>>
        %dma_wait3A_109 = tpu.memref_squeeze %dma_wait3A_108 : memref<1x10240x128xf32, #tpu.memory_space<hbm>> -> memref<10240x128xf32, #tpu.memory_space<hbm>>
        %dma_wait3A_110 = arith.constant 0 : i32
        %dma_wait3A_111 = tpu.memref_slice %dma_wait3A_109[%mul3A_87, %dma_wait3A_110] : memref<10240x128xf32, #tpu.memory_space<hbm>> -> memref<640x128xf32, #tpu.memory_space<hbm>>
        %dma_wait3A_112 = arith.constant 0 : i32
        %dma_wait3A_113 = tpu.memref_slice %arg10[%mul3A_85, %dma_wait3A_112] : memref<10240x128xf32, #tpu.memory_space<vmem_shared>> -> memref<640x128xf32, #tpu.memory_space<vmem_shared>>
        tpu.wait_dma2 semaphore(%run_scoped3A_89 : memref<!tpu.dma_semaphore, #tpu.memory_space<semaphore_mem>>) src(%dma_wait3A_113 : memref<640x128xf32, #tpu.memory_space<vmem_shared>>) dst(%dma_wait3A_111 : memref<640x128xf32, #tpu.memory_space<hbm>>)
        tpu.yield
      }) : () -> ()
    } else {
    }
    %eq3A_15 = arith.constant 1 : i32
    %eq3A_16 = arith.cmpi eq, %arg0, %eq3A_15 : i32
    %convert_element_type3A_17 = arith.extui %eq3A_16 : i1 to i32
    %cond3A_18 = arith.constant 0 : i32
    %cond3A_19 = arith.cmpi ne, %convert_element_type3A_17, %cond3A_18 : i32
    scf.if %cond3A_19 {
      %mul3A_84 = arith.constant 640 : i32
      %mul3A_85 = arith.muli %arg1, %mul3A_84 : i32
      %mul3A_86 = arith.constant 640 : i32
      %mul3A_87 = arith.muli %arg1, %mul3A_86 : i32
      %run_scoped3A = arith.constant 1 : i32
      %run_scoped3A_88 = arith.constant 0 : i32
      "tpu.region"() ({
        %run_scoped3A_89 = tpu.sem_alloc : memref<!tpu.dma_semaphore, #tpu.memory_space<semaphore_mem>>
        %dma_start3A = arith.constant 0 : i32
        %dma_start3A_90 = arith.constant 0 : i32
        %dma_start3A_91 = arith.constant 0 : i32
        %dma_start3A_92 = tpu.memref_slice %arg6[%run_scoped3A, %dma_start3A, %dma_start3A_90, %dma_start3A_91] : memref<2x4x10240x128xf32, #tpu.memory_space<hbm>> -> memref<1x4x10240x128xf32, #tpu.memory_space<hbm>>
        %dma_start3A_93 = tpu.memref_squeeze %dma_start3A_92 : memref<1x4x10240x128xf32, #tpu.memory_space<hbm>> -> memref<4x10240x128xf32, #tpu.memory_space<hbm>>
        %dma_start3A_94 = arith.constant 0 : i32
        %dma_start3A_95 = arith.constant 0 : i32
        %dma_start3A_96 = tpu.memref_slice %dma_start3A_93[%run_scoped3A_88, %dma_start3A_94, %dma_start3A_95] : memref<4x10240x128xf32, #tpu.memory_space<hbm>> -> memref<1x10240x128xf32, #tpu.memory_space<hbm>>
        %dma_start3A_97 = tpu.memref_squeeze %dma_start3A_96 : memref<1x10240x128xf32, #tpu.memory_space<hbm>> -> memref<10240x128xf32, #tpu.memory_space<hbm>>
        %dma_start3A_98 = arith.constant 0 : i32
        %dma_start3A_99 = tpu.memref_slice %dma_start3A_97[%mul3A_87, %dma_start3A_98] : memref<10240x128xf32, #tpu.memory_space<hbm>> -> memref<640x128xf32, #tpu.memory_space<hbm>>
        %dma_start3A_100 = arith.constant 0 : i32
        %dma_start3A_101 = tpu.memref_slice %arg10[%mul3A_85, %dma_start3A_100] : memref<10240x128xf32, #tpu.memory_space<vmem_shared>> -> memref<640x128xf32, #tpu.memory_space<vmem_shared>>
        tpu.enqueue_dma source(%dma_start3A_101 : memref<640x128xf32, #tpu.memory_space<vmem_shared>>) target(%dma_start3A_99 : memref<640x128xf32, #tpu.memory_space<hbm>>) target_semaphore(%run_scoped3A_89 : memref<!tpu.dma_semaphore, #tpu.memory_space<semaphore_mem>>)
        %dma_wait3A = arith.constant 0 : i32
        %dma_wait3A_102 = arith.constant 0 : i32
        %dma_wait3A_103 = arith.constant 0 : i32
        %dma_wait3A_104 = tpu.memref_slice %arg6[%run_scoped3A, %dma_wait3A, %dma_wait3A_102, %dma_wait3A_103] : memref<2x4x10240x128xf32, #tpu.memory_space<hbm>> -> memref<1x4x10240x128xf32, #tpu.memory_space<hbm>>
        %dma_wait3A_105 = tpu.memref_squeeze %dma_wait3A_104 : memref<1x4x10240x128xf32, #tpu.memory_space<hbm>> -> memref<4x10240x128xf32, #tpu.memory_space<hbm>>
        %dma_wait3A_106 = arith.constant 0 : i32
        %dma_wait3A_107 = arith.constant 0 : i32
        %dma_wait3A_108 = tpu.memref_slice %dma_wait3A_105[%run_scoped3A_88, %dma_wait3A_106, %dma_wait3A_107] : memref<4x10240x128xf32, #tpu.memory_space<hbm>> -> memref<1x10240x128xf32, #tpu.memory_space<hbm>>
        %dma_wait3A_109 = tpu.memref_squeeze %dma_wait3A_108 : memref<1x10240x128xf32, #tpu.memory_space<hbm>> -> memref<10240x128xf32, #tpu.memory_space<hbm>>
        %dma_wait3A_110 = arith.constant 0 : i32
        %dma_wait3A_111 = tpu.memref_slice %dma_wait3A_109[%mul3A_87, %dma_wait3A_110] : memref<10240x128xf32, #tpu.memory_space<hbm>> -> memref<640x128xf32, #tpu.memory_space<hbm>>
        %dma_wait3A_112 = arith.constant 0 : i32
        %dma_wait3A_113 = tpu.memref_slice %arg10[%mul3A_85, %dma_wait3A_112] : memref<10240x128xf32, #tpu.memory_space<vmem_shared>> -> memref<640x128xf32, #tpu.memory_space<vmem_shared>>
        tpu.wait_dma2 semaphore(%run_scoped3A_89 : memref<!tpu.dma_semaphore, #tpu.memory_space<semaphore_mem>>) src(%dma_wait3A_113 : memref<640x128xf32, #tpu.memory_space<vmem_shared>>) dst(%dma_wait3A_111 : memref<640x128xf32, #tpu.memory_space<hbm>>)
        tpu.yield
      }) : () -> ()
    } else {
    }
    %barrier3A_20 = arith.constant 0 : index
    tpu.barrier barrier_id(%barrier3A_20)
    %mul3A_21 = arith.constant 640 : i32
    %mul3A_22 = arith.muli %arg1, %mul3A_21 : i32
    "tpu.region"() ({
      %run_scoped3A = tpu.sem_alloc : memref<!tpu.dma_semaphore, #tpu.memory_space<semaphore_mem>>
      %dma_start3A = arith.constant 0 : i32
      %dma_start3A_84 = tpu.memref_slice %arg10[%mul3A_22, %dma_start3A] : memref<10240x128xf32, #tpu.memory_space<vmem_shared>> -> memref<640x128xf32, #tpu.memory_space<vmem_shared>>
      tpu.enqueue_dma source(%arg5 : memref<640x128xf32, #tpu.memory_space<hbm>>) target(%dma_start3A_84 : memref<640x128xf32, #tpu.memory_space<vmem_shared>>) target_semaphore(%run_scoped3A : memref<!tpu.dma_semaphore, #tpu.memory_space<semaphore_mem>>)
      %dma_wait3A = arith.constant 0 : i32
      %dma_wait3A_85 = tpu.memref_slice %arg10[%mul3A_22, %dma_wait3A] : memref<10240x128xf32, #tpu.memory_space<vmem_shared>> -> memref<640x128xf32, #tpu.memory_space<vmem_shared>>
      tpu.wait_dma2 semaphore(%run_scoped3A : memref<!tpu.dma_semaphore, #tpu.memory_space<semaphore_mem>>) src(%arg5 : memref<640x128xf32, #tpu.memory_space<hbm>>) dst(%dma_wait3A_85 : memref<640x128xf32, #tpu.memory_space<vmem_shared>>)
      tpu.yield
    }) : () -> ()
    %barrier3A_23 = arith.constant 0 : index
    tpu.barrier barrier_id(%barrier3A_23)
    %scan3A_24 = arith.constant 0 : i32
    %scan3A_25 = arith.constant 0 : i32
    %scan3A_26 = arith.constant 40 : i32
    %scan3A_27 = arith.addi %scan3A_25, %scan3A_26 : i32
    %scan3A_28 = arith.constant 1 : i32
    scf.for %scan3A_84 = %scan3A_25 to %scan3A_27 step %scan3A_28  : i32 {
      %run_scoped3A = arith.constant 1 : i32
      "tpu.region"() ({
        %run_scoped3A_85 = tpu.sem_alloc : memref<!tpu.dma_semaphore, #tpu.memory_space<semaphore_mem>>
        %dma_start3A = arith.constant 0 : i32
        %dma_start3A_86 = tpu.memref_slice %arg7[%scan3A_84, %dma_start3A] : memref<40x128xi32, #tpu.memory_space<vmem>> -> memref<1x128xi32, #tpu.memory_space<vmem>>
        %dma_start3A_87 = tpu.memref_squeeze %dma_start3A_86 : memref<1x128xi32, #tpu.memory_space<vmem>> -> memref<128xi32, #tpu.memory_space<vmem>>
        %dma_start3A_88 = arith.constant 0 : i32
        %dma_start3A_89 = arith.constant 0 : i32
        %dma_start3A_90 = tpu.memref_slice %arg2[%run_scoped3A, %dma_start3A_88, %dma_start3A_89] : memref<4x10240x128xf32, #tpu.memory_space<hbm>> -> memref<1x10240x128xf32, #tpu.memory_space<hbm>>
        %dma_start3A_91 = tpu.memref_squeeze %dma_start3A_90 : memref<1x10240x128xf32, #tpu.memory_space<hbm>> -> memref<10240x128xf32, #tpu.memory_space<hbm>>
        %dma_start3A_92 = arith.constant 0 : i32
        %dma_start3A_93 = arith.constant 0 : i32
        %dma_start3A_94 = tpu.memref_slice %dma_start3A_91[%dma_start3A_92, %dma_start3A_93] : memref<10240x128xf32, #tpu.memory_space<hbm>> -> memref<10240x128xf32, #tpu.memory_space<hbm>>
        tpu.enqueue_indirect_dma source(%dma_start3A_94 : memref<10240x128xf32, #tpu.memory_space<hbm>>) target(%arg9 : memref<128x128xf32, #tpu.memory_space<vmem>>) offsets(%dma_start3A_87 : memref<128xi32, #tpu.memory_space<vmem>>) semaphore(%run_scoped3A_85 : memref<!tpu.dma_semaphore, #tpu.memory_space<semaphore_mem>>)
        %dma_wait3A = arith.constant 0 : i32
        %dma_wait3A_95 = tpu.memref_slice %arg7[%scan3A_84, %dma_wait3A] : memref<40x128xi32, #tpu.memory_space<vmem>> -> memref<1x128xi32, #tpu.memory_space<vmem>>
        %dma_wait3A_96 = tpu.memref_squeeze %dma_wait3A_95 : memref<1x128xi32, #tpu.memory_space<vmem>> -> memref<128xi32, #tpu.memory_space<vmem>>
        %dma_wait3A_97 = arith.constant 0 : i32
        %dma_wait3A_98 = arith.constant 0 : i32
        %dma_wait3A_99 = tpu.memref_slice %arg2[%run_scoped3A, %dma_wait3A_97, %dma_wait3A_98] : memref<4x10240x128xf32, #tpu.memory_space<hbm>> -> memref<1x10240x128xf32, #tpu.memory_space<hbm>>
        %dma_wait3A_100 = tpu.memref_squeeze %dma_wait3A_99 : memref<1x10240x128xf32, #tpu.memory_space<hbm>> -> memref<10240x128xf32, #tpu.memory_space<hbm>>
        %dma_wait3A_101 = arith.constant 0 : i32
        %dma_wait3A_102 = arith.constant 0 : i32
        %dma_wait3A_103 = tpu.memref_slice %dma_wait3A_100[%dma_wait3A_101, %dma_wait3A_102] : memref<10240x128xf32, #tpu.memory_space<hbm>> -> memref<10240x128xf32, #tpu.memory_space<hbm>>
        tpu.wait_indirect_dma semaphore(%run_scoped3A_85 : memref<!tpu.dma_semaphore, #tpu.memory_space<semaphore_mem>>) src(%dma_wait3A_103 : memref<10240x128xf32, #tpu.memory_space<hbm>>) dst(%arg9 : memref<128x128xf32, #tpu.memory_space<vmem>>)
        tpu.yield
      }) : () -> ()
      "tpu.region"() ({
        %run_scoped3A_85 = tpu.sem_alloc : memref<!tpu.dma_semaphore, #tpu.memory_space<semaphore_mem>>
        %dma_start3A = arith.constant 0 : i32
        %dma_start3A_86 = tpu.memref_slice %arg8[%scan3A_84, %dma_start3A] : memref<40x128xi32, #tpu.memory_space<vmem>> -> memref<1x128xi32, #tpu.memory_space<vmem>>
        %dma_start3A_87 = tpu.memref_squeeze %dma_start3A_86 : memref<1x128xi32, #tpu.memory_space<vmem>> -> memref<128xi32, #tpu.memory_space<vmem>>
        %dma_start3A_88 = arith.constant 0 : i32
        %dma_start3A_89 = arith.constant 0 : i32
        %dma_start3A_90 = tpu.memref_slice %arg10[%dma_start3A_88, %dma_start3A_89] : memref<10240x128xf32, #tpu.memory_space<vmem_shared>> -> memref<10240x128xf32, #tpu.memory_space<vmem_shared>>
        tpu.enqueue_indirect_dma source(%arg9 : memref<128x128xf32, #tpu.memory_space<vmem>>) target(%dma_start3A_90 : memref<10240x128xf32, #tpu.memory_space<vmem_shared>>) offsets(%dma_start3A_87 : memref<128xi32, #tpu.memory_space<vmem>>) semaphore(%run_scoped3A_85 : memref<!tpu.dma_semaphore, #tpu.memory_space<semaphore_mem>>) {add = true}
        %dma_wait3A = arith.constant 0 : i32
        %dma_wait3A_91 = tpu.memref_slice %arg8[%scan3A_84, %dma_wait3A] : memref<40x128xi32, #tpu.memory_space<vmem>> -> memref<1x128xi32, #tpu.memory_space<vmem>>
        %dma_wait3A_92 = tpu.memref_squeeze %dma_wait3A_91 : memref<1x128xi32, #tpu.memory_space<vmem>> -> memref<128xi32, #tpu.memory_space<vmem>>
        %dma_wait3A_93 = arith.constant 0 : i32
        %dma_wait3A_94 = arith.constant 0 : i32
        %dma_wait3A_95 = tpu.memref_slice %arg10[%dma_wait3A_93, %dma_wait3A_94] : memref<10240x128xf32, #tpu.memory_space<vmem_shared>> -> memref<10240x128xf32, #tpu.memory_space<vmem_shared>>
        tpu.wait_indirect_dma semaphore(%run_scoped3A_85 : memref<!tpu.dma_semaphore, #tpu.memory_space<semaphore_mem>>) src(%arg9 : memref<128x128xf32, #tpu.memory_space<vmem>>) dst(%dma_wait3A_95 : memref<10240x128xf32, #tpu.memory_space<vmem_shared>>)
        tpu.yield
      }) : () -> ()
    }
    %scan3A_29 = arith.constant 40 : i32
    %barrier3A_30 = arith.constant 0 : index
    tpu.barrier barrier_id(%barrier3A_30)
    %eq3A_31 = arith.constant 0 : i32
    %eq3A_32 = arith.cmpi eq, %arg0, %eq3A_31 : i32
    %convert_element_type3A_33 = arith.extui %eq3A_32 : i1 to i32
    %cond3A_34 = arith.constant 0 : i32
    %cond3A_35 = arith.cmpi ne, %convert_element_type3A_33, %cond3A_34 : i32
    scf.if %cond3A_35 {
      %mul3A_84 = arith.constant 640 : i32
      %mul3A_85 = arith.muli %arg1, %mul3A_84 : i32
      %mul3A_86 = arith.constant 640 : i32
      %mul3A_87 = arith.muli %arg1, %mul3A_86 : i32
      %run_scoped3A = arith.constant 0 : i32
      %run_scoped3A_88 = arith.constant 1 : i32
      "tpu.region"() ({
        %run_scoped3A_89 = tpu.sem_alloc : memref<!tpu.dma_semaphore, #tpu.memory_space<semaphore_mem>>
        %dma_start3A = arith.constant 0 : i32
        %dma_start3A_90 = arith.constant 0 : i32
        %dma_start3A_91 = arith.constant 0 : i32
        %dma_start3A_92 = tpu.memref_slice %arg6[%run_scoped3A, %dma_start3A, %dma_start3A_90, %dma_start3A_91] : memref<2x4x10240x128xf32, #tpu.memory_space<hbm>> -> memref<1x4x10240x128xf32, #tpu.memory_space<hbm>>
        %dma_start3A_93 = tpu.memref_squeeze %dma_start3A_92 : memref<1x4x10240x128xf32, #tpu.memory_space<hbm>> -> memref<4x10240x128xf32, #tpu.memory_space<hbm>>
        %dma_start3A_94 = arith.constant 0 : i32
        %dma_start3A_95 = arith.constant 0 : i32
        %dma_start3A_96 = tpu.memref_slice %dma_start3A_93[%run_scoped3A_88, %dma_start3A_94, %dma_start3A_95] : memref<4x10240x128xf32, #tpu.memory_space<hbm>> -> memref<1x10240x128xf32, #tpu.memory_space<hbm>>
        %dma_start3A_97 = tpu.memref_squeeze %dma_start3A_96 : memref<1x10240x128xf32, #tpu.memory_space<hbm>> -> memref<10240x128xf32, #tpu.memory_space<hbm>>
        %dma_start3A_98 = arith.constant 0 : i32
        %dma_start3A_99 = tpu.memref_slice %dma_start3A_97[%mul3A_87, %dma_start3A_98] : memref<10240x128xf32, #tpu.memory_space<hbm>> -> memref<640x128xf32, #tpu.memory_space<hbm>>
        %dma_start3A_100 = arith.constant 0 : i32
        %dma_start3A_101 = tpu.memref_slice %arg10[%mul3A_85, %dma_start3A_100] : memref<10240x128xf32, #tpu.memory_space<vmem_shared>> -> memref<640x128xf32, #tpu.memory_space<vmem_shared>>
        tpu.enqueue_dma source(%dma_start3A_101 : memref<640x128xf32, #tpu.memory_space<vmem_shared>>) target(%dma_start3A_99 : memref<640x128xf32, #tpu.memory_space<hbm>>) target_semaphore(%run_scoped3A_89 : memref<!tpu.dma_semaphore, #tpu.memory_space<semaphore_mem>>)
        %dma_wait3A = arith.constant 0 : i32
        %dma_wait3A_102 = arith.constant 0 : i32
        %dma_wait3A_103 = arith.constant 0 : i32
        %dma_wait3A_104 = tpu.memref_slice %arg6[%run_scoped3A, %dma_wait3A, %dma_wait3A_102, %dma_wait3A_103] : memref<2x4x10240x128xf32, #tpu.memory_space<hbm>> -> memref<1x4x10240x128xf32, #tpu.memory_space<hbm>>
        %dma_wait3A_105 = tpu.memref_squeeze %dma_wait3A_104 : memref<1x4x10240x128xf32, #tpu.memory_space<hbm>> -> memref<4x10240x128xf32, #tpu.memory_space<hbm>>
        %dma_wait3A_106 = arith.constant 0 : i32
        %dma_wait3A_107 = arith.constant 0 : i32
        %dma_wait3A_108 = tpu.memref_slice %dma_wait3A_105[%run_scoped3A_88, %dma_wait3A_106, %dma_wait3A_107] : memref<4x10240x128xf32, #tpu.memory_space<hbm>> -> memref<1x10240x128xf32, #tpu.memory_space<hbm>>
        %dma_wait3A_109 = tpu.memref_squeeze %dma_wait3A_108 : memref<1x10240x128xf32, #tpu.memory_space<hbm>> -> memref<10240x128xf32, #tpu.memory_space<hbm>>
        %dma_wait3A_110 = arith.constant 0 : i32
        %dma_wait3A_111 = tpu.memref_slice %dma_wait3A_109[%mul3A_87, %dma_wait3A_110] : memref<10240x128xf32, #tpu.memory_space<hbm>> -> memref<640x128xf32, #tpu.memory_space<hbm>>
        %dma_wait3A_112 = arith.constant 0 : i32
        %dma_wait3A_113 = tpu.memref_slice %arg10[%mul3A_85, %dma_wait3A_112] : memref<10240x128xf32, #tpu.memory_space<vmem_shared>> -> memref<640x128xf32, #tpu.memory_space<vmem_shared>>
        tpu.wait_dma2 semaphore(%run_scoped3A_89 : memref<!tpu.dma_semaphore, #tpu.memory_space<semaphore_mem>>) src(%dma_wait3A_113 : memref<640x128xf32, #tpu.memory_space<vmem_shared>>) dst(%dma_wait3A_111 : memref<640x128xf32, #tpu.memory_space<hbm>>)
        tpu.yield
      }) : () -> ()
    } else {
    }
    %eq3A_36 = arith.constant 1 : i32
    %eq3A_37 = arith.cmpi eq, %arg0, %eq3A_36 : i32
    %convert_element_type3A_38 = arith.extui %eq3A_37 : i1 to i32
    %cond3A_39 = arith.constant 0 : i32
    %cond3A_40 = arith.cmpi ne, %convert_element_type3A_38, %cond3A_39 : i32
    scf.if %cond3A_40 {
      %mul3A_84 = arith.constant 640 : i32
      %mul3A_85 = arith.muli %arg1, %mul3A_84 : i32
      %mul3A_86 = arith.constant 640 : i32
      %mul3A_87 = arith.muli %arg1, %mul3A_86 : i32
      %run_scoped3A = arith.constant 1 : i32
      %run_scoped3A_88 = arith.constant 1 : i32
      "tpu.region"() ({
        %run_scoped3A_89 = tpu.sem_alloc : memref<!tpu.dma_semaphore, #tpu.memory_space<semaphore_mem>>
        %dma_start3A = arith.constant 0 : i32
        %dma_start3A_90 = arith.constant 0 : i32
        %dma_start3A_91 = arith.constant 0 : i32
        %dma_start3A_92 = tpu.memref_slice %arg6[%run_scoped3A, %dma_start3A, %dma_start3A_90, %dma_start3A_91] : memref<2x4x10240x128xf32, #tpu.memory_space<hbm>> -> memref<1x4x10240x128xf32, #tpu.memory_space<hbm>>
        %dma_start3A_93 = tpu.memref_squeeze %dma_start3A_92 : memref<1x4x10240x128xf32, #tpu.memory_space<hbm>> -> memref<4x10240x128xf32, #tpu.memory_space<hbm>>
        %dma_start3A_94 = arith.constant 0 : i32
        %dma_start3A_95 = arith.constant 0 : i32
        %dma_start3A_96 = tpu.memref_slice %dma_start3A_93[%run_scoped3A_88, %dma_start3A_94, %dma_start3A_95] : memref<4x10240x128xf32, #tpu.memory_space<hbm>> -> memref<1x10240x128xf32, #tpu.memory_space<hbm>>
        %dma_start3A_97 = tpu.memref_squeeze %dma_start3A_96 : memref<1x10240x128xf32, #tpu.memory_space<hbm>> -> memref<10240x128xf32, #tpu.memory_space<hbm>>
        %dma_start3A_98 = arith.constant 0 : i32
        %dma_start3A_99 = tpu.memref_slice %dma_start3A_97[%mul3A_87, %dma_start3A_98] : memref<10240x128xf32, #tpu.memory_space<hbm>> -> memref<640x128xf32, #tpu.memory_space<hbm>>
        %dma_start3A_100 = arith.constant 0 : i32
        %dma_start3A_101 = tpu.memref_slice %arg10[%mul3A_85, %dma_start3A_100] : memref<10240x128xf32, #tpu.memory_space<vmem_shared>> -> memref<640x128xf32, #tpu.memory_space<vmem_shared>>
        tpu.enqueue_dma source(%dma_start3A_101 : memref<640x128xf32, #tpu.memory_space<vmem_shared>>) target(%dma_start3A_99 : memref<640x128xf32, #tpu.memory_space<hbm>>) target_semaphore(%run_scoped3A_89 : memref<!tpu.dma_semaphore, #tpu.memory_space<semaphore_mem>>)
        %dma_wait3A = arith.constant 0 : i32
        %dma_wait3A_102 = arith.constant 0 : i32
        %dma_wait3A_103 = arith.constant 0 : i32
        %dma_wait3A_104 = tpu.memref_slice %arg6[%run_scoped3A, %dma_wait3A, %dma_wait3A_102, %dma_wait3A_103] : memref<2x4x10240x128xf32, #tpu.memory_space<hbm>> -> memref<1x4x10240x128xf32, #tpu.memory_space<hbm>>
        %dma_wait3A_105 = tpu.memref_squeeze %dma_wait3A_104 : memref<1x4x10240x128xf32, #tpu.memory_space<hbm>> -> memref<4x10240x128xf32, #tpu.memory_space<hbm>>
        %dma_wait3A_106 = arith.constant 0 : i32
        %dma_wait3A_107 = arith.constant 0 : i32
        %dma_wait3A_108 = tpu.memref_slice %dma_wait3A_105[%run_scoped3A_88, %dma_wait3A_106, %dma_wait3A_107] : memref<4x10240x128xf32, #tpu.memory_space<hbm>> -> memref<1x10240x128xf32, #tpu.memory_space<hbm>>
        %dma_wait3A_109 = tpu.memref_squeeze %dma_wait3A_108 : memref<1x10240x128xf32, #tpu.memory_space<hbm>> -> memref<10240x128xf32, #tpu.memory_space<hbm>>
        %dma_wait3A_110 = arith.constant 0 : i32
        %dma_wait3A_111 = tpu.memref_slice %dma_wait3A_109[%mul3A_87, %dma_wait3A_110] : memref<10240x128xf32, #tpu.memory_space<hbm>> -> memref<640x128xf32, #tpu.memory_space<hbm>>
        %dma_wait3A_112 = arith.constant 0 : i32
        %dma_wait3A_113 = tpu.memref_slice %arg10[%mul3A_85, %dma_wait3A_112] : memref<10240x128xf32, #tpu.memory_space<vmem_shared>> -> memref<640x128xf32, #tpu.memory_space<vmem_shared>>
        tpu.wait_dma2 semaphore(%run_scoped3A_89 : memref<!tpu.dma_semaphore, #tpu.memory_space<semaphore_mem>>) src(%dma_wait3A_113 : memref<640x128xf32, #tpu.memory_space<vmem_shared>>) dst(%dma_wait3A_111 : memref<640x128xf32, #tpu.memory_space<hbm>>)
        tpu.yield
      }) : () -> ()
    } else {
    }
    %barrier3A_41 = arith.constant 0 : index
    tpu.barrier barrier_id(%barrier3A_41)
    %mul3A_42 = arith.constant 640 : i32
    %mul3A_43 = arith.muli %arg1, %mul3A_42 : i32
    "tpu.region"() ({
      %run_scoped3A = tpu.sem_alloc : memref<!tpu.dma_semaphore, #tpu.memory_space<semaphore_mem>>
      %dma_start3A = arith.constant 0 : i32
      %dma_start3A_84 = tpu.memref_slice %arg10[%mul3A_43, %dma_start3A] : memref<10240x128xf32, #tpu.memory_space<vmem_shared>> -> memref<640x128xf32, #tpu.memory_space<vmem_shared>>
      tpu.enqueue_dma source(%arg5 : memref<640x128xf32, #tpu.memory_space<hbm>>) target(%dma_start3A_84 : memref<640x128xf32, #tpu.memory_space<vmem_shared>>) target_semaphore(%run_scoped3A : memref<!tpu.dma_semaphore, #tpu.memory_space<semaphore_mem>>)
      %dma_wait3A = arith.constant 0 : i32
      %dma_wait3A_85 = tpu.memref_slice %arg10[%mul3A_43, %dma_wait3A] : memref<10240x128xf32, #tpu.memory_space<vmem_shared>> -> memref<640x128xf32, #tpu.memory_space<vmem_shared>>
      tpu.wait_dma2 semaphore(%run_scoped3A : memref<!tpu.dma_semaphore, #tpu.memory_space<semaphore_mem>>) src(%arg5 : memref<640x128xf32, #tpu.memory_space<hbm>>) dst(%dma_wait3A_85 : memref<640x128xf32, #tpu.memory_space<vmem_shared>>)
      tpu.yield
    }) : () -> ()
    %barrier3A_44 = arith.constant 0 : index
    tpu.barrier barrier_id(%barrier3A_44)
    %scan3A_45 = arith.constant 0 : i32
    %scan3A_46 = arith.constant 0 : i32
    %scan3A_47 = arith.constant 40 : i32
    %scan3A_48 = arith.addi %scan3A_46, %scan3A_47 : i32
    %scan3A_49 = arith.constant 1 : i32
    scf.for %scan3A_84 = %scan3A_46 to %scan3A_48 step %scan3A_49  : i32 {
      %run_scoped3A = arith.constant 2 : i32
      "tpu.region"() ({
        %run_scoped3A_85 = tpu.sem_alloc : memref<!tpu.dma_semaphore, #tpu.memory_space<semaphore_mem>>
        %dma_start3A = arith.constant 0 : i32
        %dma_start3A_86 = tpu.memref_slice %arg7[%scan3A_84, %dma_start3A] : memref<40x128xi32, #tpu.memory_space<vmem>> -> memref<1x128xi32, #tpu.memory_space<vmem>>
        %dma_start3A_87 = tpu.memref_squeeze %dma_start3A_86 : memref<1x128xi32, #tpu.memory_space<vmem>> -> memref<128xi32, #tpu.memory_space<vmem>>
        %dma_start3A_88 = arith.constant 0 : i32
        %dma_start3A_89 = arith.constant 0 : i32
        %dma_start3A_90 = tpu.memref_slice %arg2[%run_scoped3A, %dma_start3A_88, %dma_start3A_89] : memref<4x10240x128xf32, #tpu.memory_space<hbm>> -> memref<1x10240x128xf32, #tpu.memory_space<hbm>>
        %dma_start3A_91 = tpu.memref_squeeze %dma_start3A_90 : memref<1x10240x128xf32, #tpu.memory_space<hbm>> -> memref<10240x128xf32, #tpu.memory_space<hbm>>
        %dma_start3A_92 = arith.constant 0 : i32
        %dma_start3A_93 = arith.constant 0 : i32
        %dma_start3A_94 = tpu.memref_slice %dma_start3A_91[%dma_start3A_92, %dma_start3A_93] : memref<10240x128xf32, #tpu.memory_space<hbm>> -> memref<10240x128xf32, #tpu.memory_space<hbm>>
        tpu.enqueue_indirect_dma source(%dma_start3A_94 : memref<10240x128xf32, #tpu.memory_space<hbm>>) target(%arg9 : memref<128x128xf32, #tpu.memory_space<vmem>>) offsets(%dma_start3A_87 : memref<128xi32, #tpu.memory_space<vmem>>) semaphore(%run_scoped3A_85 : memref<!tpu.dma_semaphore, #tpu.memory_space<semaphore_mem>>)
        %dma_wait3A = arith.constant 0 : i32
        %dma_wait3A_95 = tpu.memref_slice %arg7[%scan3A_84, %dma_wait3A] : memref<40x128xi32, #tpu.memory_space<vmem>> -> memref<1x128xi32, #tpu.memory_space<vmem>>
        %dma_wait3A_96 = tpu.memref_squeeze %dma_wait3A_95 : memref<1x128xi32, #tpu.memory_space<vmem>> -> memref<128xi32, #tpu.memory_space<vmem>>
        %dma_wait3A_97 = arith.constant 0 : i32
        %dma_wait3A_98 = arith.constant 0 : i32
        %dma_wait3A_99 = tpu.memref_slice %arg2[%run_scoped3A, %dma_wait3A_97, %dma_wait3A_98] : memref<4x10240x128xf32, #tpu.memory_space<hbm>> -> memref<1x10240x128xf32, #tpu.memory_space<hbm>>
        %dma_wait3A_100 = tpu.memref_squeeze %dma_wait3A_99 : memref<1x10240x128xf32, #tpu.memory_space<hbm>> -> memref<10240x128xf32, #tpu.memory_space<hbm>>
        %dma_wait3A_101 = arith.constant 0 : i32
        %dma_wait3A_102 = arith.constant 0 : i32
        %dma_wait3A_103 = tpu.memref_slice %dma_wait3A_100[%dma_wait3A_101, %dma_wait3A_102] : memref<10240x128xf32, #tpu.memory_space<hbm>> -> memref<10240x128xf32, #tpu.memory_space<hbm>>
        tpu.wait_indirect_dma semaphore(%run_scoped3A_85 : memref<!tpu.dma_semaphore, #tpu.memory_space<semaphore_mem>>) src(%dma_wait3A_103 : memref<10240x128xf32, #tpu.memory_space<hbm>>) dst(%arg9 : memref<128x128xf32, #tpu.memory_space<vmem>>)
        tpu.yield
      }) : () -> ()
      "tpu.region"() ({
        %run_scoped3A_85 = tpu.sem_alloc : memref<!tpu.dma_semaphore, #tpu.memory_space<semaphore_mem>>
        %dma_start3A = arith.constant 0 : i32
        %dma_start3A_86 = tpu.memref_slice %arg8[%scan3A_84, %dma_start3A] : memref<40x128xi32, #tpu.memory_space<vmem>> -> memref<1x128xi32, #tpu.memory_space<vmem>>
        %dma_start3A_87 = tpu.memref_squeeze %dma_start3A_86 : memref<1x128xi32, #tpu.memory_space<vmem>> -> memref<128xi32, #tpu.memory_space<vmem>>
        %dma_start3A_88 = arith.constant 0 : i32
        %dma_start3A_89 = arith.constant 0 : i32
        %dma_start3A_90 = tpu.memref_slice %arg10[%dma_start3A_88, %dma_start3A_89] : memref<10240x128xf32, #tpu.memory_space<vmem_shared>> -> memref<10240x128xf32, #tpu.memory_space<vmem_shared>>
        tpu.enqueue_indirect_dma source(%arg9 : memref<128x128xf32, #tpu.memory_space<vmem>>) target(%dma_start3A_90 : memref<10240x128xf32, #tpu.memory_space<vmem_shared>>) offsets(%dma_start3A_87 : memref<128xi32, #tpu.memory_space<vmem>>) semaphore(%run_scoped3A_85 : memref<!tpu.dma_semaphore, #tpu.memory_space<semaphore_mem>>) {add = true}
        %dma_wait3A = arith.constant 0 : i32
        %dma_wait3A_91 = tpu.memref_slice %arg8[%scan3A_84, %dma_wait3A] : memref<40x128xi32, #tpu.memory_space<vmem>> -> memref<1x128xi32, #tpu.memory_space<vmem>>
        %dma_wait3A_92 = tpu.memref_squeeze %dma_wait3A_91 : memref<1x128xi32, #tpu.memory_space<vmem>> -> memref<128xi32, #tpu.memory_space<vmem>>
        %dma_wait3A_93 = arith.constant 0 : i32
        %dma_wait3A_94 = arith.constant 0 : i32
        %dma_wait3A_95 = tpu.memref_slice %arg10[%dma_wait3A_93, %dma_wait3A_94] : memref<10240x128xf32, #tpu.memory_space<vmem_shared>> -> memref<10240x128xf32, #tpu.memory_space<vmem_shared>>
        tpu.wait_indirect_dma semaphore(%run_scoped3A_85 : memref<!tpu.dma_semaphore, #tpu.memory_space<semaphore_mem>>) src(%arg9 : memref<128x128xf32, #tpu.memory_space<vmem>>) dst(%dma_wait3A_95 : memref<10240x128xf32, #tpu.memory_space<vmem_shared>>)
        tpu.yield
      }) : () -> ()
    }
    %scan3A_50 = arith.constant 40 : i32
    %barrier3A_51 = arith.constant 0 : index
    tpu.barrier barrier_id(%barrier3A_51)
    %eq3A_52 = arith.constant 0 : i32
    %eq3A_53 = arith.cmpi eq, %arg0, %eq3A_52 : i32
    %convert_element_type3A_54 = arith.extui %eq3A_53 : i1 to i32
    %cond3A_55 = arith.constant 0 : i32
    %cond3A_56 = arith.cmpi ne, %convert_element_type3A_54, %cond3A_55 : i32
    scf.if %cond3A_56 {
      %mul3A_84 = arith.constant 640 : i32
      %mul3A_85 = arith.muli %arg1, %mul3A_84 : i32
      %mul3A_86 = arith.constant 640 : i32
      %mul3A_87 = arith.muli %arg1, %mul3A_86 : i32
      %run_scoped3A = arith.constant 0 : i32
      %run_scoped3A_88 = arith.constant 2 : i32
      "tpu.region"() ({
        %run_scoped3A_89 = tpu.sem_alloc : memref<!tpu.dma_semaphore, #tpu.memory_space<semaphore_mem>>
        %dma_start3A = arith.constant 0 : i32
        %dma_start3A_90 = arith.constant 0 : i32
        %dma_start3A_91 = arith.constant 0 : i32
        %dma_start3A_92 = tpu.memref_slice %arg6[%run_scoped3A, %dma_start3A, %dma_start3A_90, %dma_start3A_91] : memref<2x4x10240x128xf32, #tpu.memory_space<hbm>> -> memref<1x4x10240x128xf32, #tpu.memory_space<hbm>>
        %dma_start3A_93 = tpu.memref_squeeze %dma_start3A_92 : memref<1x4x10240x128xf32, #tpu.memory_space<hbm>> -> memref<4x10240x128xf32, #tpu.memory_space<hbm>>
        %dma_start3A_94 = arith.constant 0 : i32
        %dma_start3A_95 = arith.constant 0 : i32
        %dma_start3A_96 = tpu.memref_slice %dma_start3A_93[%run_scoped3A_88, %dma_start3A_94, %dma_start3A_95] : memref<4x10240x128xf32, #tpu.memory_space<hbm>> -> memref<1x10240x128xf32, #tpu.memory_space<hbm>>
        %dma_start3A_97 = tpu.memref_squeeze %dma_start3A_96 : memref<1x10240x128xf32, #tpu.memory_space<hbm>> -> memref<10240x128xf32, #tpu.memory_space<hbm>>
        %dma_start3A_98 = arith.constant 0 : i32
        %dma_start3A_99 = tpu.memref_slice %dma_start3A_97[%mul3A_87, %dma_start3A_98] : memref<10240x128xf32, #tpu.memory_space<hbm>> -> memref<640x128xf32, #tpu.memory_space<hbm>>
        %dma_start3A_100 = arith.constant 0 : i32
        %dma_start3A_101 = tpu.memref_slice %arg10[%mul3A_85, %dma_start3A_100] : memref<10240x128xf32, #tpu.memory_space<vmem_shared>> -> memref<640x128xf32, #tpu.memory_space<vmem_shared>>
        tpu.enqueue_dma source(%dma_start3A_101 : memref<640x128xf32, #tpu.memory_space<vmem_shared>>) target(%dma_start3A_99 : memref<640x128xf32, #tpu.memory_space<hbm>>) target_semaphore(%run_scoped3A_89 : memref<!tpu.dma_semaphore, #tpu.memory_space<semaphore_mem>>)
        %dma_wait3A = arith.constant 0 : i32
        %dma_wait3A_102 = arith.constant 0 : i32
        %dma_wait3A_103 = arith.constant 0 : i32
        %dma_wait3A_104 = tpu.memref_slice %arg6[%run_scoped3A, %dma_wait3A, %dma_wait3A_102, %dma_wait3A_103] : memref<2x4x10240x128xf32, #tpu.memory_space<hbm>> -> memref<1x4x10240x128xf32, #tpu.memory_space<hbm>>
        %dma_wait3A_105 = tpu.memref_squeeze %dma_wait3A_104 : memref<1x4x10240x128xf32, #tpu.memory_space<hbm>> -> memref<4x10240x128xf32, #tpu.memory_space<hbm>>
        %dma_wait3A_106 = arith.constant 0 : i32
        %dma_wait3A_107 = arith.constant 0 : i32
        %dma_wait3A_108 = tpu.memref_slice %dma_wait3A_105[%run_scoped3A_88, %dma_wait3A_106, %dma_wait3A_107] : memref<4x10240x128xf32, #tpu.memory_space<hbm>> -> memref<1x10240x128xf32, #tpu.memory_space<hbm>>
        %dma_wait3A_109 = tpu.memref_squeeze %dma_wait3A_108 : memref<1x10240x128xf32, #tpu.memory_space<hbm>> -> memref<10240x128xf32, #tpu.memory_space<hbm>>
        %dma_wait3A_110 = arith.constant 0 : i32
        %dma_wait3A_111 = tpu.memref_slice %dma_wait3A_109[%mul3A_87, %dma_wait3A_110] : memref<10240x128xf32, #tpu.memory_space<hbm>> -> memref<640x128xf32, #tpu.memory_space<hbm>>
        %dma_wait3A_112 = arith.constant 0 : i32
        %dma_wait3A_113 = tpu.memref_slice %arg10[%mul3A_85, %dma_wait3A_112] : memref<10240x128xf32, #tpu.memory_space<vmem_shared>> -> memref<640x128xf32, #tpu.memory_space<vmem_shared>>
        tpu.wait_dma2 semaphore(%run_scoped3A_89 : memref<!tpu.dma_semaphore, #tpu.memory_space<semaphore_mem>>) src(%dma_wait3A_113 : memref<640x128xf32, #tpu.memory_space<vmem_shared>>) dst(%dma_wait3A_111 : memref<640x128xf32, #tpu.memory_space<hbm>>)
        tpu.yield
      }) : () -> ()
    } else {
    }
    %eq3A_57 = arith.constant 1 : i32
    %eq3A_58 = arith.cmpi eq, %arg0, %eq3A_57 : i32
    %convert_element_type3A_59 = arith.extui %eq3A_58 : i1 to i32
    %cond3A_60 = arith.constant 0 : i32
    %cond3A_61 = arith.cmpi ne, %convert_element_type3A_59, %cond3A_60 : i32
    scf.if %cond3A_61 {
      %mul3A_84 = arith.constant 640 : i32
      %mul3A_85 = arith.muli %arg1, %mul3A_84 : i32
      %mul3A_86 = arith.constant 640 : i32
      %mul3A_87 = arith.muli %arg1, %mul3A_86 : i32
      %run_scoped3A = arith.constant 1 : i32
      %run_scoped3A_88 = arith.constant 2 : i32
      "tpu.region"() ({
        %run_scoped3A_89 = tpu.sem_alloc : memref<!tpu.dma_semaphore, #tpu.memory_space<semaphore_mem>>
        %dma_start3A = arith.constant 0 : i32
        %dma_start3A_90 = arith.constant 0 : i32
        %dma_start3A_91 = arith.constant 0 : i32
        %dma_start3A_92 = tpu.memref_slice %arg6[%run_scoped3A, %dma_start3A, %dma_start3A_90, %dma_start3A_91] : memref<2x4x10240x128xf32, #tpu.memory_space<hbm>> -> memref<1x4x10240x128xf32, #tpu.memory_space<hbm>>
        %dma_start3A_93 = tpu.memref_squeeze %dma_start3A_92 : memref<1x4x10240x128xf32, #tpu.memory_space<hbm>> -> memref<4x10240x128xf32, #tpu.memory_space<hbm>>
        %dma_start3A_94 = arith.constant 0 : i32
        %dma_start3A_95 = arith.constant 0 : i32
        %dma_start3A_96 = tpu.memref_slice %dma_start3A_93[%run_scoped3A_88, %dma_start3A_94, %dma_start3A_95] : memref<4x10240x128xf32, #tpu.memory_space<hbm>> -> memref<1x10240x128xf32, #tpu.memory_space<hbm>>
        %dma_start3A_97 = tpu.memref_squeeze %dma_start3A_96 : memref<1x10240x128xf32, #tpu.memory_space<hbm>> -> memref<10240x128xf32, #tpu.memory_space<hbm>>
        %dma_start3A_98 = arith.constant 0 : i32
        %dma_start3A_99 = tpu.memref_slice %dma_start3A_97[%mul3A_87, %dma_start3A_98] : memref<10240x128xf32, #tpu.memory_space<hbm>> -> memref<640x128xf32, #tpu.memory_space<hbm>>
        %dma_start3A_100 = arith.constant 0 : i32
        %dma_start3A_101 = tpu.memref_slice %arg10[%mul3A_85, %dma_start3A_100] : memref<10240x128xf32, #tpu.memory_space<vmem_shared>> -> memref<640x128xf32, #tpu.memory_space<vmem_shared>>
        tpu.enqueue_dma source(%dma_start3A_101 : memref<640x128xf32, #tpu.memory_space<vmem_shared>>) target(%dma_start3A_99 : memref<640x128xf32, #tpu.memory_space<hbm>>) target_semaphore(%run_scoped3A_89 : memref<!tpu.dma_semaphore, #tpu.memory_space<semaphore_mem>>)
        %dma_wait3A = arith.constant 0 : i32
        %dma_wait3A_102 = arith.constant 0 : i32
        %dma_wait3A_103 = arith.constant 0 : i32
        %dma_wait3A_104 = tpu.memref_slice %arg6[%run_scoped3A, %dma_wait3A, %dma_wait3A_102, %dma_wait3A_103] : memref<2x4x10240x128xf32, #tpu.memory_space<hbm>> -> memref<1x4x10240x128xf32, #tpu.memory_space<hbm>>
        %dma_wait3A_105 = tpu.memref_squeeze %dma_wait3A_104 : memref<1x4x10240x128xf32, #tpu.memory_space<hbm>> -> memref<4x10240x128xf32, #tpu.memory_space<hbm>>
        %dma_wait3A_106 = arith.constant 0 : i32
        %dma_wait3A_107 = arith.constant 0 : i32
        %dma_wait3A_108 = tpu.memref_slice %dma_wait3A_105[%run_scoped3A_88, %dma_wait3A_106, %dma_wait3A_107] : memref<4x10240x128xf32, #tpu.memory_space<hbm>> -> memref<1x10240x128xf32, #tpu.memory_space<hbm>>
        %dma_wait3A_109 = tpu.memref_squeeze %dma_wait3A_108 : memref<1x10240x128xf32, #tpu.memory_space<hbm>> -> memref<10240x128xf32, #tpu.memory_space<hbm>>
        %dma_wait3A_110 = arith.constant 0 : i32
        %dma_wait3A_111 = tpu.memref_slice %dma_wait3A_109[%mul3A_87, %dma_wait3A_110] : memref<10240x128xf32, #tpu.memory_space<hbm>> -> memref<640x128xf32, #tpu.memory_space<hbm>>
        %dma_wait3A_112 = arith.constant 0 : i32
        %dma_wait3A_113 = tpu.memref_slice %arg10[%mul3A_85, %dma_wait3A_112] : memref<10240x128xf32, #tpu.memory_space<vmem_shared>> -> memref<640x128xf32, #tpu.memory_space<vmem_shared>>
        tpu.wait_dma2 semaphore(%run_scoped3A_89 : memref<!tpu.dma_semaphore, #tpu.memory_space<semaphore_mem>>) src(%dma_wait3A_113 : memref<640x128xf32, #tpu.memory_space<vmem_shared>>) dst(%dma_wait3A_111 : memref<640x128xf32, #tpu.memory_space<hbm>>)
        tpu.yield
      }) : () -> ()
    } else {
    }
    %barrier3A_62 = arith.constant 0 : index
    tpu.barrier barrier_id(%barrier3A_62)
    %mul3A_63 = arith.constant 640 : i32
    %mul3A_64 = arith.muli %arg1, %mul3A_63 : i32
    "tpu.region"() ({
      %run_scoped3A = tpu.sem_alloc : memref<!tpu.dma_semaphore, #tpu.memory_space<semaphore_mem>>
      %dma_start3A = arith.constant 0 : i32
      %dma_start3A_84 = tpu.memref_slice %arg10[%mul3A_64, %dma_start3A] : memref<10240x128xf32, #tpu.memory_space<vmem_shared>> -> memref<640x128xf32, #tpu.memory_space<vmem_shared>>
      tpu.enqueue_dma source(%arg5 : memref<640x128xf32, #tpu.memory_space<hbm>>) target(%dma_start3A_84 : memref<640x128xf32, #tpu.memory_space<vmem_shared>>) target_semaphore(%run_scoped3A : memref<!tpu.dma_semaphore, #tpu.memory_space<semaphore_mem>>)
      %dma_wait3A = arith.constant 0 : i32
      %dma_wait3A_85 = tpu.memref_slice %arg10[%mul3A_64, %dma_wait3A] : memref<10240x128xf32, #tpu.memory_space<vmem_shared>> -> memref<640x128xf32, #tpu.memory_space<vmem_shared>>
      tpu.wait_dma2 semaphore(%run_scoped3A : memref<!tpu.dma_semaphore, #tpu.memory_space<semaphore_mem>>) src(%arg5 : memref<640x128xf32, #tpu.memory_space<hbm>>) dst(%dma_wait3A_85 : memref<640x128xf32, #tpu.memory_space<vmem_shared>>)
      tpu.yield
    }) : () -> ()
    %barrier3A_65 = arith.constant 0 : index
    tpu.barrier barrier_id(%barrier3A_65)
    %scan3A_66 = arith.constant 0 : i32
    %scan3A_67 = arith.constant 0 : i32
    %scan3A_68 = arith.constant 40 : i32
    %scan3A_69 = arith.addi %scan3A_67, %scan3A_68 : i32
    %scan3A_70 = arith.constant 1 : i32
    scf.for %scan3A_84 = %scan3A_67 to %scan3A_69 step %scan3A_70  : i32 {
      %run_scoped3A = arith.constant 3 : i32
      "tpu.region"() ({
        %run_scoped3A_85 = tpu.sem_alloc : memref<!tpu.dma_semaphore, #tpu.memory_space<semaphore_mem>>
        %dma_start3A = arith.constant 0 : i32
        %dma_start3A_86 = tpu.memref_slice %arg7[%scan3A_84, %dma_start3A] : memref<40x128xi32, #tpu.memory_space<vmem>> -> memref<1x128xi32, #tpu.memory_space<vmem>>
        %dma_start3A_87 = tpu.memref_squeeze %dma_start3A_86 : memref<1x128xi32, #tpu.memory_space<vmem>> -> memref<128xi32, #tpu.memory_space<vmem>>
        %dma_start3A_88 = arith.constant 0 : i32
        %dma_start3A_89 = arith.constant 0 : i32
        %dma_start3A_90 = tpu.memref_slice %arg2[%run_scoped3A, %dma_start3A_88, %dma_start3A_89] : memref<4x10240x128xf32, #tpu.memory_space<hbm>> -> memref<1x10240x128xf32, #tpu.memory_space<hbm>>
        %dma_start3A_91 = tpu.memref_squeeze %dma_start3A_90 : memref<1x10240x128xf32, #tpu.memory_space<hbm>> -> memref<10240x128xf32, #tpu.memory_space<hbm>>
        %dma_start3A_92 = arith.constant 0 : i32
        %dma_start3A_93 = arith.constant 0 : i32
        %dma_start3A_94 = tpu.memref_slice %dma_start3A_91[%dma_start3A_92, %dma_start3A_93] : memref<10240x128xf32, #tpu.memory_space<hbm>> -> memref<10240x128xf32, #tpu.memory_space<hbm>>
        tpu.enqueue_indirect_dma source(%dma_start3A_94 : memref<10240x128xf32, #tpu.memory_space<hbm>>) target(%arg9 : memref<128x128xf32, #tpu.memory_space<vmem>>) offsets(%dma_start3A_87 : memref<128xi32, #tpu.memory_space<vmem>>) semaphore(%run_scoped3A_85 : memref<!tpu.dma_semaphore, #tpu.memory_space<semaphore_mem>>)
        %dma_wait3A = arith.constant 0 : i32
        %dma_wait3A_95 = tpu.memref_slice %arg7[%scan3A_84, %dma_wait3A] : memref<40x128xi32, #tpu.memory_space<vmem>> -> memref<1x128xi32, #tpu.memory_space<vmem>>
        %dma_wait3A_96 = tpu.memref_squeeze %dma_wait3A_95 : memref<1x128xi32, #tpu.memory_space<vmem>> -> memref<128xi32, #tpu.memory_space<vmem>>
        %dma_wait3A_97 = arith.constant 0 : i32
        %dma_wait3A_98 = arith.constant 0 : i32
        %dma_wait3A_99 = tpu.memref_slice %arg2[%run_scoped3A, %dma_wait3A_97, %dma_wait3A_98] : memref<4x10240x128xf32, #tpu.memory_space<hbm>> -> memref<1x10240x128xf32, #tpu.memory_space<hbm>>
        %dma_wait3A_100 = tpu.memref_squeeze %dma_wait3A_99 : memref<1x10240x128xf32, #tpu.memory_space<hbm>> -> memref<10240x128xf32, #tpu.memory_space<hbm>>
        %dma_wait3A_101 = arith.constant 0 : i32
        %dma_wait3A_102 = arith.constant 0 : i32
        %dma_wait3A_103 = tpu.memref_slice %dma_wait3A_100[%dma_wait3A_101, %dma_wait3A_102] : memref<10240x128xf32, #tpu.memory_space<hbm>> -> memref<10240x128xf32, #tpu.memory_space<hbm>>
        tpu.wait_indirect_dma semaphore(%run_scoped3A_85 : memref<!tpu.dma_semaphore, #tpu.memory_space<semaphore_mem>>) src(%dma_wait3A_103 : memref<10240x128xf32, #tpu.memory_space<hbm>>) dst(%arg9 : memref<128x128xf32, #tpu.memory_space<vmem>>)
        tpu.yield
      }) : () -> ()
      "tpu.region"() ({
        %run_scoped3A_85 = tpu.sem_alloc : memref<!tpu.dma_semaphore, #tpu.memory_space<semaphore_mem>>
        %dma_start3A = arith.constant 0 : i32
        %dma_start3A_86 = tpu.memref_slice %arg8[%scan3A_84, %dma_start3A] : memref<40x128xi32, #tpu.memory_space<vmem>> -> memref<1x128xi32, #tpu.memory_space<vmem>>
        %dma_start3A_87 = tpu.memref_squeeze %dma_start3A_86 : memref<1x128xi32, #tpu.memory_space<vmem>> -> memref<128xi32, #tpu.memory_space<vmem>>
        %dma_start3A_88 = arith.constant 0 : i32
        %dma_start3A_89 = arith.constant 0 : i32
        %dma_start3A_90 = tpu.memref_slice %arg10[%dma_start3A_88, %dma_start3A_89] : memref<10240x128xf32, #tpu.memory_space<vmem_shared>> -> memref<10240x128xf32, #tpu.memory_space<vmem_shared>>
        tpu.enqueue_indirect_dma source(%arg9 : memref<128x128xf32, #tpu.memory_space<vmem>>) target(%dma_start3A_90 : memref<10240x128xf32, #tpu.memory_space<vmem_shared>>) offsets(%dma_start3A_87 : memref<128xi32, #tpu.memory_space<vmem>>) semaphore(%run_scoped3A_85 : memref<!tpu.dma_semaphore, #tpu.memory_space<semaphore_mem>>) {add = true}
        %dma_wait3A = arith.constant 0 : i32
        %dma_wait3A_91 = tpu.memref_slice %arg8[%scan3A_84, %dma_wait3A] : memref<40x128xi32, #tpu.memory_space<vmem>> -> memref<1x128xi32, #tpu.memory_space<vmem>>
        %dma_wait3A_92 = tpu.memref_squeeze %dma_wait3A_91 : memref<1x128xi32, #tpu.memory_space<vmem>> -> memref<128xi32, #tpu.memory_space<vmem>>
        %dma_wait3A_93 = arith.constant 0 : i32
        %dma_wait3A_94 = arith.constant 0 : i32
        %dma_wait3A_95 = tpu.memref_slice %arg10[%dma_wait3A_93, %dma_wait3A_94] : memref<10240x128xf32, #tpu.memory_space<vmem_shared>> -> memref<10240x128xf32, #tpu.memory_space<vmem_shared>>
        tpu.wait_indirect_dma semaphore(%run_scoped3A_85 : memref<!tpu.dma_semaphore, #tpu.memory_space<semaphore_mem>>) src(%arg9 : memref<128x128xf32, #tpu.memory_space<vmem>>) dst(%dma_wait3A_95 : memref<10240x128xf32, #tpu.memory_space<vmem_shared>>)
        tpu.yield
      }) : () -> ()
    }
    %scan3A_71 = arith.constant 40 : i32
    %barrier3A_72 = arith.constant 0 : index
    tpu.barrier barrier_id(%barrier3A_72)
    %eq3A_73 = arith.constant 0 : i32
    %eq3A_74 = arith.cmpi eq, %arg0, %eq3A_73 : i32
    %convert_element_type3A_75 = arith.extui %eq3A_74 : i1 to i32
    %cond3A_76 = arith.constant 0 : i32
    %cond3A_77 = arith.cmpi ne, %convert_element_type3A_75, %cond3A_76 : i32
    scf.if %cond3A_77 {
      %mul3A_84 = arith.constant 640 : i32
      %mul3A_85 = arith.muli %arg1, %mul3A_84 : i32
      %mul3A_86 = arith.constant 640 : i32
      %mul3A_87 = arith.muli %arg1, %mul3A_86 : i32
      %run_scoped3A = arith.constant 0 : i32
      %run_scoped3A_88 = arith.constant 3 : i32
      "tpu.region"() ({
        %run_scoped3A_89 = tpu.sem_alloc : memref<!tpu.dma_semaphore, #tpu.memory_space<semaphore_mem>>
        %dma_start3A = arith.constant 0 : i32
        %dma_start3A_90 = arith.constant 0 : i32
        %dma_start3A_91 = arith.constant 0 : i32
        %dma_start3A_92 = tpu.memref_slice %arg6[%run_scoped3A, %dma_start3A, %dma_start3A_90, %dma_start3A_91] : memref<2x4x10240x128xf32, #tpu.memory_space<hbm>> -> memref<1x4x10240x128xf32, #tpu.memory_space<hbm>>
        %dma_start3A_93 = tpu.memref_squeeze %dma_start3A_92 : memref<1x4x10240x128xf32, #tpu.memory_space<hbm>> -> memref<4x10240x128xf32, #tpu.memory_space<hbm>>
        %dma_start3A_94 = arith.constant 0 : i32
        %dma_start3A_95 = arith.constant 0 : i32
        %dma_start3A_96 = tpu.memref_slice %dma_start3A_93[%run_scoped3A_88, %dma_start3A_94, %dma_start3A_95] : memref<4x10240x128xf32, #tpu.memory_space<hbm>> -> memref<1x10240x128xf32, #tpu.memory_space<hbm>>
        %dma_start3A_97 = tpu.memref_squeeze %dma_start3A_96 : memref<1x10240x128xf32, #tpu.memory_space<hbm>> -> memref<10240x128xf32, #tpu.memory_space<hbm>>
        %dma_start3A_98 = arith.constant 0 : i32
        %dma_start3A_99 = tpu.memref_slice %dma_start3A_97[%mul3A_87, %dma_start3A_98] : memref<10240x128xf32, #tpu.memory_space<hbm>> -> memref<640x128xf32, #tpu.memory_space<hbm>>
        %dma_start3A_100 = arith.constant 0 : i32
        %dma_start3A_101 = tpu.memref_slice %arg10[%mul3A_85, %dma_start3A_100] : memref<10240x128xf32, #tpu.memory_space<vmem_shared>> -> memref<640x128xf32, #tpu.memory_space<vmem_shared>>
        tpu.enqueue_dma source(%dma_start3A_101 : memref<640x128xf32, #tpu.memory_space<vmem_shared>>) target(%dma_start3A_99 : memref<640x128xf32, #tpu.memory_space<hbm>>) target_semaphore(%run_scoped3A_89 : memref<!tpu.dma_semaphore, #tpu.memory_space<semaphore_mem>>)
        %dma_wait3A = arith.constant 0 : i32
        %dma_wait3A_102 = arith.constant 0 : i32
        %dma_wait3A_103 = arith.constant 0 : i32
        %dma_wait3A_104 = tpu.memref_slice %arg6[%run_scoped3A, %dma_wait3A, %dma_wait3A_102, %dma_wait3A_103] : memref<2x4x10240x128xf32, #tpu.memory_space<hbm>> -> memref<1x4x10240x128xf32, #tpu.memory_space<hbm>>
        %dma_wait3A_105 = tpu.memref_squeeze %dma_wait3A_104 : memref<1x4x10240x128xf32, #tpu.memory_space<hbm>> -> memref<4x10240x128xf32, #tpu.memory_space<hbm>>
        %dma_wait3A_106 = arith.constant 0 : i32
        %dma_wait3A_107 = arith.constant 0 : i32
        %dma_wait3A_108 = tpu.memref_slice %dma_wait3A_105[%run_scoped3A_88, %dma_wait3A_106, %dma_wait3A_107] : memref<4x10240x128xf32, #tpu.memory_space<hbm>> -> memref<1x10240x128xf32, #tpu.memory_space<hbm>>
        %dma_wait3A_109 = tpu.memref_squeeze %dma_wait3A_108 : memref<1x10240x128xf32, #tpu.memory_space<hbm>> -> memref<10240x128xf32, #tpu.memory_space<hbm>>
        %dma_wait3A_110 = arith.constant 0 : i32
        %dma_wait3A_111 = tpu.memref_slice %dma_wait3A_109[%mul3A_87, %dma_wait3A_110] : memref<10240x128xf32, #tpu.memory_space<hbm>> -> memref<640x128xf32, #tpu.memory_space<hbm>>
        %dma_wait3A_112 = arith.constant 0 : i32
        %dma_wait3A_113 = tpu.memref_slice %arg10[%mul3A_85, %dma_wait3A_112] : memref<10240x128xf32, #tpu.memory_space<vmem_shared>> -> memref<640x128xf32, #tpu.memory_space<vmem_shared>>
        tpu.wait_dma2 semaphore(%run_scoped3A_89 : memref<!tpu.dma_semaphore, #tpu.memory_space<semaphore_mem>>) src(%dma_wait3A_113 : memref<640x128xf32, #tpu.memory_space<vmem_shared>>) dst(%dma_wait3A_111 : memref<640x128xf32, #tpu.memory_space<hbm>>)
        tpu.yield
      }) : () -> ()
    } else {
    }
    %eq3A_78 = arith.constant 1 : i32
    %eq3A_79 = arith.cmpi eq, %arg0, %eq3A_78 : i32
    %convert_element_type3A_80 = arith.extui %eq3A_79 : i1 to i32
    %cond3A_81 = arith.constant 0 : i32
    %cond3A_82 = arith.cmpi ne, %convert_element_type3A_80, %cond3A_81 : i32
    scf.if %cond3A_82 {
      %mul3A_84 = arith.constant 640 : i32
      %mul3A_85 = arith.muli %arg1, %mul3A_84 : i32
      %mul3A_86 = arith.constant 640 : i32
      %mul3A_87 = arith.muli %arg1, %mul3A_86 : i32
      %run_scoped3A = arith.constant 1 : i32
      %run_scoped3A_88 = arith.constant 3 : i32
      "tpu.region"() ({
        %run_scoped3A_89 = tpu.sem_alloc : memref<!tpu.dma_semaphore, #tpu.memory_space<semaphore_mem>>
        %dma_start3A = arith.constant 0 : i32
        %dma_start3A_90 = arith.constant 0 : i32
        %dma_start3A_91 = arith.constant 0 : i32
        %dma_start3A_92 = tpu.memref_slice %arg6[%run_scoped3A, %dma_start3A, %dma_start3A_90, %dma_start3A_91] : memref<2x4x10240x128xf32, #tpu.memory_space<hbm>> -> memref<1x4x10240x128xf32, #tpu.memory_space<hbm>>
        %dma_start3A_93 = tpu.memref_squeeze %dma_start3A_92 : memref<1x4x10240x128xf32, #tpu.memory_space<hbm>> -> memref<4x10240x128xf32, #tpu.memory_space<hbm>>
        %dma_start3A_94 = arith.constant 0 : i32
        %dma_start3A_95 = arith.constant 0 : i32
        %dma_start3A_96 = tpu.memref_slice %dma_start3A_93[%run_scoped3A_88, %dma_start3A_94, %dma_start3A_95] : memref<4x10240x128xf32, #tpu.memory_space<hbm>> -> memref<1x10240x128xf32, #tpu.memory_space<hbm>>
        %dma_start3A_97 = tpu.memref_squeeze %dma_start3A_96 : memref<1x10240x128xf32, #tpu.memory_space<hbm>> -> memref<10240x128xf32, #tpu.memory_space<hbm>>
        %dma_start3A_98 = arith.constant 0 : i32
        %dma_start3A_99 = tpu.memref_slice %dma_start3A_97[%mul3A_87, %dma_start3A_98] : memref<10240x128xf32, #tpu.memory_space<hbm>> -> memref<640x128xf32, #tpu.memory_space<hbm>>
        %dma_start3A_100 = arith.constant 0 : i32
        %dma_start3A_101 = tpu.memref_slice %arg10[%mul3A_85, %dma_start3A_100] : memref<10240x128xf32, #tpu.memory_space<vmem_shared>> -> memref<640x128xf32, #tpu.memory_space<vmem_shared>>
        tpu.enqueue_dma source(%dma_start3A_101 : memref<640x128xf32, #tpu.memory_space<vmem_shared>>) target(%dma_start3A_99 : memref<640x128xf32, #tpu.memory_space<hbm>>) target_semaphore(%run_scoped3A_89 : memref<!tpu.dma_semaphore, #tpu.memory_space<semaphore_mem>>)
        %dma_wait3A = arith.constant 0 : i32
        %dma_wait3A_102 = arith.constant 0 : i32
        %dma_wait3A_103 = arith.constant 0 : i32
        %dma_wait3A_104 = tpu.memref_slice %arg6[%run_scoped3A, %dma_wait3A, %dma_wait3A_102, %dma_wait3A_103] : memref<2x4x10240x128xf32, #tpu.memory_space<hbm>> -> memref<1x4x10240x128xf32, #tpu.memory_space<hbm>>
        %dma_wait3A_105 = tpu.memref_squeeze %dma_wait3A_104 : memref<1x4x10240x128xf32, #tpu.memory_space<hbm>> -> memref<4x10240x128xf32, #tpu.memory_space<hbm>>
        %dma_wait3A_106 = arith.constant 0 : i32
        %dma_wait3A_107 = arith.constant 0 : i32
        %dma_wait3A_108 = tpu.memref_slice %dma_wait3A_105[%run_scoped3A_88, %dma_wait3A_106, %dma_wait3A_107] : memref<4x10240x128xf32, #tpu.memory_space<hbm>> -> memref<1x10240x128xf32, #tpu.memory_space<hbm>>
        %dma_wait3A_109 = tpu.memref_squeeze %dma_wait3A_108 : memref<1x10240x128xf32, #tpu.memory_space<hbm>> -> memref<10240x128xf32, #tpu.memory_space<hbm>>
        %dma_wait3A_110 = arith.constant 0 : i32
        %dma_wait3A_111 = tpu.memref_slice %dma_wait3A_109[%mul3A_87, %dma_wait3A_110] : memref<10240x128xf32, #tpu.memory_space<hbm>> -> memref<640x128xf32, #tpu.memory_space<hbm>>
        %dma_wait3A_112 = arith.constant 0 : i32
        %dma_wait3A_113 = tpu.memref_slice %arg10[%mul3A_85, %dma_wait3A_112] : memref<10240x128xf32, #tpu.memory_space<vmem_shared>> -> memref<640x128xf32, #tpu.memory_space<vmem_shared>>
        tpu.wait_dma2 semaphore(%run_scoped3A_89 : memref<!tpu.dma_semaphore, #tpu.memory_space<semaphore_mem>>) src(%dma_wait3A_113 : memref<640x128xf32, #tpu.memory_space<vmem_shared>>) dst(%dma_wait3A_111 : memref<640x128xf32, #tpu.memory_space<hbm>>)
        tpu.yield
      }) : () -> ()
    } else {
    }
    %barrier3A_83 = arith.constant 0 : index
    tpu.barrier barrier_id(%barrier3A_83)
    return
  }
}

#map = affine_map<(d0, d1) -> (0, 0, 0)>
#map1 = affine_map<(d0, d1) -> (0, 0)>
#map2 = affine_map<(d0, d1) -> (0, 0, 0, 0)>
module attributes {stable_mosaic.version = 14 : i64} {
  func.func @_sc_scatter_body(%arg0: i32, %arg1: i32, %arg2: memref<4x10240x128xf32, #tpu.memory_space<hbm>>, %arg3: memref<1280x128xi32, #tpu.memory_space<hbm>>, %arg4: memref<1280x128xi32, #tpu.memory_space<hbm>>, %arg5: memref<640x128xf32, #tpu.memory_space<hbm>>, %arg6: memref<2x4x10240x128xf32, #tpu.memory_space<hbm>>, %arg7: memref<40x128xi32, #tpu.memory_space<vmem>>, %arg8: memref<40x128xi32, #tpu.memory_space<vmem>>, %arg9: memref<128x128xf32, #tpu.memory_space<vmem>>, %arg10: memref<10240x128xf32, #tpu.memory_space<vmem_shared>>) attributes {dimension_semantics = [#tpu.dimension_semantics<core_parallel>, #tpu.dimension_semantics<subcore_parallel>], iteration_bounds = array<i64: 2, 16>, scalar_prefetch = 0 : i64, scratch_operands = 4 : i64, tpu.core_type = #tpu.core_type<sc_vector_subcore>, window_params = [{transform_indices = #map}, {transform_indices = #map1}, {transform_indices = #map1}, {transform_indices = #map1}, {transform_indices = #map2}]} {
    %mul3A = arith.constant 2 : i32
    %mul3A_0 = arith.muli %arg1, %mul3A : i32
    %add3A = arith.addi %mul3A_0, %arg0 : i32
    %mul3A_1 = arith.constant 40 : i32
    %mul3A_2 = arith.muli %add3A, %mul3A_1 : i32
    "tpu.region"() ({
      %run_scoped3A = tpu.sem_alloc : memref<!tpu.dma_semaphore, #tpu.memory_space<semaphore_mem>>
      %dma_start3A = arith.constant 0 : i32
      %dma_start3A_84 = tpu.memref_slice %arg3[%mul3A_2, %dma_start3A] : memref<1280x128xi32, #tpu.memory_space<hbm>> -> memref<40x128xi32, #tpu.memory_space<hbm>>
      %dma_start3A_85 = arith.constant 0 : i32
      %dma_start3A_86 = tpu.memref_slice %arg3[%mul3A_2, %dma_start3A_85] : memref<1280x128xi32, #tpu.memory_space<hbm>> -> memref<40x128xi32, #tpu.memory_space<hbm>>
      tpu.enqueue_dma source(%dma_start3A_86 : memref<40x128xi32, #tpu.memory_space<hbm>>) target(%arg7 : memref<40x128xi32, #tpu.memory_space<vmem>>) target_semaphore(%run_scoped3A : memref<!tpu.dma_semaphore, #tpu.memory_space<semaphore_mem>>)
      %dma_wait3A = arith.constant 0 : i32
      %dma_wait3A_87 = tpu.memref_slice %arg3[%mul3A_2, %dma_wait3A] : memref<1280x128xi32, #tpu.memory_space<hbm>> -> memref<40x128xi32, #tpu.memory_space<hbm>>
      %dma_wait3A_88 = arith.constant 0 : i32
      %dma_wait3A_89 = tpu.memref_slice %arg3[%mul3A_2, %dma_wait3A_88] : memref<1280x128xi32, #tpu.memory_space<hbm>> -> memref<40x128xi32, #tpu.memory_space<hbm>>
      tpu.wait_dma2 semaphore(%run_scoped3A : memref<!tpu.dma_semaphore, #tpu.memory_space<semaphore_mem>>) src(%dma_wait3A_89 : memref<40x128xi32, #tpu.memory_space<hbm>>) dst(%arg7 : memref<40x128xi32, #tpu.memory_space<vmem>>)
      tpu.yield
    }) : () -> ()
    %mul3A_3 = arith.constant 40 : i32
    %mul3A_4 = arith.muli %add3A, %mul3A_3 : i32
    "tpu.region"() ({
      %run_scoped3A = tpu.sem_alloc : memref<!tpu.dma_semaphore, #tpu.memory_space<semaphore_mem>>
      %dma_start3A = arith.constant 0 : i32
      %dma_start3A_84 = tpu.memref_slice %arg4[%mul3A_4, %dma_start3A] : memref<1280x128xi32, #tpu.memory_space<hbm>> -> memref<40x128xi32, #tpu.memory_space<hbm>>
      %dma_start3A_85 = arith.constant 0 : i32
      %dma_start3A_86 = tpu.memref_slice %arg4[%mul3A_4, %dma_start3A_85] : memref<1280x128xi32, #tpu.memory_space<hbm>> -> memref<40x128xi32, #tpu.memory_space<hbm>>
      tpu.enqueue_dma source(%dma_start3A_86 : memref<40x128xi32, #tpu.memory_space<hbm>>) target(%arg8 : memref<40x128xi32, #tpu.memory_space<vmem>>) target_semaphore(%run_scoped3A : memref<!tpu.dma_semaphore, #tpu.memory_space<semaphore_mem>>)
      %dma_wait3A = arith.constant 0 : i32
      %dma_wait3A_87 = tpu.memref_slice %arg4[%mul3A_4, %dma_wait3A] : memref<1280x128xi32, #tpu.memory_space<hbm>> -> memref<40x128xi32, #tpu.memory_space<hbm>>
      %dma_wait3A_88 = arith.constant 0 : i32
      %dma_wait3A_89 = tpu.memref_slice %arg4[%mul3A_4, %dma_wait3A_88] : memref<1280x128xi32, #tpu.memory_space<hbm>> -> memref<40x128xi32, #tpu.memory_space<hbm>>
      tpu.wait_dma2 semaphore(%run_scoped3A : memref<!tpu.dma_semaphore, #tpu.memory_space<semaphore_mem>>) src(%dma_wait3A_89 : memref<40x128xi32, #tpu.memory_space<hbm>>) dst(%arg8 : memref<40x128xi32, #tpu.memory_space<vmem>>)
      tpu.yield
    }) : () -> ()
    %mul3A_5 = arith.constant 640 : i32
    %mul3A_6 = arith.muli %arg1, %mul3A_5 : i32
    "tpu.region"() ({
      %run_scoped3A = tpu.sem_alloc : memref<!tpu.dma_semaphore, #tpu.memory_space<semaphore_mem>>
      %dma_start3A = arith.constant 0 : i32
      %dma_start3A_84 = tpu.memref_slice %arg10[%mul3A_6, %dma_start3A] : memref<10240x128xf32, #tpu.memory_space<vmem_shared>> -> memref<640x128xf32, #tpu.memory_space<vmem_shared>>
      tpu.enqueue_dma source(%arg5 : memref<640x128xf32, #tpu.memory_space<hbm>>) target(%dma_start3A_84 : memref<640x128xf32, #tpu.memory_space<vmem_shared>>) target_semaphore(%run_scoped3A : memref<!tpu.dma_semaphore, #tpu.memory_space<semaphore_mem>>)
      %dma_wait3A = arith.constant 0 : i32
      %dma_wait3A_85 = tpu.memref_slice %arg10[%mul3A_6, %dma_wait3A] : memref<10240x128xf32, #tpu.memory_space<vmem_shared>> -> memref<640x128xf32, #tpu.memory_space<vmem_shared>>
      tpu.wait_dma2 semaphore(%run_scoped3A : memref<!tpu.dma_semaphore, #tpu.memory_space<semaphore_mem>>) src(%arg5 : memref<640x128xf32, #tpu.memory_space<hbm>>) dst(%dma_wait3A_85 : memref<640x128xf32, #tpu.memory_space<vmem_shared>>)
      tpu.yield
    }) : () -> ()
    %barrier3A = arith.constant 0 : index
    tpu.barrier barrier_id(%barrier3A)
    %scan3A = arith.constant 0 : i32
    %scan3A_7 = arith.constant 0 : i32
    %scan3A_8 = arith.constant 40 : i32
    %scan3A_9 = arith.addi %scan3A_7, %scan3A_8 : i32
    %scan3A_10 = arith.constant 1 : i32
    scf.for %scan3A_84 = %scan3A_7 to %scan3A_9 step %scan3A_10  : i32 {
      %run_scoped3A = arith.constant 0 : i32
      "tpu.region"() ({
        %run_scoped3A_85 = tpu.sem_alloc : memref<!tpu.dma_semaphore, #tpu.memory_space<semaphore_mem>>
        %dma_start3A = arith.constant 0 : i32
        %dma_start3A_86 = tpu.memref_slice %arg7[%scan3A_84, %dma_start3A] : memref<40x128xi32, #tpu.memory_space<vmem>> -> memref<1x128xi32, #tpu.memory_space<vmem>>
        %dma_start3A_87 = tpu.memref_squeeze %dma_start3A_86 : memref<1x128xi32, #tpu.memory_space<vmem>> -> memref<128xi32, #tpu.memory_space<vmem>>
        %dma_start3A_88 = arith.constant 0 : i32
        %dma_start3A_89 = arith.constant 0 : i32
        %dma_start3A_90 = tpu.memref_slice %arg2[%run_scoped3A, %dma_start3A_88, %dma_start3A_89] : memref<4x10240x128xf32, #tpu.memory_space<hbm>> -> memref<1x10240x128xf32, #tpu.memory_space<hbm>>
        %dma_start3A_91 = tpu.memref_squeeze %dma_start3A_90 : memref<1x10240x128xf32, #tpu.memory_space<hbm>> -> memref<10240x128xf32, #tpu.memory_space<hbm>>
        %dma_start3A_92 = arith.constant 0 : i32
        %dma_start3A_93 = arith.constant 0 : i32
        %dma_start3A_94 = tpu.memref_slice %dma_start3A_91[%dma_start3A_92, %dma_start3A_93] : memref<10240x128xf32, #tpu.memory_space<hbm>> -> memref<10240x128xf32, #tpu.memory_space<hbm>>
        tpu.enqueue_indirect_dma source(%dma_start3A_94 : memref<10240x128xf32, #tpu.memory_space<hbm>>) target(%arg9 : memref<128x128xf32, #tpu.memory_space<vmem>>) offsets(%dma_start3A_87 : memref<128xi32, #tpu.memory_space<vmem>>) semaphore(%run_scoped3A_85 : memref<!tpu.dma_semaphore, #tpu.memory_space<semaphore_mem>>)
        %dma_wait3A = arith.constant 0 : i32
        %dma_wait3A_95 = tpu.memref_slice %arg7[%scan3A_84, %dma_wait3A] : memref<40x128xi32, #tpu.memory_space<vmem>> -> memref<1x128xi32, #tpu.memory_space<vmem>>
        %dma_wait3A_96 = tpu.memref_squeeze %dma_wait3A_95 : memref<1x128xi32, #tpu.memory_space<vmem>> -> memref<128xi32, #tpu.memory_space<vmem>>
        %dma_wait3A_97 = arith.constant 0 : i32
        %dma_wait3A_98 = arith.constant 0 : i32
        %dma_wait3A_99 = tpu.memref_slice %arg2[%run_scoped3A, %dma_wait3A_97, %dma_wait3A_98] : memref<4x10240x128xf32, #tpu.memory_space<hbm>> -> memref<1x10240x128xf32, #tpu.memory_space<hbm>>
        %dma_wait3A_100 = tpu.memref_squeeze %dma_wait3A_99 : memref<1x10240x128xf32, #tpu.memory_space<hbm>> -> memref<10240x128xf32, #tpu.memory_space<hbm>>
        %dma_wait3A_101 = arith.constant 0 : i32
        %dma_wait3A_102 = arith.constant 0 : i32
        %dma_wait3A_103 = tpu.memref_slice %dma_wait3A_100[%dma_wait3A_101, %dma_wait3A_102] : memref<10240x128xf32, #tpu.memory_space<hbm>> -> memref<10240x128xf32, #tpu.memory_space<hbm>>
        tpu.wait_indirect_dma semaphore(%run_scoped3A_85 : memref<!tpu.dma_semaphore, #tpu.memory_space<semaphore_mem>>) src(%dma_wait3A_103 : memref<10240x128xf32, #tpu.memory_space<hbm>>) dst(%arg9 : memref<128x128xf32, #tpu.memory_space<vmem>>)
        tpu.yield
      }) : () -> ()
      "tpu.region"() ({
        %run_scoped3A_85 = tpu.sem_alloc : memref<!tpu.dma_semaphore, #tpu.memory_space<semaphore_mem>>
        %dma_start3A = arith.constant 0 : i32
        %dma_start3A_86 = tpu.memref_slice %arg8[%scan3A_84, %dma_start3A] : memref<40x128xi32, #tpu.memory_space<vmem>> -> memref<1x128xi32, #tpu.memory_space<vmem>>
        %dma_start3A_87 = tpu.memref_squeeze %dma_start3A_86 : memref<1x128xi32, #tpu.memory_space<vmem>> -> memref<128xi32, #tpu.memory_space<vmem>>
        %dma_start3A_88 = arith.constant 0 : i32
        %dma_start3A_89 = arith.constant 0 : i32
        %dma_start3A_90 = tpu.memref_slice %arg10[%dma_start3A_88, %dma_start3A_89] : memref<10240x128xf32, #tpu.memory_space<vmem_shared>> -> memref<10240x128xf32, #tpu.memory_space<vmem_shared>>
        tpu.enqueue_indirect_dma source(%arg9 : memref<128x128xf32, #tpu.memory_space<vmem>>) target(%dma_start3A_90 : memref<10240x128xf32, #tpu.memory_space<vmem_shared>>) offsets(%dma_start3A_87 : memref<128xi32, #tpu.memory_space<vmem>>) semaphore(%run_scoped3A_85 : memref<!tpu.dma_semaphore, #tpu.memory_space<semaphore_mem>>) {add = true}
        %dma_wait3A = arith.constant 0 : i32
        %dma_wait3A_91 = tpu.memref_slice %arg8[%scan3A_84, %dma_wait3A] : memref<40x128xi32, #tpu.memory_space<vmem>> -> memref<1x128xi32, #tpu.memory_space<vmem>>
        %dma_wait3A_92 = tpu.memref_squeeze %dma_wait3A_91 : memref<1x128xi32, #tpu.memory_space<vmem>> -> memref<128xi32, #tpu.memory_space<vmem>>
        %dma_wait3A_93 = arith.constant 0 : i32
        %dma_wait3A_94 = arith.constant 0 : i32
        %dma_wait3A_95 = tpu.memref_slice %arg10[%dma_wait3A_93, %dma_wait3A_94] : memref<10240x128xf32, #tpu.memory_space<vmem_shared>> -> memref<10240x128xf32, #tpu.memory_space<vmem_shared>>
        tpu.wait_indirect_dma semaphore(%run_scoped3A_85 : memref<!tpu.dma_semaphore, #tpu.memory_space<semaphore_mem>>) src(%arg9 : memref<128x128xf32, #tpu.memory_space<vmem>>) dst(%dma_wait3A_95 : memref<10240x128xf32, #tpu.memory_space<vmem_shared>>)
        tpu.yield
      }) : () -> ()
    }
    %scan3A_11 = arith.constant 40 : i32
    %barrier3A_12 = arith.constant 0 : index
    tpu.barrier barrier_id(%barrier3A_12)
    %eq3A = arith.constant 0 : i32
    %eq3A_13 = arith.cmpi eq, %arg0, %eq3A : i32
    %convert_element_type3A = arith.extui %eq3A_13 : i1 to i32
    %cond3A = arith.constant 0 : i32
    %cond3A_14 = arith.cmpi ne, %convert_element_type3A, %cond3A : i32
    scf.if %cond3A_14 {
      %mul3A_84 = arith.constant 640 : i32
      %mul3A_85 = arith.muli %arg1, %mul3A_84 : i32
      %mul3A_86 = arith.constant 640 : i32
      %mul3A_87 = arith.muli %arg1, %mul3A_86 : i32
      %run_scoped3A = arith.constant 0 : i32
      %run_scoped3A_88 = arith.constant 0 : i32
      "tpu.region"() ({
        %run_scoped3A_89 = tpu.sem_alloc : memref<!tpu.dma_semaphore, #tpu.memory_space<semaphore_mem>>
        %dma_start3A = arith.constant 0 : i32
        %dma_start3A_90 = arith.constant 0 : i32
        %dma_start3A_91 = arith.constant 0 : i32
        %dma_start3A_92 = tpu.memref_slice %arg6[%run_scoped3A, %dma_start3A, %dma_start3A_90, %dma_start3A_91] : memref<2x4x10240x128xf32, #tpu.memory_space<hbm>> -> memref<1x4x10240x128xf32, #tpu.memory_space<hbm>>
        %dma_start3A_93 = tpu.memref_squeeze %dma_start3A_92 : memref<1x4x10240x128xf32, #tpu.memory_space<hbm>> -> memref<4x10240x128xf32, #tpu.memory_space<hbm>>
        %dma_start3A_94 = arith.constant 0 : i32
        %dma_start3A_95 = arith.constant 0 : i32
        %dma_start3A_96 = tpu.memref_slice %dma_start3A_93[%run_scoped3A_88, %dma_start3A_94, %dma_start3A_95] : memref<4x10240x128xf32, #tpu.memory_space<hbm>> -> memref<1x10240x128xf32, #tpu.memory_space<hbm>>
        %dma_start3A_97 = tpu.memref_squeeze %dma_start3A_96 : memref<1x10240x128xf32, #tpu.memory_space<hbm>> -> memref<10240x128xf32, #tpu.memory_space<hbm>>
        %dma_start3A_98 = arith.constant 0 : i32
        %dma_start3A_99 = tpu.memref_slice %dma_start3A_97[%mul3A_87, %dma_start3A_98] : memref<10240x128xf32, #tpu.memory_space<hbm>> -> memref<640x128xf32, #tpu.memory_space<hbm>>
        %dma_start3A_100 = arith.constant 0 : i32
        %dma_start3A_101 = tpu.memref_slice %arg10[%mul3A_85, %dma_start3A_100] : memref<10240x128xf32, #tpu.memory_space<vmem_shared>> -> memref<640x128xf32, #tpu.memory_space<vmem_shared>>
        tpu.enqueue_dma source(%dma_start3A_101 : memref<640x128xf32, #tpu.memory_space<vmem_shared>>) target(%dma_start3A_99 : memref<640x128xf32, #tpu.memory_space<hbm>>) target_semaphore(%run_scoped3A_89 : memref<!tpu.dma_semaphore, #tpu.memory_space<semaphore_mem>>)
        %dma_wait3A = arith.constant 0 : i32
        %dma_wait3A_102 = arith.constant 0 : i32
        %dma_wait3A_103 = arith.constant 0 : i32
        %dma_wait3A_104 = tpu.memref_slice %arg6[%run_scoped3A, %dma_wait3A, %dma_wait3A_102, %dma_wait3A_103] : memref<2x4x10240x128xf32, #tpu.memory_space<hbm>> -> memref<1x4x10240x128xf32, #tpu.memory_space<hbm>>
        %dma_wait3A_105 = tpu.memref_squeeze %dma_wait3A_104 : memref<1x4x10240x128xf32, #tpu.memory_space<hbm>> -> memref<4x10240x128xf32, #tpu.memory_space<hbm>>
        %dma_wait3A_106 = arith.constant 0 : i32
        %dma_wait3A_107 = arith.constant 0 : i32
        %dma_wait3A_108 = tpu.memref_slice %dma_wait3A_105[%run_scoped3A_88, %dma_wait3A_106, %dma_wait3A_107] : memref<4x10240x128xf32, #tpu.memory_space<hbm>> -> memref<1x10240x128xf32, #tpu.memory_space<hbm>>
        %dma_wait3A_109 = tpu.memref_squeeze %dma_wait3A_108 : memref<1x10240x128xf32, #tpu.memory_space<hbm>> -> memref<10240x128xf32, #tpu.memory_space<hbm>>
        %dma_wait3A_110 = arith.constant 0 : i32
        %dma_wait3A_111 = tpu.memref_slice %dma_wait3A_109[%mul3A_87, %dma_wait3A_110] : memref<10240x128xf32, #tpu.memory_space<hbm>> -> memref<640x128xf32, #tpu.memory_space<hbm>>
        %dma_wait3A_112 = arith.constant 0 : i32
        %dma_wait3A_113 = tpu.memref_slice %arg10[%mul3A_85, %dma_wait3A_112] : memref<10240x128xf32, #tpu.memory_space<vmem_shared>> -> memref<640x128xf32, #tpu.memory_space<vmem_shared>>
        tpu.wait_dma2 semaphore(%run_scoped3A_89 : memref<!tpu.dma_semaphore, #tpu.memory_space<semaphore_mem>>) src(%dma_wait3A_113 : memref<640x128xf32, #tpu.memory_space<vmem_shared>>) dst(%dma_wait3A_111 : memref<640x128xf32, #tpu.memory_space<hbm>>)
        tpu.yield
      }) : () -> ()
    } else {
    }
    %eq3A_15 = arith.constant 1 : i32
    %eq3A_16 = arith.cmpi eq, %arg0, %eq3A_15 : i32
    %convert_element_type3A_17 = arith.extui %eq3A_16 : i1 to i32
    %cond3A_18 = arith.constant 0 : i32
    %cond3A_19 = arith.cmpi ne, %convert_element_type3A_17, %cond3A_18 : i32
    scf.if %cond3A_19 {
      %mul3A_84 = arith.constant 640 : i32
      %mul3A_85 = arith.muli %arg1, %mul3A_84 : i32
      %mul3A_86 = arith.constant 640 : i32
      %mul3A_87 = arith.muli %arg1, %mul3A_86 : i32
      %run_scoped3A = arith.constant 1 : i32
      %run_scoped3A_88 = arith.constant 0 : i32
      "tpu.region"() ({
        %run_scoped3A_89 = tpu.sem_alloc : memref<!tpu.dma_semaphore, #tpu.memory_space<semaphore_mem>>
        %dma_start3A = arith.constant 0 : i32
        %dma_start3A_90 = arith.constant 0 : i32
        %dma_start3A_91 = arith.constant 0 : i32
        %dma_start3A_92 = tpu.memref_slice %arg6[%run_scoped3A, %dma_start3A, %dma_start3A_90, %dma_start3A_91] : memref<2x4x10240x128xf32, #tpu.memory_space<hbm>> -> memref<1x4x10240x128xf32, #tpu.memory_space<hbm>>
        %dma_start3A_93 = tpu.memref_squeeze %dma_start3A_92 : memref<1x4x10240x128xf32, #tpu.memory_space<hbm>> -> memref<4x10240x128xf32, #tpu.memory_space<hbm>>
        %dma_start3A_94 = arith.constant 0 : i32
        %dma_start3A_95 = arith.constant 0 : i32
        %dma_start3A_96 = tpu.memref_slice %dma_start3A_93[%run_scoped3A_88, %dma_start3A_94, %dma_start3A_95] : memref<4x10240x128xf32, #tpu.memory_space<hbm>> -> memref<1x10240x128xf32, #tpu.memory_space<hbm>>
        %dma_start3A_97 = tpu.memref_squeeze %dma_start3A_96 : memref<1x10240x128xf32, #tpu.memory_space<hbm>> -> memref<10240x128xf32, #tpu.memory_space<hbm>>
        %dma_start3A_98 = arith.constant 0 : i32
        %dma_start3A_99 = tpu.memref_slice %dma_start3A_97[%mul3A_87, %dma_start3A_98] : memref<10240x128xf32, #tpu.memory_space<hbm>> -> memref<640x128xf32, #tpu.memory_space<hbm>>
        %dma_start3A_100 = arith.constant 0 : i32
        %dma_start3A_101 = tpu.memref_slice %arg10[%mul3A_85, %dma_start3A_100] : memref<10240x128xf32, #tpu.memory_space<vmem_shared>> -> memref<640x128xf32, #tpu.memory_space<vmem_shared>>
        tpu.enqueue_dma source(%dma_start3A_101 : memref<640x128xf32, #tpu.memory_space<vmem_shared>>) target(%dma_start3A_99 : memref<640x128xf32, #tpu.memory_space<hbm>>) target_semaphore(%run_scoped3A_89 : memref<!tpu.dma_semaphore, #tpu.memory_space<semaphore_mem>>)
        %dma_wait3A = arith.constant 0 : i32
        %dma_wait3A_102 = arith.constant 0 : i32
        %dma_wait3A_103 = arith.constant 0 : i32
        %dma_wait3A_104 = tpu.memref_slice %arg6[%run_scoped3A, %dma_wait3A, %dma_wait3A_102, %dma_wait3A_103] : memref<2x4x10240x128xf32, #tpu.memory_space<hbm>> -> memref<1x4x10240x128xf32, #tpu.memory_space<hbm>>
        %dma_wait3A_105 = tpu.memref_squeeze %dma_wait3A_104 : memref<1x4x10240x128xf32, #tpu.memory_space<hbm>> -> memref<4x10240x128xf32, #tpu.memory_space<hbm>>
        %dma_wait3A_106 = arith.constant 0 : i32
        %dma_wait3A_107 = arith.constant 0 : i32
        %dma_wait3A_108 = tpu.memref_slice %dma_wait3A_105[%run_scoped3A_88, %dma_wait3A_106, %dma_wait3A_107] : memref<4x10240x128xf32, #tpu.memory_space<hbm>> -> memref<1x10240x128xf32, #tpu.memory_space<hbm>>
        %dma_wait3A_109 = tpu.memref_squeeze %dma_wait3A_108 : memref<1x10240x128xf32, #tpu.memory_space<hbm>> -> memref<10240x128xf32, #tpu.memory_space<hbm>>
        %dma_wait3A_110 = arith.constant 0 : i32
        %dma_wait3A_111 = tpu.memref_slice %dma_wait3A_109[%mul3A_87, %dma_wait3A_110] : memref<10240x128xf32, #tpu.memory_space<hbm>> -> memref<640x128xf32, #tpu.memory_space<hbm>>
        %dma_wait3A_112 = arith.constant 0 : i32
        %dma_wait3A_113 = tpu.memref_slice %arg10[%mul3A_85, %dma_wait3A_112] : memref<10240x128xf32, #tpu.memory_space<vmem_shared>> -> memref<640x128xf32, #tpu.memory_space<vmem_shared>>
        tpu.wait_dma2 semaphore(%run_scoped3A_89 : memref<!tpu.dma_semaphore, #tpu.memory_space<semaphore_mem>>) src(%dma_wait3A_113 : memref<640x128xf32, #tpu.memory_space<vmem_shared>>) dst(%dma_wait3A_111 : memref<640x128xf32, #tpu.memory_space<hbm>>)
        tpu.yield
      }) : () -> ()
    } else {
    }
    %barrier3A_20 = arith.constant 0 : index
    tpu.barrier barrier_id(%barrier3A_20)
    %mul3A_21 = arith.constant 640 : i32
    %mul3A_22 = arith.muli %arg1, %mul3A_21 : i32
    "tpu.region"() ({
      %run_scoped3A = tpu.sem_alloc : memref<!tpu.dma_semaphore, #tpu.memory_space<semaphore_mem>>
      %dma_start3A = arith.constant 0 : i32
      %dma_start3A_84 = tpu.memref_slice %arg10[%mul3A_22, %dma_start3A] : memref<10240x128xf32, #tpu.memory_space<vmem_shared>> -> memref<640x128xf32, #tpu.memory_space<vmem_shared>>
      tpu.enqueue_dma source(%arg5 : memref<640x128xf32, #tpu.memory_space<hbm>>) target(%dma_start3A_84 : memref<640x128xf32, #tpu.memory_space<vmem_shared>>) target_semaphore(%run_scoped3A : memref<!tpu.dma_semaphore, #tpu.memory_space<semaphore_mem>>)
      %dma_wait3A = arith.constant 0 : i32
      %dma_wait3A_85 = tpu.memref_slice %arg10[%mul3A_22, %dma_wait3A] : memref<10240x128xf32, #tpu.memory_space<vmem_shared>> -> memref<640x128xf32, #tpu.memory_space<vmem_shared>>
      tpu.wait_dma2 semaphore(%run_scoped3A : memref<!tpu.dma_semaphore, #tpu.memory_space<semaphore_mem>>) src(%arg5 : memref<640x128xf32, #tpu.memory_space<hbm>>) dst(%dma_wait3A_85 : memref<640x128xf32, #tpu.memory_space<vmem_shared>>)
      tpu.yield
    }) : () -> ()
    %barrier3A_23 = arith.constant 0 : index
    tpu.barrier barrier_id(%barrier3A_23)
    %scan3A_24 = arith.constant 0 : i32
    %scan3A_25 = arith.constant 0 : i32
    %scan3A_26 = arith.constant 40 : i32
    %scan3A_27 = arith.addi %scan3A_25, %scan3A_26 : i32
    %scan3A_28 = arith.constant 1 : i32
    scf.for %scan3A_84 = %scan3A_25 to %scan3A_27 step %scan3A_28  : i32 {
      %run_scoped3A = arith.constant 1 : i32
      "tpu.region"() ({
        %run_scoped3A_85 = tpu.sem_alloc : memref<!tpu.dma_semaphore, #tpu.memory_space<semaphore_mem>>
        %dma_start3A = arith.constant 0 : i32
        %dma_start3A_86 = tpu.memref_slice %arg7[%scan3A_84, %dma_start3A] : memref<40x128xi32, #tpu.memory_space<vmem>> -> memref<1x128xi32, #tpu.memory_space<vmem>>
        %dma_start3A_87 = tpu.memref_squeeze %dma_start3A_86 : memref<1x128xi32, #tpu.memory_space<vmem>> -> memref<128xi32, #tpu.memory_space<vmem>>
        %dma_start3A_88 = arith.constant 0 : i32
        %dma_start3A_89 = arith.constant 0 : i32
        %dma_start3A_90 = tpu.memref_slice %arg2[%run_scoped3A, %dma_start3A_88, %dma_start3A_89] : memref<4x10240x128xf32, #tpu.memory_space<hbm>> -> memref<1x10240x128xf32, #tpu.memory_space<hbm>>
        %dma_start3A_91 = tpu.memref_squeeze %dma_start3A_90 : memref<1x10240x128xf32, #tpu.memory_space<hbm>> -> memref<10240x128xf32, #tpu.memory_space<hbm>>
        %dma_start3A_92 = arith.constant 0 : i32
        %dma_start3A_93 = arith.constant 0 : i32
        %dma_start3A_94 = tpu.memref_slice %dma_start3A_91[%dma_start3A_92, %dma_start3A_93] : memref<10240x128xf32, #tpu.memory_space<hbm>> -> memref<10240x128xf32, #tpu.memory_space<hbm>>
        tpu.enqueue_indirect_dma source(%dma_start3A_94 : memref<10240x128xf32, #tpu.memory_space<hbm>>) target(%arg9 : memref<128x128xf32, #tpu.memory_space<vmem>>) offsets(%dma_start3A_87 : memref<128xi32, #tpu.memory_space<vmem>>) semaphore(%run_scoped3A_85 : memref<!tpu.dma_semaphore, #tpu.memory_space<semaphore_mem>>)
        %dma_wait3A = arith.constant 0 : i32
        %dma_wait3A_95 = tpu.memref_slice %arg7[%scan3A_84, %dma_wait3A] : memref<40x128xi32, #tpu.memory_space<vmem>> -> memref<1x128xi32, #tpu.memory_space<vmem>>
        %dma_wait3A_96 = tpu.memref_squeeze %dma_wait3A_95 : memref<1x128xi32, #tpu.memory_space<vmem>> -> memref<128xi32, #tpu.memory_space<vmem>>
        %dma_wait3A_97 = arith.constant 0 : i32
        %dma_wait3A_98 = arith.constant 0 : i32
        %dma_wait3A_99 = tpu.memref_slice %arg2[%run_scoped3A, %dma_wait3A_97, %dma_wait3A_98] : memref<4x10240x128xf32, #tpu.memory_space<hbm>> -> memref<1x10240x128xf32, #tpu.memory_space<hbm>>
        %dma_wait3A_100 = tpu.memref_squeeze %dma_wait3A_99 : memref<1x10240x128xf32, #tpu.memory_space<hbm>> -> memref<10240x128xf32, #tpu.memory_space<hbm>>
        %dma_wait3A_101 = arith.constant 0 : i32
        %dma_wait3A_102 = arith.constant 0 : i32
        %dma_wait3A_103 = tpu.memref_slice %dma_wait3A_100[%dma_wait3A_101, %dma_wait3A_102] : memref<10240x128xf32, #tpu.memory_space<hbm>> -> memref<10240x128xf32, #tpu.memory_space<hbm>>
        tpu.wait_indirect_dma semaphore(%run_scoped3A_85 : memref<!tpu.dma_semaphore, #tpu.memory_space<semaphore_mem>>) src(%dma_wait3A_103 : memref<10240x128xf32, #tpu.memory_space<hbm>>) dst(%arg9 : memref<128x128xf32, #tpu.memory_space<vmem>>)
        tpu.yield
      }) : () -> ()
      "tpu.region"() ({
        %run_scoped3A_85 = tpu.sem_alloc : memref<!tpu.dma_semaphore, #tpu.memory_space<semaphore_mem>>
        %dma_start3A = arith.constant 0 : i32
        %dma_start3A_86 = tpu.memref_slice %arg8[%scan3A_84, %dma_start3A] : memref<40x128xi32, #tpu.memory_space<vmem>> -> memref<1x128xi32, #tpu.memory_space<vmem>>
        %dma_start3A_87 = tpu.memref_squeeze %dma_start3A_86 : memref<1x128xi32, #tpu.memory_space<vmem>> -> memref<128xi32, #tpu.memory_space<vmem>>
        %dma_start3A_88 = arith.constant 0 : i32
        %dma_start3A_89 = arith.constant 0 : i32
        %dma_start3A_90 = tpu.memref_slice %arg10[%dma_start3A_88, %dma_start3A_89] : memref<10240x128xf32, #tpu.memory_space<vmem_shared>> -> memref<10240x128xf32, #tpu.memory_space<vmem_shared>>
        tpu.enqueue_indirect_dma source(%arg9 : memref<128x128xf32, #tpu.memory_space<vmem>>) target(%dma_start3A_90 : memref<10240x128xf32, #tpu.memory_space<vmem_shared>>) offsets(%dma_start3A_87 : memref<128xi32, #tpu.memory_space<vmem>>) semaphore(%run_scoped3A_85 : memref<!tpu.dma_semaphore, #tpu.memory_space<semaphore_mem>>) {add = true}
        %dma_wait3A = arith.constant 0 : i32
        %dma_wait3A_91 = tpu.memref_slice %arg8[%scan3A_84, %dma_wait3A] : memref<40x128xi32, #tpu.memory_space<vmem>> -> memref<1x128xi32, #tpu.memory_space<vmem>>
        %dma_wait3A_92 = tpu.memref_squeeze %dma_wait3A_91 : memref<1x128xi32, #tpu.memory_space<vmem>> -> memref<128xi32, #tpu.memory_space<vmem>>
        %dma_wait3A_93 = arith.constant 0 : i32
        %dma_wait3A_94 = arith.constant 0 : i32
        %dma_wait3A_95 = tpu.memref_slice %arg10[%dma_wait3A_93, %dma_wait3A_94] : memref<10240x128xf32, #tpu.memory_space<vmem_shared>> -> memref<10240x128xf32, #tpu.memory_space<vmem_shared>>
        tpu.wait_indirect_dma semaphore(%run_scoped3A_85 : memref<!tpu.dma_semaphore, #tpu.memory_space<semaphore_mem>>) src(%arg9 : memref<128x128xf32, #tpu.memory_space<vmem>>) dst(%dma_wait3A_95 : memref<10240x128xf32, #tpu.memory_space<vmem_shared>>)
        tpu.yield
      }) : () -> ()
    }
    %scan3A_29 = arith.constant 40 : i32
    %barrier3A_30 = arith.constant 0 : index
    tpu.barrier barrier_id(%barrier3A_30)
    %eq3A_31 = arith.constant 0 : i32
    %eq3A_32 = arith.cmpi eq, %arg0, %eq3A_31 : i32
    %convert_element_type3A_33 = arith.extui %eq3A_32 : i1 to i32
    %cond3A_34 = arith.constant 0 : i32
    %cond3A_35 = arith.cmpi ne, %convert_element_type3A_33, %cond3A_34 : i32
    scf.if %cond3A_35 {
      %mul3A_84 = arith.constant 640 : i32
      %mul3A_85 = arith.muli %arg1, %mul3A_84 : i32
      %mul3A_86 = arith.constant 640 : i32
      %mul3A_87 = arith.muli %arg1, %mul3A_86 : i32
      %run_scoped3A = arith.constant 0 : i32
      %run_scoped3A_88 = arith.constant 1 : i32
      "tpu.region"() ({
        %run_scoped3A_89 = tpu.sem_alloc : memref<!tpu.dma_semaphore, #tpu.memory_space<semaphore_mem>>
        %dma_start3A = arith.constant 0 : i32
        %dma_start3A_90 = arith.constant 0 : i32
        %dma_start3A_91 = arith.constant 0 : i32
        %dma_start3A_92 = tpu.memref_slice %arg6[%run_scoped3A, %dma_start3A, %dma_start3A_90, %dma_start3A_91] : memref<2x4x10240x128xf32, #tpu.memory_space<hbm>> -> memref<1x4x10240x128xf32, #tpu.memory_space<hbm>>
        %dma_start3A_93 = tpu.memref_squeeze %dma_start3A_92 : memref<1x4x10240x128xf32, #tpu.memory_space<hbm>> -> memref<4x10240x128xf32, #tpu.memory_space<hbm>>
        %dma_start3A_94 = arith.constant 0 : i32
        %dma_start3A_95 = arith.constant 0 : i32
        %dma_start3A_96 = tpu.memref_slice %dma_start3A_93[%run_scoped3A_88, %dma_start3A_94, %dma_start3A_95] : memref<4x10240x128xf32, #tpu.memory_space<hbm>> -> memref<1x10240x128xf32, #tpu.memory_space<hbm>>
        %dma_start3A_97 = tpu.memref_squeeze %dma_start3A_96 : memref<1x10240x128xf32, #tpu.memory_space<hbm>> -> memref<10240x128xf32, #tpu.memory_space<hbm>>
        %dma_start3A_98 = arith.constant 0 : i32
        %dma_start3A_99 = tpu.memref_slice %dma_start3A_97[%mul3A_87, %dma_start3A_98] : memref<10240x128xf32, #tpu.memory_space<hbm>> -> memref<640x128xf32, #tpu.memory_space<hbm>>
        %dma_start3A_100 = arith.constant 0 : i32
        %dma_start3A_101 = tpu.memref_slice %arg10[%mul3A_85, %dma_start3A_100] : memref<10240x128xf32, #tpu.memory_space<vmem_shared>> -> memref<640x128xf32, #tpu.memory_space<vmem_shared>>
        tpu.enqueue_dma source(%dma_start3A_101 : memref<640x128xf32, #tpu.memory_space<vmem_shared>>) target(%dma_start3A_99 : memref<640x128xf32, #tpu.memory_space<hbm>>) target_semaphore(%run_scoped3A_89 : memref<!tpu.dma_semaphore, #tpu.memory_space<semaphore_mem>>)
        %dma_wait3A = arith.constant 0 : i32
        %dma_wait3A_102 = arith.constant 0 : i32
        %dma_wait3A_103 = arith.constant 0 : i32
        %dma_wait3A_104 = tpu.memref_slice %arg6[%run_scoped3A, %dma_wait3A, %dma_wait3A_102, %dma_wait3A_103] : memref<2x4x10240x128xf32, #tpu.memory_space<hbm>> -> memref<1x4x10240x128xf32, #tpu.memory_space<hbm>>
        %dma_wait3A_105 = tpu.memref_squeeze %dma_wait3A_104 : memref<1x4x10240x128xf32, #tpu.memory_space<hbm>> -> memref<4x10240x128xf32, #tpu.memory_space<hbm>>
        %dma_wait3A_106 = arith.constant 0 : i32
        %dma_wait3A_107 = arith.constant 0 : i32
        %dma_wait3A_108 = tpu.memref_slice %dma_wait3A_105[%run_scoped3A_88, %dma_wait3A_106, %dma_wait3A_107] : memref<4x10240x128xf32, #tpu.memory_space<hbm>> -> memref<1x10240x128xf32, #tpu.memory_space<hbm>>
        %dma_wait3A_109 = tpu.memref_squeeze %dma_wait3A_108 : memref<1x10240x128xf32, #tpu.memory_space<hbm>> -> memref<10240x128xf32, #tpu.memory_space<hbm>>
        %dma_wait3A_110 = arith.constant 0 : i32
        %dma_wait3A_111 = tpu.memref_slice %dma_wait3A_109[%mul3A_87, %dma_wait3A_110] : memref<10240x128xf32, #tpu.memory_space<hbm>> -> memref<640x128xf32, #tpu.memory_space<hbm>>
        %dma_wait3A_112 = arith.constant 0 : i32
        %dma_wait3A_113 = tpu.memref_slice %arg10[%mul3A_85, %dma_wait3A_112] : memref<10240x128xf32, #tpu.memory_space<vmem_shared>> -> memref<640x128xf32, #tpu.memory_space<vmem_shared>>
        tpu.wait_dma2 semaphore(%run_scoped3A_89 : memref<!tpu.dma_semaphore, #tpu.memory_space<semaphore_mem>>) src(%dma_wait3A_113 : memref<640x128xf32, #tpu.memory_space<vmem_shared>>) dst(%dma_wait3A_111 : memref<640x128xf32, #tpu.memory_space<hbm>>)
        tpu.yield
      }) : () -> ()
    } else {
    }
    %eq3A_36 = arith.constant 1 : i32
    %eq3A_37 = arith.cmpi eq, %arg0, %eq3A_36 : i32
    %convert_element_type3A_38 = arith.extui %eq3A_37 : i1 to i32
    %cond3A_39 = arith.constant 0 : i32
    %cond3A_40 = arith.cmpi ne, %convert_element_type3A_38, %cond3A_39 : i32
    scf.if %cond3A_40 {
      %mul3A_84 = arith.constant 640 : i32
      %mul3A_85 = arith.muli %arg1, %mul3A_84 : i32
      %mul3A_86 = arith.constant 640 : i32
      %mul3A_87 = arith.muli %arg1, %mul3A_86 : i32
      %run_scoped3A = arith.constant 1 : i32
      %run_scoped3A_88 = arith.constant 1 : i32
      "tpu.region"() ({
        %run_scoped3A_89 = tpu.sem_alloc : memref<!tpu.dma_semaphore, #tpu.memory_space<semaphore_mem>>
        %dma_start3A = arith.constant 0 : i32
        %dma_start3A_90 = arith.constant 0 : i32
        %dma_start3A_91 = arith.constant 0 : i32
        %dma_start3A_92 = tpu.memref_slice %arg6[%run_scoped3A, %dma_start3A, %dma_start3A_90, %dma_start3A_91] : memref<2x4x10240x128xf32, #tpu.memory_space<hbm>> -> memref<1x4x10240x128xf32, #tpu.memory_space<hbm>>
        %dma_start3A_93 = tpu.memref_squeeze %dma_start3A_92 : memref<1x4x10240x128xf32, #tpu.memory_space<hbm>> -> memref<4x10240x128xf32, #tpu.memory_space<hbm>>
        %dma_start3A_94 = arith.constant 0 : i32
        %dma_start3A_95 = arith.constant 0 : i32
        %dma_start3A_96 = tpu.memref_slice %dma_start3A_93[%run_scoped3A_88, %dma_start3A_94, %dma_start3A_95] : memref<4x10240x128xf32, #tpu.memory_space<hbm>> -> memref<1x10240x128xf32, #tpu.memory_space<hbm>>
        %dma_start3A_97 = tpu.memref_squeeze %dma_start3A_96 : memref<1x10240x128xf32, #tpu.memory_space<hbm>> -> memref<10240x128xf32, #tpu.memory_space<hbm>>
        %dma_start3A_98 = arith.constant 0 : i32
        %dma_start3A_99 = tpu.memref_slice %dma_start3A_97[%mul3A_87, %dma_start3A_98] : memref<10240x128xf32, #tpu.memory_space<hbm>> -> memref<640x128xf32, #tpu.memory_space<hbm>>
        %dma_start3A_100 = arith.constant 0 : i32
        %dma_start3A_101 = tpu.memref_slice %arg10[%mul3A_85, %dma_start3A_100] : memref<10240x128xf32, #tpu.memory_space<vmem_shared>> -> memref<640x128xf32, #tpu.memory_space<vmem_shared>>
        tpu.enqueue_dma source(%dma_start3A_101 : memref<640x128xf32, #tpu.memory_space<vmem_shared>>) target(%dma_start3A_99 : memref<640x128xf32, #tpu.memory_space<hbm>>) target_semaphore(%run_scoped3A_89 : memref<!tpu.dma_semaphore, #tpu.memory_space<semaphore_mem>>)
        %dma_wait3A = arith.constant 0 : i32
        %dma_wait3A_102 = arith.constant 0 : i32
        %dma_wait3A_103 = arith.constant 0 : i32
        %dma_wait3A_104 = tpu.memref_slice %arg6[%run_scoped3A, %dma_wait3A, %dma_wait3A_102, %dma_wait3A_103] : memref<2x4x10240x128xf32, #tpu.memory_space<hbm>> -> memref<1x4x10240x128xf32, #tpu.memory_space<hbm>>
        %dma_wait3A_105 = tpu.memref_squeeze %dma_wait3A_104 : memref<1x4x10240x128xf32, #tpu.memory_space<hbm>> -> memref<4x10240x128xf32, #tpu.memory_space<hbm>>
        %dma_wait3A_106 = arith.constant 0 : i32
        %dma_wait3A_107 = arith.constant 0 : i32
        %dma_wait3A_108 = tpu.memref_slice %dma_wait3A_105[%run_scoped3A_88, %dma_wait3A_106, %dma_wait3A_107] : memref<4x10240x128xf32, #tpu.memory_space<hbm>> -> memref<1x10240x128xf32, #tpu.memory_space<hbm>>
        %dma_wait3A_109 = tpu.memref_squeeze %dma_wait3A_108 : memref<1x10240x128xf32, #tpu.memory_space<hbm>> -> memref<10240x128xf32, #tpu.memory_space<hbm>>
        %dma_wait3A_110 = arith.constant 0 : i32
        %dma_wait3A_111 = tpu.memref_slice %dma_wait3A_109[%mul3A_87, %dma_wait3A_110] : memref<10240x128xf32, #tpu.memory_space<hbm>> -> memref<640x128xf32, #tpu.memory_space<hbm>>
        %dma_wait3A_112 = arith.constant 0 : i32
        %dma_wait3A_113 = tpu.memref_slice %arg10[%mul3A_85, %dma_wait3A_112] : memref<10240x128xf32, #tpu.memory_space<vmem_shared>> -> memref<640x128xf32, #tpu.memory_space<vmem_shared>>
        tpu.wait_dma2 semaphore(%run_scoped3A_89 : memref<!tpu.dma_semaphore, #tpu.memory_space<semaphore_mem>>) src(%dma_wait3A_113 : memref<640x128xf32, #tpu.memory_space<vmem_shared>>) dst(%dma_wait3A_111 : memref<640x128xf32, #tpu.memory_space<hbm>>)
        tpu.yield
      }) : () -> ()
    } else {
    }
    %barrier3A_41 = arith.constant 0 : index
    tpu.barrier barrier_id(%barrier3A_41)
    %mul3A_42 = arith.constant 640 : i32
    %mul3A_43 = arith.muli %arg1, %mul3A_42 : i32
    "tpu.region"() ({
      %run_scoped3A = tpu.sem_alloc : memref<!tpu.dma_semaphore, #tpu.memory_space<semaphore_mem>>
      %dma_start3A = arith.constant 0 : i32
      %dma_start3A_84 = tpu.memref_slice %arg10[%mul3A_43, %dma_start3A] : memref<10240x128xf32, #tpu.memory_space<vmem_shared>> -> memref<640x128xf32, #tpu.memory_space<vmem_shared>>
      tpu.enqueue_dma source(%arg5 : memref<640x128xf32, #tpu.memory_space<hbm>>) target(%dma_start3A_84 : memref<640x128xf32, #tpu.memory_space<vmem_shared>>) target_semaphore(%run_scoped3A : memref<!tpu.dma_semaphore, #tpu.memory_space<semaphore_mem>>)
      %dma_wait3A = arith.constant 0 : i32
      %dma_wait3A_85 = tpu.memref_slice %arg10[%mul3A_43, %dma_wait3A] : memref<10240x128xf32, #tpu.memory_space<vmem_shared>> -> memref<640x128xf32, #tpu.memory_space<vmem_shared>>
      tpu.wait_dma2 semaphore(%run_scoped3A : memref<!tpu.dma_semaphore, #tpu.memory_space<semaphore_mem>>) src(%arg5 : memref<640x128xf32, #tpu.memory_space<hbm>>) dst(%dma_wait3A_85 : memref<640x128xf32, #tpu.memory_space<vmem_shared>>)
      tpu.yield
    }) : () -> ()
    %barrier3A_44 = arith.constant 0 : index
    tpu.barrier barrier_id(%barrier3A_44)
    %scan3A_45 = arith.constant 0 : i32
    %scan3A_46 = arith.constant 0 : i32
    %scan3A_47 = arith.constant 40 : i32
    %scan3A_48 = arith.addi %scan3A_46, %scan3A_47 : i32
    %scan3A_49 = arith.constant 1 : i32
    scf.for %scan3A_84 = %scan3A_46 to %scan3A_48 step %scan3A_49  : i32 {
      %run_scoped3A = arith.constant 2 : i32
      "tpu.region"() ({
        %run_scoped3A_85 = tpu.sem_alloc : memref<!tpu.dma_semaphore, #tpu.memory_space<semaphore_mem>>
        %dma_start3A = arith.constant 0 : i32
        %dma_start3A_86 = tpu.memref_slice %arg7[%scan3A_84, %dma_start3A] : memref<40x128xi32, #tpu.memory_space<vmem>> -> memref<1x128xi32, #tpu.memory_space<vmem>>
        %dma_start3A_87 = tpu.memref_squeeze %dma_start3A_86 : memref<1x128xi32, #tpu.memory_space<vmem>> -> memref<128xi32, #tpu.memory_space<vmem>>
        %dma_start3A_88 = arith.constant 0 : i32
        %dma_start3A_89 = arith.constant 0 : i32
        %dma_start3A_90 = tpu.memref_slice %arg2[%run_scoped3A, %dma_start3A_88, %dma_start3A_89] : memref<4x10240x128xf32, #tpu.memory_space<hbm>> -> memref<1x10240x128xf32, #tpu.memory_space<hbm>>
        %dma_start3A_91 = tpu.memref_squeeze %dma_start3A_90 : memref<1x10240x128xf32, #tpu.memory_space<hbm>> -> memref<10240x128xf32, #tpu.memory_space<hbm>>
        %dma_start3A_92 = arith.constant 0 : i32
        %dma_start3A_93 = arith.constant 0 : i32
        %dma_start3A_94 = tpu.memref_slice %dma_start3A_91[%dma_start3A_92, %dma_start3A_93] : memref<10240x128xf32, #tpu.memory_space<hbm>> -> memref<10240x128xf32, #tpu.memory_space<hbm>>
        tpu.enqueue_indirect_dma source(%dma_start3A_94 : memref<10240x128xf32, #tpu.memory_space<hbm>>) target(%arg9 : memref<128x128xf32, #tpu.memory_space<vmem>>) offsets(%dma_start3A_87 : memref<128xi32, #tpu.memory_space<vmem>>) semaphore(%run_scoped3A_85 : memref<!tpu.dma_semaphore, #tpu.memory_space<semaphore_mem>>)
        %dma_wait3A = arith.constant 0 : i32
        %dma_wait3A_95 = tpu.memref_slice %arg7[%scan3A_84, %dma_wait3A] : memref<40x128xi32, #tpu.memory_space<vmem>> -> memref<1x128xi32, #tpu.memory_space<vmem>>
        %dma_wait3A_96 = tpu.memref_squeeze %dma_wait3A_95 : memref<1x128xi32, #tpu.memory_space<vmem>> -> memref<128xi32, #tpu.memory_space<vmem>>
        %dma_wait3A_97 = arith.constant 0 : i32
        %dma_wait3A_98 = arith.constant 0 : i32
        %dma_wait3A_99 = tpu.memref_slice %arg2[%run_scoped3A, %dma_wait3A_97, %dma_wait3A_98] : memref<4x10240x128xf32, #tpu.memory_space<hbm>> -> memref<1x10240x128xf32, #tpu.memory_space<hbm>>
        %dma_wait3A_100 = tpu.memref_squeeze %dma_wait3A_99 : memref<1x10240x128xf32, #tpu.memory_space<hbm>> -> memref<10240x128xf32, #tpu.memory_space<hbm>>
        %dma_wait3A_101 = arith.constant 0 : i32
        %dma_wait3A_102 = arith.constant 0 : i32
        %dma_wait3A_103 = tpu.memref_slice %dma_wait3A_100[%dma_wait3A_101, %dma_wait3A_102] : memref<10240x128xf32, #tpu.memory_space<hbm>> -> memref<10240x128xf32, #tpu.memory_space<hbm>>
        tpu.wait_indirect_dma semaphore(%run_scoped3A_85 : memref<!tpu.dma_semaphore, #tpu.memory_space<semaphore_mem>>) src(%dma_wait3A_103 : memref<10240x128xf32, #tpu.memory_space<hbm>>) dst(%arg9 : memref<128x128xf32, #tpu.memory_space<vmem>>)
        tpu.yield
      }) : () -> ()
      "tpu.region"() ({
        %run_scoped3A_85 = tpu.sem_alloc : memref<!tpu.dma_semaphore, #tpu.memory_space<semaphore_mem>>
        %dma_start3A = arith.constant 0 : i32
        %dma_start3A_86 = tpu.memref_slice %arg8[%scan3A_84, %dma_start3A] : memref<40x128xi32, #tpu.memory_space<vmem>> -> memref<1x128xi32, #tpu.memory_space<vmem>>
        %dma_start3A_87 = tpu.memref_squeeze %dma_start3A_86 : memref<1x128xi32, #tpu.memory_space<vmem>> -> memref<128xi32, #tpu.memory_space<vmem>>
        %dma_start3A_88 = arith.constant 0 : i32
        %dma_start3A_89 = arith.constant 0 : i32
        %dma_start3A_90 = tpu.memref_slice %arg10[%dma_start3A_88, %dma_start3A_89] : memref<10240x128xf32, #tpu.memory_space<vmem_shared>> -> memref<10240x128xf32, #tpu.memory_space<vmem_shared>>
        tpu.enqueue_indirect_dma source(%arg9 : memref<128x128xf32, #tpu.memory_space<vmem>>) target(%dma_start3A_90 : memref<10240x128xf32, #tpu.memory_space<vmem_shared>>) offsets(%dma_start3A_87 : memref<128xi32, #tpu.memory_space<vmem>>) semaphore(%run_scoped3A_85 : memref<!tpu.dma_semaphore, #tpu.memory_space<semaphore_mem>>) {add = true}
        %dma_wait3A = arith.constant 0 : i32
        %dma_wait3A_91 = tpu.memref_slice %arg8[%scan3A_84, %dma_wait3A] : memref<40x128xi32, #tpu.memory_space<vmem>> -> memref<1x128xi32, #tpu.memory_space<vmem>>
        %dma_wait3A_92 = tpu.memref_squeeze %dma_wait3A_91 : memref<1x128xi32, #tpu.memory_space<vmem>> -> memref<128xi32, #tpu.memory_space<vmem>>
        %dma_wait3A_93 = arith.constant 0 : i32
        %dma_wait3A_94 = arith.constant 0 : i32
        %dma_wait3A_95 = tpu.memref_slice %arg10[%dma_wait3A_93, %dma_wait3A_94] : memref<10240x128xf32, #tpu.memory_space<vmem_shared>> -> memref<10240x128xf32, #tpu.memory_space<vmem_shared>>
        tpu.wait_indirect_dma semaphore(%run_scoped3A_85 : memref<!tpu.dma_semaphore, #tpu.memory_space<semaphore_mem>>) src(%arg9 : memref<128x128xf32, #tpu.memory_space<vmem>>) dst(%dma_wait3A_95 : memref<10240x128xf32, #tpu.memory_space<vmem_shared>>)
        tpu.yield
      }) : () -> ()
    }
    %scan3A_50 = arith.constant 40 : i32
    %barrier3A_51 = arith.constant 0 : index
    tpu.barrier barrier_id(%barrier3A_51)
    %eq3A_52 = arith.constant 0 : i32
    %eq3A_53 = arith.cmpi eq, %arg0, %eq3A_52 : i32
    %convert_element_type3A_54 = arith.extui %eq3A_53 : i1 to i32
    %cond3A_55 = arith.constant 0 : i32
    %cond3A_56 = arith.cmpi ne, %convert_element_type3A_54, %cond3A_55 : i32
    scf.if %cond3A_56 {
      %mul3A_84 = arith.constant 640 : i32
      %mul3A_85 = arith.muli %arg1, %mul3A_84 : i32
      %mul3A_86 = arith.constant 640 : i32
      %mul3A_87 = arith.muli %arg1, %mul3A_86 : i32
      %run_scoped3A = arith.constant 0 : i32
      %run_scoped3A_88 = arith.constant 2 : i32
      "tpu.region"() ({
        %run_scoped3A_89 = tpu.sem_alloc : memref<!tpu.dma_semaphore, #tpu.memory_space<semaphore_mem>>
        %dma_start3A = arith.constant 0 : i32
        %dma_start3A_90 = arith.constant 0 : i32
        %dma_start3A_91 = arith.constant 0 : i32
        %dma_start3A_92 = tpu.memref_slice %arg6[%run_scoped3A, %dma_start3A, %dma_start3A_90, %dma_start3A_91] : memref<2x4x10240x128xf32, #tpu.memory_space<hbm>> -> memref<1x4x10240x128xf32, #tpu.memory_space<hbm>>
        %dma_start3A_93 = tpu.memref_squeeze %dma_start3A_92 : memref<1x4x10240x128xf32, #tpu.memory_space<hbm>> -> memref<4x10240x128xf32, #tpu.memory_space<hbm>>
        %dma_start3A_94 = arith.constant 0 : i32
        %dma_start3A_95 = arith.constant 0 : i32
        %dma_start3A_96 = tpu.memref_slice %dma_start3A_93[%run_scoped3A_88, %dma_start3A_94, %dma_start3A_95] : memref<4x10240x128xf32, #tpu.memory_space<hbm>> -> memref<1x10240x128xf32, #tpu.memory_space<hbm>>
        %dma_start3A_97 = tpu.memref_squeeze %dma_start3A_96 : memref<1x10240x128xf32, #tpu.memory_space<hbm>> -> memref<10240x128xf32, #tpu.memory_space<hbm>>
        %dma_start3A_98 = arith.constant 0 : i32
        %dma_start3A_99 = tpu.memref_slice %dma_start3A_97[%mul3A_87, %dma_start3A_98] : memref<10240x128xf32, #tpu.memory_space<hbm>> -> memref<640x128xf32, #tpu.memory_space<hbm>>
        %dma_start3A_100 = arith.constant 0 : i32
        %dma_start3A_101 = tpu.memref_slice %arg10[%mul3A_85, %dma_start3A_100] : memref<10240x128xf32, #tpu.memory_space<vmem_shared>> -> memref<640x128xf32, #tpu.memory_space<vmem_shared>>
        tpu.enqueue_dma source(%dma_start3A_101 : memref<640x128xf32, #tpu.memory_space<vmem_shared>>) target(%dma_start3A_99 : memref<640x128xf32, #tpu.memory_space<hbm>>) target_semaphore(%run_scoped3A_89 : memref<!tpu.dma_semaphore, #tpu.memory_space<semaphore_mem>>)
        %dma_wait3A = arith.constant 0 : i32
        %dma_wait3A_102 = arith.constant 0 : i32
        %dma_wait3A_103 = arith.constant 0 : i32
        %dma_wait3A_104 = tpu.memref_slice %arg6[%run_scoped3A, %dma_wait3A, %dma_wait3A_102, %dma_wait3A_103] : memref<2x4x10240x128xf32, #tpu.memory_space<hbm>> -> memref<1x4x10240x128xf32, #tpu.memory_space<hbm>>
        %dma_wait3A_105 = tpu.memref_squeeze %dma_wait3A_104 : memref<1x4x10240x128xf32, #tpu.memory_space<hbm>> -> memref<4x10240x128xf32, #tpu.memory_space<hbm>>
        %dma_wait3A_106 = arith.constant 0 : i32
        %dma_wait3A_107 = arith.constant 0 : i32
        %dma_wait3A_108 = tpu.memref_slice %dma_wait3A_105[%run_scoped3A_88, %dma_wait3A_106, %dma_wait3A_107] : memref<4x10240x128xf32, #tpu.memory_space<hbm>> -> memref<1x10240x128xf32, #tpu.memory_space<hbm>>
        %dma_wait3A_109 = tpu.memref_squeeze %dma_wait3A_108 : memref<1x10240x128xf32, #tpu.memory_space<hbm>> -> memref<10240x128xf32, #tpu.memory_space<hbm>>
        %dma_wait3A_110 = arith.constant 0 : i32
        %dma_wait3A_111 = tpu.memref_slice %dma_wait3A_109[%mul3A_87, %dma_wait3A_110] : memref<10240x128xf32, #tpu.memory_space<hbm>> -> memref<640x128xf32, #tpu.memory_space<hbm>>
        %dma_wait3A_112 = arith.constant 0 : i32
        %dma_wait3A_113 = tpu.memref_slice %arg10[%mul3A_85, %dma_wait3A_112] : memref<10240x128xf32, #tpu.memory_space<vmem_shared>> -> memref<640x128xf32, #tpu.memory_space<vmem_shared>>
        tpu.wait_dma2 semaphore(%run_scoped3A_89 : memref<!tpu.dma_semaphore, #tpu.memory_space<semaphore_mem>>) src(%dma_wait3A_113 : memref<640x128xf32, #tpu.memory_space<vmem_shared>>) dst(%dma_wait3A_111 : memref<640x128xf32, #tpu.memory_space<hbm>>)
        tpu.yield
      }) : () -> ()
    } else {
    }
    %eq3A_57 = arith.constant 1 : i32
    %eq3A_58 = arith.cmpi eq, %arg0, %eq3A_57 : i32
    %convert_element_type3A_59 = arith.extui %eq3A_58 : i1 to i32
    %cond3A_60 = arith.constant 0 : i32
    %cond3A_61 = arith.cmpi ne, %convert_element_type3A_59, %cond3A_60 : i32
    scf.if %cond3A_61 {
      %mul3A_84 = arith.constant 640 : i32
      %mul3A_85 = arith.muli %arg1, %mul3A_84 : i32
      %mul3A_86 = arith.constant 640 : i32
      %mul3A_87 = arith.muli %arg1, %mul3A_86 : i32
      %run_scoped3A = arith.constant 1 : i32
      %run_scoped3A_88 = arith.constant 2 : i32
      "tpu.region"() ({
        %run_scoped3A_89 = tpu.sem_alloc : memref<!tpu.dma_semaphore, #tpu.memory_space<semaphore_mem>>
        %dma_start3A = arith.constant 0 : i32
        %dma_start3A_90 = arith.constant 0 : i32
        %dma_start3A_91 = arith.constant 0 : i32
        %dma_start3A_92 = tpu.memref_slice %arg6[%run_scoped3A, %dma_start3A, %dma_start3A_90, %dma_start3A_91] : memref<2x4x10240x128xf32, #tpu.memory_space<hbm>> -> memref<1x4x10240x128xf32, #tpu.memory_space<hbm>>
        %dma_start3A_93 = tpu.memref_squeeze %dma_start3A_92 : memref<1x4x10240x128xf32, #tpu.memory_space<hbm>> -> memref<4x10240x128xf32, #tpu.memory_space<hbm>>
        %dma_start3A_94 = arith.constant 0 : i32
        %dma_start3A_95 = arith.constant 0 : i32
        %dma_start3A_96 = tpu.memref_slice %dma_start3A_93[%run_scoped3A_88, %dma_start3A_94, %dma_start3A_95] : memref<4x10240x128xf32, #tpu.memory_space<hbm>> -> memref<1x10240x128xf32, #tpu.memory_space<hbm>>
        %dma_start3A_97 = tpu.memref_squeeze %dma_start3A_96 : memref<1x10240x128xf32, #tpu.memory_space<hbm>> -> memref<10240x128xf32, #tpu.memory_space<hbm>>
        %dma_start3A_98 = arith.constant 0 : i32
        %dma_start3A_99 = tpu.memref_slice %dma_start3A_97[%mul3A_87, %dma_start3A_98] : memref<10240x128xf32, #tpu.memory_space<hbm>> -> memref<640x128xf32, #tpu.memory_space<hbm>>
        %dma_start3A_100 = arith.constant 0 : i32
        %dma_start3A_101 = tpu.memref_slice %arg10[%mul3A_85, %dma_start3A_100] : memref<10240x128xf32, #tpu.memory_space<vmem_shared>> -> memref<640x128xf32, #tpu.memory_space<vmem_shared>>
        tpu.enqueue_dma source(%dma_start3A_101 : memref<640x128xf32, #tpu.memory_space<vmem_shared>>) target(%dma_start3A_99 : memref<640x128xf32, #tpu.memory_space<hbm>>) target_semaphore(%run_scoped3A_89 : memref<!tpu.dma_semaphore, #tpu.memory_space<semaphore_mem>>)
        %dma_wait3A = arith.constant 0 : i32
        %dma_wait3A_102 = arith.constant 0 : i32
        %dma_wait3A_103 = arith.constant 0 : i32
        %dma_wait3A_104 = tpu.memref_slice %arg6[%run_scoped3A, %dma_wait3A, %dma_wait3A_102, %dma_wait3A_103] : memref<2x4x10240x128xf32, #tpu.memory_space<hbm>> -> memref<1x4x10240x128xf32, #tpu.memory_space<hbm>>
        %dma_wait3A_105 = tpu.memref_squeeze %dma_wait3A_104 : memref<1x4x10240x128xf32, #tpu.memory_space<hbm>> -> memref<4x10240x128xf32, #tpu.memory_space<hbm>>
        %dma_wait3A_106 = arith.constant 0 : i32
        %dma_wait3A_107 = arith.constant 0 : i32
        %dma_wait3A_108 = tpu.memref_slice %dma_wait3A_105[%run_scoped3A_88, %dma_wait3A_106, %dma_wait3A_107] : memref<4x10240x128xf32, #tpu.memory_space<hbm>> -> memref<1x10240x128xf32, #tpu.memory_space<hbm>>
        %dma_wait3A_109 = tpu.memref_squeeze %dma_wait3A_108 : memref<1x10240x128xf32, #tpu.memory_space<hbm>> -> memref<10240x128xf32, #tpu.memory_space<hbm>>
        %dma_wait3A_110 = arith.constant 0 : i32
        %dma_wait3A_111 = tpu.memref_slice %dma_wait3A_109[%mul3A_87, %dma_wait3A_110] : memref<10240x128xf32, #tpu.memory_space<hbm>> -> memref<640x128xf32, #tpu.memory_space<hbm>>
        %dma_wait3A_112 = arith.constant 0 : i32
        %dma_wait3A_113 = tpu.memref_slice %arg10[%mul3A_85, %dma_wait3A_112] : memref<10240x128xf32, #tpu.memory_space<vmem_shared>> -> memref<640x128xf32, #tpu.memory_space<vmem_shared>>
        tpu.wait_dma2 semaphore(%run_scoped3A_89 : memref<!tpu.dma_semaphore, #tpu.memory_space<semaphore_mem>>) src(%dma_wait3A_113 : memref<640x128xf32, #tpu.memory_space<vmem_shared>>) dst(%dma_wait3A_111 : memref<640x128xf32, #tpu.memory_space<hbm>>)
        tpu.yield
      }) : () -> ()
    } else {
    }
    %barrier3A_62 = arith.constant 0 : index
    tpu.barrier barrier_id(%barrier3A_62)
    %mul3A_63 = arith.constant 640 : i32
    %mul3A_64 = arith.muli %arg1, %mul3A_63 : i32
    "tpu.region"() ({
      %run_scoped3A = tpu.sem_alloc : memref<!tpu.dma_semaphore, #tpu.memory_space<semaphore_mem>>
      %dma_start3A = arith.constant 0 : i32
      %dma_start3A_84 = tpu.memref_slice %arg10[%mul3A_64, %dma_start3A] : memref<10240x128xf32, #tpu.memory_space<vmem_shared>> -> memref<640x128xf32, #tpu.memory_space<vmem_shared>>
      tpu.enqueue_dma source(%arg5 : memref<640x128xf32, #tpu.memory_space<hbm>>) target(%dma_start3A_84 : memref<640x128xf32, #tpu.memory_space<vmem_shared>>) target_semaphore(%run_scoped3A : memref<!tpu.dma_semaphore, #tpu.memory_space<semaphore_mem>>)
      %dma_wait3A = arith.constant 0 : i32
      %dma_wait3A_85 = tpu.memref_slice %arg10[%mul3A_64, %dma_wait3A] : memref<10240x128xf32, #tpu.memory_space<vmem_shared>> -> memref<640x128xf32, #tpu.memory_space<vmem_shared>>
      tpu.wait_dma2 semaphore(%run_scoped3A : memref<!tpu.dma_semaphore, #tpu.memory_space<semaphore_mem>>) src(%arg5 : memref<640x128xf32, #tpu.memory_space<hbm>>) dst(%dma_wait3A_85 : memref<640x128xf32, #tpu.memory_space<vmem_shared>>)
      tpu.yield
    }) : () -> ()
    %barrier3A_65 = arith.constant 0 : index
    tpu.barrier barrier_id(%barrier3A_65)
    %scan3A_66 = arith.constant 0 : i32
    %scan3A_67 = arith.constant 0 : i32
    %scan3A_68 = arith.constant 40 : i32
    %scan3A_69 = arith.addi %scan3A_67, %scan3A_68 : i32
    %scan3A_70 = arith.constant 1 : i32
    scf.for %scan3A_84 = %scan3A_67 to %scan3A_69 step %scan3A_70  : i32 {
      %run_scoped3A = arith.constant 3 : i32
      "tpu.region"() ({
        %run_scoped3A_85 = tpu.sem_alloc : memref<!tpu.dma_semaphore, #tpu.memory_space<semaphore_mem>>
        %dma_start3A = arith.constant 0 : i32
        %dma_start3A_86 = tpu.memref_slice %arg7[%scan3A_84, %dma_start3A] : memref<40x128xi32, #tpu.memory_space<vmem>> -> memref<1x128xi32, #tpu.memory_space<vmem>>
        %dma_start3A_87 = tpu.memref_squeeze %dma_start3A_86 : memref<1x128xi32, #tpu.memory_space<vmem>> -> memref<128xi32, #tpu.memory_space<vmem>>
        %dma_start3A_88 = arith.constant 0 : i32
        %dma_start3A_89 = arith.constant 0 : i32
        %dma_start3A_90 = tpu.memref_slice %arg2[%run_scoped3A, %dma_start3A_88, %dma_start3A_89] : memref<4x10240x128xf32, #tpu.memory_space<hbm>> -> memref<1x10240x128xf32, #tpu.memory_space<hbm>>
        %dma_start3A_91 = tpu.memref_squeeze %dma_start3A_90 : memref<1x10240x128xf32, #tpu.memory_space<hbm>> -> memref<10240x128xf32, #tpu.memory_space<hbm>>
        %dma_start3A_92 = arith.constant 0 : i32
        %dma_start3A_93 = arith.constant 0 : i32
        %dma_start3A_94 = tpu.memref_slice %dma_start3A_91[%dma_start3A_92, %dma_start3A_93] : memref<10240x128xf32, #tpu.memory_space<hbm>> -> memref<10240x128xf32, #tpu.memory_space<hbm>>
        tpu.enqueue_indirect_dma source(%dma_start3A_94 : memref<10240x128xf32, #tpu.memory_space<hbm>>) target(%arg9 : memref<128x128xf32, #tpu.memory_space<vmem>>) offsets(%dma_start3A_87 : memref<128xi32, #tpu.memory_space<vmem>>) semaphore(%run_scoped3A_85 : memref<!tpu.dma_semaphore, #tpu.memory_space<semaphore_mem>>)
        %dma_wait3A = arith.constant 0 : i32
        %dma_wait3A_95 = tpu.memref_slice %arg7[%scan3A_84, %dma_wait3A] : memref<40x128xi32, #tpu.memory_space<vmem>> -> memref<1x128xi32, #tpu.memory_space<vmem>>
        %dma_wait3A_96 = tpu.memref_squeeze %dma_wait3A_95 : memref<1x128xi32, #tpu.memory_space<vmem>> -> memref<128xi32, #tpu.memory_space<vmem>>
        %dma_wait3A_97 = arith.constant 0 : i32
        %dma_wait3A_98 = arith.constant 0 : i32
        %dma_wait3A_99 = tpu.memref_slice %arg2[%run_scoped3A, %dma_wait3A_97, %dma_wait3A_98] : memref<4x10240x128xf32, #tpu.memory_space<hbm>> -> memref<1x10240x128xf32, #tpu.memory_space<hbm>>
        %dma_wait3A_100 = tpu.memref_squeeze %dma_wait3A_99 : memref<1x10240x128xf32, #tpu.memory_space<hbm>> -> memref<10240x128xf32, #tpu.memory_space<hbm>>
        %dma_wait3A_101 = arith.constant 0 : i32
        %dma_wait3A_102 = arith.constant 0 : i32
        %dma_wait3A_103 = tpu.memref_slice %dma_wait3A_100[%dma_wait3A_101, %dma_wait3A_102] : memref<10240x128xf32, #tpu.memory_space<hbm>> -> memref<10240x128xf32, #tpu.memory_space<hbm>>
        tpu.wait_indirect_dma semaphore(%run_scoped3A_85 : memref<!tpu.dma_semaphore, #tpu.memory_space<semaphore_mem>>) src(%dma_wait3A_103 : memref<10240x128xf32, #tpu.memory_space<hbm>>) dst(%arg9 : memref<128x128xf32, #tpu.memory_space<vmem>>)
        tpu.yield
      }) : () -> ()
      "tpu.region"() ({
        %run_scoped3A_85 = tpu.sem_alloc : memref<!tpu.dma_semaphore, #tpu.memory_space<semaphore_mem>>
        %dma_start3A = arith.constant 0 : i32
        %dma_start3A_86 = tpu.memref_slice %arg8[%scan3A_84, %dma_start3A] : memref<40x128xi32, #tpu.memory_space<vmem>> -> memref<1x128xi32, #tpu.memory_space<vmem>>
        %dma_start3A_87 = tpu.memref_squeeze %dma_start3A_86 : memref<1x128xi32, #tpu.memory_space<vmem>> -> memref<128xi32, #tpu.memory_space<vmem>>
        %dma_start3A_88 = arith.constant 0 : i32
        %dma_start3A_89 = arith.constant 0 : i32
        %dma_start3A_90 = tpu.memref_slice %arg10[%dma_start3A_88, %dma_start3A_89] : memref<10240x128xf32, #tpu.memory_space<vmem_shared>> -> memref<10240x128xf32, #tpu.memory_space<vmem_shared>>
        tpu.enqueue_indirect_dma source(%arg9 : memref<128x128xf32, #tpu.memory_space<vmem>>) target(%dma_start3A_90 : memref<10240x128xf32, #tpu.memory_space<vmem_shared>>) offsets(%dma_start3A_87 : memref<128xi32, #tpu.memory_space<vmem>>) semaphore(%run_scoped3A_85 : memref<!tpu.dma_semaphore, #tpu.memory_space<semaphore_mem>>) {add = true}
        %dma_wait3A = arith.constant 0 : i32
        %dma_wait3A_91 = tpu.memref_slice %arg8[%scan3A_84, %dma_wait3A] : memref<40x128xi32, #tpu.memory_space<vmem>> -> memref<1x128xi32, #tpu.memory_space<vmem>>
        %dma_wait3A_92 = tpu.memref_squeeze %dma_wait3A_91 : memref<1x128xi32, #tpu.memory_space<vmem>> -> memref<128xi32, #tpu.memory_space<vmem>>
        %dma_wait3A_93 = arith.constant 0 : i32
        %dma_wait3A_94 = arith.constant 0 : i32
        %dma_wait3A_95 = tpu.memref_slice %arg10[%dma_wait3A_93, %dma_wait3A_94] : memref<10240x128xf32, #tpu.memory_space<vmem_shared>> -> memref<10240x128xf32, #tpu.memory_space<vmem_shared>>
        tpu.wait_indirect_dma semaphore(%run_scoped3A_85 : memref<!tpu.dma_semaphore, #tpu.memory_space<semaphore_mem>>) src(%arg9 : memref<128x128xf32, #tpu.memory_space<vmem>>) dst(%dma_wait3A_95 : memref<10240x128xf32, #tpu.memory_space<vmem_shared>>)
        tpu.yield
      }) : () -> ()
    }
    %scan3A_71 = arith.constant 40 : i32
    %barrier3A_72 = arith.constant 0 : index
    tpu.barrier barrier_id(%barrier3A_72)
    %eq3A_73 = arith.constant 0 : i32
    %eq3A_74 = arith.cmpi eq, %arg0, %eq3A_73 : i32
    %convert_element_type3A_75 = arith.extui %eq3A_74 : i1 to i32
    %cond3A_76 = arith.constant 0 : i32
    %cond3A_77 = arith.cmpi ne, %convert_element_type3A_75, %cond3A_76 : i32
    scf.if %cond3A_77 {
      %mul3A_84 = arith.constant 640 : i32
      %mul3A_85 = arith.muli %arg1, %mul3A_84 : i32
      %mul3A_86 = arith.constant 640 : i32
      %mul3A_87 = arith.muli %arg1, %mul3A_86 : i32
      %run_scoped3A = arith.constant 0 : i32
      %run_scoped3A_88 = arith.constant 3 : i32
      "tpu.region"() ({
        %run_scoped3A_89 = tpu.sem_alloc : memref<!tpu.dma_semaphore, #tpu.memory_space<semaphore_mem>>
        %dma_start3A = arith.constant 0 : i32
        %dma_start3A_90 = arith.constant 0 : i32
        %dma_start3A_91 = arith.constant 0 : i32
        %dma_start3A_92 = tpu.memref_slice %arg6[%run_scoped3A, %dma_start3A, %dma_start3A_90, %dma_start3A_91] : memref<2x4x10240x128xf32, #tpu.memory_space<hbm>> -> memref<1x4x10240x128xf32, #tpu.memory_space<hbm>>
        %dma_start3A_93 = tpu.memref_squeeze %dma_start3A_92 : memref<1x4x10240x128xf32, #tpu.memory_space<hbm>> -> memref<4x10240x128xf32, #tpu.memory_space<hbm>>
        %dma_start3A_94 = arith.constant 0 : i32
        %dma_start3A_95 = arith.constant 0 : i32
        %dma_start3A_96 = tpu.memref_slice %dma_start3A_93[%run_scoped3A_88, %dma_start3A_94, %dma_start3A_95] : memref<4x10240x128xf32, #tpu.memory_space<hbm>> -> memref<1x10240x128xf32, #tpu.memory_space<hbm>>
        %dma_start3A_97 = tpu.memref_squeeze %dma_start3A_96 : memref<1x10240x128xf32, #tpu.memory_space<hbm>> -> memref<10240x128xf32, #tpu.memory_space<hbm>>
        %dma_start3A_98 = arith.constant 0 : i32
        %dma_start3A_99 = tpu.memref_slice %dma_start3A_97[%mul3A_87, %dma_start3A_98] : memref<10240x128xf32, #tpu.memory_space<hbm>> -> memref<640x128xf32, #tpu.memory_space<hbm>>
        %dma_start3A_100 = arith.constant 0 : i32
        %dma_start3A_101 = tpu.memref_slice %arg10[%mul3A_85, %dma_start3A_100] : memref<10240x128xf32, #tpu.memory_space<vmem_shared>> -> memref<640x128xf32, #tpu.memory_space<vmem_shared>>
        tpu.enqueue_dma source(%dma_start3A_101 : memref<640x128xf32, #tpu.memory_space<vmem_shared>>) target(%dma_start3A_99 : memref<640x128xf32, #tpu.memory_space<hbm>>) target_semaphore(%run_scoped3A_89 : memref<!tpu.dma_semaphore, #tpu.memory_space<semaphore_mem>>)
        %dma_wait3A = arith.constant 0 : i32
        %dma_wait3A_102 = arith.constant 0 : i32
        %dma_wait3A_103 = arith.constant 0 : i32
        %dma_wait3A_104 = tpu.memref_slice %arg6[%run_scoped3A, %dma_wait3A, %dma_wait3A_102, %dma_wait3A_103] : memref<2x4x10240x128xf32, #tpu.memory_space<hbm>> -> memref<1x4x10240x128xf32, #tpu.memory_space<hbm>>
        %dma_wait3A_105 = tpu.memref_squeeze %dma_wait3A_104 : memref<1x4x10240x128xf32, #tpu.memory_space<hbm>> -> memref<4x10240x128xf32, #tpu.memory_space<hbm>>
        %dma_wait3A_106 = arith.constant 0 : i32
        %dma_wait3A_107 = arith.constant 0 : i32
        %dma_wait3A_108 = tpu.memref_slice %dma_wait3A_105[%run_scoped3A_88, %dma_wait3A_106, %dma_wait3A_107] : memref<4x10240x128xf32, #tpu.memory_space<hbm>> -> memref<1x10240x128xf32, #tpu.memory_space<hbm>>
        %dma_wait3A_109 = tpu.memref_squeeze %dma_wait3A_108 : memref<1x10240x128xf32, #tpu.memory_space<hbm>> -> memref<10240x128xf32, #tpu.memory_space<hbm>>
        %dma_wait3A_110 = arith.constant 0 : i32
        %dma_wait3A_111 = tpu.memref_slice %dma_wait3A_109[%mul3A_87, %dma_wait3A_110] : memref<10240x128xf32, #tpu.memory_space<hbm>> -> memref<640x128xf32, #tpu.memory_space<hbm>>
        %dma_wait3A_112 = arith.constant 0 : i32
        %dma_wait3A_113 = tpu.memref_slice %arg10[%mul3A_85, %dma_wait3A_112] : memref<10240x128xf32, #tpu.memory_space<vmem_shared>> -> memref<640x128xf32, #tpu.memory_space<vmem_shared>>
        tpu.wait_dma2 semaphore(%run_scoped3A_89 : memref<!tpu.dma_semaphore, #tpu.memory_space<semaphore_mem>>) src(%dma_wait3A_113 : memref<640x128xf32, #tpu.memory_space<vmem_shared>>) dst(%dma_wait3A_111 : memref<640x128xf32, #tpu.memory_space<hbm>>)
        tpu.yield
      }) : () -> ()
    } else {
    }
    %eq3A_78 = arith.constant 1 : i32
    %eq3A_79 = arith.cmpi eq, %arg0, %eq3A_78 : i32
    %convert_element_type3A_80 = arith.extui %eq3A_79 : i1 to i32
    %cond3A_81 = arith.constant 0 : i32
    %cond3A_82 = arith.cmpi ne, %convert_element_type3A_80, %cond3A_81 : i32
    scf.if %cond3A_82 {
      %mul3A_84 = arith.constant 640 : i32
      %mul3A_85 = arith.muli %arg1, %mul3A_84 : i32
      %mul3A_86 = arith.constant 640 : i32
      %mul3A_87 = arith.muli %arg1, %mul3A_86 : i32
      %run_scoped3A = arith.constant 1 : i32
      %run_scoped3A_88 = arith.constant 3 : i32
      "tpu.region"() ({
        %run_scoped3A_89 = tpu.sem_alloc : memref<!tpu.dma_semaphore, #tpu.memory_space<semaphore_mem>>
        %dma_start3A = arith.constant 0 : i32
        %dma_start3A_90 = arith.constant 0 : i32
        %dma_start3A_91 = arith.constant 0 : i32
        %dma_start3A_92 = tpu.memref_slice %arg6[%run_scoped3A, %dma_start3A, %dma_start3A_90, %dma_start3A_91] : memref<2x4x10240x128xf32, #tpu.memory_space<hbm>> -> memref<1x4x10240x128xf32, #tpu.memory_space<hbm>>
        %dma_start3A_93 = tpu.memref_squeeze %dma_start3A_92 : memref<1x4x10240x128xf32, #tpu.memory_space<hbm>> -> memref<4x10240x128xf32, #tpu.memory_space<hbm>>
        %dma_start3A_94 = arith.constant 0 : i32
        %dma_start3A_95 = arith.constant 0 : i32
        %dma_start3A_96 = tpu.memref_slice %dma_start3A_93[%run_scoped3A_88, %dma_start3A_94, %dma_start3A_95] : memref<4x10240x128xf32, #tpu.memory_space<hbm>> -> memref<1x10240x128xf32, #tpu.memory_space<hbm>>
        %dma_start3A_97 = tpu.memref_squeeze %dma_start3A_96 : memref<1x10240x128xf32, #tpu.memory_space<hbm>> -> memref<10240x128xf32, #tpu.memory_space<hbm>>
        %dma_start3A_98 = arith.constant 0 : i32
        %dma_start3A_99 = tpu.memref_slice %dma_start3A_97[%mul3A_87, %dma_start3A_98] : memref<10240x128xf32, #tpu.memory_space<hbm>> -> memref<640x128xf32, #tpu.memory_space<hbm>>
        %dma_start3A_100 = arith.constant 0 : i32
        %dma_start3A_101 = tpu.memref_slice %arg10[%mul3A_85, %dma_start3A_100] : memref<10240x128xf32, #tpu.memory_space<vmem_shared>> -> memref<640x128xf32, #tpu.memory_space<vmem_shared>>
        tpu.enqueue_dma source(%dma_start3A_101 : memref<640x128xf32, #tpu.memory_space<vmem_shared>>) target(%dma_start3A_99 : memref<640x128xf32, #tpu.memory_space<hbm>>) target_semaphore(%run_scoped3A_89 : memref<!tpu.dma_semaphore, #tpu.memory_space<semaphore_mem>>)
        %dma_wait3A = arith.constant 0 : i32
        %dma_wait3A_102 = arith.constant 0 : i32
        %dma_wait3A_103 = arith.constant 0 : i32
        %dma_wait3A_104 = tpu.memref_slice %arg6[%run_scoped3A, %dma_wait3A, %dma_wait3A_102, %dma_wait3A_103] : memref<2x4x10240x128xf32, #tpu.memory_space<hbm>> -> memref<1x4x10240x128xf32, #tpu.memory_space<hbm>>
        %dma_wait3A_105 = tpu.memref_squeeze %dma_wait3A_104 : memref<1x4x10240x128xf32, #tpu.memory_space<hbm>> -> memref<4x10240x128xf32, #tpu.memory_space<hbm>>
        %dma_wait3A_106 = arith.constant 0 : i32
        %dma_wait3A_107 = arith.constant 0 : i32
        %dma_wait3A_108 = tpu.memref_slice %dma_wait3A_105[%run_scoped3A_88, %dma_wait3A_106, %dma_wait3A_107] : memref<4x10240x128xf32, #tpu.memory_space<hbm>> -> memref<1x10240x128xf32, #tpu.memory_space<hbm>>
        %dma_wait3A_109 = tpu.memref_squeeze %dma_wait3A_108 : memref<1x10240x128xf32, #tpu.memory_space<hbm>> -> memref<10240x128xf32, #tpu.memory_space<hbm>>
        %dma_wait3A_110 = arith.constant 0 : i32
        %dma_wait3A_111 = tpu.memref_slice %dma_wait3A_109[%mul3A_87, %dma_wait3A_110] : memref<10240x128xf32, #tpu.memory_space<hbm>> -> memref<640x128xf32, #tpu.memory_space<hbm>>
        %dma_wait3A_112 = arith.constant 0 : i32
        %dma_wait3A_113 = tpu.memref_slice %arg10[%mul3A_85, %dma_wait3A_112] : memref<10240x128xf32, #tpu.memory_space<vmem_shared>> -> memref<640x128xf32, #tpu.memory_space<vmem_shared>>
        tpu.wait_dma2 semaphore(%run_scoped3A_89 : memref<!tpu.dma_semaphore, #tpu.memory_space<semaphore_mem>>) src(%dma_wait3A_113 : memref<640x128xf32, #tpu.memory_space<vmem_shared>>) dst(%dma_wait3A_111 : memref<640x128xf32, #tpu.memory_space<hbm>>)
        tpu.yield
      }) : () -> ()
    } else {
    }
    %barrier3A_83 = arith.constant 0 : index
    tpu.barrier barrier_id(%barrier3A_83)
    return
  }
}

#map = affine_map<(d0, d1) -> (0, 0, 0)>
#map1 = affine_map<(d0, d1) -> (0, 0)>
#map2 = affine_map<(d0, d1) -> (0, 0, 0, 0)>
module attributes {stable_mosaic.version = 14 : i64} {
  func.func @_sc_scatter_body(%arg0: i32, %arg1: i32, %arg2: memref<4x10240x128xf32, #tpu.memory_space<hbm>>, %arg3: memref<1280x128xi32, #tpu.memory_space<hbm>>, %arg4: memref<1280x128xi32, #tpu.memory_space<hbm>>, %arg5: memref<640x128xf32, #tpu.memory_space<hbm>>, %arg6: memref<2x4x10240x128xf32, #tpu.memory_space<hbm>>, %arg7: memref<40x128xi32, #tpu.memory_space<vmem>>, %arg8: memref<40x128xi32, #tpu.memory_space<vmem>>, %arg9: memref<128x128xf32, #tpu.memory_space<vmem>>, %arg10: memref<10240x128xf32, #tpu.memory_space<vmem_shared>>) attributes {dimension_semantics = [#tpu.dimension_semantics<core_parallel>, #tpu.dimension_semantics<subcore_parallel>], iteration_bounds = array<i64: 2, 16>, scalar_prefetch = 0 : i64, scratch_operands = 4 : i64, tpu.core_type = #tpu.core_type<sc_vector_subcore>, window_params = [{transform_indices = #map}, {transform_indices = #map1}, {transform_indices = #map1}, {transform_indices = #map1}, {transform_indices = #map2}]} {
    %mul3A = arith.constant 2 : i32
    %mul3A_0 = arith.muli %arg1, %mul3A : i32
    %add3A = arith.addi %mul3A_0, %arg0 : i32
    %mul3A_1 = arith.constant 40 : i32
    %mul3A_2 = arith.muli %add3A, %mul3A_1 : i32
    "tpu.region"() ({
      %run_scoped3A = tpu.sem_alloc : memref<!tpu.dma_semaphore, #tpu.memory_space<semaphore_mem>>
      %dma_start3A = arith.constant 0 : i32
      %dma_start3A_84 = tpu.memref_slice %arg3[%mul3A_2, %dma_start3A] : memref<1280x128xi32, #tpu.memory_space<hbm>> -> memref<40x128xi32, #tpu.memory_space<hbm>>
      %dma_start3A_85 = arith.constant 0 : i32
      %dma_start3A_86 = tpu.memref_slice %arg3[%mul3A_2, %dma_start3A_85] : memref<1280x128xi32, #tpu.memory_space<hbm>> -> memref<40x128xi32, #tpu.memory_space<hbm>>
      tpu.enqueue_dma source(%dma_start3A_86 : memref<40x128xi32, #tpu.memory_space<hbm>>) target(%arg7 : memref<40x128xi32, #tpu.memory_space<vmem>>) target_semaphore(%run_scoped3A : memref<!tpu.dma_semaphore, #tpu.memory_space<semaphore_mem>>)
      %dma_wait3A = arith.constant 0 : i32
      %dma_wait3A_87 = tpu.memref_slice %arg3[%mul3A_2, %dma_wait3A] : memref<1280x128xi32, #tpu.memory_space<hbm>> -> memref<40x128xi32, #tpu.memory_space<hbm>>
      %dma_wait3A_88 = arith.constant 0 : i32
      %dma_wait3A_89 = tpu.memref_slice %arg3[%mul3A_2, %dma_wait3A_88] : memref<1280x128xi32, #tpu.memory_space<hbm>> -> memref<40x128xi32, #tpu.memory_space<hbm>>
      tpu.wait_dma2 semaphore(%run_scoped3A : memref<!tpu.dma_semaphore, #tpu.memory_space<semaphore_mem>>) src(%dma_wait3A_89 : memref<40x128xi32, #tpu.memory_space<hbm>>) dst(%arg7 : memref<40x128xi32, #tpu.memory_space<vmem>>)
      tpu.yield
    }) : () -> ()
    %mul3A_3 = arith.constant 40 : i32
    %mul3A_4 = arith.muli %add3A, %mul3A_3 : i32
    "tpu.region"() ({
      %run_scoped3A = tpu.sem_alloc : memref<!tpu.dma_semaphore, #tpu.memory_space<semaphore_mem>>
      %dma_start3A = arith.constant 0 : i32
      %dma_start3A_84 = tpu.memref_slice %arg4[%mul3A_4, %dma_start3A] : memref<1280x128xi32, #tpu.memory_space<hbm>> -> memref<40x128xi32, #tpu.memory_space<hbm>>
      %dma_start3A_85 = arith.constant 0 : i32
      %dma_start3A_86 = tpu.memref_slice %arg4[%mul3A_4, %dma_start3A_85] : memref<1280x128xi32, #tpu.memory_space<hbm>> -> memref<40x128xi32, #tpu.memory_space<hbm>>
      tpu.enqueue_dma source(%dma_start3A_86 : memref<40x128xi32, #tpu.memory_space<hbm>>) target(%arg8 : memref<40x128xi32, #tpu.memory_space<vmem>>) target_semaphore(%run_scoped3A : memref<!tpu.dma_semaphore, #tpu.memory_space<semaphore_mem>>)
      %dma_wait3A = arith.constant 0 : i32
      %dma_wait3A_87 = tpu.memref_slice %arg4[%mul3A_4, %dma_wait3A] : memref<1280x128xi32, #tpu.memory_space<hbm>> -> memref<40x128xi32, #tpu.memory_space<hbm>>
      %dma_wait3A_88 = arith.constant 0 : i32
      %dma_wait3A_89 = tpu.memref_slice %arg4[%mul3A_4, %dma_wait3A_88] : memref<1280x128xi32, #tpu.memory_space<hbm>> -> memref<40x128xi32, #tpu.memory_space<hbm>>
      tpu.wait_dma2 semaphore(%run_scoped3A : memref<!tpu.dma_semaphore, #tpu.memory_space<semaphore_mem>>) src(%dma_wait3A_89 : memref<40x128xi32, #tpu.memory_space<hbm>>) dst(%arg8 : memref<40x128xi32, #tpu.memory_space<vmem>>)
      tpu.yield
    }) : () -> ()
    %mul3A_5 = arith.constant 640 : i32
    %mul3A_6 = arith.muli %arg1, %mul3A_5 : i32
    "tpu.region"() ({
      %run_scoped3A = tpu.sem_alloc : memref<!tpu.dma_semaphore, #tpu.memory_space<semaphore_mem>>
      %dma_start3A = arith.constant 0 : i32
      %dma_start3A_84 = tpu.memref_slice %arg10[%mul3A_6, %dma_start3A] : memref<10240x128xf32, #tpu.memory_space<vmem_shared>> -> memref<640x128xf32, #tpu.memory_space<vmem_shared>>
      tpu.enqueue_dma source(%arg5 : memref<640x128xf32, #tpu.memory_space<hbm>>) target(%dma_start3A_84 : memref<640x128xf32, #tpu.memory_space<vmem_shared>>) target_semaphore(%run_scoped3A : memref<!tpu.dma_semaphore, #tpu.memory_space<semaphore_mem>>)
      %dma_wait3A = arith.constant 0 : i32
      %dma_wait3A_85 = tpu.memref_slice %arg10[%mul3A_6, %dma_wait3A] : memref<10240x128xf32, #tpu.memory_space<vmem_shared>> -> memref<640x128xf32, #tpu.memory_space<vmem_shared>>
      tpu.wait_dma2 semaphore(%run_scoped3A : memref<!tpu.dma_semaphore, #tpu.memory_space<semaphore_mem>>) src(%arg5 : memref<640x128xf32, #tpu.memory_space<hbm>>) dst(%dma_wait3A_85 : memref<640x128xf32, #tpu.memory_space<vmem_shared>>)
      tpu.yield
    }) : () -> ()
    %barrier3A = arith.constant 0 : index
    tpu.barrier barrier_id(%barrier3A)
    %scan3A = arith.constant 0 : i32
    %scan3A_7 = arith.constant 0 : i32
    %scan3A_8 = arith.constant 40 : i32
    %scan3A_9 = arith.addi %scan3A_7, %scan3A_8 : i32
    %scan3A_10 = arith.constant 1 : i32
    scf.for %scan3A_84 = %scan3A_7 to %scan3A_9 step %scan3A_10  : i32 {
      %run_scoped3A = arith.constant 0 : i32
      "tpu.region"() ({
        %run_scoped3A_85 = tpu.sem_alloc : memref<!tpu.dma_semaphore, #tpu.memory_space<semaphore_mem>>
        %dma_start3A = arith.constant 0 : i32
        %dma_start3A_86 = tpu.memref_slice %arg7[%scan3A_84, %dma_start3A] : memref<40x128xi32, #tpu.memory_space<vmem>> -> memref<1x128xi32, #tpu.memory_space<vmem>>
        %dma_start3A_87 = tpu.memref_squeeze %dma_start3A_86 : memref<1x128xi32, #tpu.memory_space<vmem>> -> memref<128xi32, #tpu.memory_space<vmem>>
        %dma_start3A_88 = arith.constant 0 : i32
        %dma_start3A_89 = arith.constant 0 : i32
        %dma_start3A_90 = tpu.memref_slice %arg2[%run_scoped3A, %dma_start3A_88, %dma_start3A_89] : memref<4x10240x128xf32, #tpu.memory_space<hbm>> -> memref<1x10240x128xf32, #tpu.memory_space<hbm>>
        %dma_start3A_91 = tpu.memref_squeeze %dma_start3A_90 : memref<1x10240x128xf32, #tpu.memory_space<hbm>> -> memref<10240x128xf32, #tpu.memory_space<hbm>>
        %dma_start3A_92 = arith.constant 0 : i32
        %dma_start3A_93 = arith.constant 0 : i32
        %dma_start3A_94 = tpu.memref_slice %dma_start3A_91[%dma_start3A_92, %dma_start3A_93] : memref<10240x128xf32, #tpu.memory_space<hbm>> -> memref<10240x128xf32, #tpu.memory_space<hbm>>
        tpu.enqueue_indirect_dma source(%dma_start3A_94 : memref<10240x128xf32, #tpu.memory_space<hbm>>) target(%arg9 : memref<128x128xf32, #tpu.memory_space<vmem>>) offsets(%dma_start3A_87 : memref<128xi32, #tpu.memory_space<vmem>>) semaphore(%run_scoped3A_85 : memref<!tpu.dma_semaphore, #tpu.memory_space<semaphore_mem>>)
        %dma_wait3A = arith.constant 0 : i32
        %dma_wait3A_95 = tpu.memref_slice %arg7[%scan3A_84, %dma_wait3A] : memref<40x128xi32, #tpu.memory_space<vmem>> -> memref<1x128xi32, #tpu.memory_space<vmem>>
        %dma_wait3A_96 = tpu.memref_squeeze %dma_wait3A_95 : memref<1x128xi32, #tpu.memory_space<vmem>> -> memref<128xi32, #tpu.memory_space<vmem>>
        %dma_wait3A_97 = arith.constant 0 : i32
        %dma_wait3A_98 = arith.constant 0 : i32
        %dma_wait3A_99 = tpu.memref_slice %arg2[%run_scoped3A, %dma_wait3A_97, %dma_wait3A_98] : memref<4x10240x128xf32, #tpu.memory_space<hbm>> -> memref<1x10240x128xf32, #tpu.memory_space<hbm>>
        %dma_wait3A_100 = tpu.memref_squeeze %dma_wait3A_99 : memref<1x10240x128xf32, #tpu.memory_space<hbm>> -> memref<10240x128xf32, #tpu.memory_space<hbm>>
        %dma_wait3A_101 = arith.constant 0 : i32
        %dma_wait3A_102 = arith.constant 0 : i32
        %dma_wait3A_103 = tpu.memref_slice %dma_wait3A_100[%dma_wait3A_101, %dma_wait3A_102] : memref<10240x128xf32, #tpu.memory_space<hbm>> -> memref<10240x128xf32, #tpu.memory_space<hbm>>
        tpu.wait_indirect_dma semaphore(%run_scoped3A_85 : memref<!tpu.dma_semaphore, #tpu.memory_space<semaphore_mem>>) src(%dma_wait3A_103 : memref<10240x128xf32, #tpu.memory_space<hbm>>) dst(%arg9 : memref<128x128xf32, #tpu.memory_space<vmem>>)
        tpu.yield
      }) : () -> ()
      "tpu.region"() ({
        %run_scoped3A_85 = tpu.sem_alloc : memref<!tpu.dma_semaphore, #tpu.memory_space<semaphore_mem>>
        %dma_start3A = arith.constant 0 : i32
        %dma_start3A_86 = tpu.memref_slice %arg8[%scan3A_84, %dma_start3A] : memref<40x128xi32, #tpu.memory_space<vmem>> -> memref<1x128xi32, #tpu.memory_space<vmem>>
        %dma_start3A_87 = tpu.memref_squeeze %dma_start3A_86 : memref<1x128xi32, #tpu.memory_space<vmem>> -> memref<128xi32, #tpu.memory_space<vmem>>
        %dma_start3A_88 = arith.constant 0 : i32
        %dma_start3A_89 = arith.constant 0 : i32
        %dma_start3A_90 = tpu.memref_slice %arg10[%dma_start3A_88, %dma_start3A_89] : memref<10240x128xf32, #tpu.memory_space<vmem_shared>> -> memref<10240x128xf32, #tpu.memory_space<vmem_shared>>
        tpu.enqueue_indirect_dma source(%arg9 : memref<128x128xf32, #tpu.memory_space<vmem>>) target(%dma_start3A_90 : memref<10240x128xf32, #tpu.memory_space<vmem_shared>>) offsets(%dma_start3A_87 : memref<128xi32, #tpu.memory_space<vmem>>) semaphore(%run_scoped3A_85 : memref<!tpu.dma_semaphore, #tpu.memory_space<semaphore_mem>>) {add = true}
        %dma_wait3A = arith.constant 0 : i32
        %dma_wait3A_91 = tpu.memref_slice %arg8[%scan3A_84, %dma_wait3A] : memref<40x128xi32, #tpu.memory_space<vmem>> -> memref<1x128xi32, #tpu.memory_space<vmem>>
        %dma_wait3A_92 = tpu.memref_squeeze %dma_wait3A_91 : memref<1x128xi32, #tpu.memory_space<vmem>> -> memref<128xi32, #tpu.memory_space<vmem>>
        %dma_wait3A_93 = arith.constant 0 : i32
        %dma_wait3A_94 = arith.constant 0 : i32
        %dma_wait3A_95 = tpu.memref_slice %arg10[%dma_wait3A_93, %dma_wait3A_94] : memref<10240x128xf32, #tpu.memory_space<vmem_shared>> -> memref<10240x128xf32, #tpu.memory_space<vmem_shared>>
        tpu.wait_indirect_dma semaphore(%run_scoped3A_85 : memref<!tpu.dma_semaphore, #tpu.memory_space<semaphore_mem>>) src(%arg9 : memref<128x128xf32, #tpu.memory_space<vmem>>) dst(%dma_wait3A_95 : memref<10240x128xf32, #tpu.memory_space<vmem_shared>>)
        tpu.yield
      }) : () -> ()
    }
    %scan3A_11 = arith.constant 40 : i32
    %barrier3A_12 = arith.constant 0 : index
    tpu.barrier barrier_id(%barrier3A_12)
    %eq3A = arith.constant 0 : i32
    %eq3A_13 = arith.cmpi eq, %arg0, %eq3A : i32
    %convert_element_type3A = arith.extui %eq3A_13 : i1 to i32
    %cond3A = arith.constant 0 : i32
    %cond3A_14 = arith.cmpi ne, %convert_element_type3A, %cond3A : i32
    scf.if %cond3A_14 {
      %mul3A_84 = arith.constant 640 : i32
      %mul3A_85 = arith.muli %arg1, %mul3A_84 : i32
      %mul3A_86 = arith.constant 640 : i32
      %mul3A_87 = arith.muli %arg1, %mul3A_86 : i32
      %run_scoped3A = arith.constant 0 : i32
      %run_scoped3A_88 = arith.constant 0 : i32
      "tpu.region"() ({
        %run_scoped3A_89 = tpu.sem_alloc : memref<!tpu.dma_semaphore, #tpu.memory_space<semaphore_mem>>
        %dma_start3A = arith.constant 0 : i32
        %dma_start3A_90 = arith.constant 0 : i32
        %dma_start3A_91 = arith.constant 0 : i32
        %dma_start3A_92 = tpu.memref_slice %arg6[%run_scoped3A, %dma_start3A, %dma_start3A_90, %dma_start3A_91] : memref<2x4x10240x128xf32, #tpu.memory_space<hbm>> -> memref<1x4x10240x128xf32, #tpu.memory_space<hbm>>
        %dma_start3A_93 = tpu.memref_squeeze %dma_start3A_92 : memref<1x4x10240x128xf32, #tpu.memory_space<hbm>> -> memref<4x10240x128xf32, #tpu.memory_space<hbm>>
        %dma_start3A_94 = arith.constant 0 : i32
        %dma_start3A_95 = arith.constant 0 : i32
        %dma_start3A_96 = tpu.memref_slice %dma_start3A_93[%run_scoped3A_88, %dma_start3A_94, %dma_start3A_95] : memref<4x10240x128xf32, #tpu.memory_space<hbm>> -> memref<1x10240x128xf32, #tpu.memory_space<hbm>>
        %dma_start3A_97 = tpu.memref_squeeze %dma_start3A_96 : memref<1x10240x128xf32, #tpu.memory_space<hbm>> -> memref<10240x128xf32, #tpu.memory_space<hbm>>
        %dma_start3A_98 = arith.constant 0 : i32
        %dma_start3A_99 = tpu.memref_slice %dma_start3A_97[%mul3A_87, %dma_start3A_98] : memref<10240x128xf32, #tpu.memory_space<hbm>> -> memref<640x128xf32, #tpu.memory_space<hbm>>
        %dma_start3A_100 = arith.constant 0 : i32
        %dma_start3A_101 = tpu.memref_slice %arg10[%mul3A_85, %dma_start3A_100] : memref<10240x128xf32, #tpu.memory_space<vmem_shared>> -> memref<640x128xf32, #tpu.memory_space<vmem_shared>>
        tpu.enqueue_dma source(%dma_start3A_101 : memref<640x128xf32, #tpu.memory_space<vmem_shared>>) target(%dma_start3A_99 : memref<640x128xf32, #tpu.memory_space<hbm>>) target_semaphore(%run_scoped3A_89 : memref<!tpu.dma_semaphore, #tpu.memory_space<semaphore_mem>>)
        %dma_wait3A = arith.constant 0 : i32
        %dma_wait3A_102 = arith.constant 0 : i32
        %dma_wait3A_103 = arith.constant 0 : i32
        %dma_wait3A_104 = tpu.memref_slice %arg6[%run_scoped3A, %dma_wait3A, %dma_wait3A_102, %dma_wait3A_103] : memref<2x4x10240x128xf32, #tpu.memory_space<hbm>> -> memref<1x4x10240x128xf32, #tpu.memory_space<hbm>>
        %dma_wait3A_105 = tpu.memref_squeeze %dma_wait3A_104 : memref<1x4x10240x128xf32, #tpu.memory_space<hbm>> -> memref<4x10240x128xf32, #tpu.memory_space<hbm>>
        %dma_wait3A_106 = arith.constant 0 : i32
        %dma_wait3A_107 = arith.constant 0 : i32
        %dma_wait3A_108 = tpu.memref_slice %dma_wait3A_105[%run_scoped3A_88, %dma_wait3A_106, %dma_wait3A_107] : memref<4x10240x128xf32, #tpu.memory_space<hbm>> -> memref<1x10240x128xf32, #tpu.memory_space<hbm>>
        %dma_wait3A_109 = tpu.memref_squeeze %dma_wait3A_108 : memref<1x10240x128xf32, #tpu.memory_space<hbm>> -> memref<10240x128xf32, #tpu.memory_space<hbm>>
        %dma_wait3A_110 = arith.constant 0 : i32
        %dma_wait3A_111 = tpu.memref_slice %dma_wait3A_109[%mul3A_87, %dma_wait3A_110] : memref<10240x128xf32, #tpu.memory_space<hbm>> -> memref<640x128xf32, #tpu.memory_space<hbm>>
        %dma_wait3A_112 = arith.constant 0 : i32
        %dma_wait3A_113 = tpu.memref_slice %arg10[%mul3A_85, %dma_wait3A_112] : memref<10240x128xf32, #tpu.memory_space<vmem_shared>> -> memref<640x128xf32, #tpu.memory_space<vmem_shared>>
        tpu.wait_dma2 semaphore(%run_scoped3A_89 : memref<!tpu.dma_semaphore, #tpu.memory_space<semaphore_mem>>) src(%dma_wait3A_113 : memref<640x128xf32, #tpu.memory_space<vmem_shared>>) dst(%dma_wait3A_111 : memref<640x128xf32, #tpu.memory_space<hbm>>)
        tpu.yield
      }) : () -> ()
    } else {
    }
    %eq3A_15 = arith.constant 1 : i32
    %eq3A_16 = arith.cmpi eq, %arg0, %eq3A_15 : i32
    %convert_element_type3A_17 = arith.extui %eq3A_16 : i1 to i32
    %cond3A_18 = arith.constant 0 : i32
    %cond3A_19 = arith.cmpi ne, %convert_element_type3A_17, %cond3A_18 : i32
    scf.if %cond3A_19 {
      %mul3A_84 = arith.constant 640 : i32
      %mul3A_85 = arith.muli %arg1, %mul3A_84 : i32
      %mul3A_86 = arith.constant 640 : i32
      %mul3A_87 = arith.muli %arg1, %mul3A_86 : i32
      %run_scoped3A = arith.constant 1 : i32
      %run_scoped3A_88 = arith.constant 0 : i32
      "tpu.region"() ({
        %run_scoped3A_89 = tpu.sem_alloc : memref<!tpu.dma_semaphore, #tpu.memory_space<semaphore_mem>>
        %dma_start3A = arith.constant 0 : i32
        %dma_start3A_90 = arith.constant 0 : i32
        %dma_start3A_91 = arith.constant 0 : i32
        %dma_start3A_92 = tpu.memref_slice %arg6[%run_scoped3A, %dma_start3A, %dma_start3A_90, %dma_start3A_91] : memref<2x4x10240x128xf32, #tpu.memory_space<hbm>> -> memref<1x4x10240x128xf32, #tpu.memory_space<hbm>>
        %dma_start3A_93 = tpu.memref_squeeze %dma_start3A_92 : memref<1x4x10240x128xf32, #tpu.memory_space<hbm>> -> memref<4x10240x128xf32, #tpu.memory_space<hbm>>
        %dma_start3A_94 = arith.constant 0 : i32
        %dma_start3A_95 = arith.constant 0 : i32
        %dma_start3A_96 = tpu.memref_slice %dma_start3A_93[%run_scoped3A_88, %dma_start3A_94, %dma_start3A_95] : memref<4x10240x128xf32, #tpu.memory_space<hbm>> -> memref<1x10240x128xf32, #tpu.memory_space<hbm>>
        %dma_start3A_97 = tpu.memref_squeeze %dma_start3A_96 : memref<1x10240x128xf32, #tpu.memory_space<hbm>> -> memref<10240x128xf32, #tpu.memory_space<hbm>>
        %dma_start3A_98 = arith.constant 0 : i32
        %dma_start3A_99 = tpu.memref_slice %dma_start3A_97[%mul3A_87, %dma_start3A_98] : memref<10240x128xf32, #tpu.memory_space<hbm>> -> memref<640x128xf32, #tpu.memory_space<hbm>>
        %dma_start3A_100 = arith.constant 0 : i32
        %dma_start3A_101 = tpu.memref_slice %arg10[%mul3A_85, %dma_start3A_100] : memref<10240x128xf32, #tpu.memory_space<vmem_shared>> -> memref<640x128xf32, #tpu.memory_space<vmem_shared>>
        tpu.enqueue_dma source(%dma_start3A_101 : memref<640x128xf32, #tpu.memory_space<vmem_shared>>) target(%dma_start3A_99 : memref<640x128xf32, #tpu.memory_space<hbm>>) target_semaphore(%run_scoped3A_89 : memref<!tpu.dma_semaphore, #tpu.memory_space<semaphore_mem>>)
        %dma_wait3A = arith.constant 0 : i32
        %dma_wait3A_102 = arith.constant 0 : i32
        %dma_wait3A_103 = arith.constant 0 : i32
        %dma_wait3A_104 = tpu.memref_slice %arg6[%run_scoped3A, %dma_wait3A, %dma_wait3A_102, %dma_wait3A_103] : memref<2x4x10240x128xf32, #tpu.memory_space<hbm>> -> memref<1x4x10240x128xf32, #tpu.memory_space<hbm>>
        %dma_wait3A_105 = tpu.memref_squeeze %dma_wait3A_104 : memref<1x4x10240x128xf32, #tpu.memory_space<hbm>> -> memref<4x10240x128xf32, #tpu.memory_space<hbm>>
        %dma_wait3A_106 = arith.constant 0 : i32
        %dma_wait3A_107 = arith.constant 0 : i32
        %dma_wait3A_108 = tpu.memref_slice %dma_wait3A_105[%run_scoped3A_88, %dma_wait3A_106, %dma_wait3A_107] : memref<4x10240x128xf32, #tpu.memory_space<hbm>> -> memref<1x10240x128xf32, #tpu.memory_space<hbm>>
        %dma_wait3A_109 = tpu.memref_squeeze %dma_wait3A_108 : memref<1x10240x128xf32, #tpu.memory_space<hbm>> -> memref<10240x128xf32, #tpu.memory_space<hbm>>
        %dma_wait3A_110 = arith.constant 0 : i32
        %dma_wait3A_111 = tpu.memref_slice %dma_wait3A_109[%mul3A_87, %dma_wait3A_110] : memref<10240x128xf32, #tpu.memory_space<hbm>> -> memref<640x128xf32, #tpu.memory_space<hbm>>
        %dma_wait3A_112 = arith.constant 0 : i32
        %dma_wait3A_113 = tpu.memref_slice %arg10[%mul3A_85, %dma_wait3A_112] : memref<10240x128xf32, #tpu.memory_space<vmem_shared>> -> memref<640x128xf32, #tpu.memory_space<vmem_shared>>
        tpu.wait_dma2 semaphore(%run_scoped3A_89 : memref<!tpu.dma_semaphore, #tpu.memory_space<semaphore_mem>>) src(%dma_wait3A_113 : memref<640x128xf32, #tpu.memory_space<vmem_shared>>) dst(%dma_wait3A_111 : memref<640x128xf32, #tpu.memory_space<hbm>>)
        tpu.yield
      }) : () -> ()
    } else {
    }
    %barrier3A_20 = arith.constant 0 : index
    tpu.barrier barrier_id(%barrier3A_20)
    %mul3A_21 = arith.constant 640 : i32
    %mul3A_22 = arith.muli %arg1, %mul3A_21 : i32
    "tpu.region"() ({
      %run_scoped3A = tpu.sem_alloc : memref<!tpu.dma_semaphore, #tpu.memory_space<semaphore_mem>>
      %dma_start3A = arith.constant 0 : i32
      %dma_start3A_84 = tpu.memref_slice %arg10[%mul3A_22, %dma_start3A] : memref<10240x128xf32, #tpu.memory_space<vmem_shared>> -> memref<640x128xf32, #tpu.memory_space<vmem_shared>>
      tpu.enqueue_dma source(%arg5 : memref<640x128xf32, #tpu.memory_space<hbm>>) target(%dma_start3A_84 : memref<640x128xf32, #tpu.memory_space<vmem_shared>>) target_semaphore(%run_scoped3A : memref<!tpu.dma_semaphore, #tpu.memory_space<semaphore_mem>>)
      %dma_wait3A = arith.constant 0 : i32
      %dma_wait3A_85 = tpu.memref_slice %arg10[%mul3A_22, %dma_wait3A] : memref<10240x128xf32, #tpu.memory_space<vmem_shared>> -> memref<640x128xf32, #tpu.memory_space<vmem_shared>>
      tpu.wait_dma2 semaphore(%run_scoped3A : memref<!tpu.dma_semaphore, #tpu.memory_space<semaphore_mem>>) src(%arg5 : memref<640x128xf32, #tpu.memory_space<hbm>>) dst(%dma_wait3A_85 : memref<640x128xf32, #tpu.memory_space<vmem_shared>>)
      tpu.yield
    }) : () -> ()
    %barrier3A_23 = arith.constant 0 : index
    tpu.barrier barrier_id(%barrier3A_23)
    %scan3A_24 = arith.constant 0 : i32
    %scan3A_25 = arith.constant 0 : i32
    %scan3A_26 = arith.constant 40 : i32
    %scan3A_27 = arith.addi %scan3A_25, %scan3A_26 : i32
    %scan3A_28 = arith.constant 1 : i32
    scf.for %scan3A_84 = %scan3A_25 to %scan3A_27 step %scan3A_28  : i32 {
      %run_scoped3A = arith.constant 1 : i32
      "tpu.region"() ({
        %run_scoped3A_85 = tpu.sem_alloc : memref<!tpu.dma_semaphore, #tpu.memory_space<semaphore_mem>>
        %dma_start3A = arith.constant 0 : i32
        %dma_start3A_86 = tpu.memref_slice %arg7[%scan3A_84, %dma_start3A] : memref<40x128xi32, #tpu.memory_space<vmem>> -> memref<1x128xi32, #tpu.memory_space<vmem>>
        %dma_start3A_87 = tpu.memref_squeeze %dma_start3A_86 : memref<1x128xi32, #tpu.memory_space<vmem>> -> memref<128xi32, #tpu.memory_space<vmem>>
        %dma_start3A_88 = arith.constant 0 : i32
        %dma_start3A_89 = arith.constant 0 : i32
        %dma_start3A_90 = tpu.memref_slice %arg2[%run_scoped3A, %dma_start3A_88, %dma_start3A_89] : memref<4x10240x128xf32, #tpu.memory_space<hbm>> -> memref<1x10240x128xf32, #tpu.memory_space<hbm>>
        %dma_start3A_91 = tpu.memref_squeeze %dma_start3A_90 : memref<1x10240x128xf32, #tpu.memory_space<hbm>> -> memref<10240x128xf32, #tpu.memory_space<hbm>>
        %dma_start3A_92 = arith.constant 0 : i32
        %dma_start3A_93 = arith.constant 0 : i32
        %dma_start3A_94 = tpu.memref_slice %dma_start3A_91[%dma_start3A_92, %dma_start3A_93] : memref<10240x128xf32, #tpu.memory_space<hbm>> -> memref<10240x128xf32, #tpu.memory_space<hbm>>
        tpu.enqueue_indirect_dma source(%dma_start3A_94 : memref<10240x128xf32, #tpu.memory_space<hbm>>) target(%arg9 : memref<128x128xf32, #tpu.memory_space<vmem>>) offsets(%dma_start3A_87 : memref<128xi32, #tpu.memory_space<vmem>>) semaphore(%run_scoped3A_85 : memref<!tpu.dma_semaphore, #tpu.memory_space<semaphore_mem>>)
        %dma_wait3A = arith.constant 0 : i32
        %dma_wait3A_95 = tpu.memref_slice %arg7[%scan3A_84, %dma_wait3A] : memref<40x128xi32, #tpu.memory_space<vmem>> -> memref<1x128xi32, #tpu.memory_space<vmem>>
        %dma_wait3A_96 = tpu.memref_squeeze %dma_wait3A_95 : memref<1x128xi32, #tpu.memory_space<vmem>> -> memref<128xi32, #tpu.memory_space<vmem>>
        %dma_wait3A_97 = arith.constant 0 : i32
        %dma_wait3A_98 = arith.constant 0 : i32
        %dma_wait3A_99 = tpu.memref_slice %arg2[%run_scoped3A, %dma_wait3A_97, %dma_wait3A_98] : memref<4x10240x128xf32, #tpu.memory_space<hbm>> -> memref<1x10240x128xf32, #tpu.memory_space<hbm>>
        %dma_wait3A_100 = tpu.memref_squeeze %dma_wait3A_99 : memref<1x10240x128xf32, #tpu.memory_space<hbm>> -> memref<10240x128xf32, #tpu.memory_space<hbm>>
        %dma_wait3A_101 = arith.constant 0 : i32
        %dma_wait3A_102 = arith.constant 0 : i32
        %dma_wait3A_103 = tpu.memref_slice %dma_wait3A_100[%dma_wait3A_101, %dma_wait3A_102] : memref<10240x128xf32, #tpu.memory_space<hbm>> -> memref<10240x128xf32, #tpu.memory_space<hbm>>
        tpu.wait_indirect_dma semaphore(%run_scoped3A_85 : memref<!tpu.dma_semaphore, #tpu.memory_space<semaphore_mem>>) src(%dma_wait3A_103 : memref<10240x128xf32, #tpu.memory_space<hbm>>) dst(%arg9 : memref<128x128xf32, #tpu.memory_space<vmem>>)
        tpu.yield
      }) : () -> ()
      "tpu.region"() ({
        %run_scoped3A_85 = tpu.sem_alloc : memref<!tpu.dma_semaphore, #tpu.memory_space<semaphore_mem>>
        %dma_start3A = arith.constant 0 : i32
        %dma_start3A_86 = tpu.memref_slice %arg8[%scan3A_84, %dma_start3A] : memref<40x128xi32, #tpu.memory_space<vmem>> -> memref<1x128xi32, #tpu.memory_space<vmem>>
        %dma_start3A_87 = tpu.memref_squeeze %dma_start3A_86 : memref<1x128xi32, #tpu.memory_space<vmem>> -> memref<128xi32, #tpu.memory_space<vmem>>
        %dma_start3A_88 = arith.constant 0 : i32
        %dma_start3A_89 = arith.constant 0 : i32
        %dma_start3A_90 = tpu.memref_slice %arg10[%dma_start3A_88, %dma_start3A_89] : memref<10240x128xf32, #tpu.memory_space<vmem_shared>> -> memref<10240x128xf32, #tpu.memory_space<vmem_shared>>
        tpu.enqueue_indirect_dma source(%arg9 : memref<128x128xf32, #tpu.memory_space<vmem>>) target(%dma_start3A_90 : memref<10240x128xf32, #tpu.memory_space<vmem_shared>>) offsets(%dma_start3A_87 : memref<128xi32, #tpu.memory_space<vmem>>) semaphore(%run_scoped3A_85 : memref<!tpu.dma_semaphore, #tpu.memory_space<semaphore_mem>>) {add = true}
        %dma_wait3A = arith.constant 0 : i32
        %dma_wait3A_91 = tpu.memref_slice %arg8[%scan3A_84, %dma_wait3A] : memref<40x128xi32, #tpu.memory_space<vmem>> -> memref<1x128xi32, #tpu.memory_space<vmem>>
        %dma_wait3A_92 = tpu.memref_squeeze %dma_wait3A_91 : memref<1x128xi32, #tpu.memory_space<vmem>> -> memref<128xi32, #tpu.memory_space<vmem>>
        %dma_wait3A_93 = arith.constant 0 : i32
        %dma_wait3A_94 = arith.constant 0 : i32
        %dma_wait3A_95 = tpu.memref_slice %arg10[%dma_wait3A_93, %dma_wait3A_94] : memref<10240x128xf32, #tpu.memory_space<vmem_shared>> -> memref<10240x128xf32, #tpu.memory_space<vmem_shared>>
        tpu.wait_indirect_dma semaphore(%run_scoped3A_85 : memref<!tpu.dma_semaphore, #tpu.memory_space<semaphore_mem>>) src(%arg9 : memref<128x128xf32, #tpu.memory_space<vmem>>) dst(%dma_wait3A_95 : memref<10240x128xf32, #tpu.memory_space<vmem_shared>>)
        tpu.yield
      }) : () -> ()
    }
    %scan3A_29 = arith.constant 40 : i32
    %barrier3A_30 = arith.constant 0 : index
    tpu.barrier barrier_id(%barrier3A_30)
    %eq3A_31 = arith.constant 0 : i32
    %eq3A_32 = arith.cmpi eq, %arg0, %eq3A_31 : i32
    %convert_element_type3A_33 = arith.extui %eq3A_32 : i1 to i32
    %cond3A_34 = arith.constant 0 : i32
    %cond3A_35 = arith.cmpi ne, %convert_element_type3A_33, %cond3A_34 : i32
    scf.if %cond3A_35 {
      %mul3A_84 = arith.constant 640 : i32
      %mul3A_85 = arith.muli %arg1, %mul3A_84 : i32
      %mul3A_86 = arith.constant 640 : i32
      %mul3A_87 = arith.muli %arg1, %mul3A_86 : i32
      %run_scoped3A = arith.constant 0 : i32
      %run_scoped3A_88 = arith.constant 1 : i32
      "tpu.region"() ({
        %run_scoped3A_89 = tpu.sem_alloc : memref<!tpu.dma_semaphore, #tpu.memory_space<semaphore_mem>>
        %dma_start3A = arith.constant 0 : i32
        %dma_start3A_90 = arith.constant 0 : i32
        %dma_start3A_91 = arith.constant 0 : i32
        %dma_start3A_92 = tpu.memref_slice %arg6[%run_scoped3A, %dma_start3A, %dma_start3A_90, %dma_start3A_91] : memref<2x4x10240x128xf32, #tpu.memory_space<hbm>> -> memref<1x4x10240x128xf32, #tpu.memory_space<hbm>>
        %dma_start3A_93 = tpu.memref_squeeze %dma_start3A_92 : memref<1x4x10240x128xf32, #tpu.memory_space<hbm>> -> memref<4x10240x128xf32, #tpu.memory_space<hbm>>
        %dma_start3A_94 = arith.constant 0 : i32
        %dma_start3A_95 = arith.constant 0 : i32
        %dma_start3A_96 = tpu.memref_slice %dma_start3A_93[%run_scoped3A_88, %dma_start3A_94, %dma_start3A_95] : memref<4x10240x128xf32, #tpu.memory_space<hbm>> -> memref<1x10240x128xf32, #tpu.memory_space<hbm>>
        %dma_start3A_97 = tpu.memref_squeeze %dma_start3A_96 : memref<1x10240x128xf32, #tpu.memory_space<hbm>> -> memref<10240x128xf32, #tpu.memory_space<hbm>>
        %dma_start3A_98 = arith.constant 0 : i32
        %dma_start3A_99 = tpu.memref_slice %dma_start3A_97[%mul3A_87, %dma_start3A_98] : memref<10240x128xf32, #tpu.memory_space<hbm>> -> memref<640x128xf32, #tpu.memory_space<hbm>>
        %dma_start3A_100 = arith.constant 0 : i32
        %dma_start3A_101 = tpu.memref_slice %arg10[%mul3A_85, %dma_start3A_100] : memref<10240x128xf32, #tpu.memory_space<vmem_shared>> -> memref<640x128xf32, #tpu.memory_space<vmem_shared>>
        tpu.enqueue_dma source(%dma_start3A_101 : memref<640x128xf32, #tpu.memory_space<vmem_shared>>) target(%dma_start3A_99 : memref<640x128xf32, #tpu.memory_space<hbm>>) target_semaphore(%run_scoped3A_89 : memref<!tpu.dma_semaphore, #tpu.memory_space<semaphore_mem>>)
        %dma_wait3A = arith.constant 0 : i32
        %dma_wait3A_102 = arith.constant 0 : i32
        %dma_wait3A_103 = arith.constant 0 : i32
        %dma_wait3A_104 = tpu.memref_slice %arg6[%run_scoped3A, %dma_wait3A, %dma_wait3A_102, %dma_wait3A_103] : memref<2x4x10240x128xf32, #tpu.memory_space<hbm>> -> memref<1x4x10240x128xf32, #tpu.memory_space<hbm>>
        %dma_wait3A_105 = tpu.memref_squeeze %dma_wait3A_104 : memref<1x4x10240x128xf32, #tpu.memory_space<hbm>> -> memref<4x10240x128xf32, #tpu.memory_space<hbm>>
        %dma_wait3A_106 = arith.constant 0 : i32
        %dma_wait3A_107 = arith.constant 0 : i32
        %dma_wait3A_108 = tpu.memref_slice %dma_wait3A_105[%run_scoped3A_88, %dma_wait3A_106, %dma_wait3A_107] : memref<4x10240x128xf32, #tpu.memory_space<hbm>> -> memref<1x10240x128xf32, #tpu.memory_space<hbm>>
        %dma_wait3A_109 = tpu.memref_squeeze %dma_wait3A_108 : memref<1x10240x128xf32, #tpu.memory_space<hbm>> -> memref<10240x128xf32, #tpu.memory_space<hbm>>
        %dma_wait3A_110 = arith.constant 0 : i32
        %dma_wait3A_111 = tpu.memref_slice %dma_wait3A_109[%mul3A_87, %dma_wait3A_110] : memref<10240x128xf32, #tpu.memory_space<hbm>> -> memref<640x128xf32, #tpu.memory_space<hbm>>
        %dma_wait3A_112 = arith.constant 0 : i32
        %dma_wait3A_113 = tpu.memref_slice %arg10[%mul3A_85, %dma_wait3A_112] : memref<10240x128xf32, #tpu.memory_space<vmem_shared>> -> memref<640x128xf32, #tpu.memory_space<vmem_shared>>
        tpu.wait_dma2 semaphore(%run_scoped3A_89 : memref<!tpu.dma_semaphore, #tpu.memory_space<semaphore_mem>>) src(%dma_wait3A_113 : memref<640x128xf32, #tpu.memory_space<vmem_shared>>) dst(%dma_wait3A_111 : memref<640x128xf32, #tpu.memory_space<hbm>>)
        tpu.yield
      }) : () -> ()
    } else {
    }
    %eq3A_36 = arith.constant 1 : i32
    %eq3A_37 = arith.cmpi eq, %arg0, %eq3A_36 : i32
    %convert_element_type3A_38 = arith.extui %eq3A_37 : i1 to i32
    %cond3A_39 = arith.constant 0 : i32
    %cond3A_40 = arith.cmpi ne, %convert_element_type3A_38, %cond3A_39 : i32
    scf.if %cond3A_40 {
      %mul3A_84 = arith.constant 640 : i32
      %mul3A_85 = arith.muli %arg1, %mul3A_84 : i32
      %mul3A_86 = arith.constant 640 : i32
      %mul3A_87 = arith.muli %arg1, %mul3A_86 : i32
      %run_scoped3A = arith.constant 1 : i32
      %run_scoped3A_88 = arith.constant 1 : i32
      "tpu.region"() ({
        %run_scoped3A_89 = tpu.sem_alloc : memref<!tpu.dma_semaphore, #tpu.memory_space<semaphore_mem>>
        %dma_start3A = arith.constant 0 : i32
        %dma_start3A_90 = arith.constant 0 : i32
        %dma_start3A_91 = arith.constant 0 : i32
        %dma_start3A_92 = tpu.memref_slice %arg6[%run_scoped3A, %dma_start3A, %dma_start3A_90, %dma_start3A_91] : memref<2x4x10240x128xf32, #tpu.memory_space<hbm>> -> memref<1x4x10240x128xf32, #tpu.memory_space<hbm>>
        %dma_start3A_93 = tpu.memref_squeeze %dma_start3A_92 : memref<1x4x10240x128xf32, #tpu.memory_space<hbm>> -> memref<4x10240x128xf32, #tpu.memory_space<hbm>>
        %dma_start3A_94 = arith.constant 0 : i32
        %dma_start3A_95 = arith.constant 0 : i32
        %dma_start3A_96 = tpu.memref_slice %dma_start3A_93[%run_scoped3A_88, %dma_start3A_94, %dma_start3A_95] : memref<4x10240x128xf32, #tpu.memory_space<hbm>> -> memref<1x10240x128xf32, #tpu.memory_space<hbm>>
        %dma_start3A_97 = tpu.memref_squeeze %dma_start3A_96 : memref<1x10240x128xf32, #tpu.memory_space<hbm>> -> memref<10240x128xf32, #tpu.memory_space<hbm>>
        %dma_start3A_98 = arith.constant 0 : i32
        %dma_start3A_99 = tpu.memref_slice %dma_start3A_97[%mul3A_87, %dma_start3A_98] : memref<10240x128xf32, #tpu.memory_space<hbm>> -> memref<640x128xf32, #tpu.memory_space<hbm>>
        %dma_start3A_100 = arith.constant 0 : i32
        %dma_start3A_101 = tpu.memref_slice %arg10[%mul3A_85, %dma_start3A_100] : memref<10240x128xf32, #tpu.memory_space<vmem_shared>> -> memref<640x128xf32, #tpu.memory_space<vmem_shared>>
        tpu.enqueue_dma source(%dma_start3A_101 : memref<640x128xf32, #tpu.memory_space<vmem_shared>>) target(%dma_start3A_99 : memref<640x128xf32, #tpu.memory_space<hbm>>) target_semaphore(%run_scoped3A_89 : memref<!tpu.dma_semaphore, #tpu.memory_space<semaphore_mem>>)
        %dma_wait3A = arith.constant 0 : i32
        %dma_wait3A_102 = arith.constant 0 : i32
        %dma_wait3A_103 = arith.constant 0 : i32
        %dma_wait3A_104 = tpu.memref_slice %arg6[%run_scoped3A, %dma_wait3A, %dma_wait3A_102, %dma_wait3A_103] : memref<2x4x10240x128xf32, #tpu.memory_space<hbm>> -> memref<1x4x10240x128xf32, #tpu.memory_space<hbm>>
        %dma_wait3A_105 = tpu.memref_squeeze %dma_wait3A_104 : memref<1x4x10240x128xf32, #tpu.memory_space<hbm>> -> memref<4x10240x128xf32, #tpu.memory_space<hbm>>
        %dma_wait3A_106 = arith.constant 0 : i32
        %dma_wait3A_107 = arith.constant 0 : i32
        %dma_wait3A_108 = tpu.memref_slice %dma_wait3A_105[%run_scoped3A_88, %dma_wait3A_106, %dma_wait3A_107] : memref<4x10240x128xf32, #tpu.memory_space<hbm>> -> memref<1x10240x128xf32, #tpu.memory_space<hbm>>
        %dma_wait3A_109 = tpu.memref_squeeze %dma_wait3A_108 : memref<1x10240x128xf32, #tpu.memory_space<hbm>> -> memref<10240x128xf32, #tpu.memory_space<hbm>>
        %dma_wait3A_110 = arith.constant 0 : i32
        %dma_wait3A_111 = tpu.memref_slice %dma_wait3A_109[%mul3A_87, %dma_wait3A_110] : memref<10240x128xf32, #tpu.memory_space<hbm>> -> memref<640x128xf32, #tpu.memory_space<hbm>>
        %dma_wait3A_112 = arith.constant 0 : i32
        %dma_wait3A_113 = tpu.memref_slice %arg10[%mul3A_85, %dma_wait3A_112] : memref<10240x128xf32, #tpu.memory_space<vmem_shared>> -> memref<640x128xf32, #tpu.memory_space<vmem_shared>>
        tpu.wait_dma2 semaphore(%run_scoped3A_89 : memref<!tpu.dma_semaphore, #tpu.memory_space<semaphore_mem>>) src(%dma_wait3A_113 : memref<640x128xf32, #tpu.memory_space<vmem_shared>>) dst(%dma_wait3A_111 : memref<640x128xf32, #tpu.memory_space<hbm>>)
        tpu.yield
      }) : () -> ()
    } else {
    }
    %barrier3A_41 = arith.constant 0 : index
    tpu.barrier barrier_id(%barrier3A_41)
    %mul3A_42 = arith.constant 640 : i32
    %mul3A_43 = arith.muli %arg1, %mul3A_42 : i32
    "tpu.region"() ({
      %run_scoped3A = tpu.sem_alloc : memref<!tpu.dma_semaphore, #tpu.memory_space<semaphore_mem>>
      %dma_start3A = arith.constant 0 : i32
      %dma_start3A_84 = tpu.memref_slice %arg10[%mul3A_43, %dma_start3A] : memref<10240x128xf32, #tpu.memory_space<vmem_shared>> -> memref<640x128xf32, #tpu.memory_space<vmem_shared>>
      tpu.enqueue_dma source(%arg5 : memref<640x128xf32, #tpu.memory_space<hbm>>) target(%dma_start3A_84 : memref<640x128xf32, #tpu.memory_space<vmem_shared>>) target_semaphore(%run_scoped3A : memref<!tpu.dma_semaphore, #tpu.memory_space<semaphore_mem>>)
      %dma_wait3A = arith.constant 0 : i32
      %dma_wait3A_85 = tpu.memref_slice %arg10[%mul3A_43, %dma_wait3A] : memref<10240x128xf32, #tpu.memory_space<vmem_shared>> -> memref<640x128xf32, #tpu.memory_space<vmem_shared>>
      tpu.wait_dma2 semaphore(%run_scoped3A : memref<!tpu.dma_semaphore, #tpu.memory_space<semaphore_mem>>) src(%arg5 : memref<640x128xf32, #tpu.memory_space<hbm>>) dst(%dma_wait3A_85 : memref<640x128xf32, #tpu.memory_space<vmem_shared>>)
      tpu.yield
    }) : () -> ()
    %barrier3A_44 = arith.constant 0 : index
    tpu.barrier barrier_id(%barrier3A_44)
    %scan3A_45 = arith.constant 0 : i32
    %scan3A_46 = arith.constant 0 : i32
    %scan3A_47 = arith.constant 40 : i32
    %scan3A_48 = arith.addi %scan3A_46, %scan3A_47 : i32
    %scan3A_49 = arith.constant 1 : i32
    scf.for %scan3A_84 = %scan3A_46 to %scan3A_48 step %scan3A_49  : i32 {
      %run_scoped3A = arith.constant 2 : i32
      "tpu.region"() ({
        %run_scoped3A_85 = tpu.sem_alloc : memref<!tpu.dma_semaphore, #tpu.memory_space<semaphore_mem>>
        %dma_start3A = arith.constant 0 : i32
        %dma_start3A_86 = tpu.memref_slice %arg7[%scan3A_84, %dma_start3A] : memref<40x128xi32, #tpu.memory_space<vmem>> -> memref<1x128xi32, #tpu.memory_space<vmem>>
        %dma_start3A_87 = tpu.memref_squeeze %dma_start3A_86 : memref<1x128xi32, #tpu.memory_space<vmem>> -> memref<128xi32, #tpu.memory_space<vmem>>
        %dma_start3A_88 = arith.constant 0 : i32
        %dma_start3A_89 = arith.constant 0 : i32
        %dma_start3A_90 = tpu.memref_slice %arg2[%run_scoped3A, %dma_start3A_88, %dma_start3A_89] : memref<4x10240x128xf32, #tpu.memory_space<hbm>> -> memref<1x10240x128xf32, #tpu.memory_space<hbm>>
        %dma_start3A_91 = tpu.memref_squeeze %dma_start3A_90 : memref<1x10240x128xf32, #tpu.memory_space<hbm>> -> memref<10240x128xf32, #tpu.memory_space<hbm>>
        %dma_start3A_92 = arith.constant 0 : i32
        %dma_start3A_93 = arith.constant 0 : i32
        %dma_start3A_94 = tpu.memref_slice %dma_start3A_91[%dma_start3A_92, %dma_start3A_93] : memref<10240x128xf32, #tpu.memory_space<hbm>> -> memref<10240x128xf32, #tpu.memory_space<hbm>>
        tpu.enqueue_indirect_dma source(%dma_start3A_94 : memref<10240x128xf32, #tpu.memory_space<hbm>>) target(%arg9 : memref<128x128xf32, #tpu.memory_space<vmem>>) offsets(%dma_start3A_87 : memref<128xi32, #tpu.memory_space<vmem>>) semaphore(%run_scoped3A_85 : memref<!tpu.dma_semaphore, #tpu.memory_space<semaphore_mem>>)
        %dma_wait3A = arith.constant 0 : i32
        %dma_wait3A_95 = tpu.memref_slice %arg7[%scan3A_84, %dma_wait3A] : memref<40x128xi32, #tpu.memory_space<vmem>> -> memref<1x128xi32, #tpu.memory_space<vmem>>
        %dma_wait3A_96 = tpu.memref_squeeze %dma_wait3A_95 : memref<1x128xi32, #tpu.memory_space<vmem>> -> memref<128xi32, #tpu.memory_space<vmem>>
        %dma_wait3A_97 = arith.constant 0 : i32
        %dma_wait3A_98 = arith.constant 0 : i32
        %dma_wait3A_99 = tpu.memref_slice %arg2[%run_scoped3A, %dma_wait3A_97, %dma_wait3A_98] : memref<4x10240x128xf32, #tpu.memory_space<hbm>> -> memref<1x10240x128xf32, #tpu.memory_space<hbm>>
        %dma_wait3A_100 = tpu.memref_squeeze %dma_wait3A_99 : memref<1x10240x128xf32, #tpu.memory_space<hbm>> -> memref<10240x128xf32, #tpu.memory_space<hbm>>
        %dma_wait3A_101 = arith.constant 0 : i32
        %dma_wait3A_102 = arith.constant 0 : i32
        %dma_wait3A_103 = tpu.memref_slice %dma_wait3A_100[%dma_wait3A_101, %dma_wait3A_102] : memref<10240x128xf32, #tpu.memory_space<hbm>> -> memref<10240x128xf32, #tpu.memory_space<hbm>>
        tpu.wait_indirect_dma semaphore(%run_scoped3A_85 : memref<!tpu.dma_semaphore, #tpu.memory_space<semaphore_mem>>) src(%dma_wait3A_103 : memref<10240x128xf32, #tpu.memory_space<hbm>>) dst(%arg9 : memref<128x128xf32, #tpu.memory_space<vmem>>)
        tpu.yield
      }) : () -> ()
      "tpu.region"() ({
        %run_scoped3A_85 = tpu.sem_alloc : memref<!tpu.dma_semaphore, #tpu.memory_space<semaphore_mem>>
        %dma_start3A = arith.constant 0 : i32
        %dma_start3A_86 = tpu.memref_slice %arg8[%scan3A_84, %dma_start3A] : memref<40x128xi32, #tpu.memory_space<vmem>> -> memref<1x128xi32, #tpu.memory_space<vmem>>
        %dma_start3A_87 = tpu.memref_squeeze %dma_start3A_86 : memref<1x128xi32, #tpu.memory_space<vmem>> -> memref<128xi32, #tpu.memory_space<vmem>>
        %dma_start3A_88 = arith.constant 0 : i32
        %dma_start3A_89 = arith.constant 0 : i32
        %dma_start3A_90 = tpu.memref_slice %arg10[%dma_start3A_88, %dma_start3A_89] : memref<10240x128xf32, #tpu.memory_space<vmem_shared>> -> memref<10240x128xf32, #tpu.memory_space<vmem_shared>>
        tpu.enqueue_indirect_dma source(%arg9 : memref<128x128xf32, #tpu.memory_space<vmem>>) target(%dma_start3A_90 : memref<10240x128xf32, #tpu.memory_space<vmem_shared>>) offsets(%dma_start3A_87 : memref<128xi32, #tpu.memory_space<vmem>>) semaphore(%run_scoped3A_85 : memref<!tpu.dma_semaphore, #tpu.memory_space<semaphore_mem>>) {add = true}
        %dma_wait3A = arith.constant 0 : i32
        %dma_wait3A_91 = tpu.memref_slice %arg8[%scan3A_84, %dma_wait3A] : memref<40x128xi32, #tpu.memory_space<vmem>> -> memref<1x128xi32, #tpu.memory_space<vmem>>
        %dma_wait3A_92 = tpu.memref_squeeze %dma_wait3A_91 : memref<1x128xi32, #tpu.memory_space<vmem>> -> memref<128xi32, #tpu.memory_space<vmem>>
        %dma_wait3A_93 = arith.constant 0 : i32
        %dma_wait3A_94 = arith.constant 0 : i32
        %dma_wait3A_95 = tpu.memref_slice %arg10[%dma_wait3A_93, %dma_wait3A_94] : memref<10240x128xf32, #tpu.memory_space<vmem_shared>> -> memref<10240x128xf32, #tpu.memory_space<vmem_shared>>
        tpu.wait_indirect_dma semaphore(%run_scoped3A_85 : memref<!tpu.dma_semaphore, #tpu.memory_space<semaphore_mem>>) src(%arg9 : memref<128x128xf32, #tpu.memory_space<vmem>>) dst(%dma_wait3A_95 : memref<10240x128xf32, #tpu.memory_space<vmem_shared>>)
        tpu.yield
      }) : () -> ()
    }
    %scan3A_50 = arith.constant 40 : i32
    %barrier3A_51 = arith.constant 0 : index
    tpu.barrier barrier_id(%barrier3A_51)
    %eq3A_52 = arith.constant 0 : i32
    %eq3A_53 = arith.cmpi eq, %arg0, %eq3A_52 : i32
    %convert_element_type3A_54 = arith.extui %eq3A_53 : i1 to i32
    %cond3A_55 = arith.constant 0 : i32
    %cond3A_56 = arith.cmpi ne, %convert_element_type3A_54, %cond3A_55 : i32
    scf.if %cond3A_56 {
      %mul3A_84 = arith.constant 640 : i32
      %mul3A_85 = arith.muli %arg1, %mul3A_84 : i32
      %mul3A_86 = arith.constant 640 : i32
      %mul3A_87 = arith.muli %arg1, %mul3A_86 : i32
      %run_scoped3A = arith.constant 0 : i32
      %run_scoped3A_88 = arith.constant 2 : i32
      "tpu.region"() ({
        %run_scoped3A_89 = tpu.sem_alloc : memref<!tpu.dma_semaphore, #tpu.memory_space<semaphore_mem>>
        %dma_start3A = arith.constant 0 : i32
        %dma_start3A_90 = arith.constant 0 : i32
        %dma_start3A_91 = arith.constant 0 : i32
        %dma_start3A_92 = tpu.memref_slice %arg6[%run_scoped3A, %dma_start3A, %dma_start3A_90, %dma_start3A_91] : memref<2x4x10240x128xf32, #tpu.memory_space<hbm>> -> memref<1x4x10240x128xf32, #tpu.memory_space<hbm>>
        %dma_start3A_93 = tpu.memref_squeeze %dma_start3A_92 : memref<1x4x10240x128xf32, #tpu.memory_space<hbm>> -> memref<4x10240x128xf32, #tpu.memory_space<hbm>>
        %dma_start3A_94 = arith.constant 0 : i32
        %dma_start3A_95 = arith.constant 0 : i32
        %dma_start3A_96 = tpu.memref_slice %dma_start3A_93[%run_scoped3A_88, %dma_start3A_94, %dma_start3A_95] : memref<4x10240x128xf32, #tpu.memory_space<hbm>> -> memref<1x10240x128xf32, #tpu.memory_space<hbm>>
        %dma_start3A_97 = tpu.memref_squeeze %dma_start3A_96 : memref<1x10240x128xf32, #tpu.memory_space<hbm>> -> memref<10240x128xf32, #tpu.memory_space<hbm>>
        %dma_start3A_98 = arith.constant 0 : i32
        %dma_start3A_99 = tpu.memref_slice %dma_start3A_97[%mul3A_87, %dma_start3A_98] : memref<10240x128xf32, #tpu.memory_space<hbm>> -> memref<640x128xf32, #tpu.memory_space<hbm>>
        %dma_start3A_100 = arith.constant 0 : i32
        %dma_start3A_101 = tpu.memref_slice %arg10[%mul3A_85, %dma_start3A_100] : memref<10240x128xf32, #tpu.memory_space<vmem_shared>> -> memref<640x128xf32, #tpu.memory_space<vmem_shared>>
        tpu.enqueue_dma source(%dma_start3A_101 : memref<640x128xf32, #tpu.memory_space<vmem_shared>>) target(%dma_start3A_99 : memref<640x128xf32, #tpu.memory_space<hbm>>) target_semaphore(%run_scoped3A_89 : memref<!tpu.dma_semaphore, #tpu.memory_space<semaphore_mem>>)
        %dma_wait3A = arith.constant 0 : i32
        %dma_wait3A_102 = arith.constant 0 : i32
        %dma_wait3A_103 = arith.constant 0 : i32
        %dma_wait3A_104 = tpu.memref_slice %arg6[%run_scoped3A, %dma_wait3A, %dma_wait3A_102, %dma_wait3A_103] : memref<2x4x10240x128xf32, #tpu.memory_space<hbm>> -> memref<1x4x10240x128xf32, #tpu.memory_space<hbm>>
        %dma_wait3A_105 = tpu.memref_squeeze %dma_wait3A_104 : memref<1x4x10240x128xf32, #tpu.memory_space<hbm>> -> memref<4x10240x128xf32, #tpu.memory_space<hbm>>
        %dma_wait3A_106 = arith.constant 0 : i32
        %dma_wait3A_107 = arith.constant 0 : i32
        %dma_wait3A_108 = tpu.memref_slice %dma_wait3A_105[%run_scoped3A_88, %dma_wait3A_106, %dma_wait3A_107] : memref<4x10240x128xf32, #tpu.memory_space<hbm>> -> memref<1x10240x128xf32, #tpu.memory_space<hbm>>
        %dma_wait3A_109 = tpu.memref_squeeze %dma_wait3A_108 : memref<1x10240x128xf32, #tpu.memory_space<hbm>> -> memref<10240x128xf32, #tpu.memory_space<hbm>>
        %dma_wait3A_110 = arith.constant 0 : i32
        %dma_wait3A_111 = tpu.memref_slice %dma_wait3A_109[%mul3A_87, %dma_wait3A_110] : memref<10240x128xf32, #tpu.memory_space<hbm>> -> memref<640x128xf32, #tpu.memory_space<hbm>>
        %dma_wait3A_112 = arith.constant 0 : i32
        %dma_wait3A_113 = tpu.memref_slice %arg10[%mul3A_85, %dma_wait3A_112] : memref<10240x128xf32, #tpu.memory_space<vmem_shared>> -> memref<640x128xf32, #tpu.memory_space<vmem_shared>>
        tpu.wait_dma2 semaphore(%run_scoped3A_89 : memref<!tpu.dma_semaphore, #tpu.memory_space<semaphore_mem>>) src(%dma_wait3A_113 : memref<640x128xf32, #tpu.memory_space<vmem_shared>>) dst(%dma_wait3A_111 : memref<640x128xf32, #tpu.memory_space<hbm>>)
        tpu.yield
      }) : () -> ()
    } else {
    }
    %eq3A_57 = arith.constant 1 : i32
    %eq3A_58 = arith.cmpi eq, %arg0, %eq3A_57 : i32
    %convert_element_type3A_59 = arith.extui %eq3A_58 : i1 to i32
    %cond3A_60 = arith.constant 0 : i32
    %cond3A_61 = arith.cmpi ne, %convert_element_type3A_59, %cond3A_60 : i32
    scf.if %cond3A_61 {
      %mul3A_84 = arith.constant 640 : i32
      %mul3A_85 = arith.muli %arg1, %mul3A_84 : i32
      %mul3A_86 = arith.constant 640 : i32
      %mul3A_87 = arith.muli %arg1, %mul3A_86 : i32
      %run_scoped3A = arith.constant 1 : i32
      %run_scoped3A_88 = arith.constant 2 : i32
      "tpu.region"() ({
        %run_scoped3A_89 = tpu.sem_alloc : memref<!tpu.dma_semaphore, #tpu.memory_space<semaphore_mem>>
        %dma_start3A = arith.constant 0 : i32
        %dma_start3A_90 = arith.constant 0 : i32
        %dma_start3A_91 = arith.constant 0 : i32
        %dma_start3A_92 = tpu.memref_slice %arg6[%run_scoped3A, %dma_start3A, %dma_start3A_90, %dma_start3A_91] : memref<2x4x10240x128xf32, #tpu.memory_space<hbm>> -> memref<1x4x10240x128xf32, #tpu.memory_space<hbm>>
        %dma_start3A_93 = tpu.memref_squeeze %dma_start3A_92 : memref<1x4x10240x128xf32, #tpu.memory_space<hbm>> -> memref<4x10240x128xf32, #tpu.memory_space<hbm>>
        %dma_start3A_94 = arith.constant 0 : i32
        %dma_start3A_95 = arith.constant 0 : i32
        %dma_start3A_96 = tpu.memref_slice %dma_start3A_93[%run_scoped3A_88, %dma_start3A_94, %dma_start3A_95] : memref<4x10240x128xf32, #tpu.memory_space<hbm>> -> memref<1x10240x128xf32, #tpu.memory_space<hbm>>
        %dma_start3A_97 = tpu.memref_squeeze %dma_start3A_96 : memref<1x10240x128xf32, #tpu.memory_space<hbm>> -> memref<10240x128xf32, #tpu.memory_space<hbm>>
        %dma_start3A_98 = arith.constant 0 : i32
        %dma_start3A_99 = tpu.memref_slice %dma_start3A_97[%mul3A_87, %dma_start3A_98] : memref<10240x128xf32, #tpu.memory_space<hbm>> -> memref<640x128xf32, #tpu.memory_space<hbm>>
        %dma_start3A_100 = arith.constant 0 : i32
        %dma_start3A_101 = tpu.memref_slice %arg10[%mul3A_85, %dma_start3A_100] : memref<10240x128xf32, #tpu.memory_space<vmem_shared>> -> memref<640x128xf32, #tpu.memory_space<vmem_shared>>
        tpu.enqueue_dma source(%dma_start3A_101 : memref<640x128xf32, #tpu.memory_space<vmem_shared>>) target(%dma_start3A_99 : memref<640x128xf32, #tpu.memory_space<hbm>>) target_semaphore(%run_scoped3A_89 : memref<!tpu.dma_semaphore, #tpu.memory_space<semaphore_mem>>)
        %dma_wait3A = arith.constant 0 : i32
        %dma_wait3A_102 = arith.constant 0 : i32
        %dma_wait3A_103 = arith.constant 0 : i32
        %dma_wait3A_104 = tpu.memref_slice %arg6[%run_scoped3A, %dma_wait3A, %dma_wait3A_102, %dma_wait3A_103] : memref<2x4x10240x128xf32, #tpu.memory_space<hbm>> -> memref<1x4x10240x128xf32, #tpu.memory_space<hbm>>
        %dma_wait3A_105 = tpu.memref_squeeze %dma_wait3A_104 : memref<1x4x10240x128xf32, #tpu.memory_space<hbm>> -> memref<4x10240x128xf32, #tpu.memory_space<hbm>>
        %dma_wait3A_106 = arith.constant 0 : i32
        %dma_wait3A_107 = arith.constant 0 : i32
        %dma_wait3A_108 = tpu.memref_slice %dma_wait3A_105[%run_scoped3A_88, %dma_wait3A_106, %dma_wait3A_107] : memref<4x10240x128xf32, #tpu.memory_space<hbm>> -> memref<1x10240x128xf32, #tpu.memory_space<hbm>>
        %dma_wait3A_109 = tpu.memref_squeeze %dma_wait3A_108 : memref<1x10240x128xf32, #tpu.memory_space<hbm>> -> memref<10240x128xf32, #tpu.memory_space<hbm>>
        %dma_wait3A_110 = arith.constant 0 : i32
        %dma_wait3A_111 = tpu.memref_slice %dma_wait3A_109[%mul3A_87, %dma_wait3A_110] : memref<10240x128xf32, #tpu.memory_space<hbm>> -> memref<640x128xf32, #tpu.memory_space<hbm>>
        %dma_wait3A_112 = arith.constant 0 : i32
        %dma_wait3A_113 = tpu.memref_slice %arg10[%mul3A_85, %dma_wait3A_112] : memref<10240x128xf32, #tpu.memory_space<vmem_shared>> -> memref<640x128xf32, #tpu.memory_space<vmem_shared>>
        tpu.wait_dma2 semaphore(%run_scoped3A_89 : memref<!tpu.dma_semaphore, #tpu.memory_space<semaphore_mem>>) src(%dma_wait3A_113 : memref<640x128xf32, #tpu.memory_space<vmem_shared>>) dst(%dma_wait3A_111 : memref<640x128xf32, #tpu.memory_space<hbm>>)
        tpu.yield
      }) : () -> ()
    } else {
    }
    %barrier3A_62 = arith.constant 0 : index
    tpu.barrier barrier_id(%barrier3A_62)
    %mul3A_63 = arith.constant 640 : i32
    %mul3A_64 = arith.muli %arg1, %mul3A_63 : i32
    "tpu.region"() ({
      %run_scoped3A = tpu.sem_alloc : memref<!tpu.dma_semaphore, #tpu.memory_space<semaphore_mem>>
      %dma_start3A = arith.constant 0 : i32
      %dma_start3A_84 = tpu.memref_slice %arg10[%mul3A_64, %dma_start3A] : memref<10240x128xf32, #tpu.memory_space<vmem_shared>> -> memref<640x128xf32, #tpu.memory_space<vmem_shared>>
      tpu.enqueue_dma source(%arg5 : memref<640x128xf32, #tpu.memory_space<hbm>>) target(%dma_start3A_84 : memref<640x128xf32, #tpu.memory_space<vmem_shared>>) target_semaphore(%run_scoped3A : memref<!tpu.dma_semaphore, #tpu.memory_space<semaphore_mem>>)
      %dma_wait3A = arith.constant 0 : i32
      %dma_wait3A_85 = tpu.memref_slice %arg10[%mul3A_64, %dma_wait3A] : memref<10240x128xf32, #tpu.memory_space<vmem_shared>> -> memref<640x128xf32, #tpu.memory_space<vmem_shared>>
      tpu.wait_dma2 semaphore(%run_scoped3A : memref<!tpu.dma_semaphore, #tpu.memory_space<semaphore_mem>>) src(%arg5 : memref<640x128xf32, #tpu.memory_space<hbm>>) dst(%dma_wait3A_85 : memref<640x128xf32, #tpu.memory_space<vmem_shared>>)
      tpu.yield
    }) : () -> ()
    %barrier3A_65 = arith.constant 0 : index
    tpu.barrier barrier_id(%barrier3A_65)
    %scan3A_66 = arith.constant 0 : i32
    %scan3A_67 = arith.constant 0 : i32
    %scan3A_68 = arith.constant 40 : i32
    %scan3A_69 = arith.addi %scan3A_67, %scan3A_68 : i32
    %scan3A_70 = arith.constant 1 : i32
    scf.for %scan3A_84 = %scan3A_67 to %scan3A_69 step %scan3A_70  : i32 {
      %run_scoped3A = arith.constant 3 : i32
      "tpu.region"() ({
        %run_scoped3A_85 = tpu.sem_alloc : memref<!tpu.dma_semaphore, #tpu.memory_space<semaphore_mem>>
        %dma_start3A = arith.constant 0 : i32
        %dma_start3A_86 = tpu.memref_slice %arg7[%scan3A_84, %dma_start3A] : memref<40x128xi32, #tpu.memory_space<vmem>> -> memref<1x128xi32, #tpu.memory_space<vmem>>
        %dma_start3A_87 = tpu.memref_squeeze %dma_start3A_86 : memref<1x128xi32, #tpu.memory_space<vmem>> -> memref<128xi32, #tpu.memory_space<vmem>>
        %dma_start3A_88 = arith.constant 0 : i32
        %dma_start3A_89 = arith.constant 0 : i32
        %dma_start3A_90 = tpu.memref_slice %arg2[%run_scoped3A, %dma_start3A_88, %dma_start3A_89] : memref<4x10240x128xf32, #tpu.memory_space<hbm>> -> memref<1x10240x128xf32, #tpu.memory_space<hbm>>
        %dma_start3A_91 = tpu.memref_squeeze %dma_start3A_90 : memref<1x10240x128xf32, #tpu.memory_space<hbm>> -> memref<10240x128xf32, #tpu.memory_space<hbm>>
        %dma_start3A_92 = arith.constant 0 : i32
        %dma_start3A_93 = arith.constant 0 : i32
        %dma_start3A_94 = tpu.memref_slice %dma_start3A_91[%dma_start3A_92, %dma_start3A_93] : memref<10240x128xf32, #tpu.memory_space<hbm>> -> memref<10240x128xf32, #tpu.memory_space<hbm>>
        tpu.enqueue_indirect_dma source(%dma_start3A_94 : memref<10240x128xf32, #tpu.memory_space<hbm>>) target(%arg9 : memref<128x128xf32, #tpu.memory_space<vmem>>) offsets(%dma_start3A_87 : memref<128xi32, #tpu.memory_space<vmem>>) semaphore(%run_scoped3A_85 : memref<!tpu.dma_semaphore, #tpu.memory_space<semaphore_mem>>)
        %dma_wait3A = arith.constant 0 : i32
        %dma_wait3A_95 = tpu.memref_slice %arg7[%scan3A_84, %dma_wait3A] : memref<40x128xi32, #tpu.memory_space<vmem>> -> memref<1x128xi32, #tpu.memory_space<vmem>>
        %dma_wait3A_96 = tpu.memref_squeeze %dma_wait3A_95 : memref<1x128xi32, #tpu.memory_space<vmem>> -> memref<128xi32, #tpu.memory_space<vmem>>
        %dma_wait3A_97 = arith.constant 0 : i32
        %dma_wait3A_98 = arith.constant 0 : i32
        %dma_wait3A_99 = tpu.memref_slice %arg2[%run_scoped3A, %dma_wait3A_97, %dma_wait3A_98] : memref<4x10240x128xf32, #tpu.memory_space<hbm>> -> memref<1x10240x128xf32, #tpu.memory_space<hbm>>
        %dma_wait3A_100 = tpu.memref_squeeze %dma_wait3A_99 : memref<1x10240x128xf32, #tpu.memory_space<hbm>> -> memref<10240x128xf32, #tpu.memory_space<hbm>>
        %dma_wait3A_101 = arith.constant 0 : i32
        %dma_wait3A_102 = arith.constant 0 : i32
        %dma_wait3A_103 = tpu.memref_slice %dma_wait3A_100[%dma_wait3A_101, %dma_wait3A_102] : memref<10240x128xf32, #tpu.memory_space<hbm>> -> memref<10240x128xf32, #tpu.memory_space<hbm>>
        tpu.wait_indirect_dma semaphore(%run_scoped3A_85 : memref<!tpu.dma_semaphore, #tpu.memory_space<semaphore_mem>>) src(%dma_wait3A_103 : memref<10240x128xf32, #tpu.memory_space<hbm>>) dst(%arg9 : memref<128x128xf32, #tpu.memory_space<vmem>>)
        tpu.yield
      }) : () -> ()
      "tpu.region"() ({
        %run_scoped3A_85 = tpu.sem_alloc : memref<!tpu.dma_semaphore, #tpu.memory_space<semaphore_mem>>
        %dma_start3A = arith.constant 0 : i32
        %dma_start3A_86 = tpu.memref_slice %arg8[%scan3A_84, %dma_start3A] : memref<40x128xi32, #tpu.memory_space<vmem>> -> memref<1x128xi32, #tpu.memory_space<vmem>>
        %dma_start3A_87 = tpu.memref_squeeze %dma_start3A_86 : memref<1x128xi32, #tpu.memory_space<vmem>> -> memref<128xi32, #tpu.memory_space<vmem>>
        %dma_start3A_88 = arith.constant 0 : i32
        %dma_start3A_89 = arith.constant 0 : i32
        %dma_start3A_90 = tpu.memref_slice %arg10[%dma_start3A_88, %dma_start3A_89] : memref<10240x128xf32, #tpu.memory_space<vmem_shared>> -> memref<10240x128xf32, #tpu.memory_space<vmem_shared>>
        tpu.enqueue_indirect_dma source(%arg9 : memref<128x128xf32, #tpu.memory_space<vmem>>) target(%dma_start3A_90 : memref<10240x128xf32, #tpu.memory_space<vmem_shared>>) offsets(%dma_start3A_87 : memref<128xi32, #tpu.memory_space<vmem>>) semaphore(%run_scoped3A_85 : memref<!tpu.dma_semaphore, #tpu.memory_space<semaphore_mem>>) {add = true}
        %dma_wait3A = arith.constant 0 : i32
        %dma_wait3A_91 = tpu.memref_slice %arg8[%scan3A_84, %dma_wait3A] : memref<40x128xi32, #tpu.memory_space<vmem>> -> memref<1x128xi32, #tpu.memory_space<vmem>>
        %dma_wait3A_92 = tpu.memref_squeeze %dma_wait3A_91 : memref<1x128xi32, #tpu.memory_space<vmem>> -> memref<128xi32, #tpu.memory_space<vmem>>
        %dma_wait3A_93 = arith.constant 0 : i32
        %dma_wait3A_94 = arith.constant 0 : i32
        %dma_wait3A_95 = tpu.memref_slice %arg10[%dma_wait3A_93, %dma_wait3A_94] : memref<10240x128xf32, #tpu.memory_space<vmem_shared>> -> memref<10240x128xf32, #tpu.memory_space<vmem_shared>>
        tpu.wait_indirect_dma semaphore(%run_scoped3A_85 : memref<!tpu.dma_semaphore, #tpu.memory_space<semaphore_mem>>) src(%arg9 : memref<128x128xf32, #tpu.memory_space<vmem>>) dst(%dma_wait3A_95 : memref<10240x128xf32, #tpu.memory_space<vmem_shared>>)
        tpu.yield
      }) : () -> ()
    }
    %scan3A_71 = arith.constant 40 : i32
    %barrier3A_72 = arith.constant 0 : index
    tpu.barrier barrier_id(%barrier3A_72)
    %eq3A_73 = arith.constant 0 : i32
    %eq3A_74 = arith.cmpi eq, %arg0, %eq3A_73 : i32
    %convert_element_type3A_75 = arith.extui %eq3A_74 : i1 to i32
    %cond3A_76 = arith.constant 0 : i32
    %cond3A_77 = arith.cmpi ne, %convert_element_type3A_75, %cond3A_76 : i32
    scf.if %cond3A_77 {
      %mul3A_84 = arith.constant 640 : i32
      %mul3A_85 = arith.muli %arg1, %mul3A_84 : i32
      %mul3A_86 = arith.constant 640 : i32
      %mul3A_87 = arith.muli %arg1, %mul3A_86 : i32
      %run_scoped3A = arith.constant 0 : i32
      %run_scoped3A_88 = arith.constant 3 : i32
      "tpu.region"() ({
        %run_scoped3A_89 = tpu.sem_alloc : memref<!tpu.dma_semaphore, #tpu.memory_space<semaphore_mem>>
        %dma_start3A = arith.constant 0 : i32
        %dma_start3A_90 = arith.constant 0 : i32
        %dma_start3A_91 = arith.constant 0 : i32
        %dma_start3A_92 = tpu.memref_slice %arg6[%run_scoped3A, %dma_start3A, %dma_start3A_90, %dma_start3A_91] : memref<2x4x10240x128xf32, #tpu.memory_space<hbm>> -> memref<1x4x10240x128xf32, #tpu.memory_space<hbm>>
        %dma_start3A_93 = tpu.memref_squeeze %dma_start3A_92 : memref<1x4x10240x128xf32, #tpu.memory_space<hbm>> -> memref<4x10240x128xf32, #tpu.memory_space<hbm>>
        %dma_start3A_94 = arith.constant 0 : i32
        %dma_start3A_95 = arith.constant 0 : i32
        %dma_start3A_96 = tpu.memref_slice %dma_start3A_93[%run_scoped3A_88, %dma_start3A_94, %dma_start3A_95] : memref<4x10240x128xf32, #tpu.memory_space<hbm>> -> memref<1x10240x128xf32, #tpu.memory_space<hbm>>
        %dma_start3A_97 = tpu.memref_squeeze %dma_start3A_96 : memref<1x10240x128xf32, #tpu.memory_space<hbm>> -> memref<10240x128xf32, #tpu.memory_space<hbm>>
        %dma_start3A_98 = arith.constant 0 : i32
        %dma_start3A_99 = tpu.memref_slice %dma_start3A_97[%mul3A_87, %dma_start3A_98] : memref<10240x128xf32, #tpu.memory_space<hbm>> -> memref<640x128xf32, #tpu.memory_space<hbm>>
        %dma_start3A_100 = arith.constant 0 : i32
        %dma_start3A_101 = tpu.memref_slice %arg10[%mul3A_85, %dma_start3A_100] : memref<10240x128xf32, #tpu.memory_space<vmem_shared>> -> memref<640x128xf32, #tpu.memory_space<vmem_shared>>
        tpu.enqueue_dma source(%dma_start3A_101 : memref<640x128xf32, #tpu.memory_space<vmem_shared>>) target(%dma_start3A_99 : memref<640x128xf32, #tpu.memory_space<hbm>>) target_semaphore(%run_scoped3A_89 : memref<!tpu.dma_semaphore, #tpu.memory_space<semaphore_mem>>)
        %dma_wait3A = arith.constant 0 : i32
        %dma_wait3A_102 = arith.constant 0 : i32
        %dma_wait3A_103 = arith.constant 0 : i32
        %dma_wait3A_104 = tpu.memref_slice %arg6[%run_scoped3A, %dma_wait3A, %dma_wait3A_102, %dma_wait3A_103] : memref<2x4x10240x128xf32, #tpu.memory_space<hbm>> -> memref<1x4x10240x128xf32, #tpu.memory_space<hbm>>
        %dma_wait3A_105 = tpu.memref_squeeze %dma_wait3A_104 : memref<1x4x10240x128xf32, #tpu.memory_space<hbm>> -> memref<4x10240x128xf32, #tpu.memory_space<hbm>>
        %dma_wait3A_106 = arith.constant 0 : i32
        %dma_wait3A_107 = arith.constant 0 : i32
        %dma_wait3A_108 = tpu.memref_slice %dma_wait3A_105[%run_scoped3A_88, %dma_wait3A_106, %dma_wait3A_107] : memref<4x10240x128xf32, #tpu.memory_space<hbm>> -> memref<1x10240x128xf32, #tpu.memory_space<hbm>>
        %dma_wait3A_109 = tpu.memref_squeeze %dma_wait3A_108 : memref<1x10240x128xf32, #tpu.memory_space<hbm>> -> memref<10240x128xf32, #tpu.memory_space<hbm>>
        %dma_wait3A_110 = arith.constant 0 : i32
        %dma_wait3A_111 = tpu.memref_slice %dma_wait3A_109[%mul3A_87, %dma_wait3A_110] : memref<10240x128xf32, #tpu.memory_space<hbm>> -> memref<640x128xf32, #tpu.memory_space<hbm>>
        %dma_wait3A_112 = arith.constant 0 : i32
        %dma_wait3A_113 = tpu.memref_slice %arg10[%mul3A_85, %dma_wait3A_112] : memref<10240x128xf32, #tpu.memory_space<vmem_shared>> -> memref<640x128xf32, #tpu.memory_space<vmem_shared>>
        tpu.wait_dma2 semaphore(%run_scoped3A_89 : memref<!tpu.dma_semaphore, #tpu.memory_space<semaphore_mem>>) src(%dma_wait3A_113 : memref<640x128xf32, #tpu.memory_space<vmem_shared>>) dst(%dma_wait3A_111 : memref<640x128xf32, #tpu.memory_space<hbm>>)
        tpu.yield
      }) : () -> ()
    } else {
    }
    %eq3A_78 = arith.constant 1 : i32
    %eq3A_79 = arith.cmpi eq, %arg0, %eq3A_78 : i32
    %convert_element_type3A_80 = arith.extui %eq3A_79 : i1 to i32
    %cond3A_81 = arith.constant 0 : i32
    %cond3A_82 = arith.cmpi ne, %convert_element_type3A_80, %cond3A_81 : i32
    scf.if %cond3A_82 {
      %mul3A_84 = arith.constant 640 : i32
      %mul3A_85 = arith.muli %arg1, %mul3A_84 : i32
      %mul3A_86 = arith.constant 640 : i32
      %mul3A_87 = arith.muli %arg1, %mul3A_86 : i32
      %run_scoped3A = arith.constant 1 : i32
      %run_scoped3A_88 = arith.constant 3 : i32
      "tpu.region"() ({
        %run_scoped3A_89 = tpu.sem_alloc : memref<!tpu.dma_semaphore, #tpu.memory_space<semaphore_mem>>
        %dma_start3A = arith.constant 0 : i32
        %dma_start3A_90 = arith.constant 0 : i32
        %dma_start3A_91 = arith.constant 0 : i32
        %dma_start3A_92 = tpu.memref_slice %arg6[%run_scoped3A, %dma_start3A, %dma_start3A_90, %dma_start3A_91] : memref<2x4x10240x128xf32, #tpu.memory_space<hbm>> -> memref<1x4x10240x128xf32, #tpu.memory_space<hbm>>
        %dma_start3A_93 = tpu.memref_squeeze %dma_start3A_92 : memref<1x4x10240x128xf32, #tpu.memory_space<hbm>> -> memref<4x10240x128xf32, #tpu.memory_space<hbm>>
        %dma_start3A_94 = arith.constant 0 : i32
        %dma_start3A_95 = arith.constant 0 : i32
        %dma_start3A_96 = tpu.memref_slice %dma_start3A_93[%run_scoped3A_88, %dma_start3A_94, %dma_start3A_95] : memref<4x10240x128xf32, #tpu.memory_space<hbm>> -> memref<1x10240x128xf32, #tpu.memory_space<hbm>>
        %dma_start3A_97 = tpu.memref_squeeze %dma_start3A_96 : memref<1x10240x128xf32, #tpu.memory_space<hbm>> -> memref<10240x128xf32, #tpu.memory_space<hbm>>
        %dma_start3A_98 = arith.constant 0 : i32
        %dma_start3A_99 = tpu.memref_slice %dma_start3A_97[%mul3A_87, %dma_start3A_98] : memref<10240x128xf32, #tpu.memory_space<hbm>> -> memref<640x128xf32, #tpu.memory_space<hbm>>
        %dma_start3A_100 = arith.constant 0 : i32
        %dma_start3A_101 = tpu.memref_slice %arg10[%mul3A_85, %dma_start3A_100] : memref<10240x128xf32, #tpu.memory_space<vmem_shared>> -> memref<640x128xf32, #tpu.memory_space<vmem_shared>>
        tpu.enqueue_dma source(%dma_start3A_101 : memref<640x128xf32, #tpu.memory_space<vmem_shared>>) target(%dma_start3A_99 : memref<640x128xf32, #tpu.memory_space<hbm>>) target_semaphore(%run_scoped3A_89 : memref<!tpu.dma_semaphore, #tpu.memory_space<semaphore_mem>>)
        %dma_wait3A = arith.constant 0 : i32
        %dma_wait3A_102 = arith.constant 0 : i32
        %dma_wait3A_103 = arith.constant 0 : i32
        %dma_wait3A_104 = tpu.memref_slice %arg6[%run_scoped3A, %dma_wait3A, %dma_wait3A_102, %dma_wait3A_103] : memref<2x4x10240x128xf32, #tpu.memory_space<hbm>> -> memref<1x4x10240x128xf32, #tpu.memory_space<hbm>>
        %dma_wait3A_105 = tpu.memref_squeeze %dma_wait3A_104 : memref<1x4x10240x128xf32, #tpu.memory_space<hbm>> -> memref<4x10240x128xf32, #tpu.memory_space<hbm>>
        %dma_wait3A_106 = arith.constant 0 : i32
        %dma_wait3A_107 = arith.constant 0 : i32
        %dma_wait3A_108 = tpu.memref_slice %dma_wait3A_105[%run_scoped3A_88, %dma_wait3A_106, %dma_wait3A_107] : memref<4x10240x128xf32, #tpu.memory_space<hbm>> -> memref<1x10240x128xf32, #tpu.memory_space<hbm>>
        %dma_wait3A_109 = tpu.memref_squeeze %dma_wait3A_108 : memref<1x10240x128xf32, #tpu.memory_space<hbm>> -> memref<10240x128xf32, #tpu.memory_space<hbm>>
        %dma_wait3A_110 = arith.constant 0 : i32
        %dma_wait3A_111 = tpu.memref_slice %dma_wait3A_109[%mul3A_87, %dma_wait3A_110] : memref<10240x128xf32, #tpu.memory_space<hbm>> -> memref<640x128xf32, #tpu.memory_space<hbm>>
        %dma_wait3A_112 = arith.constant 0 : i32
        %dma_wait3A_113 = tpu.memref_slice %arg10[%mul3A_85, %dma_wait3A_112] : memref<10240x128xf32, #tpu.memory_space<vmem_shared>> -> memref<640x128xf32, #tpu.memory_space<vmem_shared>>
        tpu.wait_dma2 semaphore(%run_scoped3A_89 : memref<!tpu.dma_semaphore, #tpu.memory_space<semaphore_mem>>) src(%dma_wait3A_113 : memref<640x128xf32, #tpu.memory_space<vmem_shared>>) dst(%dma_wait3A_111 : memref<640x128xf32, #tpu.memory_space<hbm>>)
        tpu.yield
      }) : () -> ()
    } else {
    }
    %barrier3A_83 = arith.constant 0 : index
    tpu.barrier barrier_id(%barrier3A_83)
    return
  }
}

module attributes {stable_mosaic.version = 14 : i64} {
  func.func @_l1_body(%arg0: i32, %arg1: memref<2x2x1280x128xf32, #tpu.memory_space<vmem>>, %arg2: memref<2x1280x128xf32, #tpu.memory_space<vmem>>, %arg3: memref<512x256xf32, #tpu.memory_space<vmem>>, %arg4: memref<1x512xf32, #tpu.memory_space<vmem>>, %arg5: memref<512x256xf32, #tpu.memory_space<vmem>>, %arg6: memref<1280x512xf32, #tpu.memory_space<vmem>>, %arg7: memref<1x1x512xf32, #tpu.memory_space<vmem>>, %arg8: memref<1x1x512xf32, #tpu.memory_space<vmem>>) attributes {dimension_semantics = [#tpu.dimension_semantics<arbitrary>], iteration_bounds = array<i64: 8>, scalar_prefetch = 0 : i64, scratch_operands = 0 : i64, tpu.core_type = #tpu.core_type<tc>, window_params = [{transform_indices = @transform_0, window_bounds = array<i64: 2, 2, 1280, 128>}, {transform_indices = @transform_1, window_bounds = array<i64: 2, 1280, 128>}, {pipeline_mode = #tpu.pipeline_mode<synchronous>, transform_indices = @transform_2, window_bounds = array<i64: 512, 256>}, {pipeline_mode = #tpu.pipeline_mode<synchronous>, transform_indices = @transform_3, window_bounds = array<i64: 1, 512>}, {pipeline_mode = #tpu.pipeline_mode<synchronous>, transform_indices = @transform_4, window_bounds = array<i64: 512, 256>}, {transform_indices = @transform_5, window_bounds = array<i64: 1280, 512>}, {transform_indices = @transform_6, window_bounds = array<i64: 1, 1, 512>}, {transform_indices = @transform_7, window_bounds = array<i64: 1, 1, 512>}]} {
    %get3A = arith.constant 0 : index
    %get3A_0 = arith.constant 0 : index
    %get3A_1 = arith.constant 0 : index
    %get3A_2 = arith.constant 0 : index
    %get3A_3 = vector.load %arg1[%get3A, %get3A_0, %get3A_1, %get3A_2] : memref<2x2x1280x128xf32, #tpu.memory_space<vmem>>, vector<1x1x1280x128xf32>
    %get3A_4 = vector.shape_cast %get3A_3 : vector<1x1x1280x128xf32> to vector<1280x128xf32>
    %get3A_5 = arith.constant 1 : index
    %get3A_6 = arith.constant 0 : index
    %get3A_7 = arith.constant 0 : index
    %get3A_8 = arith.constant 0 : index
    %get3A_9 = vector.load %arg1[%get3A_5, %get3A_6, %get3A_7, %get3A_8] : memref<2x2x1280x128xf32, #tpu.memory_space<vmem>>, vector<1x1x1280x128xf32>
    %get3A_10 = vector.shape_cast %get3A_9 : vector<1x1x1280x128xf32> to vector<1280x128xf32>
    %add3A = arith.addf %get3A_4, %get3A_10 : vector<1280x128xf32>
    %get3A_11 = arith.constant 0 : index
    %get3A_12 = arith.constant 1 : index
    %get3A_13 = arith.constant 0 : index
    %get3A_14 = arith.constant 0 : index
    %get3A_15 = vector.load %arg1[%get3A_11, %get3A_12, %get3A_13, %get3A_14] : memref<2x2x1280x128xf32, #tpu.memory_space<vmem>>, vector<1x1x1280x128xf32>
    %get3A_16 = vector.shape_cast %get3A_15 : vector<1x1x1280x128xf32> to vector<1280x128xf32>
    %get3A_17 = arith.constant 1 : index
    %get3A_18 = arith.constant 1 : index
    %get3A_19 = arith.constant 0 : index
    %get3A_20 = arith.constant 0 : index
    %get3A_21 = vector.load %arg1[%get3A_17, %get3A_18, %get3A_19, %get3A_20] : memref<2x2x1280x128xf32, #tpu.memory_space<vmem>>, vector<1x1x1280x128xf32>
    %get3A_22 = vector.shape_cast %get3A_21 : vector<1x1x1280x128xf32> to vector<1280x128xf32>
    %add3A_23 = arith.addf %get3A_16, %get3A_22 : vector<1280x128xf32>
    %concatenate3A = tpu.concatenate %add3A, %add3A_23 in 1 : vector<1280x128xf32>, vector<1280x128xf32> -> vector<1280x256xf32>
    %get3A_24 = arith.constant 0 : index
    %get3A_25 = arith.constant 0 : index
    %get3A_26 = arith.constant 0 : index
    %get3A_27 = vector.load %arg2[%get3A_24, %get3A_25, %get3A_26] : memref<2x1280x128xf32, #tpu.memory_space<vmem>>, vector<1x1280x128xf32>
    %get3A_28 = vector.shape_cast %get3A_27 : vector<1x1280x128xf32> to vector<1280x128xf32>
    %get3A_29 = arith.constant 1 : index
    %get3A_30 = arith.constant 0 : index
    %get3A_31 = arith.constant 0 : index
    %get3A_32 = vector.load %arg2[%get3A_29, %get3A_30, %get3A_31] : memref<2x1280x128xf32, #tpu.memory_space<vmem>>, vector<1x1280x128xf32>
    %get3A_33 = vector.shape_cast %get3A_32 : vector<1x1280x128xf32> to vector<1280x128xf32>
    %concatenate3A_34 = tpu.concatenate %get3A_28, %get3A_33 in 1 : vector<1280x128xf32>, vector<1280x128xf32> -> vector<1280x256xf32>
    %get3A_35 = arith.constant 0 : index
    %get3A_36 = arith.constant 0 : index
    %get3A_37 = vector.load %arg3[%get3A_35, %get3A_36] : memref<512x256xf32, #tpu.memory_space<vmem>>, vector<512x256xf32>
    %dot_general3A = arith.constant dense<0.000000e+00> : vector<1280x512xf32>
    %dot_general3A_38 = tpu.matmul %concatenate3A, %get3A_37, %dot_general3A {dimension_numbers = #tpu.dot_dimension_numbers<[1], [1], [0], [0], [0, 0, 1, 0], [], []>, precision = #tpu.contract_precision<fp32>, transpose_lhs_hint = false} : vector<1280x256xf32>, vector<512x256xf32>, vector<1280x512xf32> -> vector<1280x512xf32>
    %get3A_39 = arith.constant 0 : index
    %get3A_40 = arith.constant 0 : index
    %get3A_41 = vector.load %arg5[%get3A_39, %get3A_40] : memref<512x256xf32, #tpu.memory_space<vmem>>, vector<512x256xf32>
    %dot_general3A_42 = arith.constant dense<0.000000e+00> : vector<1280x512xf32>
    %dot_general3A_43 = tpu.matmul %concatenate3A_34, %get3A_41, %dot_general3A_42 {dimension_numbers = #tpu.dot_dimension_numbers<[1], [1], [0], [0], [0, 0, 1, 0], [], []>, precision = #tpu.contract_precision<fp32>, transpose_lhs_hint = false} : vector<1280x256xf32>, vector<512x256xf32>, vector<1280x512xf32> -> vector<1280x512xf32>
    %add3A_44 = arith.addf %dot_general3A_38, %dot_general3A_43 : vector<1280x512xf32>
    %get3A_45 = arith.constant 0 : index
    %get3A_46 = arith.constant 0 : index
    %get3A_47 = vector.load %arg4[%get3A_45, %get3A_46] : memref<1x512xf32, #tpu.memory_space<vmem>>, vector<1x512xf32>
    %add3A_48 = vector.broadcast %get3A_47 : vector<1x512xf32> to vector<1280x512xf32>
    %add3A_49 = arith.addf %add3A_44, %add3A_48 : vector<1280x512xf32>
    %max3A = arith.constant 0.000000e+00 : f32
    %max3A_50 = vector.broadcast %max3A : f32 to vector<1280x512xf32>
    %max3A_51 = arith.maximumf %add3A_49, %max3A_50 : vector<1280x512xf32>
    %iota3A = tpu.iota {dimensions = array<i32: 0>} : vector<1280x1xi32>
    %mul3A = arith.constant 1280 : i32
    %mul3A_52 = arith.muli %arg0, %mul3A : i32
    %add3A_53 = vector.broadcast %mul3A_52 : i32 to vector<1280x1xi32>
    %add3A_54 = arith.addi %iota3A, %add3A_53 : vector<1280x1xi32>
    %lt3A = arith.constant 10000 : i32
    %lt3A_55 = vector.broadcast %lt3A : i32 to vector<1280x1xi32>
    %lt3A_56 = arith.cmpi slt, %add3A_54, %lt3A_55 : vector<1280x1xi32>
    %jit3A = arith.constant 0.000000e+00 : f32
    %broadcast_in_dim3A = vector.shape_cast %lt3A_56 : vector<1280x1xi1> to vector<1280x1xi1>
    %broadcast_in_dim3A_57 = vector.broadcast %broadcast_in_dim3A : vector<1280x1xi1> to vector<1280x512xi1>
    %broadcast_in_dim3A_58 = vector.broadcast %jit3A : f32 to vector<1280x512xf32>
    %select_n3A = arith.select %broadcast_in_dim3A_57, %max3A_51, %broadcast_in_dim3A_58 : vector<1280x512xi1>, vector<1280x512xf32>
    %swap3A = arith.constant 0 : index
    %swap3A_59 = arith.constant 0 : index
    %swap3A_60 = vector.load %arg6[%swap3A, %swap3A_59] : memref<1280x512xf32, #tpu.memory_space<vmem>>, vector<1280x512xf32>
    tpu.vector_store %arg6[%swap3A, %swap3A_59], %select_n3A {strides = array<i32>} : memref<1280x512xf32, #tpu.memory_space<vmem>>, vector<1280x512xf32>,
    %reduce_sum3A = arith.constant dense<0.000000e+00> : vector<512xf32>
    %reduce_sum3A_61 = vector.multi_reduction <add>, %select_n3A, %reduce_sum3A [0] : vector<1280x512xf32> to vector<512xf32>
    %broadcast_in_dim3A_62 = vector.shape_cast %reduce_sum3A_61 : vector<512xf32> to vector<1x512xf32>
    %swap3A_63 = arith.constant 0 : index
    %swap3A_64 = arith.constant 0 : index
    %swap3A_65 = arith.constant 0 : index
    %swap3A_66 = vector.load %arg7[%swap3A_63, %swap3A_64, %swap3A_65] : memref<1x1x512xf32, #tpu.memory_space<vmem>>, vector<1x1x512xf32>
    %swap3A_67 = vector.shape_cast %swap3A_66 : vector<1x1x512xf32> to vector<1x512xf32>
    %swap3A_68 = vector.shape_cast %broadcast_in_dim3A_62 : vector<1x512xf32> to vector<1x1x512xf32>
    tpu.vector_store %arg7[%swap3A_63, %swap3A_64, %swap3A_65], %swap3A_68 {strides = array<i32>} : memref<1x1x512xf32, #tpu.memory_space<vmem>>, vector<1x1x512xf32>,
    %mul3A_69 = arith.mulf %select_n3A, %select_n3A : vector<1280x512xf32>
    %reduce_sum3A_70 = arith.constant dense<0.000000e+00> : vector<512xf32>
    %reduce_sum3A_71 = vector.multi_reduction <add>, %mul3A_69, %reduce_sum3A_70 [0] : vector<1280x512xf32> to vector<512xf32>
    %broadcast_in_dim3A_72 = vector.shape_cast %reduce_sum3A_71 : vector<512xf32> to vector<1x512xf32>
    %swap3A_73 = arith.constant 0 : index
    %swap3A_74 = arith.constant 0 : index
    %swap3A_75 = arith.constant 0 : index
    %swap3A_76 = vector.load %arg8[%swap3A_73, %swap3A_74, %swap3A_75] : memref<1x1x512xf32, #tpu.memory_space<vmem>>, vector<1x1x512xf32>
    %swap3A_77 = vector.shape_cast %swap3A_76 : vector<1x1x512xf32> to vector<1x512xf32>
    %swap3A_78 = vector.shape_cast %broadcast_in_dim3A_72 : vector<1x512xf32> to vector<1x1x512xf32>
    tpu.vector_store %arg8[%swap3A_73, %swap3A_74, %swap3A_75], %swap3A_78 {strides = array<i32>} : memref<1x1x512xf32, #tpu.memory_space<vmem>>, vector<1x1x512xf32>,
    return
  }
  func.func @transform_0(%arg0: i32) -> (i32, i32, i32, i32) {
    %c0_i32 = arith.constant 0 : i32
    %c0_i32_0 = arith.constant 0 : i32
    %c0_i32_1 = arith.constant 0 : i32
    %c0_i32_2 = arith.constant 0 : i32
    return %c0_i32, %c0_i32_0, %arg0, %c0_i32_1 : i32, i32, i32, i32
  }
  func.func @transform_1(%arg0: i32) -> (i32, i32, i32) {
    %c0_i32 = arith.constant 0 : i32
    %c0_i32_0 = arith.constant 0 : i32
    %c0_i32_1 = arith.constant 0 : i32
    return %c0_i32, %arg0, %c0_i32_0 : i32, i32, i32
  }
  func.func @transform_2(%arg0: i32) -> (i32, i32) {
    %c0_i32 = arith.constant 0 : i32
    %c0_i32_0 = arith.constant 0 : i32
    %c0_i32_1 = arith.constant 0 : i32
    return %c0_i32, %c0_i32_0 : i32, i32
  }
  func.func @transform_3(%arg0: i32) -> (i32, i32) {
    %c0_i32 = arith.constant 0 : i32
    %c0_i32_0 = arith.constant 0 : i32
    %c0_i32_1 = arith.constant 0 : i32
    return %c0_i32, %c0_i32_0 : i32, i32
  }
  func.func @transform_4(%arg0: i32) -> (i32, i32) {
    %c0_i32 = arith.constant 0 : i32
    %c0_i32_0 = arith.constant 0 : i32
    %c0_i32_1 = arith.constant 0 : i32
    return %c0_i32, %c0_i32_0 : i32, i32
  }
  func.func @transform_5(%arg0: i32) -> (i32, i32) {
    %c0_i32 = arith.constant 0 : i32
    %c0_i32_0 = arith.constant 0 : i32
    return %arg0, %c0_i32 : i32, i32
  }
  func.func @transform_6(%arg0: i32) -> (i32, i32, i32) {
    %c0_i32 = arith.constant 0 : i32
    %c0_i32_0 = arith.constant 0 : i32
    %c0_i32_1 = arith.constant 0 : i32
    return %arg0, %c0_i32, %c0_i32_0 : i32, i32, i32
  }
  func.func @transform_7(%arg0: i32) -> (i32, i32, i32) {
    %c0_i32 = arith.constant 0 : i32
    %c0_i32_0 = arith.constant 0 : i32
    %c0_i32_1 = arith.constant 0 : i32
    return %arg0, %c0_i32, %c0_i32_0 : i32, i32, i32
  }
}

module attributes {stable_mosaic.version = 14 : i64} {
  func.func @_enc_body(%arg0: i32, %arg1: memref<1280x128xi32, #tpu.memory_space<vmem>>, %arg2: memref<640x256xf32, #tpu.memory_space<vmem>>, %arg3: memref<2x1280x128xf32, #tpu.memory_space<vmem>>) attributes {dimension_semantics = [#tpu.dimension_semantics<arbitrary>], iteration_bounds = array<i64: 8>, scalar_prefetch = 0 : i64, scratch_operands = 0 : i64, tpu.core_type = #tpu.core_type<tc>, window_params = [{transform_indices = @transform_0, window_bounds = array<i64: 1280, 128>}, {pipeline_mode = #tpu.pipeline_mode<synchronous>, transform_indices = @transform_1, window_bounds = array<i64: 640, 256>}, {transform_indices = @transform_2, window_bounds = array<i64: 2, 1280, 128>}]} {
    %get3A = arith.constant 0 : index
    %get3A_0 = arith.constant 0 : index
    %get3A_1 = vector.load %arg1[%get3A, %get3A_0] : memref<1280x128xi32, #tpu.memory_space<vmem>>, vector<1280x128xi32>
    %iota3A = tpu.iota {dimensions = array<i32: 1>} : vector<1280x640xi32>
    %broadcast_in_dim3A = arith.constant 0.000000e+00 : f32
    %broadcast_in_dim3A_2 = vector.broadcast %broadcast_in_dim3A : f32 to vector<1280x640xf32>
    %slice3A = vector.extract_strided_slice %get3A_1 {offsets = [0, 0], sizes = [1280, 1], strides = [1, 1]} : vector<1280x128xi32> to vector<1280x1xi32>
    %squeeze3A = vector.shape_cast %slice3A : vector<1280x1xi32> to vector<1280xi32>
    %broadcast_in_dim3A_3 = vector.shape_cast %squeeze3A : vector<1280xi32> to vector<1280x1xi32>
    %add3A = arith.constant 0 : i32
    %add3A_4 = vector.broadcast %add3A : i32 to vector<1280x1xi32>
    %add3A_5 = arith.addi %broadcast_in_dim3A_3, %add3A_4 : vector<1280x1xi32>
    %eq3A = vector.broadcast %add3A_5 : vector<1280x1xi32> to vector<1280x640xi32>
    %eq3A_6 = arith.cmpi eq, %iota3A, %eq3A : vector<1280x640xi32>
    %convert_element_type3A = arith.extui %eq3A_6 : vector<1280x640xi1> to vector<1280x640xi32>
    %convert_element_type3A_7 = arith.sitofp %convert_element_type3A : vector<1280x640xi32> to vector<1280x640xf32>
    %add3A_8 = arith.addf %broadcast_in_dim3A_2, %convert_element_type3A_7 : vector<1280x640xf32>
    %slice3A_9 = vector.extract_strided_slice %get3A_1 {offsets = [0, 1], sizes = [1280, 1], strides = [1, 1]} : vector<1280x128xi32> to vector<1280x1xi32>
    %squeeze3A_10 = vector.shape_cast %slice3A_9 : vector<1280x1xi32> to vector<1280xi32>
    %broadcast_in_dim3A_11 = vector.shape_cast %squeeze3A_10 : vector<1280xi32> to vector<1280x1xi32>
    %add3A_12 = arith.constant 64 : i32
    %add3A_13 = vector.broadcast %add3A_12 : i32 to vector<1280x1xi32>
    %add3A_14 = arith.addi %broadcast_in_dim3A_11, %add3A_13 : vector<1280x1xi32>
    %eq3A_15 = vector.broadcast %add3A_14 : vector<1280x1xi32> to vector<1280x640xi32>
    %eq3A_16 = arith.cmpi eq, %iota3A, %eq3A_15 : vector<1280x640xi32>
    %convert_element_type3A_17 = arith.extui %eq3A_16 : vector<1280x640xi1> to vector<1280x640xi32>
    %convert_element_type3A_18 = arith.sitofp %convert_element_type3A_17 : vector<1280x640xi32> to vector<1280x640xf32>
    %add3A_19 = arith.addf %add3A_8, %convert_element_type3A_18 : vector<1280x640xf32>
    %slice3A_20 = vector.extract_strided_slice %get3A_1 {offsets = [0, 2], sizes = [1280, 1], strides = [1, 1]} : vector<1280x128xi32> to vector<1280x1xi32>
    %squeeze3A_21 = vector.shape_cast %slice3A_20 : vector<1280x1xi32> to vector<1280xi32>
    %broadcast_in_dim3A_22 = vector.shape_cast %squeeze3A_21 : vector<1280xi32> to vector<1280x1xi32>
    %add3A_23 = arith.constant 128 : i32
    %add3A_24 = vector.broadcast %add3A_23 : i32 to vector<1280x1xi32>
    %add3A_25 = arith.addi %broadcast_in_dim3A_22, %add3A_24 : vector<1280x1xi32>
    %eq3A_26 = vector.broadcast %add3A_25 : vector<1280x1xi32> to vector<1280x640xi32>
    %eq3A_27 = arith.cmpi eq, %iota3A, %eq3A_26 : vector<1280x640xi32>
    %convert_element_type3A_28 = arith.extui %eq3A_27 : vector<1280x640xi1> to vector<1280x640xi32>
    %convert_element_type3A_29 = arith.sitofp %convert_element_type3A_28 : vector<1280x640xi32> to vector<1280x640xf32>
    %add3A_30 = arith.addf %add3A_19, %convert_element_type3A_29 : vector<1280x640xf32>
    %slice3A_31 = vector.extract_strided_slice %get3A_1 {offsets = [0, 3], sizes = [1280, 1], strides = [1, 1]} : vector<1280x128xi32> to vector<1280x1xi32>
    %squeeze3A_32 = vector.shape_cast %slice3A_31 : vector<1280x1xi32> to vector<1280xi32>
    %broadcast_in_dim3A_33 = vector.shape_cast %squeeze3A_32 : vector<1280xi32> to vector<1280x1xi32>
    %add3A_34 = arith.constant 192 : i32
    %add3A_35 = vector.broadcast %add3A_34 : i32 to vector<1280x1xi32>
    %add3A_36 = arith.addi %broadcast_in_dim3A_33, %add3A_35 : vector<1280x1xi32>
    %eq3A_37 = vector.broadcast %add3A_36 : vector<1280x1xi32> to vector<1280x640xi32>
    %eq3A_38 = arith.cmpi eq, %iota3A, %eq3A_37 : vector<1280x640xi32>
    %convert_element_type3A_39 = arith.extui %eq3A_38 : vector<1280x640xi1> to vector<1280x640xi32>
    %convert_element_type3A_40 = arith.sitofp %convert_element_type3A_39 : vector<1280x640xi32> to vector<1280x640xf32>
    %add3A_41 = arith.addf %add3A_30, %convert_element_type3A_40 : vector<1280x640xf32>
    %slice3A_42 = vector.extract_strided_slice %get3A_1 {offsets = [0, 4], sizes = [1280, 1], strides = [1, 1]} : vector<1280x128xi32> to vector<1280x1xi32>
    %squeeze3A_43 = vector.shape_cast %slice3A_42 : vector<1280x1xi32> to vector<1280xi32>
    %broadcast_in_dim3A_44 = vector.shape_cast %squeeze3A_43 : vector<1280xi32> to vector<1280x1xi32>
    %add3A_45 = arith.constant 256 : i32
    %add3A_46 = vector.broadcast %add3A_45 : i32 to vector<1280x1xi32>
    %add3A_47 = arith.addi %broadcast_in_dim3A_44, %add3A_46 : vector<1280x1xi32>
    %eq3A_48 = vector.broadcast %add3A_47 : vector<1280x1xi32> to vector<1280x640xi32>
    %eq3A_49 = arith.cmpi eq, %iota3A, %eq3A_48 : vector<1280x640xi32>
    %convert_element_type3A_50 = arith.extui %eq3A_49 : vector<1280x640xi1> to vector<1280x640xi32>
    %convert_element_type3A_51 = arith.sitofp %convert_element_type3A_50 : vector<1280x640xi32> to vector<1280x640xf32>
    %add3A_52 = arith.addf %add3A_41, %convert_element_type3A_51 : vector<1280x640xf32>
    %slice3A_53 = vector.extract_strided_slice %get3A_1 {offsets = [0, 5], sizes = [1280, 1], strides = [1, 1]} : vector<1280x128xi32> to vector<1280x1xi32>
    %squeeze3A_54 = vector.shape_cast %slice3A_53 : vector<1280x1xi32> to vector<1280xi32>
    %broadcast_in_dim3A_55 = vector.shape_cast %squeeze3A_54 : vector<1280xi32> to vector<1280x1xi32>
    %add3A_56 = arith.constant 320 : i32
    %add3A_57 = vector.broadcast %add3A_56 : i32 to vector<1280x1xi32>
    %add3A_58 = arith.addi %broadcast_in_dim3A_55, %add3A_57 : vector<1280x1xi32>
    %eq3A_59 = vector.broadcast %add3A_58 : vector<1280x1xi32> to vector<1280x640xi32>
    %eq3A_60 = arith.cmpi eq, %iota3A, %eq3A_59 : vector<1280x640xi32>
    %convert_element_type3A_61 = arith.extui %eq3A_60 : vector<1280x640xi1> to vector<1280x640xi32>
    %convert_element_type3A_62 = arith.sitofp %convert_element_type3A_61 : vector<1280x640xi32> to vector<1280x640xf32>
    %add3A_63 = arith.addf %add3A_52, %convert_element_type3A_62 : vector<1280x640xf32>
    %slice3A_64 = vector.extract_strided_slice %get3A_1 {offsets = [0, 6], sizes = [1280, 1], strides = [1, 1]} : vector<1280x128xi32> to vector<1280x1xi32>
    %squeeze3A_65 = vector.shape_cast %slice3A_64 : vector<1280x1xi32> to vector<1280xi32>
    %broadcast_in_dim3A_66 = vector.shape_cast %squeeze3A_65 : vector<1280xi32> to vector<1280x1xi32>
    %add3A_67 = arith.constant 384 : i32
    %add3A_68 = vector.broadcast %add3A_67 : i32 to vector<1280x1xi32>
    %add3A_69 = arith.addi %broadcast_in_dim3A_66, %add3A_68 : vector<1280x1xi32>
    %eq3A_70 = vector.broadcast %add3A_69 : vector<1280x1xi32> to vector<1280x640xi32>
    %eq3A_71 = arith.cmpi eq, %iota3A, %eq3A_70 : vector<1280x640xi32>
    %convert_element_type3A_72 = arith.extui %eq3A_71 : vector<1280x640xi1> to vector<1280x640xi32>
    %convert_element_type3A_73 = arith.sitofp %convert_element_type3A_72 : vector<1280x640xi32> to vector<1280x640xf32>
    %add3A_74 = arith.addf %add3A_63, %convert_element_type3A_73 : vector<1280x640xf32>
    %slice3A_75 = vector.extract_strided_slice %get3A_1 {offsets = [0, 7], sizes = [1280, 1], strides = [1, 1]} : vector<1280x128xi32> to vector<1280x1xi32>
    %squeeze3A_76 = vector.shape_cast %slice3A_75 : vector<1280x1xi32> to vector<1280xi32>
    %broadcast_in_dim3A_77 = vector.shape_cast %squeeze3A_76 : vector<1280xi32> to vector<1280x1xi32>
    %add3A_78 = arith.constant 448 : i32
    %add3A_79 = vector.broadcast %add3A_78 : i32 to vector<1280x1xi32>
    %add3A_80 = arith.addi %broadcast_in_dim3A_77, %add3A_79 : vector<1280x1xi32>
    %eq3A_81 = vector.broadcast %add3A_80 : vector<1280x1xi32> to vector<1280x640xi32>
    %eq3A_82 = arith.cmpi eq, %iota3A, %eq3A_81 : vector<1280x640xi32>
    %convert_element_type3A_83 = arith.extui %eq3A_82 : vector<1280x640xi1> to vector<1280x640xi32>
    %convert_element_type3A_84 = arith.sitofp %convert_element_type3A_83 : vector<1280x640xi32> to vector<1280x640xf32>
    %add3A_85 = arith.addf %add3A_74, %convert_element_type3A_84 : vector<1280x640xf32>
    %slice3A_86 = vector.extract_strided_slice %get3A_1 {offsets = [0, 8], sizes = [1280, 1], strides = [1, 1]} : vector<1280x128xi32> to vector<1280x1xi32>
    %squeeze3A_87 = vector.shape_cast %slice3A_86 : vector<1280x1xi32> to vector<1280xi32>
    %broadcast_in_dim3A_88 = vector.shape_cast %squeeze3A_87 : vector<1280xi32> to vector<1280x1xi32>
    %add3A_89 = arith.constant 512 : i32
    %add3A_90 = vector.broadcast %add3A_89 : i32 to vector<1280x1xi32>
    %add3A_91 = arith.addi %broadcast_in_dim3A_88, %add3A_90 : vector<1280x1xi32>
    %eq3A_92 = vector.broadcast %add3A_91 : vector<1280x1xi32> to vector<1280x640xi32>
    %eq3A_93 = arith.cmpi eq, %iota3A, %eq3A_92 : vector<1280x640xi32>
    %convert_element_type3A_94 = arith.extui %eq3A_93 : vector<1280x640xi1> to vector<1280x640xi32>
    %convert_element_type3A_95 = arith.sitofp %convert_element_type3A_94 : vector<1280x640xi32> to vector<1280x640xf32>
    %add3A_96 = arith.addf %add3A_85, %convert_element_type3A_95 : vector<1280x640xf32>
    %get3A_97 = arith.constant 0 : index
    %get3A_98 = arith.constant 0 : index
    %get3A_99 = vector.load %arg2[%get3A_97, %get3A_98] : memref<640x256xf32, #tpu.memory_space<vmem>>, vector<640x256xf32>
    %dot_general3A = arith.constant dense<0.000000e+00> : vector<1280x256xf32>
    %dot_general3A_100 = tpu.matmul %add3A_96, %get3A_99, %dot_general3A {dimension_numbers = #tpu.dot_dimension_numbers<[1], [0], [0], [1], [0, 0, 1, 1], [], []>, precision = #tpu.contract_precision<fp32>, transpose_lhs_hint = false} : vector<1280x640xf32>, vector<640x256xf32>, vector<1280x256xf32> -> vector<1280x256xf32>
    %iota3A_101 = tpu.iota {dimensions = array<i32: 0>} : vector<1280x1xi32>
    %mul3A = arith.constant 1280 : i32
    %mul3A_102 = arith.muli %arg0, %mul3A : i32
    %add3A_103 = vector.broadcast %mul3A_102 : i32 to vector<1280x1xi32>
    %add3A_104 = arith.addi %iota3A_101, %add3A_103 : vector<1280x1xi32>
    %lt3A = arith.constant 10000 : i32
    %lt3A_105 = vector.broadcast %lt3A : i32 to vector<1280x1xi32>
    %lt3A_106 = arith.cmpi slt, %add3A_104, %lt3A_105 : vector<1280x1xi32>
    %jit3A = arith.constant 0.000000e+00 : f32
    %broadcast_in_dim3A_107 = vector.shape_cast %lt3A_106 : vector<1280x1xi1> to vector<1280x1xi1>
    %broadcast_in_dim3A_108 = vector.broadcast %broadcast_in_dim3A_107 : vector<1280x1xi1> to vector<1280x256xi1>
    %broadcast_in_dim3A_109 = vector.broadcast %jit3A : f32 to vector<1280x256xf32>
    %select_n3A = arith.select %broadcast_in_dim3A_108, %dot_general3A_100, %broadcast_in_dim3A_109 : vector<1280x256xi1>, vector<1280x256xf32>
    %slice3A_110 = vector.extract_strided_slice %select_n3A {offsets = [0, 0], sizes = [1280, 128], strides = [1, 1]} : vector<1280x256xf32> to vector<1280x128xf32>
    %swap3A = arith.constant 0 : index
    %swap3A_111 = arith.constant 0 : index
    %swap3A_112 = arith.constant 0 : index
    %swap3A_113 = vector.load %arg3[%swap3A, %swap3A_111, %swap3A_112] : memref<2x1280x128xf32, #tpu.memory_space<vmem>>, vector<1x1280x128xf32>
    %swap3A_114 = vector.shape_cast %swap3A_113 : vector<1x1280x128xf32> to vector<1280x128xf32>
    %swap3A_115 = vector.shape_cast %slice3A_110 : vector<1280x128xf32> to vector<1x1280x128xf32>
    tpu.vector_store %arg3[%swap3A, %swap3A_111, %swap3A_112], %swap3A_115 {strides = array<i32>} : memref<2x1280x128xf32, #tpu.memory_space<vmem>>, vector<1x1280x128xf32>,
    %slice3A_116 = vector.extract_strided_slice %select_n3A {offsets = [0, 128], sizes = [1280, 128], strides = [1, 1]} : vector<1280x256xf32> to vector<1280x128xf32>
    %swap3A_117 = arith.constant 1 : index
    %swap3A_118 = arith.constant 0 : index
    %swap3A_119 = arith.constant 0 : index
    %swap3A_120 = vector.load %arg3[%swap3A_117, %swap3A_118, %swap3A_119] : memref<2x1280x128xf32, #tpu.memory_space<vmem>>, vector<1x1280x128xf32>
    %swap3A_121 = vector.shape_cast %swap3A_120 : vector<1x1280x128xf32> to vector<1280x128xf32>
    %swap3A_122 = vector.shape_cast %slice3A_116 : vector<1280x128xf32> to vector<1x1280x128xf32>
    tpu.vector_store %arg3[%swap3A_117, %swap3A_118, %swap3A_119], %swap3A_122 {strides = array<i32>} : memref<2x1280x128xf32, #tpu.memory_space<vmem>>, vector<1x1280x128xf32>,
    return
  }
  func.func @transform_0(%arg0: i32) -> (i32, i32) {
    %c0_i32 = arith.constant 0 : i32
    %c0_i32_0 = arith.constant 0 : i32
    return %arg0, %c0_i32 : i32, i32
  }
  func.func @transform_1(%arg0: i32) -> (i32, i32) {
    %c0_i32 = arith.constant 0 : i32
    %c0_i32_0 = arith.constant 0 : i32
    %c0_i32_1 = arith.constant 0 : i32
    return %c0_i32, %c0_i32_0 : i32, i32
  }
  func.func @transform_2(%arg0: i32) -> (i32, i32, i32) {
    %c0_i32 = arith.constant 0 : i32
    %c0_i32_0 = arith.constant 0 : i32
    %c0_i32_1 = arith.constant 0 : i32
    return %c0_i32, %arg0, %c0_i32_0 : i32, i32, i32
  }
}

module attributes {stable_mosaic.version = 14 : i64} {
  func.func @_bn_body(%arg0: i32, %arg1: memref<1280x512xf32, #tpu.memory_space<vmem>>, %arg2: memref<8x1x512xf32, #tpu.memory_space<vmem>>, %arg3: memref<8x1x512xf32, #tpu.memory_space<vmem>>, %arg4: memref<1x512xf32, #tpu.memory_space<vmem>>, %arg5: memref<1x512xf32, #tpu.memory_space<vmem>>, %arg6: memref<4x1280x128xf32, #tpu.memory_space<vmem>>) attributes {dimension_semantics = [#tpu.dimension_semantics<arbitrary>], iteration_bounds = array<i64: 8>, scalar_prefetch = 0 : i64, scratch_operands = 0 : i64, tpu.core_type = #tpu.core_type<tc>, window_params = [{transform_indices = @transform_0, window_bounds = array<i64: 1280, 512>}, {pipeline_mode = #tpu.pipeline_mode<synchronous>, transform_indices = @transform_1, window_bounds = array<i64: 8, 1, 512>}, {pipeline_mode = #tpu.pipeline_mode<synchronous>, transform_indices = @transform_2, window_bounds = array<i64: 8, 1, 512>}, {pipeline_mode = #tpu.pipeline_mode<synchronous>, transform_indices = @transform_3, window_bounds = array<i64: 1, 512>}, {pipeline_mode = #tpu.pipeline_mode<synchronous>, transform_indices = @transform_4, window_bounds = array<i64: 1, 512>}, {transform_indices = @transform_5, window_bounds = array<i64: 4, 1280, 128>}]} {
    %get3A = arith.constant 0 : index
    %get3A_0 = arith.constant 0 : index
    %get3A_1 = arith.constant 0 : index
    %get3A_2 = vector.load %arg2[%get3A, %get3A_0, %get3A_1] : memref<8x1x512xf32, #tpu.memory_space<vmem>>, vector<8x1x512xf32>
    %reduce_sum3A = arith.constant dense<0.000000e+00> : vector<512xf32>
    %reduce_sum3A_3 = vector.multi_reduction <add>, %get3A_2, %reduce_sum3A [0, 1] : vector<8x1x512xf32> to vector<512xf32>
    %broadcast_in_dim3A = vector.shape_cast %reduce_sum3A_3 : vector<512xf32> to vector<1x512xf32>
    %get3A_4 = arith.constant 0 : index
    %get3A_5 = arith.constant 0 : index
    %get3A_6 = arith.constant 0 : index
    %get3A_7 = vector.load %arg3[%get3A_4, %get3A_5, %get3A_6] : memref<8x1x512xf32, #tpu.memory_space<vmem>>, vector<8x1x512xf32>
    %reduce_sum3A_8 = arith.constant dense<0.000000e+00> : vector<512xf32>
    %reduce_sum3A_9 = vector.multi_reduction <add>, %get3A_7, %reduce_sum3A_8 [0, 1] : vector<8x1x512xf32> to vector<512xf32>
    %broadcast_in_dim3A_10 = vector.shape_cast %reduce_sum3A_9 : vector<512xf32> to vector<1x512xf32>
    %mul3A = arith.constant 9.99999974E-5 : f32
    %mul3A_11 = vector.broadcast %mul3A : f32 to vector<1x512xf32>
    %mul3A_12 = arith.mulf %broadcast_in_dim3A, %mul3A_11 : vector<1x512xf32>
    %mul3A_13 = arith.constant 9.99999974E-5 : f32
    %mul3A_14 = vector.broadcast %mul3A_13 : f32 to vector<1x512xf32>
    %mul3A_15 = arith.mulf %broadcast_in_dim3A_10, %mul3A_14 : vector<1x512xf32>
    %mul3A_16 = arith.mulf %mul3A_12, %mul3A_12 : vector<1x512xf32>
    %sub3A = arith.subf %mul3A_15, %mul3A_16 : vector<1x512xf32>
    %get3A_17 = arith.constant 0 : index
    %get3A_18 = arith.constant 0 : index
    %get3A_19 = vector.load %arg4[%get3A_17, %get3A_18] : memref<1x512xf32, #tpu.memory_space<vmem>>, vector<1x512xf32>
    %add3A = arith.constant 9.99999974E-6 : f32
    %add3A_20 = vector.broadcast %add3A : f32 to vector<1x512xf32>
    %add3A_21 = arith.addf %sub3A, %add3A_20 : vector<1x512xf32>
    %rsqrt3A = math.rsqrt %add3A_21 : vector<1x512xf32>
    %mul3A_22 = arith.mulf %get3A_19, %rsqrt3A : vector<1x512xf32>
    %get3A_23 = arith.constant 0 : index
    %get3A_24 = arith.constant 0 : index
    %get3A_25 = vector.load %arg5[%get3A_23, %get3A_24] : memref<1x512xf32, #tpu.memory_space<vmem>>, vector<1x512xf32>
    %mul3A_26 = arith.mulf %mul3A_12, %mul3A_22 : vector<1x512xf32>
    %sub3A_27 = arith.subf %get3A_25, %mul3A_26 : vector<1x512xf32>
    %get3A_28 = arith.constant 0 : index
    %get3A_29 = arith.constant 0 : index
    %get3A_30 = vector.load %arg1[%get3A_28, %get3A_29] : memref<1280x512xf32, #tpu.memory_space<vmem>>, vector<1280x512xf32>
    %mul3A_31 = vector.broadcast %mul3A_22 : vector<1x512xf32> to vector<1280x512xf32>
    %mul3A_32 = arith.mulf %get3A_30, %mul3A_31 : vector<1280x512xf32>
    %add3A_33 = vector.broadcast %sub3A_27 : vector<1x512xf32> to vector<1280x512xf32>
    %add3A_34 = arith.addf %mul3A_32, %add3A_33 : vector<1280x512xf32>
    %iota3A = tpu.iota {dimensions = array<i32: 0>} : vector<1280x1xi32>
    %mul3A_35 = arith.constant 1280 : i32
    %mul3A_36 = arith.muli %arg0, %mul3A_35 : i32
    %add3A_37 = vector.broadcast %mul3A_36 : i32 to vector<1280x1xi32>
    %add3A_38 = arith.addi %iota3A, %add3A_37 : vector<1280x1xi32>
    %lt3A = arith.constant 10000 : i32
    %lt3A_39 = vector.broadcast %lt3A : i32 to vector<1280x1xi32>
    %lt3A_40 = arith.cmpi slt, %add3A_38, %lt3A_39 : vector<1280x1xi32>
    %jit3A = arith.constant 0.000000e+00 : f32
    %broadcast_in_dim3A_41 = vector.shape_cast %lt3A_40 : vector<1280x1xi1> to vector<1280x1xi1>
    %broadcast_in_dim3A_42 = vector.broadcast %broadcast_in_dim3A_41 : vector<1280x1xi1> to vector<1280x512xi1>
    %broadcast_in_dim3A_43 = vector.broadcast %jit3A : f32 to vector<1280x512xf32>
    %select_n3A = arith.select %broadcast_in_dim3A_42, %add3A_34, %broadcast_in_dim3A_43 : vector<1280x512xi1>, vector<1280x512xf32>
    %slice3A = vector.extract_strided_slice %select_n3A {offsets = [0, 0], sizes = [1280, 128], strides = [1, 1]} : vector<1280x512xf32> to vector<1280x128xf32>
    %swap3A = arith.constant 0 : index
    %swap3A_44 = arith.constant 0 : index
    %swap3A_45 = arith.constant 0 : index
    %swap3A_46 = vector.load %arg6[%swap3A, %swap3A_44, %swap3A_45] : memref<4x1280x128xf32, #tpu.memory_space<vmem>>, vector<1x1280x128xf32>
    %swap3A_47 = vector.shape_cast %swap3A_46 : vector<1x1280x128xf32> to vector<1280x128xf32>
    %swap3A_48 = vector.shape_cast %slice3A : vector<1280x128xf32> to vector<1x1280x128xf32>
    tpu.vector_store %arg6[%swap3A, %swap3A_44, %swap3A_45], %swap3A_48 {strides = array<i32>} : memref<4x1280x128xf32, #tpu.memory_space<vmem>>, vector<1x1280x128xf32>,
    %slice3A_49 = vector.extract_strided_slice %select_n3A {offsets = [0, 128], sizes = [1280, 128], strides = [1, 1]} : vector<1280x512xf32> to vector<1280x128xf32>
    %swap3A_50 = arith.constant 1 : index
    %swap3A_51 = arith.constant 0 : index
    %swap3A_52 = arith.constant 0 : index
    %swap3A_53 = vector.load %arg6[%swap3A_50, %swap3A_51, %swap3A_52] : memref<4x1280x128xf32, #tpu.memory_space<vmem>>, vector<1x1280x128xf32>
    %swap3A_54 = vector.shape_cast %swap3A_53 : vector<1x1280x128xf32> to vector<1280x128xf32>
    %swap3A_55 = vector.shape_cast %slice3A_49 : vector<1280x128xf32> to vector<1x1280x128xf32>
    tpu.vector_store %arg6[%swap3A_50, %swap3A_51, %swap3A_52], %swap3A_55 {strides = array<i32>} : memref<4x1280x128xf32, #tpu.memory_space<vmem>>, vector<1x1280x128xf32>,
    %slice3A_56 = vector.extract_strided_slice %select_n3A {offsets = [0, 256], sizes = [1280, 128], strides = [1, 1]} : vector<1280x512xf32> to vector<1280x128xf32>
    %swap3A_57 = arith.constant 2 : index
    %swap3A_58 = arith.constant 0 : index
    %swap3A_59 = arith.constant 0 : index
    %swap3A_60 = vector.load %arg6[%swap3A_57, %swap3A_58, %swap3A_59] : memref<4x1280x128xf32, #tpu.memory_space<vmem>>, vector<1x1280x128xf32>
    %swap3A_61 = vector.shape_cast %swap3A_60 : vector<1x1280x128xf32> to vector<1280x128xf32>
    %swap3A_62 = vector.shape_cast %slice3A_56 : vector<1280x128xf32> to vector<1x1280x128xf32>
    tpu.vector_store %arg6[%swap3A_57, %swap3A_58, %swap3A_59], %swap3A_62 {strides = array<i32>} : memref<4x1280x128xf32, #tpu.memory_space<vmem>>, vector<1x1280x128xf32>,
    %slice3A_63 = vector.extract_strided_slice %select_n3A {offsets = [0, 384], sizes = [1280, 128], strides = [1, 1]} : vector<1280x512xf32> to vector<1280x128xf32>
    %swap3A_64 = arith.constant 3 : index
    %swap3A_65 = arith.constant 0 : index
    %swap3A_66 = arith.constant 0 : index
    %swap3A_67 = vector.load %arg6[%swap3A_64, %swap3A_65, %swap3A_66] : memref<4x1280x128xf32, #tpu.memory_space<vmem>>, vector<1x1280x128xf32>
    %swap3A_68 = vector.shape_cast %swap3A_67 : vector<1x1280x128xf32> to vector<1280x128xf32>
    %swap3A_69 = vector.shape_cast %slice3A_63 : vector<1280x128xf32> to vector<1x1280x128xf32>
    tpu.vector_store %arg6[%swap3A_64, %swap3A_65, %swap3A_66], %swap3A_69 {strides = array<i32>} : memref<4x1280x128xf32, #tpu.memory_space<vmem>>, vector<1x1280x128xf32>,
    return
  }
  func.func @transform_0(%arg0: i32) -> (i32, i32) {
    %c0_i32 = arith.constant 0 : i32
    %c0_i32_0 = arith.constant 0 : i32
    return %arg0, %c0_i32 : i32, i32
  }
  func.func @transform_1(%arg0: i32) -> (i32, i32, i32) {
    %c0_i32 = arith.constant 0 : i32
    %c0_i32_0 = arith.constant 0 : i32
    %c0_i32_1 = arith.constant 0 : i32
    %c0_i32_2 = arith.constant 0 : i32
    return %c0_i32, %c0_i32_0, %c0_i32_1 : i32, i32, i32
  }
  func.func @transform_2(%arg0: i32) -> (i32, i32, i32) {
    %c0_i32 = arith.constant 0 : i32
    %c0_i32_0 = arith.constant 0 : i32
    %c0_i32_1 = arith.constant 0 : i32
    %c0_i32_2 = arith.constant 0 : i32
    return %c0_i32, %c0_i32_0, %c0_i32_1 : i32, i32, i32
  }
  func.func @transform_3(%arg0: i32) -> (i32, i32) {
    %c0_i32 = arith.constant 0 : i32
    %c0_i32_0 = arith.constant 0 : i32
    %c0_i32_1 = arith.constant 0 : i32
    return %c0_i32, %c0_i32_0 : i32, i32
  }
  func.func @transform_4(%arg0: i32) -> (i32, i32) {
    %c0_i32 = arith.constant 0 : i32
    %c0_i32_0 = arith.constant 0 : i32
    %c0_i32_1 = arith.constant 0 : i32
    return %c0_i32, %c0_i32_0 : i32, i32
  }
  func.func @transform_5(%arg0: i32) -> (i32, i32, i32) {
    %c0_i32 = arith.constant 0 : i32
    %c0_i32_0 = arith.constant 0 : i32
    %c0_i32_1 = arith.constant 0 : i32
    return %c0_i32, %arg0, %c0_i32_0 : i32, i32, i32
  }
}

module attributes {stable_mosaic.version = 14 : i64} {
  func.func @_l1_body(%arg0: i32, %arg1: memref<2x4x1280x128xf32, #tpu.memory_space<vmem>>, %arg2: memref<4x1280x128xf32, #tpu.memory_space<vmem>>, %arg3: memref<512x512xf32, #tpu.memory_space<vmem>>, %arg4: memref<1x512xf32, #tpu.memory_space<vmem>>, %arg5: memref<512x512xf32, #tpu.memory_space<vmem>>, %arg6: memref<1280x512xf32, #tpu.memory_space<vmem>>, %arg7: memref<1x1x512xf32, #tpu.memory_space<vmem>>, %arg8: memref<1x1x512xf32, #tpu.memory_space<vmem>>) attributes {dimension_semantics = [#tpu.dimension_semantics<arbitrary>], iteration_bounds = array<i64: 8>, scalar_prefetch = 0 : i64, scratch_operands = 0 : i64, tpu.core_type = #tpu.core_type<tc>, window_params = [{transform_indices = @transform_0, window_bounds = array<i64: 2, 4, 1280, 128>}, {transform_indices = @transform_1, window_bounds = array<i64: 4, 1280, 128>}, {pipeline_mode = #tpu.pipeline_mode<synchronous>, transform_indices = @transform_2, window_bounds = array<i64: 512, 512>}, {pipeline_mode = #tpu.pipeline_mode<synchronous>, transform_indices = @transform_3, window_bounds = array<i64: 1, 512>}, {pipeline_mode = #tpu.pipeline_mode<synchronous>, transform_indices = @transform_4, window_bounds = array<i64: 512, 512>}, {transform_indices = @transform_5, window_bounds = array<i64: 1280, 512>}, {transform_indices = @transform_6, window_bounds = array<i64: 1, 1, 512>}, {transform_indices = @transform_7, window_bounds = array<i64: 1, 1, 512>}]} {
    %get3A = arith.constant 0 : index
    %get3A_0 = arith.constant 0 : index
    %get3A_1 = arith.constant 0 : index
    %get3A_2 = arith.constant 0 : index
    %get3A_3 = vector.load %arg1[%get3A, %get3A_0, %get3A_1, %get3A_2] : memref<2x4x1280x128xf32, #tpu.memory_space<vmem>>, vector<1x1x1280x128xf32>
    %get3A_4 = vector.shape_cast %get3A_3 : vector<1x1x1280x128xf32> to vector<1280x128xf32>
    %get3A_5 = arith.constant 1 : index
    %get3A_6 = arith.constant 0 : index
    %get3A_7 = arith.constant 0 : index
    %get3A_8 = arith.constant 0 : index
    %get3A_9 = vector.load %arg1[%get3A_5, %get3A_6, %get3A_7, %get3A_8] : memref<2x4x1280x128xf32, #tpu.memory_space<vmem>>, vector<1x1x1280x128xf32>
    %get3A_10 = vector.shape_cast %get3A_9 : vector<1x1x1280x128xf32> to vector<1280x128xf32>
    %add3A = arith.addf %get3A_4, %get3A_10 : vector<1280x128xf32>
    %get3A_11 = arith.constant 0 : index
    %get3A_12 = arith.constant 1 : index
    %get3A_13 = arith.constant 0 : index
    %get3A_14 = arith.constant 0 : index
    %get3A_15 = vector.load %arg1[%get3A_11, %get3A_12, %get3A_13, %get3A_14] : memref<2x4x1280x128xf32, #tpu.memory_space<vmem>>, vector<1x1x1280x128xf32>
    %get3A_16 = vector.shape_cast %get3A_15 : vector<1x1x1280x128xf32> to vector<1280x128xf32>
    %get3A_17 = arith.constant 1 : index
    %get3A_18 = arith.constant 1 : index
    %get3A_19 = arith.constant 0 : index
    %get3A_20 = arith.constant 0 : index
    %get3A_21 = vector.load %arg1[%get3A_17, %get3A_18, %get3A_19, %get3A_20] : memref<2x4x1280x128xf32, #tpu.memory_space<vmem>>, vector<1x1x1280x128xf32>
    %get3A_22 = vector.shape_cast %get3A_21 : vector<1x1x1280x128xf32> to vector<1280x128xf32>
    %add3A_23 = arith.addf %get3A_16, %get3A_22 : vector<1280x128xf32>
    %get3A_24 = arith.constant 0 : index
    %get3A_25 = arith.constant 2 : index
    %get3A_26 = arith.constant 0 : index
    %get3A_27 = arith.constant 0 : index
    %get3A_28 = vector.load %arg1[%get3A_24, %get3A_25, %get3A_26, %get3A_27] : memref<2x4x1280x128xf32, #tpu.memory_space<vmem>>, vector<1x1x1280x128xf32>
    %get3A_29 = vector.shape_cast %get3A_28 : vector<1x1x1280x128xf32> to vector<1280x128xf32>
    %get3A_30 = arith.constant 1 : index
    %get3A_31 = arith.constant 2 : index
    %get3A_32 = arith.constant 0 : index
    %get3A_33 = arith.constant 0 : index
    %get3A_34 = vector.load %arg1[%get3A_30, %get3A_31, %get3A_32, %get3A_33] : memref<2x4x1280x128xf32, #tpu.memory_space<vmem>>, vector<1x1x1280x128xf32>
    %get3A_35 = vector.shape_cast %get3A_34 : vector<1x1x1280x128xf32> to vector<1280x128xf32>
    %add3A_36 = arith.addf %get3A_29, %get3A_35 : vector<1280x128xf32>
    %get3A_37 = arith.constant 0 : index
    %get3A_38 = arith.constant 3 : index
    %get3A_39 = arith.constant 0 : index
    %get3A_40 = arith.constant 0 : index
    %get3A_41 = vector.load %arg1[%get3A_37, %get3A_38, %get3A_39, %get3A_40] : memref<2x4x1280x128xf32, #tpu.memory_space<vmem>>, vector<1x1x1280x128xf32>
    %get3A_42 = vector.shape_cast %get3A_41 : vector<1x1x1280x128xf32> to vector<1280x128xf32>
    %get3A_43 = arith.constant 1 : index
    %get3A_44 = arith.constant 3 : index
    %get3A_45 = arith.constant 0 : index
    %get3A_46 = arith.constant 0 : index
    %get3A_47 = vector.load %arg1[%get3A_43, %get3A_44, %get3A_45, %get3A_46] : memref<2x4x1280x128xf32, #tpu.memory_space<vmem>>, vector<1x1x1280x128xf32>
    %get3A_48 = vector.shape_cast %get3A_47 : vector<1x1x1280x128xf32> to vector<1280x128xf32>
    %add3A_49 = arith.addf %get3A_42, %get3A_48 : vector<1280x128xf32>
    %concatenate3A = tpu.concatenate %add3A, %add3A_23, %add3A_36, %add3A_49 in 1 : vector<1280x128xf32>, vector<1280x128xf32>, vector<1280x128xf32>, vector<1280x128xf32> -> vector<1280x512xf32>
    %get3A_50 = arith.constant 0 : index
    %get3A_51 = arith.constant 0 : index
    %get3A_52 = arith.constant 0 : index
    %get3A_53 = vector.load %arg2[%get3A_50, %get3A_51, %get3A_52] : memref<4x1280x128xf32, #tpu.memory_space<vmem>>, vector<1x1280x128xf32>
    %get3A_54 = vector.shape_cast %get3A_53 : vector<1x1280x128xf32> to vector<1280x128xf32>
    %get3A_55 = arith.constant 1 : index
    %get3A_56 = arith.constant 0 : index
    %get3A_57 = arith.constant 0 : index
    %get3A_58 = vector.load %arg2[%get3A_55, %get3A_56, %get3A_57] : memref<4x1280x128xf32, #tpu.memory_space<vmem>>, vector<1x1280x128xf32>
    %get3A_59 = vector.shape_cast %get3A_58 : vector<1x1280x128xf32> to vector<1280x128xf32>
    %get3A_60 = arith.constant 2 : index
    %get3A_61 = arith.constant 0 : index
    %get3A_62 = arith.constant 0 : index
    %get3A_63 = vector.load %arg2[%get3A_60, %get3A_61, %get3A_62] : memref<4x1280x128xf32, #tpu.memory_space<vmem>>, vector<1x1280x128xf32>
    %get3A_64 = vector.shape_cast %get3A_63 : vector<1x1280x128xf32> to vector<1280x128xf32>
    %get3A_65 = arith.constant 3 : index
    %get3A_66 = arith.constant 0 : index
    %get3A_67 = arith.constant 0 : index
    %get3A_68 = vector.load %arg2[%get3A_65, %get3A_66, %get3A_67] : memref<4x1280x128xf32, #tpu.memory_space<vmem>>, vector<1x1280x128xf32>
    %get3A_69 = vector.shape_cast %get3A_68 : vector<1x1280x128xf32> to vector<1280x128xf32>
    %concatenate3A_70 = tpu.concatenate %get3A_54, %get3A_59, %get3A_64, %get3A_69 in 1 : vector<1280x128xf32>, vector<1280x128xf32>, vector<1280x128xf32>, vector<1280x128xf32> -> vector<1280x512xf32>
    %get3A_71 = arith.constant 0 : index
    %get3A_72 = arith.constant 0 : index
    %get3A_73 = vector.load %arg3[%get3A_71, %get3A_72] : memref<512x512xf32, #tpu.memory_space<vmem>>, vector<512x512xf32>
    %dot_general3A = arith.constant dense<0.000000e+00> : vector<1280x512xf32>
    %dot_general3A_74 = tpu.matmul %concatenate3A, %get3A_73, %dot_general3A {dimension_numbers = #tpu.dot_dimension_numbers<[1], [1], [0], [0], [0, 0, 1, 0], [], []>, precision = #tpu.contract_precision<fp32>, transpose_lhs_hint = false} : vector<1280x512xf32>, vector<512x512xf32>, vector<1280x512xf32> -> vector<1280x512xf32>
    %get3A_75 = arith.constant 0 : index
    %get3A_76 = arith.constant 0 : index
    %get3A_77 = vector.load %arg5[%get3A_75, %get3A_76] : memref<512x512xf32, #tpu.memory_space<vmem>>, vector<512x512xf32>
    %dot_general3A_78 = arith.constant dense<0.000000e+00> : vector<1280x512xf32>
    %dot_general3A_79 = tpu.matmul %concatenate3A_70, %get3A_77, %dot_general3A_78 {dimension_numbers = #tpu.dot_dimension_numbers<[1], [1], [0], [0], [0, 0, 1, 0], [], []>, precision = #tpu.contract_precision<fp32>, transpose_lhs_hint = false} : vector<1280x512xf32>, vector<512x512xf32>, vector<1280x512xf32> -> vector<1280x512xf32>
    %add3A_80 = arith.addf %dot_general3A_74, %dot_general3A_79 : vector<1280x512xf32>
    %get3A_81 = arith.constant 0 : index
    %get3A_82 = arith.constant 0 : index
    %get3A_83 = vector.load %arg4[%get3A_81, %get3A_82] : memref<1x512xf32, #tpu.memory_space<vmem>>, vector<1x512xf32>
    %add3A_84 = vector.broadcast %get3A_83 : vector<1x512xf32> to vector<1280x512xf32>
    %add3A_85 = arith.addf %add3A_80, %add3A_84 : vector<1280x512xf32>
    %max3A = arith.constant 0.000000e+00 : f32
    %max3A_86 = vector.broadcast %max3A : f32 to vector<1280x512xf32>
    %max3A_87 = arith.maximumf %add3A_85, %max3A_86 : vector<1280x512xf32>
    %iota3A = tpu.iota {dimensions = array<i32: 0>} : vector<1280x1xi32>
    %mul3A = arith.constant 1280 : i32
    %mul3A_88 = arith.muli %arg0, %mul3A : i32
    %add3A_89 = vector.broadcast %mul3A_88 : i32 to vector<1280x1xi32>
    %add3A_90 = arith.addi %iota3A, %add3A_89 : vector<1280x1xi32>
    %lt3A = arith.constant 10000 : i32
    %lt3A_91 = vector.broadcast %lt3A : i32 to vector<1280x1xi32>
    %lt3A_92 = arith.cmpi slt, %add3A_90, %lt3A_91 : vector<1280x1xi32>
    %jit3A = arith.constant 0.000000e+00 : f32
    %broadcast_in_dim3A = vector.shape_cast %lt3A_92 : vector<1280x1xi1> to vector<1280x1xi1>
    %broadcast_in_dim3A_93 = vector.broadcast %broadcast_in_dim3A : vector<1280x1xi1> to vector<1280x512xi1>
    %broadcast_in_dim3A_94 = vector.broadcast %jit3A : f32 to vector<1280x512xf32>
    %select_n3A = arith.select %broadcast_in_dim3A_93, %max3A_87, %broadcast_in_dim3A_94 : vector<1280x512xi1>, vector<1280x512xf32>
    %swap3A = arith.constant 0 : index
    %swap3A_95 = arith.constant 0 : index
    %swap3A_96 = vector.load %arg6[%swap3A, %swap3A_95] : memref<1280x512xf32, #tpu.memory_space<vmem>>, vector<1280x512xf32>
    tpu.vector_store %arg6[%swap3A, %swap3A_95], %select_n3A {strides = array<i32>} : memref<1280x512xf32, #tpu.memory_space<vmem>>, vector<1280x512xf32>,
    %reduce_sum3A = arith.constant dense<0.000000e+00> : vector<512xf32>
    %reduce_sum3A_97 = vector.multi_reduction <add>, %select_n3A, %reduce_sum3A [0] : vector<1280x512xf32> to vector<512xf32>
    %broadcast_in_dim3A_98 = vector.shape_cast %reduce_sum3A_97 : vector<512xf32> to vector<1x512xf32>
    %swap3A_99 = arith.constant 0 : index
    %swap3A_100 = arith.constant 0 : index
    %swap3A_101 = arith.constant 0 : index
    %swap3A_102 = vector.load %arg7[%swap3A_99, %swap3A_100, %swap3A_101] : memref<1x1x512xf32, #tpu.memory_space<vmem>>, vector<1x1x512xf32>
    %swap3A_103 = vector.shape_cast %swap3A_102 : vector<1x1x512xf32> to vector<1x512xf32>
    %swap3A_104 = vector.shape_cast %broadcast_in_dim3A_98 : vector<1x512xf32> to vector<1x1x512xf32>
    tpu.vector_store %arg7[%swap3A_99, %swap3A_100, %swap3A_101], %swap3A_104 {strides = array<i32>} : memref<1x1x512xf32, #tpu.memory_space<vmem>>, vector<1x1x512xf32>,
    %mul3A_105 = arith.mulf %select_n3A, %select_n3A : vector<1280x512xf32>
    %reduce_sum3A_106 = arith.constant dense<0.000000e+00> : vector<512xf32>
    %reduce_sum3A_107 = vector.multi_reduction <add>, %mul3A_105, %reduce_sum3A_106 [0] : vector<1280x512xf32> to vector<512xf32>
    %broadcast_in_dim3A_108 = vector.shape_cast %reduce_sum3A_107 : vector<512xf32> to vector<1x512xf32>
    %swap3A_109 = arith.constant 0 : index
    %swap3A_110 = arith.constant 0 : index
    %swap3A_111 = arith.constant 0 : index
    %swap3A_112 = vector.load %arg8[%swap3A_109, %swap3A_110, %swap3A_111] : memref<1x1x512xf32, #tpu.memory_space<vmem>>, vector<1x1x512xf32>
    %swap3A_113 = vector.shape_cast %swap3A_112 : vector<1x1x512xf32> to vector<1x512xf32>
    %swap3A_114 = vector.shape_cast %broadcast_in_dim3A_108 : vector<1x512xf32> to vector<1x1x512xf32>
    tpu.vector_store %arg8[%swap3A_109, %swap3A_110, %swap3A_111], %swap3A_114 {strides = array<i32>} : memref<1x1x512xf32, #tpu.memory_space<vmem>>, vector<1x1x512xf32>,
    return
  }
  func.func @transform_0(%arg0: i32) -> (i32, i32, i32, i32) {
    %c0_i32 = arith.constant 0 : i32
    %c0_i32_0 = arith.constant 0 : i32
    %c0_i32_1 = arith.constant 0 : i32
    %c0_i32_2 = arith.constant 0 : i32
    return %c0_i32, %c0_i32_0, %arg0, %c0_i32_1 : i32, i32, i32, i32
  }
  func.func @transform_1(%arg0: i32) -> (i32, i32, i32) {
    %c0_i32 = arith.constant 0 : i32
    %c0_i32_0 = arith.constant 0 : i32
    %c0_i32_1 = arith.constant 0 : i32
    return %c0_i32, %arg0, %c0_i32_0 : i32, i32, i32
  }
  func.func @transform_2(%arg0: i32) -> (i32, i32) {
    %c0_i32 = arith.constant 0 : i32
    %c0_i32_0 = arith.constant 0 : i32
    %c0_i32_1 = arith.constant 0 : i32
    return %c0_i32, %c0_i32_0 : i32, i32
  }
  func.func @transform_3(%arg0: i32) -> (i32, i32) {
    %c0_i32 = arith.constant 0 : i32
    %c0_i32_0 = arith.constant 0 : i32
    %c0_i32_1 = arith.constant 0 : i32
    return %c0_i32, %c0_i32_0 : i32, i32
  }
  func.func @transform_4(%arg0: i32) -> (i32, i32) {
    %c0_i32 = arith.constant 0 : i32
    %c0_i32_0 = arith.constant 0 : i32
    %c0_i32_1 = arith.constant 0 : i32
    return %c0_i32, %c0_i32_0 : i32, i32
  }
  func.func @transform_5(%arg0: i32) -> (i32, i32) {
    %c0_i32 = arith.constant 0 : i32
    %c0_i32_0 = arith.constant 0 : i32
    return %arg0, %c0_i32 : i32, i32
  }
  func.func @transform_6(%arg0: i32) -> (i32, i32, i32) {
    %c0_i32 = arith.constant 0 : i32
    %c0_i32_0 = arith.constant 0 : i32
    %c0_i32_1 = arith.constant 0 : i32
    return %arg0, %c0_i32, %c0_i32_0 : i32, i32, i32
  }
  func.func @transform_7(%arg0: i32) -> (i32, i32, i32) {
    %c0_i32 = arith.constant 0 : i32
    %c0_i32_0 = arith.constant 0 : i32
    %c0_i32_1 = arith.constant 0 : i32
    return %arg0, %c0_i32, %c0_i32_0 : i32, i32, i32
  }
}

module attributes {stable_mosaic.version = 14 : i64} {
  func.func @_l1_body(%arg0: i32, %arg1: memref<2x4x1280x128xf32, #tpu.memory_space<vmem>>, %arg2: memref<4x1280x128xf32, #tpu.memory_space<vmem>>, %arg3: memref<256x512xf32, #tpu.memory_space<vmem>>, %arg4: memref<1x256xf32, #tpu.memory_space<vmem>>, %arg5: memref<256x512xf32, #tpu.memory_space<vmem>>, %arg6: memref<1280x256xf32, #tpu.memory_space<vmem>>, %arg7: memref<1x1x256xf32, #tpu.memory_space<vmem>>, %arg8: memref<1x1x256xf32, #tpu.memory_space<vmem>>) attributes {dimension_semantics = [#tpu.dimension_semantics<arbitrary>], iteration_bounds = array<i64: 8>, scalar_prefetch = 0 : i64, scratch_operands = 0 : i64, tpu.core_type = #tpu.core_type<tc>, window_params = [{transform_indices = @transform_0, window_bounds = array<i64: 2, 4, 1280, 128>}, {transform_indices = @transform_1, window_bounds = array<i64: 4, 1280, 128>}, {pipeline_mode = #tpu.pipeline_mode<synchronous>, transform_indices = @transform_2, window_bounds = array<i64: 256, 512>}, {pipeline_mode = #tpu.pipeline_mode<synchronous>, transform_indices = @transform_3, window_bounds = array<i64: 1, 256>}, {pipeline_mode = #tpu.pipeline_mode<synchronous>, transform_indices = @transform_4, window_bounds = array<i64: 256, 512>}, {transform_indices = @transform_5, window_bounds = array<i64: 1280, 256>}, {transform_indices = @transform_6, window_bounds = array<i64: 1, 1, 256>}, {transform_indices = @transform_7, window_bounds = array<i64: 1, 1, 256>}]} {
    %get3A = arith.constant 0 : index
    %get3A_0 = arith.constant 0 : index
    %get3A_1 = arith.constant 0 : index
    %get3A_2 = arith.constant 0 : index
    %get3A_3 = vector.load %arg1[%get3A, %get3A_0, %get3A_1, %get3A_2] : memref<2x4x1280x128xf32, #tpu.memory_space<vmem>>, vector<1x1x1280x128xf32>
    %get3A_4 = vector.shape_cast %get3A_3 : vector<1x1x1280x128xf32> to vector<1280x128xf32>
    %get3A_5 = arith.constant 1 : index
    %get3A_6 = arith.constant 0 : index
    %get3A_7 = arith.constant 0 : index
    %get3A_8 = arith.constant 0 : index
    %get3A_9 = vector.load %arg1[%get3A_5, %get3A_6, %get3A_7, %get3A_8] : memref<2x4x1280x128xf32, #tpu.memory_space<vmem>>, vector<1x1x1280x128xf32>
    %get3A_10 = vector.shape_cast %get3A_9 : vector<1x1x1280x128xf32> to vector<1280x128xf32>
    %add3A = arith.addf %get3A_4, %get3A_10 : vector<1280x128xf32>
    %get3A_11 = arith.constant 0 : index
    %get3A_12 = arith.constant 1 : index
    %get3A_13 = arith.constant 0 : index
    %get3A_14 = arith.constant 0 : index
    %get3A_15 = vector.load %arg1[%get3A_11, %get3A_12, %get3A_13, %get3A_14] : memref<2x4x1280x128xf32, #tpu.memory_space<vmem>>, vector<1x1x1280x128xf32>
    %get3A_16 = vector.shape_cast %get3A_15 : vector<1x1x1280x128xf32> to vector<1280x128xf32>
    %get3A_17 = arith.constant 1 : index
    %get3A_18 = arith.constant 1 : index
    %get3A_19 = arith.constant 0 : index
    %get3A_20 = arith.constant 0 : index
    %get3A_21 = vector.load %arg1[%get3A_17, %get3A_18, %get3A_19, %get3A_20] : memref<2x4x1280x128xf32, #tpu.memory_space<vmem>>, vector<1x1x1280x128xf32>
    %get3A_22 = vector.shape_cast %get3A_21 : vector<1x1x1280x128xf32> to vector<1280x128xf32>
    %add3A_23 = arith.addf %get3A_16, %get3A_22 : vector<1280x128xf32>
    %get3A_24 = arith.constant 0 : index
    %get3A_25 = arith.constant 2 : index
    %get3A_26 = arith.constant 0 : index
    %get3A_27 = arith.constant 0 : index
    %get3A_28 = vector.load %arg1[%get3A_24, %get3A_25, %get3A_26, %get3A_27] : memref<2x4x1280x128xf32, #tpu.memory_space<vmem>>, vector<1x1x1280x128xf32>
    %get3A_29 = vector.shape_cast %get3A_28 : vector<1x1x1280x128xf32> to vector<1280x128xf32>
    %get3A_30 = arith.constant 1 : index
    %get3A_31 = arith.constant 2 : index
    %get3A_32 = arith.constant 0 : index
    %get3A_33 = arith.constant 0 : index
    %get3A_34 = vector.load %arg1[%get3A_30, %get3A_31, %get3A_32, %get3A_33] : memref<2x4x1280x128xf32, #tpu.memory_space<vmem>>, vector<1x1x1280x128xf32>
    %get3A_35 = vector.shape_cast %get3A_34 : vector<1x1x1280x128xf32> to vector<1280x128xf32>
    %add3A_36 = arith.addf %get3A_29, %get3A_35 : vector<1280x128xf32>
    %get3A_37 = arith.constant 0 : index
    %get3A_38 = arith.constant 3 : index
    %get3A_39 = arith.constant 0 : index
    %get3A_40 = arith.constant 0 : index
    %get3A_41 = vector.load %arg1[%get3A_37, %get3A_38, %get3A_39, %get3A_40] : memref<2x4x1280x128xf32, #tpu.memory_space<vmem>>, vector<1x1x1280x128xf32>
    %get3A_42 = vector.shape_cast %get3A_41 : vector<1x1x1280x128xf32> to vector<1280x128xf32>
    %get3A_43 = arith.constant 1 : index
    %get3A_44 = arith.constant 3 : index
    %get3A_45 = arith.constant 0 : index
    %get3A_46 = arith.constant 0 : index
    %get3A_47 = vector.load %arg1[%get3A_43, %get3A_44, %get3A_45, %get3A_46] : memref<2x4x1280x128xf32, #tpu.memory_space<vmem>>, vector<1x1x1280x128xf32>
    %get3A_48 = vector.shape_cast %get3A_47 : vector<1x1x1280x128xf32> to vector<1280x128xf32>
    %add3A_49 = arith.addf %get3A_42, %get3A_48 : vector<1280x128xf32>
    %concatenate3A = tpu.concatenate %add3A, %add3A_23, %add3A_36, %add3A_49 in 1 : vector<1280x128xf32>, vector<1280x128xf32>, vector<1280x128xf32>, vector<1280x128xf32> -> vector<1280x512xf32>
    %get3A_50 = arith.constant 0 : index
    %get3A_51 = arith.constant 0 : index
    %get3A_52 = arith.constant 0 : index
    %get3A_53 = vector.load %arg2[%get3A_50, %get3A_51, %get3A_52] : memref<4x1280x128xf32, #tpu.memory_space<vmem>>, vector<1x1280x128xf32>
    %get3A_54 = vector.shape_cast %get3A_53 : vector<1x1280x128xf32> to vector<1280x128xf32>
    %get3A_55 = arith.constant 1 : index
    %get3A_56 = arith.constant 0 : index
    %get3A_57 = arith.constant 0 : index
    %get3A_58 = vector.load %arg2[%get3A_55, %get3A_56, %get3A_57] : memref<4x1280x128xf32, #tpu.memory_space<vmem>>, vector<1x1280x128xf32>
    %get3A_59 = vector.shape_cast %get3A_58 : vector<1x1280x128xf32> to vector<1280x128xf32>
    %get3A_60 = arith.constant 2 : index
    %get3A_61 = arith.constant 0 : index
    %get3A_62 = arith.constant 0 : index
    %get3A_63 = vector.load %arg2[%get3A_60, %get3A_61, %get3A_62] : memref<4x1280x128xf32, #tpu.memory_space<vmem>>, vector<1x1280x128xf32>
    %get3A_64 = vector.shape_cast %get3A_63 : vector<1x1280x128xf32> to vector<1280x128xf32>
    %get3A_65 = arith.constant 3 : index
    %get3A_66 = arith.constant 0 : index
    %get3A_67 = arith.constant 0 : index
    %get3A_68 = vector.load %arg2[%get3A_65, %get3A_66, %get3A_67] : memref<4x1280x128xf32, #tpu.memory_space<vmem>>, vector<1x1280x128xf32>
    %get3A_69 = vector.shape_cast %get3A_68 : vector<1x1280x128xf32> to vector<1280x128xf32>
    %concatenate3A_70 = tpu.concatenate %get3A_54, %get3A_59, %get3A_64, %get3A_69 in 1 : vector<1280x128xf32>, vector<1280x128xf32>, vector<1280x128xf32>, vector<1280x128xf32> -> vector<1280x512xf32>
    %get3A_71 = arith.constant 0 : index
    %get3A_72 = arith.constant 0 : index
    %get3A_73 = vector.load %arg3[%get3A_71, %get3A_72] : memref<256x512xf32, #tpu.memory_space<vmem>>, vector<256x512xf32>
    %dot_general3A = arith.constant dense<0.000000e+00> : vector<1280x256xf32>
    %dot_general3A_74 = tpu.matmul %concatenate3A, %get3A_73, %dot_general3A {dimension_numbers = #tpu.dot_dimension_numbers<[1], [1], [0], [0], [0, 0, 1, 0], [], []>, precision = #tpu.contract_precision<fp32>, transpose_lhs_hint = false} : vector<1280x512xf32>, vector<256x512xf32>, vector<1280x256xf32> -> vector<1280x256xf32>
    %get3A_75 = arith.constant 0 : index
    %get3A_76 = arith.constant 0 : index
    %get3A_77 = vector.load %arg5[%get3A_75, %get3A_76] : memref<256x512xf32, #tpu.memory_space<vmem>>, vector<256x512xf32>
    %dot_general3A_78 = arith.constant dense<0.000000e+00> : vector<1280x256xf32>
    %dot_general3A_79 = tpu.matmul %concatenate3A_70, %get3A_77, %dot_general3A_78 {dimension_numbers = #tpu.dot_dimension_numbers<[1], [1], [0], [0], [0, 0, 1, 0], [], []>, precision = #tpu.contract_precision<fp32>, transpose_lhs_hint = false} : vector<1280x512xf32>, vector<256x512xf32>, vector<1280x256xf32> -> vector<1280x256xf32>
    %add3A_80 = arith.addf %dot_general3A_74, %dot_general3A_79 : vector<1280x256xf32>
    %get3A_81 = arith.constant 0 : index
    %get3A_82 = arith.constant 0 : index
    %get3A_83 = vector.load %arg4[%get3A_81, %get3A_82] : memref<1x256xf32, #tpu.memory_space<vmem>>, vector<1x256xf32>
    %add3A_84 = vector.broadcast %get3A_83 : vector<1x256xf32> to vector<1280x256xf32>
    %add3A_85 = arith.addf %add3A_80, %add3A_84 : vector<1280x256xf32>
    %max3A = arith.constant 0.000000e+00 : f32
    %max3A_86 = vector.broadcast %max3A : f32 to vector<1280x256xf32>
    %max3A_87 = arith.maximumf %add3A_85, %max3A_86 : vector<1280x256xf32>
    %iota3A = tpu.iota {dimensions = array<i32: 0>} : vector<1280x1xi32>
    %mul3A = arith.constant 1280 : i32
    %mul3A_88 = arith.muli %arg0, %mul3A : i32
    %add3A_89 = vector.broadcast %mul3A_88 : i32 to vector<1280x1xi32>
    %add3A_90 = arith.addi %iota3A, %add3A_89 : vector<1280x1xi32>
    %lt3A = arith.constant 10000 : i32
    %lt3A_91 = vector.broadcast %lt3A : i32 to vector<1280x1xi32>
    %lt3A_92 = arith.cmpi slt, %add3A_90, %lt3A_91 : vector<1280x1xi32>
    %jit3A = arith.constant 0.000000e+00 : f32
    %broadcast_in_dim3A = vector.shape_cast %lt3A_92 : vector<1280x1xi1> to vector<1280x1xi1>
    %broadcast_in_dim3A_93 = vector.broadcast %broadcast_in_dim3A : vector<1280x1xi1> to vector<1280x256xi1>
    %broadcast_in_dim3A_94 = vector.broadcast %jit3A : f32 to vector<1280x256xf32>
    %select_n3A = arith.select %broadcast_in_dim3A_93, %max3A_87, %broadcast_in_dim3A_94 : vector<1280x256xi1>, vector<1280x256xf32>
    %swap3A = arith.constant 0 : index
    %swap3A_95 = arith.constant 0 : index
    %swap3A_96 = vector.load %arg6[%swap3A, %swap3A_95] : memref<1280x256xf32, #tpu.memory_space<vmem>>, vector<1280x256xf32>
    tpu.vector_store %arg6[%swap3A, %swap3A_95], %select_n3A {strides = array<i32>} : memref<1280x256xf32, #tpu.memory_space<vmem>>, vector<1280x256xf32>,
    %reduce_sum3A = arith.constant dense<0.000000e+00> : vector<256xf32>
    %reduce_sum3A_97 = vector.multi_reduction <add>, %select_n3A, %reduce_sum3A [0] : vector<1280x256xf32> to vector<256xf32>
    %broadcast_in_dim3A_98 = vector.shape_cast %reduce_sum3A_97 : vector<256xf32> to vector<1x256xf32>
    %swap3A_99 = arith.constant 0 : index
    %swap3A_100 = arith.constant 0 : index
    %swap3A_101 = arith.constant 0 : index
    %swap3A_102 = vector.load %arg7[%swap3A_99, %swap3A_100, %swap3A_101] : memref<1x1x256xf32, #tpu.memory_space<vmem>>, vector<1x1x256xf32>
    %swap3A_103 = vector.shape_cast %swap3A_102 : vector<1x1x256xf32> to vector<1x256xf32>
    %swap3A_104 = vector.shape_cast %broadcast_in_dim3A_98 : vector<1x256xf32> to vector<1x1x256xf32>
    tpu.vector_store %arg7[%swap3A_99, %swap3A_100, %swap3A_101], %swap3A_104 {strides = array<i32>} : memref<1x1x256xf32, #tpu.memory_space<vmem>>, vector<1x1x256xf32>,
    %mul3A_105 = arith.mulf %select_n3A, %select_n3A : vector<1280x256xf32>
    %reduce_sum3A_106 = arith.constant dense<0.000000e+00> : vector<256xf32>
    %reduce_sum3A_107 = vector.multi_reduction <add>, %mul3A_105, %reduce_sum3A_106 [0] : vector<1280x256xf32> to vector<256xf32>
    %broadcast_in_dim3A_108 = vector.shape_cast %reduce_sum3A_107 : vector<256xf32> to vector<1x256xf32>
    %swap3A_109 = arith.constant 0 : index
    %swap3A_110 = arith.constant 0 : index
    %swap3A_111 = arith.constant 0 : index
    %swap3A_112 = vector.load %arg8[%swap3A_109, %swap3A_110, %swap3A_111] : memref<1x1x256xf32, #tpu.memory_space<vmem>>, vector<1x1x256xf32>
    %swap3A_113 = vector.shape_cast %swap3A_112 : vector<1x1x256xf32> to vector<1x256xf32>
    %swap3A_114 = vector.shape_cast %broadcast_in_dim3A_108 : vector<1x256xf32> to vector<1x1x256xf32>
    tpu.vector_store %arg8[%swap3A_109, %swap3A_110, %swap3A_111], %swap3A_114 {strides = array<i32>} : memref<1x1x256xf32, #tpu.memory_space<vmem>>, vector<1x1x256xf32>,
    return
  }
  func.func @transform_0(%arg0: i32) -> (i32, i32, i32, i32) {
    %c0_i32 = arith.constant 0 : i32
    %c0_i32_0 = arith.constant 0 : i32
    %c0_i32_1 = arith.constant 0 : i32
    %c0_i32_2 = arith.constant 0 : i32
    return %c0_i32, %c0_i32_0, %arg0, %c0_i32_1 : i32, i32, i32, i32
  }
  func.func @transform_1(%arg0: i32) -> (i32, i32, i32) {
    %c0_i32 = arith.constant 0 : i32
    %c0_i32_0 = arith.constant 0 : i32
    %c0_i32_1 = arith.constant 0 : i32
    return %c0_i32, %arg0, %c0_i32_0 : i32, i32, i32
  }
  func.func @transform_2(%arg0: i32) -> (i32, i32) {
    %c0_i32 = arith.constant 0 : i32
    %c0_i32_0 = arith.constant 0 : i32
    %c0_i32_1 = arith.constant 0 : i32
    return %c0_i32, %c0_i32_0 : i32, i32
  }
  func.func @transform_3(%arg0: i32) -> (i32, i32) {
    %c0_i32 = arith.constant 0 : i32
    %c0_i32_0 = arith.constant 0 : i32
    %c0_i32_1 = arith.constant 0 : i32
    return %c0_i32, %c0_i32_0 : i32, i32
  }
  func.func @transform_4(%arg0: i32) -> (i32, i32) {
    %c0_i32 = arith.constant 0 : i32
    %c0_i32_0 = arith.constant 0 : i32
    %c0_i32_1 = arith.constant 0 : i32
    return %c0_i32, %c0_i32_0 : i32, i32
  }
  func.func @transform_5(%arg0: i32) -> (i32, i32) {
    %c0_i32 = arith.constant 0 : i32
    %c0_i32_0 = arith.constant 0 : i32
    return %arg0, %c0_i32 : i32, i32
  }
  func.func @transform_6(%arg0: i32) -> (i32, i32, i32) {
    %c0_i32 = arith.constant 0 : i32
    %c0_i32_0 = arith.constant 0 : i32
    %c0_i32_1 = arith.constant 0 : i32
    return %arg0, %c0_i32, %c0_i32_0 : i32, i32, i32
  }
  func.func @transform_7(%arg0: i32) -> (i32, i32, i32) {
    %c0_i32 = arith.constant 0 : i32
    %c0_i32_0 = arith.constant 0 : i32
    %c0_i32_1 = arith.constant 0 : i32
    return %arg0, %c0_i32, %c0_i32_0 : i32, i32, i32
  }
}

module attributes {stable_mosaic.version = 14 : i64} {
  func.func @_pool_body(%arg0: i32, %arg1: memref<1280x256xf32, #tpu.memory_space<vmem>>, %arg2: memref<1280x128xi32, #tpu.memory_space<vmem>>, %arg3: memref<16x256xf32, #tpu.memory_space<vmem>>, %arg4: memref<1x16xf32, #tpu.memory_space<vmem>>, %arg5: memref<128x16xf32, #tpu.memory_space<vmem>>, %arg6: memref<1x1xf32, #tpu.memory_space<vmem>>, %arg7: memref<64x128xf32, #tpu.memory_space<vmem>>, %arg8: memref<64x256xf32, #tpu.memory_space<vmem>>, %arg9: memref<1x64xf32, #tpu.memory_space<vmem>>) attributes {dimension_semantics = [#tpu.dimension_semantics<arbitrary>], iteration_bounds = array<i64: 8>, scalar_prefetch = 0 : i64, scratch_operands = 2 : i64, tpu.core_type = #tpu.core_type<tc>, window_params = [{transform_indices = @transform_0, window_bounds = array<i64: 1280, 256>}, {transform_indices = @transform_1, window_bounds = array<i64: 1280, 128>}, {pipeline_mode = #tpu.pipeline_mode<synchronous>, transform_indices = @transform_2, window_bounds = array<i64: 16, 256>}, {pipeline_mode = #tpu.pipeline_mode<synchronous>, transform_indices = @transform_3, window_bounds = array<i64: 1, 16>}, {pipeline_mode = #tpu.pipeline_mode<synchronous>, transform_indices = @transform_4, window_bounds = array<i64: 128, 16>}, {pipeline_mode = #tpu.pipeline_mode<synchronous>, transform_indices = @transform_5, window_bounds = array<i64: 1, 1>}, {pipeline_mode = #tpu.pipeline_mode<synchronous>, transform_indices = @transform_6, window_bounds = array<i64: 64, 128>}]} {
    %eq3A = arith.constant 0 : i32
    %eq3A_0 = arith.cmpi eq, %arg0, %eq3A : i32
    %convert_element_type3A = arith.extui %eq3A_0 : i1 to i32
    %cond3A = arith.constant 0 : i32
    %cond3A_1 = arith.cmpi ne, %convert_element_type3A, %cond3A : i32
    scf.if %cond3A_1 {
      %broadcast_in_dim3A_32 = arith.constant 0.000000e+00 : f32
      %broadcast_in_dim3A_33 = vector.broadcast %broadcast_in_dim3A_32 : f32 to vector<64x256xf32>
      %swap3A_34 = arith.constant 0 : index
      %swap3A_35 = arith.constant 0 : index
      %swap3A_36 = vector.load %arg8[%swap3A_34, %swap3A_35] : memref<64x256xf32, #tpu.memory_space<vmem>>, vector<64x256xf32>
      tpu.vector_store %arg8[%swap3A_34, %swap3A_35], %broadcast_in_dim3A_33 {strides = array<i32>} : memref<64x256xf32, #tpu.memory_space<vmem>>, vector<64x256xf32>,
      %broadcast_in_dim3A_37 = arith.constant 0.000000e+00 : f32
      %broadcast_in_dim3A_38 = vector.broadcast %broadcast_in_dim3A_37 : f32 to vector<1x64xf32>
      %swap3A_39 = arith.constant 0 : index
      %swap3A_40 = arith.constant 0 : index
      %swap3A_41 = vector.load %arg9[%swap3A_39, %swap3A_40] : memref<1x64xf32, #tpu.memory_space<vmem>>, vector<1x64xf32>
      tpu.vector_store %arg9[%swap3A_39, %swap3A_40], %broadcast_in_dim3A_38 {strides = array<i32>} : memref<1x64xf32, #tpu.memory_space<vmem>>, vector<1x64xf32>,
    } else {
    }
    %get3A = arith.constant 0 : index
    %get3A_2 = arith.constant 9 : index
    %get3A_3 = vector.load %arg2[%get3A, %get3A_2] : memref<1280x128xi32, #tpu.memory_space<vmem>>, vector<1280x1xi32>
    %get3A_4 = vector.shape_cast %get3A_3 : vector<1280x1xi32> to vector<1280xi32>
    %broadcast_in_dim3A = vector.shape_cast %get3A_4 : vector<1280xi32> to vector<1280x1xi32>
    %iota3A = tpu.iota {dimensions = array<i32: 1>} : vector<1280x64xi32>
    %eq3A_5 = vector.broadcast %broadcast_in_dim3A : vector<1280x1xi32> to vector<1280x64xi32>
    %eq3A_6 = arith.cmpi eq, %iota3A, %eq3A_5 : vector<1280x64xi32>
    %convert_element_type3A_7 = arith.extui %eq3A_6 : vector<1280x64xi1> to vector<1280x64xi32>
    %convert_element_type3A_8 = arith.sitofp %convert_element_type3A_7 : vector<1280x64xi32> to vector<1280x64xf32>
    %get3A_9 = arith.constant 0 : index
    %get3A_10 = arith.constant 0 : index
    %get3A_11 = vector.load %arg8[%get3A_9, %get3A_10] : memref<64x256xf32, #tpu.memory_space<vmem>>, vector<64x256xf32>
    %get3A_12 = arith.constant 0 : index
    %get3A_13 = arith.constant 0 : index
    %get3A_14 = vector.load %arg1[%get3A_12, %get3A_13] : memref<1280x256xf32, #tpu.memory_space<vmem>>, vector<1280x256xf32>
    %dot_general3A = arith.constant dense<0.000000e+00> : vector<64x256xf32>
    %dot_general3A_15 = tpu.matmul %convert_element_type3A_8, %get3A_14, %dot_general3A {dimension_numbers = #tpu.dot_dimension_numbers<[0], [0], [1], [1], [0, 1, 1, 1], [], []>, precision = #tpu.contract_precision<fp32>, transpose_lhs_hint = false} : vector<1280x64xf32>, vector<1280x256xf32>, vector<64x256xf32> -> vector<64x256xf32>
    %add3A = arith.addf %get3A_11, %dot_general3A_15 : vector<64x256xf32>
    %swap3A = arith.constant 0 : index
    %swap3A_16 = arith.constant 0 : index
    %swap3A_17 = vector.load %arg8[%swap3A, %swap3A_16] : memref<64x256xf32, #tpu.memory_space<vmem>>, vector<64x256xf32>
    tpu.vector_store %arg8[%swap3A, %swap3A_16], %add3A {strides = array<i32>} : memref<64x256xf32, #tpu.memory_space<vmem>>, vector<64x256xf32>,
    %get3A_18 = arith.constant 0 : index
    %get3A_19 = arith.constant 0 : index
    %get3A_20 = vector.load %arg9[%get3A_18, %get3A_19] : memref<1x64xf32, #tpu.memory_space<vmem>>, vector<1x64xf32>
    %reduce_sum3A = arith.constant dense<0.000000e+00> : vector<64xf32>
    %reduce_sum3A_21 = vector.multi_reduction <add>, %convert_element_type3A_8, %reduce_sum3A [0] : vector<1280x64xf32> to vector<64xf32>
    %broadcast_in_dim3A_22 = vector.shape_cast %reduce_sum3A_21 : vector<64xf32> to vector<1x64xf32>
    %add3A_23 = arith.addf %get3A_20, %broadcast_in_dim3A_22 : vector<1x64xf32>
    %swap3A_24 = arith.constant 0 : index
    %swap3A_25 = arith.constant 0 : index
    %swap3A_26 = vector.load %arg9[%swap3A_24, %swap3A_25] : memref<1x64xf32, #tpu.memory_space<vmem>>, vector<1x64xf32>
    tpu.vector_store %arg9[%swap3A_24, %swap3A_25], %add3A_23 {strides = array<i32>} : memref<1x64xf32, #tpu.memory_space<vmem>>, vector<1x64xf32>,
    %eq3A_27 = arith.constant 7 : i32
    %eq3A_28 = arith.cmpi eq, %arg0, %eq3A_27 : i32
    %convert_element_type3A_29 = arith.extui %eq3A_28 : i1 to i32
    %cond3A_30 = arith.constant 0 : i32
    %cond3A_31 = arith.cmpi ne, %convert_element_type3A_29, %cond3A_30 : i32
    scf.if %cond3A_31 {
      %get3A_32 = arith.constant 0 : index
      %get3A_33 = arith.constant 0 : index
      %get3A_34 = vector.load %arg9[%get3A_32, %get3A_33] : memref<1x64xf32, #tpu.memory_space<vmem>>, vector<1x64xf32>
      %max3A = arith.constant 1.000000e+00 : f32
      %max3A_35 = vector.broadcast %max3A : f32 to vector<1x64xf32>
      %max3A_36 = arith.maximumf %get3A_34, %max3A_35 : vector<1x64xf32>
      %div3A = arith.constant 1.000000e+00 : f32
      %div3A_37 = vector.broadcast %div3A : f32 to vector<1x64xf32>
      %div3A_38 = arith.divf %div3A_37, %max3A_36 : vector<1x64xf32>
      %squeeze3A = vector.shape_cast %div3A_38 : vector<1x64xf32> to vector<64xf32>
      %broadcast_in_dim3A_39 = vector.shape_cast %squeeze3A : vector<64xf32> to vector<64x1xf32>
      %get3A_40 = arith.constant 0 : index
      %get3A_41 = arith.constant 0 : index
      %get3A_42 = vector.load %arg8[%get3A_40, %get3A_41] : memref<64x256xf32, #tpu.memory_space<vmem>>, vector<64x256xf32>
      %mul3A = vector.broadcast %broadcast_in_dim3A_39 : vector<64x1xf32> to vector<64x256xf32>
      %mul3A_43 = arith.mulf %get3A_42, %mul3A : vector<64x256xf32>
      %get3A_44 = arith.constant 0 : index
      %get3A_45 = arith.constant 0 : index
      %get3A_46 = vector.load %arg3[%get3A_44, %get3A_45] : memref<16x256xf32, #tpu.memory_space<vmem>>, vector<16x256xf32>
      %dot_general3A_47 = arith.constant dense<0.000000e+00> : vector<64x16xf32>
      %dot_general3A_48 = tpu.matmul %mul3A_43, %get3A_46, %dot_general3A_47 {dimension_numbers = #tpu.dot_dimension_numbers<[1], [1], [0], [0], [0, 0, 1, 0], [], []>, precision = #tpu.contract_precision<fp32>, transpose_lhs_hint = false} : vector<64x256xf32>, vector<16x256xf32>, vector<64x16xf32> -> vector<64x16xf32>
      %get3A_49 = arith.constant 0 : index
      %get3A_50 = arith.constant 0 : index
      %get3A_51 = vector.load %arg4[%get3A_49, %get3A_50] : memref<1x16xf32, #tpu.memory_space<vmem>>, vector<1x16xf32>
      %add3A_52 = vector.broadcast %get3A_51 : vector<1x16xf32> to vector<64x16xf32>
      %add3A_53 = arith.addf %dot_general3A_48, %add3A_52 : vector<64x16xf32>
      %max3A_54 = arith.constant 0.000000e+00 : f32
      %max3A_55 = vector.broadcast %max3A_54 : f32 to vector<64x16xf32>
      %max3A_56 = arith.maximumf %add3A_53, %max3A_55 : vector<64x16xf32>
      %get3A_57 = arith.constant 0 : index
      %get3A_58 = arith.constant 0 : index
      %get3A_59 = vector.load %arg5[%get3A_57, %get3A_58] : memref<128x16xf32, #tpu.memory_space<vmem>>, vector<128x16xf32>
      %dot_general3A_60 = arith.constant dense<0.000000e+00> : vector<64x128xf32>
      %dot_general3A_61 = tpu.matmul %max3A_56, %get3A_59, %dot_general3A_60 {dimension_numbers = #tpu.dot_dimension_numbers<[1], [1], [0], [0], [0, 0, 1, 0], [], []>, precision = #tpu.contract_precision<fp32>, transpose_lhs_hint = false} : vector<64x16xf32>, vector<128x16xf32>, vector<64x128xf32> -> vector<64x128xf32>
      %get3A_62 = arith.constant 0 : index
      %get3A_63 = arith.constant 0 : index
      %get3A_64 = vector.load %arg6[%get3A_62, %get3A_63] : memref<1x1xf32, #tpu.memory_space<vmem>>, vector<1x1xf32>
      %get3A_65 = vector.extract %get3A_64[0, 0] : f32 from vector<1x1xf32>
      %add3A_66 = vector.broadcast %get3A_65 : f32 to vector<64x128xf32>
      %add3A_67 = arith.addf %dot_general3A_61, %add3A_66 : vector<64x128xf32>
      %swap3A_68 = arith.constant 0 : index
      %swap3A_69 = arith.constant 0 : index
      %swap3A_70 = vector.load %arg7[%swap3A_68, %swap3A_69] : memref<64x128xf32, #tpu.memory_space<vmem>>, vector<64x128xf32>
      tpu.vector_store %arg7[%swap3A_68, %swap3A_69], %add3A_67 {strides = array<i32>} : memref<64x128xf32, #tpu.memory_space<vmem>>, vector<64x128xf32>,
    } else {
    }
    return
  }
  func.func @transform_0(%arg0: i32) -> (i32, i32) {
    %c0_i32 = arith.constant 0 : i32
    %c0_i32_0 = arith.constant 0 : i32
    return %arg0, %c0_i32 : i32, i32
  }
  func.func @transform_1(%arg0: i32) -> (i32, i32) {
    %c0_i32 = arith.constant 0 : i32
    %c0_i32_0 = arith.constant 0 : i32
    return %arg0, %c0_i32 : i32, i32
  }
  func.func @transform_2(%arg0: i32) -> (i32, i32) {
    %c0_i32 = arith.constant 0 : i32
    %c0_i32_0 = arith.constant 0 : i32
    %c0_i32_1 = arith.constant 0 : i32
    return %c0_i32, %c0_i32_0 : i32, i32
  }
  func.func @transform_3(%arg0: i32) -> (i32, i32) {
    %c0_i32 = arith.constant 0 : i32
    %c0_i32_0 = arith.constant 0 : i32
    %c0_i32_1 = arith.constant 0 : i32
    return %c0_i32, %c0_i32_0 : i32, i32
  }
  func.func @transform_4(%arg0: i32) -> (i32, i32) {
    %c0_i32 = arith.constant 0 : i32
    %c0_i32_0 = arith.constant 0 : i32
    %c0_i32_1 = arith.constant 0 : i32
    return %c0_i32, %c0_i32_0 : i32, i32
  }
  func.func @transform_5(%arg0: i32) -> (i32, i32) {
    %c0_i32 = arith.constant 0 : i32
    %c0_i32_0 = arith.constant 0 : i32
    %c0_i32_1 = arith.constant 0 : i32
    return %c0_i32, %c0_i32_0 : i32, i32
  }
  func.func @transform_6(%arg0: i32) -> (i32, i32) {
    %c0_i32 = arith.constant 0 : i32
    %c0_i32_0 = arith.constant 0 : i32
    %c0_i32_1 = arith.constant 0 : i32
    return %c0_i32, %c0_i32_0 : i32, i32
  }
}

</mosaic_0001>

<sc_bundles>
// kernel: kernel.18.cloned.1.call-start
scs
__scs_entry_jumppad:
0x0: {  	(pc) =	sbr.rel $0x88, $3  }
0x1: {  	(tag) =	ssettag $0x0;
	lr =	simm.s32 $0x1  }
0x2: {  	[smem:$0x3F88] =	sst lr;
	_ =	strace $0xD0000000  }
0x3: {  	_ = 	snop  }
0x4: {  	_ = 	snop  }
0x5: {  	_ = 	snop  }
0x6: {  	_ = 	snop  }
0x7: {  	_ = 	snop  }
__scs_overlays_trampoline_lowered:
0x8: {  	[smem:$0x3F97] =	sst s0  }
0x9: {  	[smem:$0x3F98] =	sst s1  }
0xa: {  	[smem:$0x3F99] =	sst s2  }
0xb: {  	[smem:$0x3F9A] =	sst s3  }
0xc: {  	[smem:$0x3F9B] =	sst s4  }
0xd: {  	[smem:$0x3F9C] =	sst s5  }
0xe: {  	[smem:$0x3F9D] =	sst s6  }
0xf: {  	[smem:$0x3F9E] =	sst s7  }
0x10: {  	[smem:$0x3F9F] =	sst s8  }
0x11: {  	[smem:$0x3FA0] =	sst s9;
	s0 =	simm.s32 @!p0 $0x0  }
0x12: {  	s1 =	sld [smem:$0x3F86];
	s0 =	simm.s32 @p0 $0x1  }
0x13: {  	[smem:$0x3FA1] =	sst s0;
	s0 =	simm.s32 @!p1 $0x0  }
0x14: {  	s2 =	sld [smem:$0x3F85];
	s0 =	simm.s32 @p1 $0x1  }
0x15: {  	[smem:$0x3FA2] =	sst s0;
	s0 =	simm.s32 @!p2 $0x0  }
0x16: {  	s3 =	sld [smem:$0x3FDB];
	s0 =	simm.s32 @p2 $0x1  }
0x17: {  	s4 =	simm.s32 $0x1BF5;
	[smem:$0x3FA4] =	sst s0  }
0x18: {  	s0 =	sld [smem:$0x3F87];
	_ =	swait.ge [sflag:s4], $0x0  }
0x19: {  	s7 =	sld [smem:$0x3F88]  }
0x1a: {  	s8 =	sadd.s32 $0xFFFFE003, lr  }
0x1b: {  	s9 =	sadd.s32 $0xFFFFFEF7, lr;
	s5 =	simm.s32 $0xFFFFFFFF;
	p2 =	slt.u32 s8, $0xFFFFF086  }
0x1c: {  	p1 =	slt.u32 s9, $0xF7A;
	s5 =	simm.s32 @!p2 $0x0  }
0x1d: {  	s5 =	simm.s32 @p1 $0x1;
	p0 =	seq.s32 s7, s2  }
0x1e: {  	s7 =	smul.u32 @!p0 $0xF7A, s2;
	p2 =	seq.s32 @!p0 s5, $0x0  }
0x1f: {  	s9 =	smul.u32 $0xF7A, s1;
	s8 =	simm.s32 @!p0 $0x1BF5;
	p2 =	por !p2, p0  }
0x20: {  	[sflag:s8] =	ssyncset.s32 @!p0 $0xFFFFF086;
	s6 =	sadd.s32 @!p0 s3, s7;
	s7 =	simm.s32 @!p0 $0x108  }
0x21: {  	s3 =	sadd.s32 s3, s9;
	s6 =	sadd.s32 @!p0 $0x88, s6;
	s7 =	simm.s32 @p2 $0x1082  }
0x22: {  	[simem:s7], [sflag:s8] =	dma.local @!p0 [hbm:s6], $0xF7A  }
0x23: {  	s9 =	sor.u32 $0xD0000000, s2;
	s6 =	simm.s32 $0x108;
	_ =	swait.ge @!p0 [sflag:s8], $0x0  }
0x24: {  	s3 =	sadd.s32 $0x88, s3;
	s6 =	simm.s32 @!p1 $0x1082;
	[sflag:s4] =	ssyncset.s32 $0xFFFFF086  }
0x25: {  	[simem:s6], [sflag:s4] =	dma.local [hbm:s3], $0xF7A  }
0x26: {  	[smem:$0x3F88] =	sst s1;
	(tag) =	ssettag s2;
	_ =	strace s9  }
0x27: {  	s1 =	sld [smem:$0x3F98]  }
0x28: {  	s2 =	sld [smem:$0x3F99]  }
0x29: {  	s4 =	sld [smem:$0x3F9B]  }
0x2a: {  	p0 =	seq.s32 s5, $0x0;
	s5 =	sld [smem:$0x3F9C]  }
0x2b: {  	s6 =	sld [smem:$0x3F9D]  }
0x2c: {  	s7 =	sld [smem:$0x3F9E]  }
0x2d: {  	s3 =	simm.s32 $0x108;
	s8 =	sld [smem:$0x3F9F]  }
0x2e: {  	s3 =	simm.s32 @!p0 $0x1082;
	s9 =	sld [smem:$0x3FA0]  }
0x2f: {  	lr =	sadd.s32 s0, s3;
	s0 =	sld [smem:$0x3F97]  }
0x30: {  	s3 =	sld [smem:$0x3F9A]  }
0x31: {  	[smem:$0x3FA3] =	sst s10  }
0x32: {  	s10 =	sld [smem:$0x3FA1];
	_ =	sdelay $0x3  }
0x33: {  	p0 =	seq.s32 s10, $0x1;
	s10 =	sld [smem:$0x3FA3];
	_ =	sdelay $0x3  }
0x34: {  	[smem:$0x3FA3] =	sst s10  }
0x35: {  	s10 =	sld [smem:$0x3FA2];
	_ =	sdelay $0x3  }
0x36: {  	p1 =	seq.s32 s10, $0x1;
	s10 =	sld [smem:$0x3FA3];
	_ =	sdelay $0x3  }
0x37: {  	[smem:$0x3FA3] =	sst s10  }
0x38: {  	s10 =	sld [smem:$0x3FA4]  }
0x39: {  	_ = 	snop;
	(pc) =	sbr.ind lr, $3  }
0x3a: {  	_ = 	snop  }
0x3b: {  	_ = 	snop  }
0x3c: {  	p2 =	seq.s32 s10, $0x1;
	s10 =	sld [smem:$0x3FA3]  }
0x3d: {  	_ =	shalt  }
0x3e: {  	_ =	shalt  }
0x3f: {  	_ =	shalt  }
0x40: {  	_ =	shalt  }
0x41: {  	_ =	shalt  }
0x42: {  	_ =	shalt  }
0x43: {  	_ =	shalt  }
0x44: {  	_ =	shalt  }
0x45: {  	_ =	shalt  }
0x46: {  	_ =	shalt  }
0x47: {  	_ =	shalt  }
0x48: {  	_ =	shalt  }
0x49: {  	_ =	shalt  }
0x4a: {  	_ =	shalt  }
0x4b: {  	_ =	shalt  }
0x4c: {  	_ =	shalt  }
0x4d: {  	_ =	shalt  }
0x4e: {  	_ =	shalt  }
0x4f: {  	_ =	shalt  }
0x50: {  	_ =	shalt  }
0x51: {  	_ =	shalt  }
0x52: {  	_ =	shalt  }
0x53: {  	_ =	shalt  }
0x54: {  	_ =	shalt  }
0x55: {  	_ =	shalt  }
0x56: {  	_ =	shalt  }
0x57: {  	_ =	shalt  }
0x58: {  	_ =	shalt  }
0x59: {  	_ =	shalt  }
0x5a: {  	_ =	shalt  }
0x5b: {  	_ =	shalt  }
0x5c: {  	_ =	shalt  }
0x5d: {  	_ =	shalt  }
0x5e: {  	_ =	shalt  }
0x5f: {  	_ =	shalt  }
0x60: {  	_ =	shalt  }
0x61: {  	_ =	shalt  }
0x62: {  	_ =	shalt  }
0x63: {  	_ =	shalt  }
0x64: {  	_ =	shalt  }
0x65: {  	_ =	shalt  }
0x66: {  	_ =	shalt  }
0x67: {  	_ =	shalt  }
0x68: {  	_ =	shalt  }
0x69: {  	_ =	shalt  }
0x6a: {  	_ =	shalt  }
0x6b: {  	_ =	shalt  }
0x6c: {  	_ =	shalt  }
0x6d: {  	_ =	shalt  }
0x6e: {  	_ =	shalt  }
0x6f: {  	_ =	shalt  }
0x70: {  	_ =	shalt  }
0x71: {  	_ =	shalt  }
0x72: {  	_ =	shalt  }
0x73: {  	_ =	shalt  }
0x74: {  	_ =	shalt  }
0x75: {  	_ =	shalt  }
0x76: {  	_ =	shalt  }
0x77: {  	_ =	shalt  }
0x78: {  	_ =	shalt  }
0x79: {  	_ =	shalt  }
0x7a: {  	_ =	shalt  }
0x7b: {  	_ =	shalt  }
0x7c: {  	_ =	shalt  }
0x7d: {  	_ =	shalt  }
0x7e: {  	_ =	shalt  }
0x7f: {  	_ =	shalt  }
0x80: {  	_ =	shalt  }
0x81: {  	_ =	shalt  }
0x82: {  	_ =	shalt  }
0x83: {  	_ =	shalt  }
0x84: {  	_ =	shalt  }
0x85: {  	_ =	shalt  }
0x86: {  	_ =	shalt  }
0x87: {  	_ =	shalt  }
.Lfunc_end0:
.L_simem_size_0:
called_computation_lowered:
.L_overlay_start_0:
0x88: {  	s2 =	sld [smem:$0x3FD9]  }
0x89: {  	s3 =	sld [smem:$0x3FFE];
	_ =	sdelay $0x1  }
0x8a: {  	s1 =	srdreg.scid  }
0x8b: {  	s0 =	sand.u32 $0x1, s1  }
0x8c: {  	s16 =	sshll.u32 s0, $0xA;
	s2 =	sadd.s32 s3, s2  }
0x8d: {  	s2 =	sadd.s32 s2, s16  }
0x8e: {  	[smem:$0x3FAF] =	sst s2  }
0x8f: {  	_ = 	snop  }
0x90: {  	(tm) =	ssettm $0x1  }
0x91: {  	s17 =	sld [smem:$0x3FFB];
	_ =	sdelay $0x3  }
0x92: {  	_ =	strace s17  }
0x93: {  	s2 =	sld [smem:$0x3FFC];
	_ =	sdelay $0x3  }
0x94: {  	_ =	strace s2  }
0x95: {  	s2 =	sld [smem:$0x3FFD];
	_ =	sdelay $0x3  }
0x96: {  	_ =	strace s2  }
0x97: {  	_ =	strace $0x8FFFFFFF  }
0x98: {  	s18 =	sld [smem:$0x3FDB];
	_ =	sdelay $0x1  }
0x99: {  	s19 =	simm.s32 $_scs_section_size  }
0x9a: {  	s4 =	simm.s32 $_size__tile_overlayer_lowered;
	s5 =	simm.s32 $_tile_overlayer_lowered  }
0x9b: {  	s22 =	simm.s32 $0x1BFF;
	s21 =	sshll.u32 s5, $0x1;
	s2 =	sadd.s32 s19, s18  }
0x9c: {  	s6 =	simm.s32 $0x0;
	s20 =	sshll.u32 s4, $0x1;
	s4 =	sadd.s32 s21, s2  }
0x9d: {  	[timem:s6], [sflag:s22] =	dma.local [hbm:s4], s20  }
0x9e: {  	_ =	swait.ge [sflag:s22], s20  }
0x9f: {  	s3 =	ssub.s32 $0x0, s20;
	[sflag:s22] =	ssyncset.done $0x0  }
0xa0: {  	[sflag:s22] =	ssyncadd.s32 s3;
	_ =	sdelay $0x1  }
0xa1: {  	s23 =	simm.s32 $0x1B8B  }
0xa2: {  	_ =	swait.ge [sflag:s23], $0x1  }
0xa3: {  	[sflag:s23] =	ssyncset.done $0x0  }
0xa4: {  	s25 =	simm.s32 $0x1B8E;
	s24 =	sld [smem:$0x3FFE];
	[sflag:s23] =	ssyncadd.s32 $0xFFFFFFFF  }
0xa5: {  	s26 =	simm.s32 $execute0_lowered;
	[smem:$0x3FD2] =	sst s25  }
0xa6: {  	s4 =	sshll.u32 s26, $0x1;
	_ =	strace $0x80000046;
	[dreg:$0x1] =	wrdreg $0xFFFFFFFF  }
0xa7: {  	s28 =	simm.s32 $_size_execute0_lowered;
	s2 =	sadd.s32 s2, s4;
	[dreg:$0x0] =	wrdreg $0x0  }
0xa8: {  	s4 =	sshll.u32 s28, $0x1;
	[dreg:$0x2] =	wrdreg s2  }
0xa9: {  	[dreg:$0x3] =	wrdreg s4  }
0xaa: {  	[dreg:$0x4] =	wrdreg $0xC0  }
0xab: {  	_ =	task [dreg:s6], $0x5FFFF  }
0xac: {  	[dreg:$0x1] =	wrdreg $0xFFFFFFFF  }
0xad: {  	[dreg:$0x0] =	wrdreg $0x60  }
0xae: {  	[dreg:$0x2] =	wrdreg s24  }
0xaf: {  	[dreg:$0x3] =	wrdreg $0x68000  }
0xb0: {  	[dreg:$0x4] =	wrdreg $0x9  }
0xb1: {  	_ =	task.clear_ibuf [dreg:s6], $0x5FFFF;
	_ =	strace $0x90000046  }
0xb2: {  	s29 =	simm.s32 $0x9;
	_ =	strace $0x80000048  }
0xb3: {  	_ =	swait.ge [sflag:s29], $0x1  }
0xb4: {  	[sflag:s29] =	ssyncadd.s32 $0xFFFFFFFF  }
0xb5: {  	_ =	strace $0x90000048  }
0xb6: {  	_ =	sfence  }
0xb7: {  	s30 =	sld [smem:$0x0];
	_ =	sdelay $0x2  }
0xb8: {  	s31 =	sshll.u32 s1, $0xD;
	s1 =	sshrl.u32 s1, $0x2  }
0xb9: {  	s3 =	sand.u32 $0x4000, s31;
	s1 =	sadd.s32 s1, s30  }
0xba: {  	s0 =	sor.u32 s3, s0;
	s1 =	sshll.u32 s1, $0x11  }
0xbb: {  	s0 =	sor.u32 s1, s0  }
0xbc: {  	s0 =	sadd.s32 $0x8F2B, s0  }
0xbd: {  	[sflag:s0] =	ssyncadd.remote.s32 $0x1  }
0xbe: {  	_ =	sfence.sel $0xFFFF  }
0xbf: {  	[dreg:$0x0] =	wrdreg $0xFFFFFFFF;
	(pc) =	sbr.abs _section_cstart, $3  }
0xc0: {  	[dreg:$0x1] =	wrdreg $0xFFFFFFFF  }
0xc1: {  	_ =	task.clear_ibuf [dreg:s6], $0x2FFFF;
	_ =	strace $0x9FFFFFFF  }
0xc2: {  	(tm) =	ssettm $0x7FFFFFFF  }
0xc3: {  	_ =	shalt  }
tec
execute0_lowered:
.L_overlay_start_1:
0x0: {  	(tag) =	ssettag $0x1  }
0x1: {  	s8 =	rddreg [dreg:$0x0];
	s1 =	srdreg.scid  }
0x2: {  	s0 =	stileid.u32;
	s2 =	rddreg [dreg:$0x1]  }
0x3: {  	s3 =	simm.s32 $0x0;
	s16 =	simm.s32 $0x2800;
	s11 =	sand.u32 $0x1, s1  }
0x4: {  	s4 =	sshll.u32 s0, $0x1;
	s1 =	rddreg [dreg:$0x2];
	s9 =	smul.u32 $0x50000, s0  }
0x5: {  	[smem:$0x7FF] =	sst s3;
	s15 =	sadd.s32 $0x8A000, s8;
	s17 =	smul.u32 $0x2800, s0  }
0x6: {  	s18 =	sadd.s32 $0xDA000, s8;
	s13 =	sshll.u32 s0, $0x6;
	s4 =	sor.u32 s11, s4  }
0x7: {  	_ =	strace $0x80000047;
	s6 =	ssub.s32 $0x2, s11;
	p0 =	seq.s32 s11, $0x0  }
0x8: {  	s11 =	simm.s32 $0x1400;
	s13 =	sor.u32 $0x1C01, s13;
	s5 =	smul.u32 $0x280, s4  }
0x9: {  	s4 =	sadd.s32 $0x37800, s8;
	s10 =	sshrl.u32 s6, $0x1;
	s9 =	sshrl.u32 s9, $0x2  }
0xa: {  	s19 =	sadd.s32 s15, s17;
	s12 =	sadd.s32 @!p0 s17, s18;
	s18 =	smov.u32 @p0 s15  }
0xb: {  	s15 =	simm.s32 $0x80;
	s10 =	ssub.s32 s6, s10;
	s14 =	sadd.s32 s9, s2  }
0xc: {  	s17 =	sadd.s32 s17, s18;
	s12 =	smov.u32 @p0 s19;
	s18 =	simm.s32 $0x0  }
0xd: {  	s7 =	sadd.s32 s5, s8;
	s5 =	sadd.s32 $0x87800, s8;
	s8 =	sadd.s32 $0x5F800, s8  }
0xe: {  	s9 =	smax.u32 s10, $0x1;
	s10 =	simm.s32 $0x1;
	s14 =	sshrl.u32 s14, $0x3  }
0xf: {  	s17 =	sadd.s32 $0x28000, s17;
	s6 =	sadd.s32 $0xA800, s7;
	s7 =	sadd.s32 $0x5800, s7  }
.LBB2_1:
0x10: {  	[tilespmem:s3], [sflag:$0x1] =	stream.linear.gather [hbm4b:s6+s3], $0x1400, $0x38;
	[tilespmem:$0x1A800] =	vst v63  }
0x11: {  	_ =	swait.ge [sflag:s10], $0x1400  }
0x12: {  	[sflag:s10] =	ssyncset.done $0x0  }
0x13: {  	[sflag:s10] =	ssyncadd.s32 $0xFFFFEC00  }
0x14: {  	[tilespmem:s11], [sflag:$0x1] =	stream.linear.gather [hbm4b:s7+s3], $0x1400, $0x38;
	[tilespmem:$0x1A800] =	vst v63  }
0x15: {  	_ =	swait.ge [sflag:s10], $0x1400  }
0x16: {  	[sflag:s10] =	ssyncset.done $0x0  }
0x17: {  	[sflag:s10] =	ssyncadd.s32 $0xFFFFEC00  }
0x18: {  	[spmem:s14], [sflag:s13] =	dma.local [hbm:s5], $0x2800  }
0x19: {  	_ =	swait.ge [sflag:s10], $0x2800  }
0x1a: {  	[sflag:s10] =	ssyncset.done $0x0  }
0x1b: {  	[sflag:s10] =	ssyncadd.s32 $0xFFFFD800  }
0x1c: {  	s19 =	simm.s32 $0x0;
	[bflag:$0x0] =	sbarrier.arrive $0xFFFF  }
0x1d: {  	[tilespmem:s16], [sflag:$0x1] =	stream.indirect.gather [hbm4b:s4+s15], $0x80, s19, s15, $0xb8;
	[tilespmem:$0x1A800] =	vst v63  }
0x1e: {  	_ =	swait.ge [sflag:s10], $0x4000  }
0x1f: {  	[sflag:s10] =	ssyncset.done $0x0  }
0x20: {  	s31 =	simm.s32 $0x1400;
	[sflag:s10] =	ssyncadd.s32 $0xFFFFC000  }
0x21: {  	[spmem:s2] =	stream.indirect.scatter.add.f32 [tilespmem:s16], [sflag:$0x1], $0x80, s31, s15, $0xb8;
	[tilespmem:$0x1A800] =	vst v63  }
0x22: {  	_ =	swait.ge [sflag:s10], $0x4000  }
0x23: {  	s20 =	simm.s32 $0x400;
	s19 =	simm.s32 $0x200;
	[sflag:s10] =	ssyncset.done $0x0  }
.LBB2_2:
0x24: {  	s21 =	sshra.s32 s19, $0x2  }
0x25: {  	[sflag:s10] =	ssyncadd.s32 $0xFFFFC000;
	s19 =	smov.u32 s20;
	s22 =	sadd.s32 $0x200, s20  }
0x26: {  	[tilespmem:s16], [sflag:$0x1] =	stream.indirect.gather [hbm4b:s4+s15], $0x80, s21, s15, $0xb8;
	[tilespmem:$0x1A800] =	vst v63  }
0x27: {  	p0 =	sne.s32 s20, $0x4E00;
	_ =	swait.ge [sflag:s10], $0x4000  }
.Ltmp0:
0x28: {  	[sflag:s10] =	ssyncset.done $0x0;
	(pc) =	sbr.rel @p0 .LBB2_2-.Ltmp0, $4  }
0x29: {  	s20 =	sadd.s32 $0x1400, s21;
	[sflag:s10] =	ssyncadd.s32 $0xFFFFC000  }
0x2a: {  	[spmem:s2] =	stream.indirect.scatter.add.f32 [tilespmem:s16], [sflag:$0x1], $0x80, s20, s15, $0xb8;
	[tilespmem:$0x1A800] =	vst v63  }
0x2b: {  	_ =	swait.ge [sflag:s10], $0x4000  }
0x2c: {  	s20 =	smov.u32 s22;
	[sflag:s10] =	ssyncset.done $0x0  }
0x2d: {  	s19 =	sshra.s32 s19, $0x2;
	[sflag:s10] =	ssyncadd.s32 $0xFFFFC000  }
0x2e: {  	[tilespmem:s16], [sflag:$0x1] =	stream.indirect.gather [hbm4b:s4+s15], $0x80, s19, s15, $0xb8;
	[tilespmem:$0x1A800] =	vst v63  }
0x2f: {  	_ =	swait.ge [sflag:s10], $0x4000  }
0x30: {  	[sflag:s10] =	ssyncset.done $0x0  }
0x31: {  	s19 =	sadd.s32 $0x1400, s19;
	[sflag:s10] =	ssyncadd.s32 $0xFFFFC000  }
0x32: {  	[spmem:s2] =	stream.indirect.scatter.add.f32 [tilespmem:s16], [sflag:$0x1], $0x80, s19, s15, $0xb8;
	[tilespmem:$0x1A800] =	vst v63  }
0x33: {  	_ =	swait.ge [sflag:s10], $0x4000  }
0x34: {  	[sflag:s10] =	ssyncset.done $0x0  }
0x35: {  	[sflag:s10] =	ssyncadd.s32 $0xFFFFC000  }
0x36: {  	[bflag:$0x0] =	sbarrier.arrive $0xFFFF  }
0x37: {  	[hbm:s12], [sflag:s13] =	dma.local [spmem:s14], $0x2800  }
0x38: {  	_ =	swait.ge [sflag:s10], $0x2800  }
0x39: {  	[sflag:s10] =	ssyncset.done $0x0  }
0x3a: {  	[sflag:s10] =	ssyncadd.s32 $0xFFFFD800  }
0x3b: {  	[bflag:$0x0] =	sbarrier.arrive $0xFFFF  }
0x3c: {  	[spmem:s14], [sflag:s13] =	dma.local [hbm:s5], $0x2800  }
0x3d: {  	_ =	swait.ge [sflag:s10], $0x2800  }
0x3e: {  	[sflag:s10] =	ssyncset.done $0x0  }
0x3f: {  	[sflag:s10] =	ssyncadd.s32 $0xFFFFD800  }
0x40: {  	s30 =	simm.s32 $0x0;
	[bflag:$0x0] =	sbarrier.arrive $0xFFFF  }
0x41: {  	[tilespmem:s16], [sflag:$0x1] =	stream.indirect.gather [hbm4b:s8+s15], $0x80, s30, s15, $0xb8;
	[tilespmem:$0x1A800] =	vst v63  }
0x42: {  	_ =	swait.ge [sflag:s10], $0x4000  }
0x43: {  	[sflag:s10] =	ssyncset.done $0x0  }
0x44: {  	s31 =	simm.s32 $0x1400;
	[sflag:s10] =	ssyncadd.s32 $0xFFFFC000  }
0x45: {  	[spmem:s2] =	stream.indirect.scatter.add.f32 [tilespmem:s16], [sflag:$0x1], $0x80, s31, s15, $0xb8;
	[tilespmem:$0x1A800] =	vst v63  }
0x46: {  	_ =	swait.ge [sflag:s10], $0x4000  }
0x47: {  	s20 =	simm.s32 $0x400;
	s19 =	simm.s32 $0x200;
	[sflag:s10] =	ssyncset.done $0x0  }
.LBB2_4:
0x48: {  	s21 =	sshra.s32 s19, $0x2  }
0x49: {  	[sflag:s10] =	ssyncadd.s32 $0xFFFFC000;
	s19 =	smov.u32 s20;
	s22 =	sadd.s32 $0x200, s20  }
0x4a: {  	[tilespmem:s16], [sflag:$0x1] =	stream.indirect.gather [hbm4b:s8+s15], $0x80, s21, s15, $0xb8;
	[tilespmem:$0x1A800] =	vst v63  }
0x4b: {  	p0 =	sne.s32 s20, $0x4E00;
	_ =	swait.ge [sflag:s10], $0x4000  }
.Ltmp1:
0x4c: {  	[sflag:s10] =	ssyncset.done $0x0;
	(pc) =	sbr.rel @p0 .LBB2_4-.Ltmp1, $4  }
0x4d: {  	s20 =	sadd.s32 $0x1400, s21;
	[sflag:s10] =	ssyncadd.s32 $0xFFFFC000  }
0x4e: {  	[spmem:s2] =	stream.indirect.scatter.add.f32 [tilespmem:s16], [sflag:$0x1], $0x80, s20, s15, $0xb8;
	[tilespmem:$0x1A800] =	vst v63  }
0x4f: {  	_ =	swait.ge [sflag:s10], $0x4000  }
0x50: {  	s20 =	smov.u32 s22;
	[sflag:s10] =	ssyncset.done $0x0  }
0x51: {  	s19 =	sshra.s32 s19, $0x2;
	[sflag:s10] =	ssyncadd.s32 $0xFFFFC000  }
0x52: {  	[tilespmem:s16], [sflag:$0x1] =	stream.indirect.gather [hbm4b:s8+s15], $0x80, s19, s15, $0xb8;
	[tilespmem:$0x1A800] =	vst v63  }
0x53: {  	_ =	swait.ge [sflag:s10], $0x4000  }
0x54: {  	[sflag:s10] =	ssyncset.done $0x0  }
0x55: {  	s19 =	sadd.s32 $0x1400, s19;
	[sflag:s10] =	ssyncadd.s32 $0xFFFFC000  }
0x56: {  	[spmem:s2] =	stream.indirect.scatter.add.f32 [tilespmem:s16], [sflag:$0x1], $0x80, s19, s15, $0xb8;
	[tilespmem:$0x1A800] =	vst v63  }
0x57: {  	_ =	swait.ge [sflag:s10], $0x4000  }
0x58: {  	[sflag:s10] =	ssyncset.done $0x0  }
0x59: {  	s18 =	sadd.s32 $0x1, s18;
	[sflag:s10] =	ssyncadd.s32 $0xFFFFC000  }
0x5a: {  	p0 =	sne.s32 s18, s9;
	[bflag:$0x0] =	sbarrier.arrive $0xFFFF  }
0x5b: {  	[hbm:s17], [sflag:s13] =	dma.local [spmem:s14], $0x2800  }
.Ltmp2:
0x5c: {  	_ =	swait.ge [sflag:s10], $0x2800;
	(pc) =	sbr.rel @p0 .LBB2_1-.Ltmp2, $3  }
0x5d: {  	[sflag:s10] =	ssyncset.done $0x0  }
0x5e: {  	[sflag:s10] =	ssyncadd.s32 $0xFFFFD800  }
0x5f: {  	[bflag:$0x0] =	sbarrier.arrive $0xFFFF;
	_ =	sdelay $0x1  }
0x60: {  	_ =	sfence.sel $0x180000  }
0x61: {  	[bflag:$0x0] =	sbarrier.arrive $0xFFFF  }
0x62: {  	p0 =	sne.s32 s0, $0x0;
	_ =	strace $0x90000047  }
0x63: {  	s0 =	sadd.s32 @!p0 $0x100000, s1;
	[bflag:$0x2] =	sbarrier.arrive $0xFFFF  }
0x64: {  	[sflag:s0] =	ssyncadd.tile.s32 @!p0 $0x1;
	_ =	shalt  }
.Lfunc_end2:
_tile_overlayer_lowered:
.L_overlay_start_2:
0x65: {  	(tag) =	ssettag $0x2  }
0x66: {  	s0 =	rddreg [dreg:$0x0];
	s2 =	stileid.u32  }
0x67: {  	s1 =	rddreg [dreg:$0x1];
	p0 =	sne.s32 s2, $0x0  }
0x68: {  	s3 =	rddreg [dreg:$0x2];
	[bflag:$0x3] =	sbarrier.arrive $0xFFFF;
	s2 =	simm.s32 @!p0 $0x1C01  }
0x69: {  	[timem:s3], [sflag:s2] =	dma.local @!p0 [hbm:s0], s1  }
0x6a: {  	s0 =	simm.s32 @!p0 $0x1  }
0x6b: {  	_ =	swait.ge @!p0 [sflag:s0], s1  }
0x6c: {  	s1 =	ssub.s32 @!p0 $0x0, s1;
	[sflag:s0] =	ssyncset.done @!p0 $0x0  }
0x6d: {  	[sflag:s0] =	ssyncadd.s32 @!p0 s1  }
0x6e: {  	[bflag:$0x3] =	sbarrier.arrive $0xFFFF  }
0x6f: {  	_ =	shalt  }

// kernel: kernel.21.cloned.1.call-start
scs
__scs_entry_jumppad:
0x0: {  	(pc) =	sbr.rel $0x88, $3  }
0x1: {  	(tag) =	ssettag $0x0;
	lr =	simm.s32 $0x1  }
0x2: {  	[smem:$0x3F88] =	sst lr;
	_ =	strace $0xD0000000  }
0x3: {  	_ = 	snop  }
0x4: {  	_ = 	snop  }
0x5: {  	_ = 	snop  }
0x6: {  	_ = 	snop  }
0x7: {  	_ = 	snop  }
__scs_overlays_trampoline_lowered:
0x8: {  	[smem:$0x3F97] =	sst s0  }
0x9: {  	[smem:$0x3F98] =	sst s1  }
0xa: {  	[smem:$0x3F99] =	sst s2  }
0xb: {  	[smem:$0x3F9A] =	sst s3  }
0xc: {  	[smem:$0x3F9B] =	sst s4  }
0xd: {  	[smem:$0x3F9C] =	sst s5  }
0xe: {  	[smem:$0x3F9D] =	sst s6  }
0xf: {  	[smem:$0x3F9E] =	sst s7  }
0x10: {  	[smem:$0x3F9F] =	sst s8  }
0x11: {  	[smem:$0x3FA0] =	sst s9;
	s0 =	simm.s32 @!p0 $0x0  }
0x12: {  	s1 =	sld [smem:$0x3F86];
	s0 =	simm.s32 @p0 $0x1  }
0x13: {  	[smem:$0x3FA1] =	sst s0;
	s0 =	simm.s32 @!p1 $0x0  }
0x14: {  	s2 =	sld [smem:$0x3F85];
	s0 =	simm.s32 @p1 $0x1  }
0x15: {  	[smem:$0x3FA2] =	sst s0;
	s0 =	simm.s32 @!p2 $0x0  }
0x16: {  	s3 =	sld [smem:$0x3FDB];
	s0 =	simm.s32 @p2 $0x1  }
0x17: {  	s4 =	simm.s32 $0x1BF5;
	[smem:$0x3FA4] =	sst s0  }
0x18: {  	s0 =	sld [smem:$0x3F87];
	_ =	swait.ge [sflag:s4], $0x0  }
0x19: {  	s7 =	sld [smem:$0x3F88]  }
0x1a: {  	s8 =	sadd.s32 $0xFFFFE003, lr  }
0x1b: {  	s9 =	sadd.s32 $0xFFFFFEF7, lr;
	s5 =	simm.s32 $0xFFFFFFFF;
	p2 =	slt.u32 s8, $0xFFFFF086  }
0x1c: {  	p1 =	slt.u32 s9, $0xF7A;
	s5 =	simm.s32 @!p2 $0x0  }
0x1d: {  	s5 =	simm.s32 @p1 $0x1;
	p0 =	seq.s32 s7, s2  }
0x1e: {  	s7 =	smul.u32 @!p0 $0xF7A, s2;
	p2 =	seq.s32 @!p0 s5, $0x0  }
0x1f: {  	s9 =	smul.u32 $0xF7A, s1;
	s8 =	simm.s32 @!p0 $0x1BF5;
	p2 =	por !p2, p0  }
0x20: {  	[sflag:s8] =	ssyncset.s32 @!p0 $0xFFFFF086;
	s6 =	sadd.s32 @!p0 s3, s7;
	s7 =	simm.s32 @!p0 $0x108  }
0x21: {  	s3 =	sadd.s32 s3, s9;
	s6 =	sadd.s32 @!p0 $0x88, s6;
	s7 =	simm.s32 @p2 $0x1082  }
0x22: {  	[simem:s7], [sflag:s8] =	dma.local @!p0 [hbm:s6], $0xF7A  }
0x23: {  	s9 =	sor.u32 $0xD0000000, s2;
	s6 =	simm.s32 $0x108;
	_ =	swait.ge @!p0 [sflag:s8], $0x0  }
0x24: {  	s3 =	sadd.s32 $0x88, s3;
	s6 =	simm.s32 @!p1 $0x1082;
	[sflag:s4] =	ssyncset.s32 $0xFFFFF086  }
0x25: {  	[simem:s6], [sflag:s4] =	dma.local [hbm:s3], $0xF7A  }
0x26: {  	[smem:$0x3F88] =	sst s1;
	(tag) =	ssettag s2;
	_ =	strace s9  }
0x27: {  	s1 =	sld [smem:$0x3F98]  }
0x28: {  	s2 =	sld [smem:$0x3F99]  }
0x29: {  	s4 =	sld [smem:$0x3F9B]  }
0x2a: {  	p0 =	seq.s32 s5, $0x0;
	s5 =	sld [smem:$0x3F9C]  }
0x2b: {  	s6 =	sld [smem:$0x3F9D]  }
0x2c: {  	s7 =	sld [smem:$0x3F9E]  }
0x2d: {  	s3 =	simm.s32 $0x108;
	s8 =	sld [smem:$0x3F9F]  }
0x2e: {  	s3 =	simm.s32 @!p0 $0x1082;
	s9 =	sld [smem:$0x3FA0]  }
0x2f: {  	lr =	sadd.s32 s0, s3;
	s0 =	sld [smem:$0x3F97]  }
0x30: {  	s3 =	sld [smem:$0x3F9A]  }
0x31: {  	[smem:$0x3FA3] =	sst s10  }
0x32: {  	s10 =	sld [smem:$0x3FA1];
	_ =	sdelay $0x3  }
0x33: {  	p0 =	seq.s32 s10, $0x1;
	s10 =	sld [smem:$0x3FA3];
	_ =	sdelay $0x3  }
0x34: {  	[smem:$0x3FA3] =	sst s10  }
0x35: {  	s10 =	sld [smem:$0x3FA2];
	_ =	sdelay $0x3  }
0x36: {  	p1 =	seq.s32 s10, $0x1;
	s10 =	sld [smem:$0x3FA3];
	_ =	sdelay $0x3  }
0x37: {  	[smem:$0x3FA3] =	sst s10  }
0x38: {  	s10 =	sld [smem:$0x3FA4]  }
0x39: {  	_ = 	snop;
	(pc) =	sbr.ind lr, $3  }
0x3a: {  	_ = 	snop  }
0x3b: {  	_ = 	snop  }
0x3c: {  	p2 =	seq.s32 s10, $0x1;
	s10 =	sld [smem:$0x3FA3]  }
0x3d: {  	_ =	shalt  }
0x3e: {  	_ =	shalt  }
0x3f: {  	_ =	shalt  }
0x40: {  	_ =	shalt  }
0x41: {  	_ =	shalt  }
0x42: {  	_ =	shalt  }
0x43: {  	_ =	shalt  }
0x44: {  	_ =	shalt  }
0x45: {  	_ =	shalt  }
0x46: {  	_ =	shalt  }
0x47: {  	_ =	shalt  }
0x48: {  	_ =	shalt  }
0x49: {  	_ =	shalt  }
0x4a: {  	_ =	shalt  }
0x4b: {  	_ =	shalt  }
0x4c: {  	_ =	shalt  }
0x4d: {  	_ =	shalt  }
0x4e: {  	_ =	shalt  }
0x4f: {  	_ =	shalt  }
0x50: {  	_ =	shalt  }
0x51: {  	_ =	shalt  }
0x52: {  	_ =	shalt  }
0x53: {  	_ =	shalt  }
0x54: {  	_ =	shalt  }
0x55: {  	_ =	shalt  }
0x56: {  	_ =	shalt  }
0x57: {  	_ =	shalt  }
0x58: {  	_ =	shalt  }
0x59: {  	_ =	shalt  }
0x5a: {  	_ =	shalt  }
0x5b: {  	_ =	shalt  }
0x5c: {  	_ =	shalt  }
0x5d: {  	_ =	shalt  }
0x5e: {  	_ =	shalt  }
0x5f: {  	_ =	shalt  }
0x60: {  	_ =	shalt  }
0x61: {  	_ =	shalt  }
0x62: {  	_ =	shalt  }
0x63: {  	_ =	shalt  }
0x64: {  	_ =	shalt  }
0x65: {  	_ =	shalt  }
0x66: {  	_ =	shalt  }
0x67: {  	_ =	shalt  }
0x68: {  	_ =	shalt  }
0x69: {  	_ =	shalt  }
0x6a: {  	_ =	shalt  }
0x6b: {  	_ =	shalt  }
0x6c: {  	_ =	shalt  }
0x6d: {  	_ =	shalt  }
0x6e: {  	_ =	shalt  }
0x6f: {  	_ =	shalt  }
0x70: {  	_ =	shalt  }
0x71: {  	_ =	shalt  }
0x72: {  	_ =	shalt  }
0x73: {  	_ =	shalt  }
0x74: {  	_ =	shalt  }
0x75: {  	_ =	shalt  }
0x76: {  	_ =	shalt  }
0x77: {  	_ =	shalt  }
0x78: {  	_ =	shalt  }
0x79: {  	_ =	shalt  }
0x7a: {  	_ =	shalt  }
0x7b: {  	_ =	shalt  }
0x7c: {  	_ =	shalt  }
0x7d: {  	_ =	shalt  }
0x7e: {  	_ =	shalt  }
0x7f: {  	_ =	shalt  }
0x80: {  	_ =	shalt  }
0x81: {  	_ =	shalt  }
0x82: {  	_ =	shalt  }
0x83: {  	_ =	shalt  }
0x84: {  	_ =	shalt  }
0x85: {  	_ =	shalt  }
0x86: {  	_ =	shalt  }
0x87: {  	_ =	shalt  }
.Lfunc_end0:
.L_simem_size_0:
called_computation.1_lowered:
.L_overlay_start_0:
0x88: {  	s2 =	sld [smem:$0x3FD9]  }
0x89: {  	s3 =	sld [smem:$0x3FFE];
	_ =	sdelay $0x1  }
0x8a: {  	s1 =	srdreg.scid  }
0x8b: {  	s0 =	sand.u32 $0x1, s1  }
0x8c: {  	s16 =	sshll.u32 s0, $0xA;
	s2 =	sadd.s32 s3, s2  }
0x8d: {  	s2 =	sadd.s32 s2, s16  }
0x8e: {  	[smem:$0x3FAF] =	sst s2  }
0x8f: {  	_ = 	snop  }
0x90: {  	(tm) =	ssettm $0x1  }
0x91: {  	s17 =	sld [smem:$0x3FFB];
	_ =	sdelay $0x3  }
0x92: {  	_ =	strace s17  }
0x93: {  	s2 =	sld [smem:$0x3FFC];
	_ =	sdelay $0x3  }
0x94: {  	_ =	strace s2  }
0x95: {  	s2 =	sld [smem:$0x3FFD];
	_ =	sdelay $0x3  }
0x96: {  	_ =	strace s2  }
0x97: {  	_ =	strace $0x8FFFFFFF  }
0x98: {  	s18 =	sld [smem:$0x3FDB];
	_ =	sdelay $0x1  }
0x99: {  	s19 =	simm.s32 $_scs_section_size  }
0x9a: {  	s4 =	simm.s32 $_size__tile_overlayer_lowered;
	s5 =	simm.s32 $_tile_overlayer_lowered  }
0x9b: {  	s22 =	simm.s32 $0x1BFF;
	s21 =	sshll.u32 s5, $0x1;
	s2 =	sadd.s32 s19, s18  }
0x9c: {  	s6 =	simm.s32 $0x0;
	s20 =	sshll.u32 s4, $0x1;
	s4 =	sadd.s32 s21, s2  }
0x9d: {  	[timem:s6], [sflag:s22] =	dma.local [hbm:s4], s20  }
0x9e: {  	_ =	swait.ge [sflag:s22], s20  }
0x9f: {  	s3 =	ssub.s32 $0x0, s20;
	[sflag:s22] =	ssyncset.done $0x0  }
0xa0: {  	[sflag:s22] =	ssyncadd.s32 s3;
	_ =	sdelay $0x1  }
0xa1: {  	s23 =	simm.s32 $0x1B8B  }
0xa2: {  	_ =	swait.ge [sflag:s23], $0x1  }
0xa3: {  	[sflag:s23] =	ssyncset.done $0x0  }
0xa4: {  	s25 =	simm.s32 $0x1B8E;
	s24 =	sld [smem:$0x3FFE];
	[sflag:s23] =	ssyncadd.s32 $0xFFFFFFFF  }
0xa5: {  	s26 =	simm.s32 $execute0_lowered;
	[smem:$0x3FD2] =	sst s25  }
0xa6: {  	s4 =	sshll.u32 s26, $0x1;
	_ =	strace $0x80000049;
	[dreg:$0x1] =	wrdreg $0xFFFFFFFF  }
0xa7: {  	s28 =	simm.s32 $_size_execute0_lowered;
	s2 =	sadd.s32 s2, s4;
	[dreg:$0x0] =	wrdreg $0x0  }
0xa8: {  	s4 =	sshll.u32 s28, $0x1;
	[dreg:$0x2] =	wrdreg s2  }
0xa9: {  	[dreg:$0x3] =	wrdreg s4  }
0xaa: {  	[dreg:$0x4] =	wrdreg $0xC0  }
0xab: {  	_ =	task [dreg:s6], $0x5FFFF  }
0xac: {  	[dreg:$0x1] =	wrdreg $0xFFFFFFFF  }
0xad: {  	[dreg:$0x0] =	wrdreg $0x60  }
0xae: {  	[dreg:$0x2] =	wrdreg s24  }
0xaf: {  	[dreg:$0x3] =	wrdreg $0x68000  }
0xb0: {  	[dreg:$0x4] =	wrdreg $0x9  }
0xb1: {  	_ =	task.clear_ibuf [dreg:s6], $0x5FFFF;
	_ =	strace $0x90000049  }
0xb2: {  	s29 =	simm.s32 $0x9;
	_ =	strace $0x8000004B  }
0xb3: {  	_ =	swait.ge [sflag:s29], $0x1  }
0xb4: {  	[sflag:s29] =	ssyncadd.s32 $0xFFFFFFFF  }
0xb5: {  	_ =	strace $0x9000004B  }
0xb6: {  	_ =	sfence  }
0xb7: {  	s30 =	sld [smem:$0x0];
	_ =	sdelay $0x2  }
0xb8: {  	s31 =	sshll.u32 s1, $0xD;
	s1 =	sshrl.u32 s1, $0x2  }
0xb9: {  	s3 =	sand.u32 $0x4000, s31;
	s1 =	sadd.s32 s1, s30  }
0xba: {  	s0 =	sor.u32 s3, s0;
	s1 =	sshll.u32 s1, $0x11  }
0xbb: {  	s0 =	sor.u32 s1, s0  }
0xbc: {  	s0 =	sadd.s32 $0x8F2B, s0  }
0xbd: {  	[sflag:s0] =	ssyncadd.remote.s32 $0x1  }
0xbe: {  	_ =	sfence.sel $0xFFFF  }
0xbf: {  	[dreg:$0x0] =	wrdreg $0xFFFFFFFF;
	(pc) =	sbr.abs _section_cstart, $3  }
0xc0: {  	[dreg:$0x1] =	wrdreg $0xFFFFFFFF  }
0xc1: {  	_ =	task.clear_ibuf [dreg:s6], $0x2FFFF;
	_ =	strace $0x9FFFFFFF  }
0xc2: {  	(tm) =	ssettm $0x7FFFFFFF  }
0xc3: {  	_ =	shalt  }
tec
execute0_lowered:
.L_overlay_start_1:
0x0: {  	(tag) =	ssettag $0x1  }
0x1: {  	s10 =	rddreg [dreg:$0x0]  }
0x2: {  	s1 =	srdreg.scid;
	s0 =	stileid.u32  }
0x3: {  	s2 =	rddreg [dreg:$0x1];
	s3 =	simm.s32 $0x0;
	s12 =	simm.s32 $0x1  }
0x4: {  	s18 =	simm.s32 $0x2800;
	s13 =	sand.u32 $0x1, s1;
	s1 =	rddreg [dreg:$0x2]  }
0x5: {  	s4 =	sshll.u32 s0, $0x1;
	[smem:$0x7FF] =	sst s3;
	s9 =	smul.u32 $0x50000, s0  }
0x6: {  	s17 =	sadd.s32 $0x12A000, s10;
	s19 =	smul.u32 $0x2800, s0;
	s20 =	sadd.s32 $0x1CA000, s10  }
0x7: {  	s15 =	sshll.u32 s0, $0x6;
	s4 =	sor.u32 s13, s4;
	_ =	strace $0x8000004A  }
0x8: {  	s6 =	ssub.s32 $0x2, s13;
	p0 =	seq.s32 s13, $0x0;
	s13 =	simm.s32 $0x1400  }
0x9: {  	s15 =	sor.u32 $0x1C01, s15;
	s5 =	smul.u32 $0x280, s4;
	s4 =	sadd.s32 $0x8A000, s10  }
0xa: {  	s8 =	sshrl.u32 s6, $0x1;
	s31 =	sshrl.u32 s9, $0x2;
	s21 =	sadd.s32 s17, s19  }
0xb: {  	s9 =	sadd.s32 $0xDA000, s10;
	s14 =	sadd.s32 @!p0 s19, s20;
	s20 =	smov.u32 @p0 s17  }
0xc: {  	s17 =	simm.s32 $0x80;
	s11 =	ssub.s32 s6, s8;
	s16 =	sadd.s32 s31, s2  }
0xd: {  	s8 =	sadd.s32 $0xB2000, s10;
	s19 =	sadd.s32 s19, s20;
	s14 =	smov.u32 @p0 s21  }
0xe: {  	s21 =	simm.s32 $0x0;
	s7 =	sadd.s32 s5, s10;
	s5 =	sadd.s32 $0x87800, s10  }
0xf: {  	s10 =	sadd.s32 $0x102000, s10;
	s11 =	smax.u32 s11, $0x1;
	s16 =	sshrl.u32 s16, $0x3  }
0x10: {  	s20 =	sadd.s32 $0x28000, s19;
	s6 =	sadd.s32 $0xA800, s7;
	s7 =	sadd.s32 $0x5800, s7  }
.LBB2_1:
0x11: {  	[tilespmem:s3], [sflag:$0x1] =	stream.linear.gather [hbm4b:s6+s3], $0x1400, $0x38;
	[tilespmem:$0x1A800] =	vst v63  }
0x12: {  	_ =	swait.ge [sflag:s12], $0x1400  }
0x13: {  	[sflag:s12] =	ssyncset.done $0x0  }
0x14: {  	[sflag:s12] =	ssyncadd.s32 $0xFFFFEC00  }
0x15: {  	[tilespmem:s13], [sflag:$0x1] =	stream.linear.gather [hbm4b:s7+s3], $0x1400, $0x38;
	[tilespmem:$0x1A800] =	vst v63  }
0x16: {  	_ =	swait.ge [sflag:s12], $0x1400  }
0x17: {  	[sflag:s12] =	ssyncset.done $0x0  }
0x18: {  	[sflag:s12] =	ssyncadd.s32 $0xFFFFEC00  }
0x19: {  	[spmem:s16], [sflag:s15] =	dma.local [hbm:s5], $0x2800  }
0x1a: {  	_ =	swait.ge [sflag:s12], $0x2800  }
0x1b: {  	[sflag:s12] =	ssyncset.done $0x0  }
0x1c: {  	[sflag:s12] =	ssyncadd.s32 $0xFFFFD800  }
0x1d: {  	s22 =	simm.s32 $0x0;
	[bflag:$0x0] =	sbarrier.arrive $0xFFFF  }
0x1e: {  	[tilespmem:s18], [sflag:$0x1] =	stream.indirect.gather [hbm4b:s4+s17], $0x80, s22, s17, $0xb8;
	[tilespmem:$0x1A800] =	vst v63  }
0x1f: {  	_ =	swait.ge [sflag:s12], $0x4000  }
0x20: {  	[sflag:s12] =	ssyncset.done $0x0  }
0x21: {  	s31 =	simm.s32 $0x1400;
	[sflag:s12] =	ssyncadd.s32 $0xFFFFC000  }
0x22: {  	[spmem:s2] =	stream.indirect.scatter.add.f32 [tilespmem:s18], [sflag:$0x1], $0x80, s31, s17, $0xb8;
	[tilespmem:$0x1A800] =	vst v63  }
0x23: {  	_ =	swait.ge [sflag:s12], $0x4000  }
0x24: {  	s23 =	simm.s32 $0x400;
	s22 =	simm.s32 $0x200;
	[sflag:s12] =	ssyncset.done $0x0  }
.LBB2_2:
0x25: {  	s24 =	sshra.s32 s22, $0x2  }
0x26: {  	[sflag:s12] =	ssyncadd.s32 $0xFFFFC000;
	s22 =	smov.u32 s23;
	s25 =	sadd.s32 $0x200, s23  }
0x27: {  	[tilespmem:s18], [sflag:$0x1] =	stream.indirect.gather [hbm4b:s4+s17], $0x80, s24, s17, $0xb8;
	[tilespmem:$0x1A800] =	vst v63  }
0x28: {  	p0 =	sne.s32 s23, $0x4E00;
	_ =	swait.ge [sflag:s12], $0x4000  }
.Ltmp0:
0x29: {  	[sflag:s12] =	ssyncset.done $0x0;
	(pc) =	sbr.rel @p0 .LBB2_2-.Ltmp0, $4  }
0x2a: {  	s23 =	sadd.s32 $0x1400, s24;
	[sflag:s12] =	ssyncadd.s32 $0xFFFFC000  }
0x2b: {  	[spmem:s2] =	stream.indirect.scatter.add.f32 [tilespmem:s18], [sflag:$0x1], $0x80, s23, s17, $0xb8;
	[tilespmem:$0x1A800] =	vst v63  }
0x2c: {  	_ =	swait.ge [sflag:s12], $0x4000  }
0x2d: {  	s23 =	smov.u32 s25;
	[sflag:s12] =	ssyncset.done $0x0  }
0x2e: {  	s22 =	sshra.s32 s22, $0x2;
	[sflag:s12] =	ssyncadd.s32 $0xFFFFC000  }
0x2f: {  	[tilespmem:s18], [sflag:$0x1] =	stream.indirect.gather [hbm4b:s4+s17], $0x80, s22, s17, $0xb8;
	[tilespmem:$0x1A800] =	vst v63  }
0x30: {  	_ =	swait.ge [sflag:s12], $0x4000  }
0x31: {  	[sflag:s12] =	ssyncset.done $0x0  }
0x32: {  	s22 =	sadd.s32 $0x1400, s22;
	[sflag:s12] =	ssyncadd.s32 $0xFFFFC000  }
0x33: {  	[spmem:s2] =	stream.indirect.scatter.add.f32 [tilespmem:s18], [sflag:$0x1], $0x80, s22, s17, $0xb8;
	[tilespmem:$0x1A800] =	vst v63  }
0x34: {  	_ =	swait.ge [sflag:s12], $0x4000  }
0x35: {  	[sflag:s12] =	ssyncset.done $0x0  }
0x36: {  	[sflag:s12] =	ssyncadd.s32 $0xFFFFC000  }
0x37: {  	[bflag:$0x0] =	sbarrier.arrive $0xFFFF  }
0x38: {  	[hbm:s14], [sflag:s15] =	dma.local [spmem:s16], $0x2800  }
0x39: {  	_ =	swait.ge [sflag:s12], $0x2800  }
0x3a: {  	[sflag:s12] =	ssyncset.done $0x0  }
0x3b: {  	[sflag:s12] =	ssyncadd.s32 $0xFFFFD800  }
0x3c: {  	[bflag:$0x0] =	sbarrier.arrive $0xFFFF  }
0x3d: {  	[spmem:s16], [sflag:s15] =	dma.local [hbm:s5], $0x2800  }
0x3e: {  	_ =	swait.ge [sflag:s12], $0x2800  }
0x3f: {  	[sflag:s12] =	ssyncset.done $0x0  }
0x40: {  	[sflag:s12] =	ssyncadd.s32 $0xFFFFD800  }
0x41: {  	s30 =	simm.s32 $0x0;
	[bflag:$0x0] =	sbarrier.arrive $0xFFFF  }
0x42: {  	[tilespmem:s18], [sflag:$0x1] =	stream.indirect.gather [hbm4b:s8+s17], $0x80, s30, s17, $0xb8;
	[tilespmem:$0x1A800] =	vst v63  }
0x43: {  	_ =	swait.ge [sflag:s12], $0x4000  }
0x44: {  	[sflag:s12] =	ssyncset.done $0x0  }
0x45: {  	s31 =	simm.s32 $0x1400;
	[sflag:s12] =	ssyncadd.s32 $0xFFFFC000  }
0x46: {  	[spmem:s2] =	stream.indirect.scatter.add.f32 [tilespmem:s18], [sflag:$0x1], $0x80, s31, s17, $0xb8;
	[tilespmem:$0x1A800] =	vst v63  }
0x47: {  	_ =	swait.ge [sflag:s12], $0x4000  }
0x48: {  	s23 =	simm.s32 $0x400;
	s22 =	simm.s32 $0x200;
	[sflag:s12] =	ssyncset.done $0x0  }
.LBB2_4:
0x49: {  	s24 =	sshra.s32 s22, $0x2  }
0x4a: {  	[sflag:s12] =	ssyncadd.s32 $0xFFFFC000;
	s22 =	smov.u32 s23;
	s25 =	sadd.s32 $0x200, s23  }
0x4b: {  	[tilespmem:s18], [sflag:$0x1] =	stream.indirect.gather [hbm4b:s8+s17], $0x80, s24, s17, $0xb8;
	[tilespmem:$0x1A800] =	vst v63  }
0x4c: {  	p0 =	sne.s32 s23, $0x4E00;
	_ =	swait.ge [sflag:s12], $0x4000  }
.Ltmp1:
0x4d: {  	[sflag:s12] =	ssyncset.done $0x0;
	(pc) =	sbr.rel @p0 .LBB2_4-.Ltmp1, $4  }
0x4e: {  	s23 =	sadd.s32 $0x1400, s24;
	[sflag:s12] =	ssyncadd.s32 $0xFFFFC000  }
0x4f: {  	[spmem:s2] =	stream.indirect.scatter.add.f32 [tilespmem:s18], [sflag:$0x1], $0x80, s23, s17, $0xb8;
	[tilespmem:$0x1A800] =	vst v63  }
0x50: {  	_ =	swait.ge [sflag:s12], $0x4000  }
0x51: {  	s23 =	smov.u32 s25;
	[sflag:s12] =	ssyncset.done $0x0  }
0x52: {  	s22 =	sshra.s32 s22, $0x2;
	[sflag:s12] =	ssyncadd.s32 $0xFFFFC000  }
0x53: {  	[tilespmem:s18], [sflag:$0x1] =	stream.indirect.gather [hbm4b:s8+s17], $0x80, s22, s17, $0xb8;
	[tilespmem:$0x1A800] =	vst v63  }
0x54: {  	_ =	swait.ge [sflag:s12], $0x4000  }
0x55: {  	[sflag:s12] =	ssyncset.done $0x0  }
0x56: {  	s22 =	sadd.s32 $0x1400, s22;
	[sflag:s12] =	ssyncadd.s32 $0xFFFFC000  }
0x57: {  	[spmem:s2] =	stream.indirect.scatter.add.f32 [tilespmem:s18], [sflag:$0x1], $0x80, s22, s17, $0xb8;
	[tilespmem:$0x1A800] =	vst v63  }
0x58: {  	_ =	swait.ge [sflag:s12], $0x4000  }
0x59: {  	[sflag:s12] =	ssyncset.done $0x0  }
0x5a: {  	[sflag:s12] =	ssyncadd.s32 $0xFFFFC000  }
0x5b: {  	[bflag:$0x0] =	sbarrier.arrive $0xFFFF  }
0x5c: {  	[hbm:s20], [sflag:s15] =	dma.local [spmem:s16], $0x2800  }
0x5d: {  	_ =	swait.ge [sflag:s12], $0x2800  }
0x5e: {  	[sflag:s12] =	ssyncset.done $0x0  }
0x5f: {  	[sflag:s12] =	ssyncadd.s32 $0xFFFFD800  }
0x60: {  	[bflag:$0x0] =	sbarrier.arrive $0xFFFF  }
0x61: {  	[spmem:s16], [sflag:s15] =	dma.local [hbm:s5], $0x2800  }
0x62: {  	_ =	swait.ge [sflag:s12], $0x2800  }
0x63: {  	[sflag:s12] =	ssyncset.done $0x0  }
0x64: {  	[sflag:s12] =	ssyncadd.s32 $0xFFFFD800  }
0x65: {  	s30 =	simm.s32 $0x0;
	[bflag:$0x0] =	sbarrier.arrive $0xFFFF  }
0x66: {  	[tilespmem:s18], [sflag:$0x1] =	stream.indirect.gather [hbm4b:s9+s17], $0x80, s30, s17, $0xb8;
	[tilespmem:$0x1A800] =	vst v63  }
0x67: {  	_ =	swait.ge [sflag:s12], $0x4000  }
0x68: {  	[sflag:s12] =	ssyncset.done $0x0  }
0x69: {  	s31 =	simm.s32 $0x1400;
	[sflag:s12] =	ssyncadd.s32 $0xFFFFC000  }
0x6a: {  	[spmem:s2] =	stream.indirect.scatter.add.f32 [tilespmem:s18], [sflag:$0x1], $0x80, s31, s17, $0xb8;
	[tilespmem:$0x1A800] =	vst v63  }
0x6b: {  	_ =	swait.ge [sflag:s12], $0x4000  }
0x6c: {  	s23 =	simm.s32 $0x400;
	s22 =	simm.s32 $0x200;
	[sflag:s12] =	ssyncset.done $0x0  }
.LBB2_6:
0x6d: {  	s24 =	sshra.s32 s22, $0x2  }
0x6e: {  	[sflag:s12] =	ssyncadd.s32 $0xFFFFC000;
	s22 =	smov.u32 s23;
	s25 =	sadd.s32 $0x200, s23  }
0x6f: {  	[tilespmem:s18], [sflag:$0x1] =	stream.indirect.gather [hbm4b:s9+s17], $0x80, s24, s17, $0xb8;
	[tilespmem:$0x1A800] =	vst v63  }
0x70: {  	p0 =	sne.s32 s23, $0x4E00;
	_ =	swait.ge [sflag:s12], $0x4000  }
.Ltmp2:
0x71: {  	[sflag:s12] =	ssyncset.done $0x0;
	(pc) =	sbr.rel @p0 .LBB2_6-.Ltmp2, $4  }
0x72: {  	s23 =	sadd.s32 $0x1400, s24;
	[sflag:s12] =	ssyncadd.s32 $0xFFFFC000  }
0x73: {  	[spmem:s2] =	stream.indirect.scatter.add.f32 [tilespmem:s18], [sflag:$0x1], $0x80, s23, s17, $0xb8;
	[tilespmem:$0x1A800] =	vst v63  }
0x74: {  	_ =	swait.ge [sflag:s12], $0x4000  }
0x75: {  	s23 =	smov.u32 s25;
	[sflag:s12] =	ssyncset.done $0x0  }
0x76: {  	s22 =	sshra.s32 s22, $0x2;
	[sflag:s12] =	ssyncadd.s32 $0xFFFFC000  }
0x77: {  	[tilespmem:s18], [sflag:$0x1] =	stream.indirect.gather [hbm4b:s9+s17], $0x80, s22, s17, $0xb8;
	[tilespmem:$0x1A800] =	vst v63  }
0x78: {  	_ =	swait.ge [sflag:s12], $0x4000  }
0x79: {  	[sflag:s12] =	ssyncset.done $0x0  }
0x7a: {  	s22 =	sadd.s32 $0x1400, s22;
	[sflag:s12] =	ssyncadd.s32 $0xFFFFC000  }
0x7b: {  	[spmem:s2] =	stream.indirect.scatter.add.f32 [tilespmem:s18], [sflag:$0x1], $0x80, s22, s17, $0xb8;
	[tilespmem:$0x1A800] =	vst v63  }
0x7c: {  	_ =	swait.ge [sflag:s12], $0x4000  }
0x7d: {  	[sflag:s12] =	ssyncset.done $0x0  }
0x7e: {  	[sflag:s12] =	ssyncadd.s32 $0xFFFFC000  }
0x7f: {  	s29 =	sadd.s32 $0x50000, s19;
	[bflag:$0x0] =	sbarrier.arrive $0xFFFF  }
0x80: {  	[hbm:s29], [sflag:s15] =	dma.local [spmem:s16], $0x2800  }
0x81: {  	_ =	swait.ge [sflag:s12], $0x2800  }
0x82: {  	[sflag:s12] =	ssyncset.done $0x0  }
0x83: {  	[sflag:s12] =	ssyncadd.s32 $0xFFFFD800  }
0x84: {  	[bflag:$0x0] =	sbarrier.arrive $0xFFFF  }
0x85: {  	[spmem:s16], [sflag:s15] =	dma.local [hbm:s5], $0x2800  }
0x86: {  	_ =	swait.ge [sflag:s12], $0x2800  }
0x87: {  	[sflag:s12] =	ssyncset.done $0x0  }
0x88: {  	[sflag:s12] =	ssyncadd.s32 $0xFFFFD800  }
0x89: {  	s30 =	simm.s32 $0x0;
	[bflag:$0x0] =	sbarrier.arrive $0xFFFF  }
0x8a: {  	[tilespmem:s18], [sflag:$0x1] =	stream.indirect.gather [hbm4b:s10+s17], $0x80, s30, s17, $0xb8;
	[tilespmem:$0x1A800] =	vst v63  }
0x8b: {  	_ =	swait.ge [sflag:s12], $0x4000  }
0x8c: {  	[sflag:s12] =	ssyncset.done $0x0  }
0x8d: {  	s31 =	simm.s32 $0x1400;
	[sflag:s12] =	ssyncadd.s32 $0xFFFFC000  }
0x8e: {  	[spmem:s2] =	stream.indirect.scatter.add.f32 [tilespmem:s18], [sflag:$0x1], $0x80, s31, s17, $0xb8;
	[tilespmem:$0x1A800] =	vst v63  }
0x8f: {  	_ =	swait.ge [sflag:s12], $0x4000  }
0x90: {  	s23 =	simm.s32 $0x400;
	s22 =	simm.s32 $0x200;
	[sflag:s12] =	ssyncset.done $0x0  }
.LBB2_8:
0x91: {  	s24 =	sshra.s32 s22, $0x2  }
0x92: {  	[sflag:s12] =	ssyncadd.s32 $0xFFFFC000;
	s22 =	smov.u32 s23;
	s25 =	sadd.s32 $0x200, s23  }
0x93: {  	[tilespmem:s18], [sflag:$0x1] =	stream.indirect.gather [hbm4b:s10+s17], $0x80, s24, s17, $0xb8;
	[tilespmem:$0x1A800] =	vst v63  }
0x94: {  	p0 =	sne.s32 s23, $0x4E00;
	_ =	swait.ge [sflag:s12], $0x4000  }
.Ltmp3:
0x95: {  	[sflag:s12] =	ssyncset.done $0x0;
	(pc) =	sbr.rel @p0 .LBB2_8-.Ltmp3, $4  }
0x96: {  	s23 =	sadd.s32 $0x1400, s24;
	[sflag:s12] =	ssyncadd.s32 $0xFFFFC000  }
0x97: {  	[spmem:s2] =	stream.indirect.scatter.add.f32 [tilespmem:s18], [sflag:$0x1], $0x80, s23, s17, $0xb8;
	[tilespmem:$0x1A800] =	vst v63  }
0x98: {  	_ =	swait.ge [sflag:s12], $0x4000  }
0x99: {  	s23 =	smov.u32 s25;
	[sflag:s12] =	ssyncset.done $0x0  }
0x9a: {  	s22 =	sshra.s32 s22, $0x2;
	[sflag:s12] =	ssyncadd.s32 $0xFFFFC000  }
0x9b: {  	[tilespmem:s18], [sflag:$0x1] =	stream.indirect.gather [hbm4b:s10+s17], $0x80, s22, s17, $0xb8;
	[tilespmem:$0x1A800] =	vst v63  }
0x9c: {  	_ =	swait.ge [sflag:s12], $0x4000  }
0x9d: {  	[sflag:s12] =	ssyncset.done $0x0  }
0x9e: {  	s22 =	sadd.s32 $0x1400, s22;
	[sflag:s12] =	ssyncadd.s32 $0xFFFFC000  }
0x9f: {  	[spmem:s2] =	stream.indirect.scatter.add.f32 [tilespmem:s18], [sflag:$0x1], $0x80, s22, s17, $0xb8;
	[tilespmem:$0x1A800] =	vst v63  }
0xa0: {  	_ =	swait.ge [sflag:s12], $0x4000  }
0xa1: {  	[sflag:s12] =	ssyncset.done $0x0  }
0xa2: {  	s21 =	sadd.s32 $0x1, s21;
	[sflag:s12] =	ssyncadd.s32 $0xFFFFC000  }
0xa3: {  	s31 =	sadd.s32 $0x78000, s19;
	p0 =	sne.s32 s21, s11;
	[bflag:$0x0] =	sbarrier.arrive $0xFFFF  }
0xa4: {  	[hbm:s31], [sflag:s15] =	dma.local [spmem:s16], $0x2800  }
.Ltmp4:
0xa5: {  	_ =	swait.ge [sflag:s12], $0x2800;
	(pc) =	sbr.rel @p0 .LBB2_1-.Ltmp4, $3  }
0xa6: {  	[sflag:s12] =	ssyncset.done $0x0  }
0xa7: {  	[sflag:s12] =	ssyncadd.s32 $0xFFFFD800  }
0xa8: {  	[bflag:$0x0] =	sbarrier.arrive $0xFFFF;
	_ =	sdelay $0x1  }
0xa9: {  	_ =	sfence.sel $0x180000  }
0xaa: {  	[bflag:$0x0] =	sbarrier.arrive $0xFFFF  }
0xab: {  	p0 =	sne.s32 s0, $0x0;
	_ =	strace $0x9000004A  }
0xac: {  	s0 =	sadd.s32 @!p0 $0x100000, s1;
	[bflag:$0x2] =	sbarrier.arrive $0xFFFF  }
0xad: {  	[sflag:s0] =	ssyncadd.tile.s32 @!p0 $0x1;
	_ =	shalt  }
.Lfunc_end2:
_tile_overlayer_lowered:
.L_overlay_start_2:
0xae: {  	(tag) =	ssettag $0x2  }
0xaf: {  	s0 =	rddreg [dreg:$0x0];
	s2 =	stileid.u32  }
0xb0: {  	s1 =	rddreg [dreg:$0x1];
	p0 =	sne.s32 s2, $0x0  }
0xb1: {  	s3 =	rddreg [dreg:$0x2];
	[bflag:$0x3] =	sbarrier.arrive $0xFFFF;
	s2 =	simm.s32 @!p0 $0x1C01  }
0xb2: {  	[timem:s3], [sflag:s2] =	dma.local @!p0 [hbm:s0], s1  }
0xb3: {  	s0 =	simm.s32 @!p0 $0x1  }
0xb4: {  	_ =	swait.ge @!p0 [sflag:s0], s1  }
0xb5: {  	s1 =	ssub.s32 @!p0 $0x0, s1;
	[sflag:s0] =	ssyncset.done @!p0 $0x0  }
0xb6: {  	[sflag:s0] =	ssyncadd.s32 @!p0 s1  }
0xb7: {  	[bflag:$0x3] =	sbarrier.arrive $0xFFFF  }
0xb8: {  	_ =	shalt  }

// kernel: kernel.24.cloned.1.call-start
scs
__scs_entry_jumppad:
0x0: {  	(pc) =	sbr.rel $0x88, $3  }
0x1: {  	(tag) =	ssettag $0x0;
	lr =	simm.s32 $0x1  }
0x2: {  	[smem:$0x3F88] =	sst lr;
	_ =	strace $0xD0000000  }
0x3: {  	_ = 	snop  }
0x4: {  	_ = 	snop  }
0x5: {  	_ = 	snop  }
0x6: {  	_ = 	snop  }
0x7: {  	_ = 	snop  }
__scs_overlays_trampoline_lowered:
0x8: {  	[smem:$0x3F97] =	sst s0  }
0x9: {  	[smem:$0x3F98] =	sst s1  }
0xa: {  	[smem:$0x3F99] =	sst s2  }
0xb: {  	[smem:$0x3F9A] =	sst s3  }
0xc: {  	[smem:$0x3F9B] =	sst s4  }
0xd: {  	[smem:$0x3F9C] =	sst s5  }
0xe: {  	[smem:$0x3F9D] =	sst s6  }
0xf: {  	[smem:$0x3F9E] =	sst s7  }
0x10: {  	[smem:$0x3F9F] =	sst s8  }
0x11: {  	[smem:$0x3FA0] =	sst s9;
	s0 =	simm.s32 @!p0 $0x0  }
0x12: {  	s1 =	sld [smem:$0x3F86];
	s0 =	simm.s32 @p0 $0x1  }
0x13: {  	[smem:$0x3FA1] =	sst s0;
	s0 =	simm.s32 @!p1 $0x0  }
0x14: {  	s2 =	sld [smem:$0x3F85];
	s0 =	simm.s32 @p1 $0x1  }
0x15: {  	[smem:$0x3FA2] =	sst s0;
	s0 =	simm.s32 @!p2 $0x0  }
0x16: {  	s3 =	sld [smem:$0x3FDB];
	s0 =	simm.s32 @p2 $0x1  }
0x17: {  	s4 =	simm.s32 $0x1BF5;
	[smem:$0x3FA4] =	sst s0  }
0x18: {  	s0 =	sld [smem:$0x3F87];
	_ =	swait.ge [sflag:s4], $0x0  }
0x19: {  	s7 =	sld [smem:$0x3F88]  }
0x1a: {  	s8 =	sadd.s32 $0xFFFFE003, lr  }
0x1b: {  	s9 =	sadd.s32 $0xFFFFFEF7, lr;
	s5 =	simm.s32 $0xFFFFFFFF;
	p2 =	slt.u32 s8, $0xFFFFF086  }
0x1c: {  	p1 =	slt.u32 s9, $0xF7A;
	s5 =	simm.s32 @!p2 $0x0  }
0x1d: {  	s5 =	simm.s32 @p1 $0x1;
	p0 =	seq.s32 s7, s2  }
0x1e: {  	s7 =	smul.u32 @!p0 $0xF7A, s2;
	p2 =	seq.s32 @!p0 s5, $0x0  }
0x1f: {  	s9 =	smul.u32 $0xF7A, s1;
	s8 =	simm.s32 @!p0 $0x1BF5;
	p2 =	por !p2, p0  }
0x20: {  	[sflag:s8] =	ssyncset.s32 @!p0 $0xFFFFF086;
	s6 =	sadd.s32 @!p0 s3, s7;
	s7 =	simm.s32 @!p0 $0x108  }
0x21: {  	s3 =	sadd.s32 s3, s9;
	s6 =	sadd.s32 @!p0 $0x88, s6;
	s7 =	simm.s32 @p2 $0x1082  }
0x22: {  	[simem:s7], [sflag:s8] =	dma.local @!p0 [hbm:s6], $0xF7A  }
0x23: {  	s9 =	sor.u32 $0xD0000000, s2;
	s6 =	simm.s32 $0x108;
	_ =	swait.ge @!p0 [sflag:s8], $0x0  }
0x24: {  	s3 =	sadd.s32 $0x88, s3;
	s6 =	simm.s32 @!p1 $0x1082;
	[sflag:s4] =	ssyncset.s32 $0xFFFFF086  }
0x25: {  	[simem:s6], [sflag:s4] =	dma.local [hbm:s3], $0xF7A  }
0x26: {  	[smem:$0x3F88] =	sst s1;
	(tag) =	ssettag s2;
	_ =	strace s9  }
0x27: {  	s1 =	sld [smem:$0x3F98]  }
0x28: {  	s2 =	sld [smem:$0x3F99]  }
0x29: {  	s4 =	sld [smem:$0x3F9B]  }
0x2a: {  	p0 =	seq.s32 s5, $0x0;
	s5 =	sld [smem:$0x3F9C]  }
0x2b: {  	s6 =	sld [smem:$0x3F9D]  }
0x2c: {  	s7 =	sld [smem:$0x3F9E]  }
0x2d: {  	s3 =	simm.s32 $0x108;
	s8 =	sld [smem:$0x3F9F]  }
0x2e: {  	s3 =	simm.s32 @!p0 $0x1082;
	s9 =	sld [smem:$0x3FA0]  }
0x2f: {  	lr =	sadd.s32 s0, s3;
	s0 =	sld [smem:$0x3F97]  }
0x30: {  	s3 =	sld [smem:$0x3F9A]  }
0x31: {  	[smem:$0x3FA3] =	sst s10  }
0x32: {  	s10 =	sld [smem:$0x3FA1];
	_ =	sdelay $0x3  }
0x33: {  	p0 =	seq.s32 s10, $0x1;
	s10 =	sld [smem:$0x3FA3];
	_ =	sdelay $0x3  }
0x34: {  	[smem:$0x3FA3] =	sst s10  }
0x35: {  	s10 =	sld [smem:$0x3FA2];
	_ =	sdelay $0x3  }
0x36: {  	p1 =	seq.s32 s10, $0x1;
	s10 =	sld [smem:$0x3FA3];
	_ =	sdelay $0x3  }
0x37: {  	[smem:$0x3FA3] =	sst s10  }
0x38: {  	s10 =	sld [smem:$0x3FA4]  }
0x39: {  	_ = 	snop;
	(pc) =	sbr.ind lr, $3  }
0x3a: {  	_ = 	snop  }
0x3b: {  	_ = 	snop  }
0x3c: {  	p2 =	seq.s32 s10, $0x1;
	s10 =	sld [smem:$0x3FA3]  }
0x3d: {  	_ =	shalt  }
0x3e: {  	_ =	shalt  }
0x3f: {  	_ =	shalt  }
0x40: {  	_ =	shalt  }
0x41: {  	_ =	shalt  }
0x42: {  	_ =	shalt  }
0x43: {  	_ =	shalt  }
0x44: {  	_ =	shalt  }
0x45: {  	_ =	shalt  }
0x46: {  	_ =	shalt  }
0x47: {  	_ =	shalt  }
0x48: {  	_ =	shalt  }
0x49: {  	_ =	shalt  }
0x4a: {  	_ =	shalt  }
0x4b: {  	_ =	shalt  }
0x4c: {  	_ =	shalt  }
0x4d: {  	_ =	shalt  }
0x4e: {  	_ =	shalt  }
0x4f: {  	_ =	shalt  }
0x50: {  	_ =	shalt  }
0x51: {  	_ =	shalt  }
0x52: {  	_ =	shalt  }
0x53: {  	_ =	shalt  }
0x54: {  	_ =	shalt  }
0x55: {  	_ =	shalt  }
0x56: {  	_ =	shalt  }
0x57: {  	_ =	shalt  }
0x58: {  	_ =	shalt  }
0x59: {  	_ =	shalt  }
0x5a: {  	_ =	shalt  }
0x5b: {  	_ =	shalt  }
0x5c: {  	_ =	shalt  }
0x5d: {  	_ =	shalt  }
0x5e: {  	_ =	shalt  }
0x5f: {  	_ =	shalt  }
0x60: {  	_ =	shalt  }
0x61: {  	_ =	shalt  }
0x62: {  	_ =	shalt  }
0x63: {  	_ =	shalt  }
0x64: {  	_ =	shalt  }
0x65: {  	_ =	shalt  }
0x66: {  	_ =	shalt  }
0x67: {  	_ =	shalt  }
0x68: {  	_ =	shalt  }
0x69: {  	_ =	shalt  }
0x6a: {  	_ =	shalt  }
0x6b: {  	_ =	shalt  }
0x6c: {  	_ =	shalt  }
0x6d: {  	_ =	shalt  }
0x6e: {  	_ =	shalt  }
0x6f: {  	_ =	shalt  }
0x70: {  	_ =	shalt  }
0x71: {  	_ =	shalt  }
0x72: {  	_ =	shalt  }
0x73: {  	_ =	shalt  }
0x74: {  	_ =	shalt  }
0x75: {  	_ =	shalt  }
0x76: {  	_ =	shalt  }
0x77: {  	_ =	shalt  }
0x78: {  	_ =	shalt  }
0x79: {  	_ =	shalt  }
0x7a: {  	_ =	shalt  }
0x7b: {  	_ =	shalt  }
0x7c: {  	_ =	shalt  }
0x7d: {  	_ =	shalt  }
0x7e: {  	_ =	shalt  }
0x7f: {  	_ =	shalt  }
0x80: {  	_ =	shalt  }
0x81: {  	_ =	shalt  }
0x82: {  	_ =	shalt  }
0x83: {  	_ =	shalt  }
0x84: {  	_ =	shalt  }
0x85: {  	_ =	shalt  }
0x86: {  	_ =	shalt  }
0x87: {  	_ =	shalt  }
.Lfunc_end0:
.L_simem_size_0:
called_computation.2_lowered:
.L_overlay_start_0:
0x88: {  	s2 =	sld [smem:$0x3FD9]  }
0x89: {  	s3 =	sld [smem:$0x3FFE];
	_ =	sdelay $0x1  }
0x8a: {  	s1 =	srdreg.scid  }
0x8b: {  	s0 =	sand.u32 $0x1, s1  }
0x8c: {  	s16 =	sshll.u32 s0, $0xA;
	s2 =	sadd.s32 s3, s2  }
0x8d: {  	s2 =	sadd.s32 s2, s16  }
0x8e: {  	[smem:$0x3FAF] =	sst s2  }
0x8f: {  	_ = 	snop  }
0x90: {  	(tm) =	ssettm $0x1  }
0x91: {  	s17 =	sld [smem:$0x3FFB];
	_ =	sdelay $0x3  }
0x92: {  	_ =	strace s17  }
0x93: {  	s2 =	sld [smem:$0x3FFC];
	_ =	sdelay $0x3  }
0x94: {  	_ =	strace s2  }
0x95: {  	s2 =	sld [smem:$0x3FFD];
	_ =	sdelay $0x3  }
0x96: {  	_ =	strace s2  }
0x97: {  	_ =	strace $0x8FFFFFFF  }
0x98: {  	s18 =	sld [smem:$0x3FDB];
	_ =	sdelay $0x1  }
0x99: {  	s19 =	simm.s32 $_scs_section_size  }
0x9a: {  	s4 =	simm.s32 $_size__tile_overlayer_lowered;
	s5 =	simm.s32 $_tile_overlayer_lowered  }
0x9b: {  	s22 =	simm.s32 $0x1BFF;
	s21 =	sshll.u32 s5, $0x1;
	s2 =	sadd.s32 s19, s18  }
0x9c: {  	s6 =	simm.s32 $0x0;
	s20 =	sshll.u32 s4, $0x1;
	s4 =	sadd.s32 s21, s2  }
0x9d: {  	[timem:s6], [sflag:s22] =	dma.local [hbm:s4], s20  }
0x9e: {  	_ =	swait.ge [sflag:s22], s20  }
0x9f: {  	s3 =	ssub.s32 $0x0, s20;
	[sflag:s22] =	ssyncset.done $0x0  }
0xa0: {  	[sflag:s22] =	ssyncadd.s32 s3;
	_ =	sdelay $0x1  }
0xa1: {  	s23 =	simm.s32 $0x1B8B  }
0xa2: {  	_ =	swait.ge [sflag:s23], $0x1  }
0xa3: {  	[sflag:s23] =	ssyncset.done $0x0  }
0xa4: {  	s25 =	simm.s32 $0x1B8E;
	s24 =	sld [smem:$0x3FFE];
	[sflag:s23] =	ssyncadd.s32 $0xFFFFFFFF  }
0xa5: {  	s26 =	simm.s32 $execute0_lowered;
	[smem:$0x3FD2] =	sst s25  }
0xa6: {  	s4 =	sshll.u32 s26, $0x1;
	_ =	strace $0x8000004C;
	[dreg:$0x1] =	wrdreg $0xFFFFFFFF  }
0xa7: {  	s28 =	simm.s32 $_size_execute0_lowered;
	s2 =	sadd.s32 s2, s4;
	[dreg:$0x0] =	wrdreg $0x0  }
0xa8: {  	s4 =	sshll.u32 s28, $0x1;
	[dreg:$0x2] =	wrdreg s2  }
0xa9: {  	[dreg:$0x3] =	wrdreg s4  }
0xaa: {  	[dreg:$0x4] =	wrdreg $0xC0  }
0xab: {  	_ =	task [dreg:s6], $0x5FFFF  }
0xac: {  	[dreg:$0x1] =	wrdreg $0xFFFFFFFF  }
0xad: {  	[dreg:$0x0] =	wrdreg $0x60  }
0xae: {  	[dreg:$0x2] =	wrdreg s24  }
0xaf: {  	[dreg:$0x3] =	wrdreg $0x68000  }
0xb0: {  	[dreg:$0x4] =	wrdreg $0x9  }
0xb1: {  	_ =	task.clear_ibuf [dreg:s6], $0x5FFFF;
	_ =	strace $0x9000004C  }
0xb2: {  	s29 =	simm.s32 $0x9;
	_ =	strace $0x8000004E  }
0xb3: {  	_ =	swait.ge [sflag:s29], $0x1  }
0xb4: {  	[sflag:s29] =	ssyncadd.s32 $0xFFFFFFFF  }
0xb5: {  	_ =	strace $0x9000004E  }
0xb6: {  	_ =	sfence  }
0xb7: {  	s30 =	sld [smem:$0x0];
	_ =	sdelay $0x2  }
0xb8: {  	s31 =	sshll.u32 s1, $0xD;
	s1 =	sshrl.u32 s1, $0x2  }
0xb9: {  	s3 =	sand.u32 $0x4000, s31;
	s1 =	sadd.s32 s1, s30  }
0xba: {  	s0 =	sor.u32 s3, s0;
	s1 =	sshll.u32 s1, $0x11  }
0xbb: {  	s0 =	sor.u32 s1, s0  }
0xbc: {  	s0 =	sadd.s32 $0x8F2B, s0  }
0xbd: {  	[sflag:s0] =	ssyncadd.remote.s32 $0x1  }
0xbe: {  	_ =	sfence.sel $0xFFFF  }
0xbf: {  	[dreg:$0x0] =	wrdreg $0xFFFFFFFF;
	(pc) =	sbr.abs _section_cstart, $3  }
0xc0: {  	[dreg:$0x1] =	wrdreg $0xFFFFFFFF  }
0xc1: {  	_ =	task.clear_ibuf [dreg:s6], $0x2FFFF;
	_ =	strace $0x9FFFFFFF  }
0xc2: {  	(tm) =	ssettm $0x7FFFFFFF  }
0xc3: {  	_ =	shalt  }
tec
execute0_lowered:
.L_overlay_start_1:
0x0: {  	(tag) =	ssettag $0x1  }
0x1: {  	s10 =	rddreg [dreg:$0x0]  }
0x2: {  	s1 =	srdreg.scid;
	s0 =	stileid.u32  }
0x3: {  	s2 =	rddreg [dreg:$0x1];
	s3 =	simm.s32 $0x0;
	s12 =	simm.s32 $0x1  }
0x4: {  	s18 =	simm.s32 $0x2800;
	s13 =	sand.u32 $0x1, s1;
	s1 =	rddreg [dreg:$0x2]  }
0x5: {  	s4 =	sshll.u32 s0, $0x1;
	[smem:$0x7FF] =	sst s3;
	s9 =	smul.u32 $0x50000, s0  }
0x6: {  	s17 =	sadd.s32 $0x12A000, s10;
	s19 =	smul.u32 $0x2800, s0;
	s20 =	sadd.s32 $0x1CA000, s10  }
0x7: {  	s15 =	sshll.u32 s0, $0x6;
	s4 =	sor.u32 s13, s4;
	_ =	strace $0x8000004D  }
0x8: {  	s6 =	ssub.s32 $0x2, s13;
	p0 =	seq.s32 s13, $0x0;
	s13 =	simm.s32 $0x1400  }
0x9: {  	s15 =	sor.u32 $0x1C01, s15;
	s5 =	smul.u32 $0x280, s4;
	s4 =	sadd.s32 $0x8A000, s10  }
0xa: {  	s8 =	sshrl.u32 s6, $0x1;
	s31 =	sshrl.u32 s9, $0x2;
	s21 =	sadd.s32 s17, s19  }
0xb: {  	s9 =	sadd.s32 $0xDA000, s10;
	s14 =	sadd.s32 @!p0 s19, s20;
	s20 =	smov.u32 @p0 s17  }
0xc: {  	s17 =	simm.s32 $0x80;
	s11 =	ssub.s32 s6, s8;
	s16 =	sadd.s32 s31, s2  }
0xd: {  	s8 =	sadd.s32 $0xB2000, s10;
	s19 =	sadd.s32 s19, s20;
	s14 =	smov.u32 @p0 s21  }
0xe: {  	s21 =	simm.s32 $0x0;
	s7 =	sadd.s32 s5, s10;
	s5 =	sadd.s32 $0x87800, s10  }
0xf: {  	s10 =	sadd.s32 $0x102000, s10;
	s11 =	smax.u32 s11, $0x1;
	s16 =	sshrl.u32 s16, $0x3  }
0x10: {  	s20 =	sadd.s32 $0x28000, s19;
	s6 =	sadd.s32 $0xA800, s7;
	s7 =	sadd.s32 $0x5800, s7  }
.LBB2_1:
0x11: {  	[tilespmem:s3], [sflag:$0x1] =	stream.linear.gather [hbm4b:s6+s3], $0x1400, $0x38;
	[tilespmem:$0x1A800] =	vst v63  }
0x12: {  	_ =	swait.ge [sflag:s12], $0x1400  }
0x13: {  	[sflag:s12] =	ssyncset.done $0x0  }
0x14: {  	[sflag:s12] =	ssyncadd.s32 $0xFFFFEC00  }
0x15: {  	[tilespmem:s13], [sflag:$0x1] =	stream.linear.gather [hbm4b:s7+s3], $0x1400, $0x38;
	[tilespmem:$0x1A800] =	vst v63  }
0x16: {  	_ =	swait.ge [sflag:s12], $0x1400  }
0x17: {  	[sflag:s12] =	ssyncset.done $0x0  }
0x18: {  	[sflag:s12] =	ssyncadd.s32 $0xFFFFEC00  }
0x19: {  	[spmem:s16], [sflag:s15] =	dma.local [hbm:s5], $0x2800  }
0x1a: {  	_ =	swait.ge [sflag:s12], $0x2800  }
0x1b: {  	[sflag:s12] =	ssyncset.done $0x0  }
0x1c: {  	[sflag:s12] =	ssyncadd.s32 $0xFFFFD800  }
0x1d: {  	s22 =	simm.s32 $0x0;
	[bflag:$0x0] =	sbarrier.arrive $0xFFFF  }
0x1e: {  	[tilespmem:s18], [sflag:$0x1] =	stream.indirect.gather [hbm4b:s4+s17], $0x80, s22, s17, $0xb8;
	[tilespmem:$0x1A800] =	vst v63  }
0x1f: {  	_ =	swait.ge [sflag:s12], $0x4000  }
0x20: {  	[sflag:s12] =	ssyncset.done $0x0  }
0x21: {  	s31 =	simm.s32 $0x1400;
	[sflag:s12] =	ssyncadd.s32 $0xFFFFC000  }
0x22: {  	[spmem:s2] =	stream.indirect.scatter.add.f32 [tilespmem:s18], [sflag:$0x1], $0x80, s31, s17, $0xb8;
	[tilespmem:$0x1A800] =	vst v63  }
0x23: {  	_ =	swait.ge [sflag:s12], $0x4000  }
0x24: {  	s23 =	simm.s32 $0x400;
	s22 =	simm.s32 $0x200;
	[sflag:s12] =	ssyncset.done $0x0  }
.LBB2_2:
0x25: {  	s24 =	sshra.s32 s22, $0x2  }
0x26: {  	[sflag:s12] =	ssyncadd.s32 $0xFFFFC000;
	s22 =	smov.u32 s23;
	s25 =	sadd.s32 $0x200, s23  }
0x27: {  	[tilespmem:s18], [sflag:$0x1] =	stream.indirect.gather [hbm4b:s4+s17], $0x80, s24, s17, $0xb8;
	[tilespmem:$0x1A800] =	vst v63  }
0x28: {  	p0 =	sne.s32 s23, $0x4E00;
	_ =	swait.ge [sflag:s12], $0x4000  }
.Ltmp0:
0x29: {  	[sflag:s12] =	ssyncset.done $0x0;
	(pc) =	sbr.rel @p0 .LBB2_2-.Ltmp0, $4  }
0x2a: {  	s23 =	sadd.s32 $0x1400, s24;
	[sflag:s12] =	ssyncadd.s32 $0xFFFFC000  }
0x2b: {  	[spmem:s2] =	stream.indirect.scatter.add.f32 [tilespmem:s18], [sflag:$0x1], $0x80, s23, s17, $0xb8;
	[tilespmem:$0x1A800] =	vst v63  }
0x2c: {  	_ =	swait.ge [sflag:s12], $0x4000  }
0x2d: {  	s23 =	smov.u32 s25;
	[sflag:s12] =	ssyncset.done $0x0  }
0x2e: {  	s22 =	sshra.s32 s22, $0x2;
	[sflag:s12] =	ssyncadd.s32 $0xFFFFC000  }
0x2f: {  	[tilespmem:s18], [sflag:$0x1] =	stream.indirect.gather [hbm4b:s4+s17], $0x80, s22, s17, $0xb8;
	[tilespmem:$0x1A800] =	vst v63  }
0x30: {  	_ =	swait.ge [sflag:s12], $0x4000  }
0x31: {  	[sflag:s12] =	ssyncset.done $0x0  }
0x32: {  	s22 =	sadd.s32 $0x1400, s22;
	[sflag:s12] =	ssyncadd.s32 $0xFFFFC000  }
0x33: {  	[spmem:s2] =	stream.indirect.scatter.add.f32 [tilespmem:s18], [sflag:$0x1], $0x80, s22, s17, $0xb8;
	[tilespmem:$0x1A800] =	vst v63  }
0x34: {  	_ =	swait.ge [sflag:s12], $0x4000  }
0x35: {  	[sflag:s12] =	ssyncset.done $0x0  }
0x36: {  	[sflag:s12] =	ssyncadd.s32 $0xFFFFC000  }
0x37: {  	[bflag:$0x0] =	sbarrier.arrive $0xFFFF  }
0x38: {  	[hbm:s14], [sflag:s15] =	dma.local [spmem:s16], $0x2800  }
0x39: {  	_ =	swait.ge [sflag:s12], $0x2800  }
0x3a: {  	[sflag:s12] =	ssyncset.done $0x0  }
0x3b: {  	[sflag:s12] =	ssyncadd.s32 $0xFFFFD800  }
0x3c: {  	[bflag:$0x0] =	sbarrier.arrive $0xFFFF  }
0x3d: {  	[spmem:s16], [sflag:s15] =	dma.local [hbm:s5], $0x2800  }
0x3e: {  	_ =	swait.ge [sflag:s12], $0x2800  }
0x3f: {  	[sflag:s12] =	ssyncset.done $0x0  }
0x40: {  	[sflag:s12] =	ssyncadd.s32 $0xFFFFD800  }
0x41: {  	s30 =	simm.s32 $0x0;
	[bflag:$0x0] =	sbarrier.arrive $0xFFFF  }
0x42: {  	[tilespmem:s18], [sflag:$0x1] =	stream.indirect.gather [hbm4b:s8+s17], $0x80, s30, s17, $0xb8;
	[tilespmem:$0x1A800] =	vst v63  }
0x43: {  	_ =	swait.ge [sflag:s12], $0x4000  }
0x44: {  	[sflag:s12] =	ssyncset.done $0x0  }
0x45: {  	s31 =	simm.s32 $0x1400;
	[sflag:s12] =	ssyncadd.s32 $0xFFFFC000  }
0x46: {  	[spmem:s2] =	stream.indirect.scatter.add.f32 [tilespmem:s18], [sflag:$0x1], $0x80, s31, s17, $0xb8;
	[tilespmem:$0x1A800] =	vst v63  }
0x47: {  	_ =	swait.ge [sflag:s12], $0x4000  }
0x48: {  	s23 =	simm.s32 $0x400;
	s22 =	simm.s32 $0x200;
	[sflag:s12] =	ssyncset.done $0x0  }
.LBB2_4:
0x49: {  	s24 =	sshra.s32 s22, $0x2  }
0x4a: {  	[sflag:s12] =	ssyncadd.s32 $0xFFFFC000;
	s22 =	smov.u32 s23;
	s25 =	sadd.s32 $0x200, s23  }
0x4b: {  	[tilespmem:s18], [sflag:$0x1] =	stream.indirect.gather [hbm4b:s8+s17], $0x80, s24, s17, $0xb8;
	[tilespmem:$0x1A800] =	vst v63  }
0x4c: {  	p0 =	sne.s32 s23, $0x4E00;
	_ =	swait.ge [sflag:s12], $0x4000  }
.Ltmp1:
0x4d: {  	[sflag:s12] =	ssyncset.done $0x0;
	(pc) =	sbr.rel @p0 .LBB2_4-.Ltmp1, $4  }
0x4e: {  	s23 =	sadd.s32 $0x1400, s24;
	[sflag:s12] =	ssyncadd.s32 $0xFFFFC000  }
0x4f: {  	[spmem:s2] =	stream.indirect.scatter.add.f32 [tilespmem:s18], [sflag:$0x1], $0x80, s23, s17, $0xb8;
	[tilespmem:$0x1A800] =	vst v63  }
0x50: {  	_ =	swait.ge [sflag:s12], $0x4000  }
0x51: {  	s23 =	smov.u32 s25;
	[sflag:s12] =	ssyncset.done $0x0  }
0x52: {  	s22 =	sshra.s32 s22, $0x2;
	[sflag:s12] =	ssyncadd.s32 $0xFFFFC000  }
0x53: {  	[tilespmem:s18], [sflag:$0x1] =	stream.indirect.gather [hbm4b:s8+s17], $0x80, s22, s17, $0xb8;
	[tilespmem:$0x1A800] =	vst v63  }
0x54: {  	_ =	swait.ge [sflag:s12], $0x4000  }
0x55: {  	[sflag:s12] =	ssyncset.done $0x0  }
0x56: {  	s22 =	sadd.s32 $0x1400, s22;
	[sflag:s12] =	ssyncadd.s32 $0xFFFFC000  }
0x57: {  	[spmem:s2] =	stream.indirect.scatter.add.f32 [tilespmem:s18], [sflag:$0x1], $0x80, s22, s17, $0xb8;
	[tilespmem:$0x1A800] =	vst v63  }
0x58: {  	_ =	swait.ge [sflag:s12], $0x4000  }
0x59: {  	[sflag:s12] =	ssyncset.done $0x0  }
0x5a: {  	[sflag:s12] =	ssyncadd.s32 $0xFFFFC000  }
0x5b: {  	[bflag:$0x0] =	sbarrier.arrive $0xFFFF  }
0x5c: {  	[hbm:s20], [sflag:s15] =	dma.local [spmem:s16], $0x2800  }
0x5d: {  	_ =	swait.ge [sflag:s12], $0x2800  }
0x5e: {  	[sflag:s12] =	ssyncset.done $0x0  }
0x5f: {  	[sflag:s12] =	ssyncadd.s32 $0xFFFFD800  }
0x60: {  	[bflag:$0x0] =	sbarrier.arrive $0xFFFF  }
0x61: {  	[spmem:s16], [sflag:s15] =	dma.local [hbm:s5], $0x2800  }
0x62: {  	_ =	swait.ge [sflag:s12], $0x2800  }
0x63: {  	[sflag:s12] =	ssyncset.done $0x0  }
0x64: {  	[sflag:s12] =	ssyncadd.s32 $0xFFFFD800  }
0x65: {  	s30 =	simm.s32 $0x0;
	[bflag:$0x0] =	sbarrier.arrive $0xFFFF  }
0x66: {  	[tilespmem:s18], [sflag:$0x1] =	stream.indirect.gather [hbm4b:s9+s17], $0x80, s30, s17, $0xb8;
	[tilespmem:$0x1A800] =	vst v63  }
0x67: {  	_ =	swait.ge [sflag:s12], $0x4000  }
0x68: {  	[sflag:s12] =	ssyncset.done $0x0  }
0x69: {  	s31 =	simm.s32 $0x1400;
	[sflag:s12] =	ssyncadd.s32 $0xFFFFC000  }
0x6a: {  	[spmem:s2] =	stream.indirect.scatter.add.f32 [tilespmem:s18], [sflag:$0x1], $0x80, s31, s17, $0xb8;
	[tilespmem:$0x1A800] =	vst v63  }
0x6b: {  	_ =	swait.ge [sflag:s12], $0x4000  }
0x6c: {  	s23 =	simm.s32 $0x400;
	s22 =	simm.s32 $0x200;
	[sflag:s12] =	ssyncset.done $0x0  }
.LBB2_6:
0x6d: {  	s24 =	sshra.s32 s22, $0x2  }
0x6e: {  	[sflag:s12] =	ssyncadd.s32 $0xFFFFC000;
	s22 =	smov.u32 s23;
	s25 =	sadd.s32 $0x200, s23  }
0x6f: {  	[tilespmem:s18], [sflag:$0x1] =	stream.indirect.gather [hbm4b:s9+s17], $0x80, s24, s17, $0xb8;
	[tilespmem:$0x1A800] =	vst v63  }
0x70: {  	p0 =	sne.s32 s23, $0x4E00;
	_ =	swait.ge [sflag:s12], $0x4000  }
.Ltmp2:
0x71: {  	[sflag:s12] =	ssyncset.done $0x0;
	(pc) =	sbr.rel @p0 .LBB2_6-.Ltmp2, $4  }
0x72: {  	s23 =	sadd.s32 $0x1400, s24;
	[sflag:s12] =	ssyncadd.s32 $0xFFFFC000  }
0x73: {  	[spmem:s2] =	stream.indirect.scatter.add.f32 [tilespmem:s18], [sflag:$0x1], $0x80, s23, s17, $0xb8;
	[tilespmem:$0x1A800] =	vst v63  }
0x74: {  	_ =	swait.ge [sflag:s12], $0x4000  }
0x75: {  	s23 =	smov.u32 s25;
	[sflag:s12] =	ssyncset.done $0x0  }
0x76: {  	s22 =	sshra.s32 s22, $0x2;
	[sflag:s12] =	ssyncadd.s32 $0xFFFFC000  }
0x77: {  	[tilespmem:s18], [sflag:$0x1] =	stream.indirect.gather [hbm4b:s9+s17], $0x80, s22, s17, $0xb8;
	[tilespmem:$0x1A800] =	vst v63  }
0x78: {  	_ =	swait.ge [sflag:s12], $0x4000  }
0x79: {  	[sflag:s12] =	ssyncset.done $0x0  }
0x7a: {  	s22 =	sadd.s32 $0x1400, s22;
	[sflag:s12] =	ssyncadd.s32 $0xFFFFC000  }
0x7b: {  	[spmem:s2] =	stream.indirect.scatter.add.f32 [tilespmem:s18], [sflag:$0x1], $0x80, s22, s17, $0xb8;
	[tilespmem:$0x1A800] =	vst v63  }
0x7c: {  	_ =	swait.ge [sflag:s12], $0x4000  }
0x7d: {  	[sflag:s12] =	ssyncset.done $0x0  }
0x7e: {  	[sflag:s12] =	ssyncadd.s32 $0xFFFFC000  }
0x7f: {  	s29 =	sadd.s32 $0x50000, s19;
	[bflag:$0x0] =	sbarrier.arrive $0xFFFF  }
0x80: {  	[hbm:s29], [sflag:s15] =	dma.local [spmem:s16], $0x2800  }
0x81: {  	_ =	swait.ge [sflag:s12], $0x2800  }
0x82: {  	[sflag:s12] =	ssyncset.done $0x0  }
0x83: {  	[sflag:s12] =	ssyncadd.s32 $0xFFFFD800  }
0x84: {  	[bflag:$0x0] =	sbarrier.arrive $0xFFFF  }
0x85: {  	[spmem:s16], [sflag:s15] =	dma.local [hbm:s5], $0x2800  }
0x86: {  	_ =	swait.ge [sflag:s12], $0x2800  }
0x87: {  	[sflag:s12] =	ssyncset.done $0x0  }
0x88: {  	[sflag:s12] =	ssyncadd.s32 $0xFFFFD800  }
0x89: {  	s30 =	simm.s32 $0x0;
	[bflag:$0x0] =	sbarrier.arrive $0xFFFF  }
0x8a: {  	[tilespmem:s18], [sflag:$0x1] =	stream.indirect.gather [hbm4b:s10+s17], $0x80, s30, s17, $0xb8;
	[tilespmem:$0x1A800] =	vst v63  }
0x8b: {  	_ =	swait.ge [sflag:s12], $0x4000  }
0x8c: {  	[sflag:s12] =	ssyncset.done $0x0  }
0x8d: {  	s31 =	simm.s32 $0x1400;
	[sflag:s12] =	ssyncadd.s32 $0xFFFFC000  }
0x8e: {  	[spmem:s2] =	stream.indirect.scatter.add.f32 [tilespmem:s18], [sflag:$0x1], $0x80, s31, s17, $0xb8;
	[tilespmem:$0x1A800] =	vst v63  }
0x8f: {  	_ =	swait.ge [sflag:s12], $0x4000  }
0x90: {  	s23 =	simm.s32 $0x400;
	s22 =	simm.s32 $0x200;
	[sflag:s12] =	ssyncset.done $0x0  }
.LBB2_8:
0x91: {  	s24 =	sshra.s32 s22, $0x2  }
0x92: {  	[sflag:s12] =	ssyncadd.s32 $0xFFFFC000;
	s22 =	smov.u32 s23;
	s25 =	sadd.s32 $0x200, s23  }
0x93: {  	[tilespmem:s18], [sflag:$0x1] =	stream.indirect.gather [hbm4b:s10+s17], $0x80, s24, s17, $0xb8;
	[tilespmem:$0x1A800] =	vst v63  }
0x94: {  	p0 =	sne.s32 s23, $0x4E00;
	_ =	swait.ge [sflag:s12], $0x4000  }
.Ltmp3:
0x95: {  	[sflag:s12] =	ssyncset.done $0x0;
	(pc) =	sbr.rel @p0 .LBB2_8-.Ltmp3, $4  }
0x96: {  	s23 =	sadd.s32 $0x1400, s24;
	[sflag:s12] =	ssyncadd.s32 $0xFFFFC000  }
0x97: {  	[spmem:s2] =	stream.indirect.scatter.add.f32 [tilespmem:s18], [sflag:$0x1], $0x80, s23, s17, $0xb8;
	[tilespmem:$0x1A800] =	vst v63  }
0x98: {  	_ =	swait.ge [sflag:s12], $0x4000  }
0x99: {  	s23 =	smov.u32 s25;
	[sflag:s12] =	ssyncset.done $0x0  }
0x9a: {  	s22 =	sshra.s32 s22, $0x2;
	[sflag:s12] =	ssyncadd.s32 $0xFFFFC000  }
0x9b: {  	[tilespmem:s18], [sflag:$0x1] =	stream.indirect.gather [hbm4b:s10+s17], $0x80, s22, s17, $0xb8;
	[tilespmem:$0x1A800] =	vst v63  }
0x9c: {  	_ =	swait.ge [sflag:s12], $0x4000  }
0x9d: {  	[sflag:s12] =	ssyncset.done $0x0  }
0x9e: {  	s22 =	sadd.s32 $0x1400, s22;
	[sflag:s12] =	ssyncadd.s32 $0xFFFFC000  }
0x9f: {  	[spmem:s2] =	stream.indirect.scatter.add.f32 [tilespmem:s18], [sflag:$0x1], $0x80, s22, s17, $0xb8;
	[tilespmem:$0x1A800] =	vst v63  }
0xa0: {  	_ =	swait.ge [sflag:s12], $0x4000  }
0xa1: {  	[sflag:s12] =	ssyncset.done $0x0  }
0xa2: {  	s21 =	sadd.s32 $0x1, s21;
	[sflag:s12] =	ssyncadd.s32 $0xFFFFC000  }
0xa3: {  	s31 =	sadd.s32 $0x78000, s19;
	p0 =	sne.s32 s21, s11;
	[bflag:$0x0] =	sbarrier.arrive $0xFFFF  }
0xa4: {  	[hbm:s31], [sflag:s15] =	dma.local [spmem:s16], $0x2800  }
.Ltmp4:
0xa5: {  	_ =	swait.ge [sflag:s12], $0x2800;
	(pc) =	sbr.rel @p0 .LBB2_1-.Ltmp4, $3  }
0xa6: {  	[sflag:s12] =	ssyncset.done $0x0  }
0xa7: {  	[sflag:s12] =	ssyncadd.s32 $0xFFFFD800  }
0xa8: {  	[bflag:$0x0] =	sbarrier.arrive $0xFFFF;
	_ =	sdelay $0x1  }
0xa9: {  	_ =	sfence.sel $0x180000  }
0xaa: {  	[bflag:$0x0] =	sbarrier.arrive $0xFFFF  }
0xab: {  	p0 =	sne.s32 s0, $0x0;
	_ =	strace $0x9000004D  }
0xac: {  	s0 =	sadd.s32 @!p0 $0x100000, s1;
	[bflag:$0x2] =	sbarrier.arrive $0xFFFF  }
0xad: {  	[sflag:s0] =	ssyncadd.tile.s32 @!p0 $0x1;
	_ =	shalt  }
.Lfunc_end2:
_tile_overlayer_lowered:
.L_overlay_start_2:
0xae: {  	(tag) =	ssettag $0x2  }
0xaf: {  	s0 =	rddreg [dreg:$0x0];
	s2 =	stileid.u32  }
0xb0: {  	s1 =	rddreg [dreg:$0x1];
	p0 =	sne.s32 s2, $0x0  }
0xb1: {  	s3 =	rddreg [dreg:$0x2];
	[bflag:$0x3] =	sbarrier.arrive $0xFFFF;
	s2 =	simm.s32 @!p0 $0x1C01  }
0xb2: {  	[timem:s3], [sflag:s2] =	dma.local @!p0 [hbm:s0], s1  }
0xb3: {  	s0 =	simm.s32 @!p0 $0x1  }
0xb4: {  	_ =	swait.ge @!p0 [sflag:s0], s1  }
0xb5: {  	s1 =	ssub.s32 @!p0 $0x0, s1;
	[sflag:s0] =	ssyncset.done @!p0 $0x0  }
0xb6: {  	[sflag:s0] =	ssyncadd.s32 @!p0 s1  }
0xb7: {  	[bflag:$0x3] =	sbarrier.arrive $0xFFFF  }
0xb8: {  	_ =	shalt  }

// kernel: kernel.27.cloned.1.call-start
scs
__scs_entry_jumppad:
0x0: {  	(pc) =	sbr.rel $0x88, $3  }
0x1: {  	(tag) =	ssettag $0x0;
	lr =	simm.s32 $0x1  }
0x2: {  	[smem:$0x3F88] =	sst lr;
	_ =	strace $0xD0000000  }
0x3: {  	_ = 	snop  }
0x4: {  	_ = 	snop  }
0x5: {  	_ = 	snop  }
0x6: {  	_ = 	snop  }
0x7: {  	_ = 	snop  }
__scs_overlays_trampoline_lowered:
0x8: {  	[smem:$0x3F97] =	sst s0  }
0x9: {  	[smem:$0x3F98] =	sst s1  }
0xa: {  	[smem:$0x3F99] =	sst s2  }
0xb: {  	[smem:$0x3F9A] =	sst s3  }
0xc: {  	[smem:$0x3F9B] =	sst s4  }
0xd: {  	[smem:$0x3F9C] =	sst s5  }
0xe: {  	[smem:$0x3F9D] =	sst s6  }
0xf: {  	[smem:$0x3F9E] =	sst s7  }
0x10: {  	[smem:$0x3F9F] =	sst s8  }
0x11: {  	[smem:$0x3FA0] =	sst s9;
	s0 =	simm.s32 @!p0 $0x0  }
0x12: {  	s1 =	sld [smem:$0x3F86];
	s0 =	simm.s32 @p0 $0x1  }
0x13: {  	[smem:$0x3FA1] =	sst s0;
	s0 =	simm.s32 @!p1 $0x0  }
0x14: {  	s2 =	sld [smem:$0x3F85];
	s0 =	simm.s32 @p1 $0x1  }
0x15: {  	[smem:$0x3FA2] =	sst s0;
	s0 =	simm.s32 @!p2 $0x0  }
0x16: {  	s3 =	sld [smem:$0x3FDB];
	s0 =	simm.s32 @p2 $0x1  }
0x17: {  	s4 =	simm.s32 $0x1BF5;
	[smem:$0x3FA4] =	sst s0  }
0x18: {  	s0 =	sld [smem:$0x3F87];
	_ =	swait.ge [sflag:s4], $0x0  }
0x19: {  	s7 =	sld [smem:$0x3F88]  }
0x1a: {  	s8 =	sadd.s32 $0xFFFFE003, lr  }
0x1b: {  	s9 =	sadd.s32 $0xFFFFFEF7, lr;
	s5 =	simm.s32 $0xFFFFFFFF;
	p2 =	slt.u32 s8, $0xFFFFF086  }
0x1c: {  	p1 =	slt.u32 s9, $0xF7A;
	s5 =	simm.s32 @!p2 $0x0  }
0x1d: {  	s5 =	simm.s32 @p1 $0x1;
	p0 =	seq.s32 s7, s2  }
0x1e: {  	s7 =	smul.u32 @!p0 $0xF7A, s2;
	p2 =	seq.s32 @!p0 s5, $0x0  }
0x1f: {  	s9 =	smul.u32 $0xF7A, s1;
	s8 =	simm.s32 @!p0 $0x1BF5;
	p2 =	por !p2, p0  }
0x20: {  	[sflag:s8] =	ssyncset.s32 @!p0 $0xFFFFF086;
	s6 =	sadd.s32 @!p0 s3, s7;
	s7 =	simm.s32 @!p0 $0x108  }
0x21: {  	s3 =	sadd.s32 s3, s9;
	s6 =	sadd.s32 @!p0 $0x88, s6;
	s7 =	simm.s32 @p2 $0x1082  }
0x22: {  	[simem:s7], [sflag:s8] =	dma.local @!p0 [hbm:s6], $0xF7A  }
0x23: {  	s9 =	sor.u32 $0xD0000000, s2;
	s6 =	simm.s32 $0x108;
	_ =	swait.ge @!p0 [sflag:s8], $0x0  }
0x24: {  	s3 =	sadd.s32 $0x88, s3;
	s6 =	simm.s32 @!p1 $0x1082;
	[sflag:s4] =	ssyncset.s32 $0xFFFFF086  }
0x25: {  	[simem:s6], [sflag:s4] =	dma.local [hbm:s3], $0xF7A  }
0x26: {  	[smem:$0x3F88] =	sst s1;
	(tag) =	ssettag s2;
	_ =	strace s9  }
0x27: {  	s1 =	sld [smem:$0x3F98]  }
0x28: {  	s2 =	sld [smem:$0x3F99]  }
0x29: {  	s4 =	sld [smem:$0x3F9B]  }
0x2a: {  	p0 =	seq.s32 s5, $0x0;
	s5 =	sld [smem:$0x3F9C]  }
0x2b: {  	s6 =	sld [smem:$0x3F9D]  }
0x2c: {  	s7 =	sld [smem:$0x3F9E]  }
0x2d: {  	s3 =	simm.s32 $0x108;
	s8 =	sld [smem:$0x3F9F]  }
0x2e: {  	s3 =	simm.s32 @!p0 $0x1082;
	s9 =	sld [smem:$0x3FA0]  }
0x2f: {  	lr =	sadd.s32 s0, s3;
	s0 =	sld [smem:$0x3F97]  }
0x30: {  	s3 =	sld [smem:$0x3F9A]  }
0x31: {  	[smem:$0x3FA3] =	sst s10  }
0x32: {  	s10 =	sld [smem:$0x3FA1];
	_ =	sdelay $0x3  }
0x33: {  	p0 =	seq.s32 s10, $0x1;
	s10 =	sld [smem:$0x3FA3];
	_ =	sdelay $0x3  }
0x34: {  	[smem:$0x3FA3] =	sst s10  }
0x35: {  	s10 =	sld [smem:$0x3FA2];
	_ =	sdelay $0x3  }
0x36: {  	p1 =	seq.s32 s10, $0x1;
	s10 =	sld [smem:$0x3FA3];
	_ =	sdelay $0x3  }
0x37: {  	[smem:$0x3FA3] =	sst s10  }
0x38: {  	s10 =	sld [smem:$0x3FA4]  }
0x39: {  	_ = 	snop;
	(pc) =	sbr.ind lr, $3  }
0x3a: {  	_ = 	snop  }
0x3b: {  	_ = 	snop  }
0x3c: {  	p2 =	seq.s32 s10, $0x1;
	s10 =	sld [smem:$0x3FA3]  }
0x3d: {  	_ =	shalt  }
0x3e: {  	_ =	shalt  }
0x3f: {  	_ =	shalt  }
0x40: {  	_ =	shalt  }
0x41: {  	_ =	shalt  }
0x42: {  	_ =	shalt  }
0x43: {  	_ =	shalt  }
0x44: {  	_ =	shalt  }
0x45: {  	_ =	shalt  }
0x46: {  	_ =	shalt  }
0x47: {  	_ =	shalt  }
0x48: {  	_ =	shalt  }
0x49: {  	_ =	shalt  }
0x4a: {  	_ =	shalt  }
0x4b: {  	_ =	shalt  }
0x4c: {  	_ =	shalt  }
0x4d: {  	_ =	shalt  }
0x4e: {  	_ =	shalt  }
0x4f: {  	_ =	shalt  }
0x50: {  	_ =	shalt  }
0x51: {  	_ =	shalt  }
0x52: {  	_ =	shalt  }
0x53: {  	_ =	shalt  }
0x54: {  	_ =	shalt  }
0x55: {  	_ =	shalt  }
0x56: {  	_ =	shalt  }
0x57: {  	_ =	shalt  }
0x58: {  	_ =	shalt  }
0x59: {  	_ =	shalt  }
0x5a: {  	_ =	shalt  }
0x5b: {  	_ =	shalt  }
0x5c: {  	_ =	shalt  }
0x5d: {  	_ =	shalt  }
0x5e: {  	_ =	shalt  }
0x5f: {  	_ =	shalt  }
0x60: {  	_ =	shalt  }
0x61: {  	_ =	shalt  }
0x62: {  	_ =	shalt  }
0x63: {  	_ =	shalt  }
0x64: {  	_ =	shalt  }
0x65: {  	_ =	shalt  }
0x66: {  	_ =	shalt  }
0x67: {  	_ =	shalt  }
0x68: {  	_ =	shalt  }
0x69: {  	_ =	shalt  }
0x6a: {  	_ =	shalt  }
0x6b: {  	_ =	shalt  }
0x6c: {  	_ =	shalt  }
0x6d: {  	_ =	shalt  }
0x6e: {  	_ =	shalt  }
0x6f: {  	_ =	shalt  }
0x70: {  	_ =	shalt  }
0x71: {  	_ =	shalt  }
0x72: {  	_ =	shalt  }
0x73: {  	_ =	shalt  }
0x74: {  	_ =	shalt  }
0x75: {  	_ =	shalt  }
0x76: {  	_ =	shalt  }
0x77: {  	_ =	shalt  }
0x78: {  	_ =	shalt  }
0x79: {  	_ =	shalt  }
0x7a: {  	_ =	shalt  }
0x7b: {  	_ =	shalt  }
0x7c: {  	_ =	shalt  }
0x7d: {  	_ =	shalt  }
0x7e: {  	_ =	shalt  }
0x7f: {  	_ =	shalt  }
0x80: {  	_ =	shalt  }
0x81: {  	_ =	shalt  }
0x82: {  	_ =	shalt  }
0x83: {  	_ =	shalt  }
0x84: {  	_ =	shalt  }
0x85: {  	_ =	shalt  }
0x86: {  	_ =	shalt  }
0x87: {  	_ =	shalt  }
.Lfunc_end0:
.L_simem_size_0:
called_computation.3_lowered:
.L_overlay_start_0:
0x88: {  	s2 =	sld [smem:$0x3FD9]  }
0x89: {  	s3 =	sld [smem:$0x3FFE];
	_ =	sdelay $0x1  }
0x8a: {  	s1 =	srdreg.scid  }
0x8b: {  	s0 =	sand.u32 $0x1, s1  }
0x8c: {  	s16 =	sshll.u32 s0, $0xA;
	s2 =	sadd.s32 s3, s2  }
0x8d: {  	s2 =	sadd.s32 s2, s16  }
0x8e: {  	[smem:$0x3FAF] =	sst s2  }
0x8f: {  	_ = 	snop  }
0x90: {  	(tm) =	ssettm $0x1  }
0x91: {  	s17 =	sld [smem:$0x3FFB];
	_ =	sdelay $0x3  }
0x92: {  	_ =	strace s17  }
0x93: {  	s2 =	sld [smem:$0x3FFC];
	_ =	sdelay $0x3  }
0x94: {  	_ =	strace s2  }
0x95: {  	s2 =	sld [smem:$0x3FFD];
	_ =	sdelay $0x3  }
0x96: {  	_ =	strace s2  }
0x97: {  	_ =	strace $0x8FFFFFFF  }
0x98: {  	s18 =	sld [smem:$0x3FDB];
	_ =	sdelay $0x1  }
0x99: {  	s19 =	simm.s32 $_scs_section_size  }
0x9a: {  	s4 =	simm.s32 $_size__tile_overlayer_lowered;
	s5 =	simm.s32 $_tile_overlayer_lowered  }
0x9b: {  	s22 =	simm.s32 $0x1BFF;
	s21 =	sshll.u32 s5, $0x1;
	s2 =	sadd.s32 s19, s18  }
0x9c: {  	s6 =	simm.s32 $0x0;
	s20 =	sshll.u32 s4, $0x1;
	s4 =	sadd.s32 s21, s2  }
0x9d: {  	[timem:s6], [sflag:s22] =	dma.local [hbm:s4], s20  }
0x9e: {  	_ =	swait.ge [sflag:s22], s20  }
0x9f: {  	s3 =	ssub.s32 $0x0, s20;
	[sflag:s22] =	ssyncset.done $0x0  }
0xa0: {  	[sflag:s22] =	ssyncadd.s32 s3;
	_ =	sdelay $0x1  }
0xa1: {  	s23 =	simm.s32 $0x1B8B  }
0xa2: {  	_ =	swait.ge [sflag:s23], $0x1  }
0xa3: {  	[sflag:s23] =	ssyncset.done $0x0  }
0xa4: {  	s25 =	simm.s32 $0x1B8E;
	s24 =	sld [smem:$0x3FFE];
	[sflag:s23] =	ssyncadd.s32 $0xFFFFFFFF  }
0xa5: {  	s26 =	simm.s32 $execute0_lowered;
	[smem:$0x3FD2] =	sst s25  }
0xa6: {  	s4 =	sshll.u32 s26, $0x1;
	_ =	strace $0x8000004F;
	[dreg:$0x1] =	wrdreg $0xFFFFFFFF  }
0xa7: {  	s28 =	simm.s32 $_size_execute0_lowered;
	s2 =	sadd.s32 s2, s4;
	[dreg:$0x0] =	wrdreg $0x0  }
0xa8: {  	s4 =	sshll.u32 s28, $0x1;
	[dreg:$0x2] =	wrdreg s2  }
0xa9: {  	[dreg:$0x3] =	wrdreg s4  }
0xaa: {  	[dreg:$0x4] =	wrdreg $0xC0  }
0xab: {  	_ =	task [dreg:s6], $0x5FFFF  }
0xac: {  	[dreg:$0x1] =	wrdreg $0xFFFFFFFF  }
0xad: {  	[dreg:$0x0] =	wrdreg $0x60  }
0xae: {  	[dreg:$0x2] =	wrdreg s24  }
0xaf: {  	[dreg:$0x3] =	wrdreg $0x68000  }
0xb0: {  	[dreg:$0x4] =	wrdreg $0x9  }
0xb1: {  	_ =	task.clear_ibuf [dreg:s6], $0x5FFFF;
	_ =	strace $0x9000004F  }
0xb2: {  	s29 =	simm.s32 $0x9;
	_ =	strace $0x80000051  }
0xb3: {  	_ =	swait.ge [sflag:s29], $0x1  }
0xb4: {  	[sflag:s29] =	ssyncadd.s32 $0xFFFFFFFF  }
0xb5: {  	_ =	strace $0x90000051  }
0xb6: {  	_ =	sfence  }
0xb7: {  	s30 =	sld [smem:$0x0];
	_ =	sdelay $0x2  }
0xb8: {  	s31 =	sshll.u32 s1, $0xD;
	s1 =	sshrl.u32 s1, $0x2  }
0xb9: {  	s3 =	sand.u32 $0x4000, s31;
	s1 =	sadd.s32 s1, s30  }
0xba: {  	s0 =	sor.u32 s3, s0;
	s1 =	sshll.u32 s1, $0x11  }
0xbb: {  	s0 =	sor.u32 s1, s0  }
0xbc: {  	s0 =	sadd.s32 $0x8F2B, s0  }
0xbd: {  	[sflag:s0] =	ssyncadd.remote.s32 $0x1  }
0xbe: {  	_ =	sfence.sel $0xFFFF  }
0xbf: {  	[dreg:$0x0] =	wrdreg $0xFFFFFFFF;
	(pc) =	sbr.abs _section_cstart, $3  }
0xc0: {  	[dreg:$0x1] =	wrdreg $0xFFFFFFFF  }
0xc1: {  	_ =	task.clear_ibuf [dreg:s6], $0x2FFFF;
	_ =	strace $0x9FFFFFFF  }
0xc2: {  	(tm) =	ssettm $0x7FFFFFFF  }
0xc3: {  	_ =	shalt  }
tec
execute0_lowered:
.L_overlay_start_1:
0x0: {  	(tag) =	ssettag $0x1  }
0x1: {  	s10 =	rddreg [dreg:$0x0]  }
0x2: {  	s1 =	srdreg.scid;
	s0 =	stileid.u32  }
0x3: {  	s2 =	rddreg [dreg:$0x1];
	s3 =	simm.s32 $0x0;
	s12 =	simm.s32 $0x1  }
0x4: {  	s18 =	simm.s32 $0x2800;
	s13 =	sand.u32 $0x1, s1;
	s1 =	rddreg [dreg:$0x2]  }
0x5: {  	s4 =	sshll.u32 s0, $0x1;
	[smem:$0x7FF] =	sst s3;
	s9 =	smul.u32 $0x50000, s0  }
0x6: {  	s17 =	sadd.s32 $0x12A000, s10;
	s19 =	smul.u32 $0x2800, s0;
	s20 =	sadd.s32 $0x1CA000, s10  }
0x7: {  	s15 =	sshll.u32 s0, $0x6;
	s4 =	sor.u32 s13, s4;
	_ =	strace $0x80000050  }
0x8: {  	s6 =	ssub.s32 $0x2, s13;
	p0 =	seq.s32 s13, $0x0;
	s13 =	simm.s32 $0x1400  }
0x9: {  	s15 =	sor.u32 $0x1C01, s15;
	s5 =	smul.u32 $0x280, s4;
	s4 =	sadd.s32 $0x8A000, s10  }
0xa: {  	s8 =	sshrl.u32 s6, $0x1;
	s31 =	sshrl.u32 s9, $0x2;
	s21 =	sadd.s32 s17, s19  }
0xb: {  	s9 =	sadd.s32 $0xDA000, s10;
	s14 =	sadd.s32 @!p0 s19, s20;
	s20 =	smov.u32 @p0 s17  }
0xc: {  	s17 =	simm.s32 $0x80;
	s11 =	ssub.s32 s6, s8;
	s16 =	sadd.s32 s31, s2  }
0xd: {  	s8 =	sadd.s32 $0xB2000, s10;
	s19 =	sadd.s32 s19, s20;
	s14 =	smov.u32 @p0 s21  }
0xe: {  	s21 =	simm.s32 $0x0;
	s7 =	sadd.s32 s5, s10;
	s5 =	sadd.s32 $0x87800, s10  }
0xf: {  	s10 =	sadd.s32 $0x102000, s10;
	s11 =	smax.u32 s11, $0x1;
	s16 =	sshrl.u32 s16, $0x3  }
0x10: {  	s20 =	sadd.s32 $0x28000, s19;
	s6 =	sadd.s32 $0xA800, s7;
	s7 =	sadd.s32 $0x5800, s7  }
.LBB2_1:
0x11: {  	[tilespmem:s3], [sflag:$0x1] =	stream.linear.gather [hbm4b:s6+s3], $0x1400, $0x38;
	[tilespmem:$0x1A800] =	vst v63  }
0x12: {  	_ =	swait.ge [sflag:s12], $0x1400  }
0x13: {  	[sflag:s12] =	ssyncset.done $0x0  }
0x14: {  	[sflag:s12] =	ssyncadd.s32 $0xFFFFEC00  }
0x15: {  	[tilespmem:s13], [sflag:$0x1] =	stream.linear.gather [hbm4b:s7+s3], $0x1400, $0x38;
	[tilespmem:$0x1A800] =	vst v63  }
0x16: {  	_ =	swait.ge [sflag:s12], $0x1400  }
0x17: {  	[sflag:s12] =	ssyncset.done $0x0  }
0x18: {  	[sflag:s12] =	ssyncadd.s32 $0xFFFFEC00  }
0x19: {  	[spmem:s16], [sflag:s15] =	dma.local [hbm:s5], $0x2800  }
0x1a: {  	_ =	swait.ge [sflag:s12], $0x2800  }
0x1b: {  	[sflag:s12] =	ssyncset.done $0x0  }
0x1c: {  	[sflag:s12] =	ssyncadd.s32 $0xFFFFD800  }
0x1d: {  	s22 =	simm.s32 $0x0;
	[bflag:$0x0] =	sbarrier.arrive $0xFFFF  }
0x1e: {  	[tilespmem:s18], [sflag:$0x1] =	stream.indirect.gather [hbm4b:s4+s17], $0x80, s22, s17, $0xb8;
	[tilespmem:$0x1A800] =	vst v63  }
0x1f: {  	_ =	swait.ge [sflag:s12], $0x4000  }
0x20: {  	[sflag:s12] =	ssyncset.done $0x0  }
0x21: {  	s31 =	simm.s32 $0x1400;
	[sflag:s12] =	ssyncadd.s32 $0xFFFFC000  }
0x22: {  	[spmem:s2] =	stream.indirect.scatter.add.f32 [tilespmem:s18], [sflag:$0x1], $0x80, s31, s17, $0xb8;
	[tilespmem:$0x1A800] =	vst v63  }
0x23: {  	_ =	swait.ge [sflag:s12], $0x4000  }
0x24: {  	s23 =	simm.s32 $0x400;
	s22 =	simm.s32 $0x200;
	[sflag:s12] =	ssyncset.done $0x0  }
.LBB2_2:
0x25: {  	s24 =	sshra.s32 s22, $0x2  }
0x26: {  	[sflag:s12] =	ssyncadd.s32 $0xFFFFC000;
	s22 =	smov.u32 s23;
	s25 =	sadd.s32 $0x200, s23  }
0x27: {  	[tilespmem:s18], [sflag:$0x1] =	stream.indirect.gather [hbm4b:s4+s17], $0x80, s24, s17, $0xb8;
	[tilespmem:$0x1A800] =	vst v63  }
0x28: {  	p0 =	sne.s32 s23, $0x4E00;
	_ =	swait.ge [sflag:s12], $0x4000  }
.Ltmp0:
0x29: {  	[sflag:s12] =	ssyncset.done $0x0;
	(pc) =	sbr.rel @p0 .LBB2_2-.Ltmp0, $4  }
0x2a: {  	s23 =	sadd.s32 $0x1400, s24;
	[sflag:s12] =	ssyncadd.s32 $0xFFFFC000  }
0x2b: {  	[spmem:s2] =	stream.indirect.scatter.add.f32 [tilespmem:s18], [sflag:$0x1], $0x80, s23, s17, $0xb8;
	[tilespmem:$0x1A800] =	vst v63  }
0x2c: {  	_ =	swait.ge [sflag:s12], $0x4000  }
0x2d: {  	s23 =	smov.u32 s25;
	[sflag:s12] =	ssyncset.done $0x0  }
0x2e: {  	s22 =	sshra.s32 s22, $0x2;
	[sflag:s12] =	ssyncadd.s32 $0xFFFFC000  }
0x2f: {  	[tilespmem:s18], [sflag:$0x1] =	stream.indirect.gather [hbm4b:s4+s17], $0x80, s22, s17, $0xb8;
	[tilespmem:$0x1A800] =	vst v63  }
0x30: {  	_ =	swait.ge [sflag:s12], $0x4000  }
0x31: {  	[sflag:s12] =	ssyncset.done $0x0  }
0x32: {  	s22 =	sadd.s32 $0x1400, s22;
	[sflag:s12] =	ssyncadd.s32 $0xFFFFC000  }
0x33: {  	[spmem:s2] =	stream.indirect.scatter.add.f32 [tilespmem:s18], [sflag:$0x1], $0x80, s22, s17, $0xb8;
	[tilespmem:$0x1A800] =	vst v63  }
0x34: {  	_ =	swait.ge [sflag:s12], $0x4000  }
0x35: {  	[sflag:s12] =	ssyncset.done $0x0  }
0x36: {  	[sflag:s12] =	ssyncadd.s32 $0xFFFFC000  }
0x37: {  	[bflag:$0x0] =	sbarrier.arrive $0xFFFF  }
0x38: {  	[hbm:s14], [sflag:s15] =	dma.local [spmem:s16], $0x2800  }
0x39: {  	_ =	swait.ge [sflag:s12], $0x2800  }
0x3a: {  	[sflag:s12] =	ssyncset.done $0x0  }
0x3b: {  	[sflag:s12] =	ssyncadd.s32 $0xFFFFD800  }
0x3c: {  	[bflag:$0x0] =	sbarrier.arrive $0xFFFF  }
0x3d: {  	[spmem:s16], [sflag:s15] =	dma.local [hbm:s5], $0x2800  }
0x3e: {  	_ =	swait.ge [sflag:s12], $0x2800  }
0x3f: {  	[sflag:s12] =	ssyncset.done $0x0  }
0x40: {  	[sflag:s12] =	ssyncadd.s32 $0xFFFFD800  }
0x41: {  	s30 =	simm.s32 $0x0;
	[bflag:$0x0] =	sbarrier.arrive $0xFFFF  }
0x42: {  	[tilespmem:s18], [sflag:$0x1] =	stream.indirect.gather [hbm4b:s8+s17], $0x80, s30, s17, $0xb8;
	[tilespmem:$0x1A800] =	vst v63  }
0x43: {  	_ =	swait.ge [sflag:s12], $0x4000  }
0x44: {  	[sflag:s12] =	ssyncset.done $0x0  }
0x45: {  	s31 =	simm.s32 $0x1400;
	[sflag:s12] =	ssyncadd.s32 $0xFFFFC000  }
0x46: {  	[spmem:s2] =	stream.indirect.scatter.add.f32 [tilespmem:s18], [sflag:$0x1], $0x80, s31, s17, $0xb8;
	[tilespmem:$0x1A800] =	vst v63  }
0x47: {  	_ =	swait.ge [sflag:s12], $0x4000  }
0x48: {  	s23 =	simm.s32 $0x400;
	s22 =	simm.s32 $0x200;
	[sflag:s12] =	ssyncset.done $0x0  }
.LBB2_4:
0x49: {  	s24 =	sshra.s32 s22, $0x2  }
0x4a: {  	[sflag:s12] =	ssyncadd.s32 $0xFFFFC000;
	s22 =	smov.u32 s23;
	s25 =	sadd.s32 $0x200, s23  }
0x4b: {  	[tilespmem:s18], [sflag:$0x1] =	stream.indirect.gather [hbm4b:s8+s17], $0x80, s24, s17, $0xb8;
	[tilespmem:$0x1A800] =	vst v63  }
0x4c: {  	p0 =	sne.s32 s23, $0x4E00;
	_ =	swait.ge [sflag:s12], $0x4000  }
.Ltmp1:
0x4d: {  	[sflag:s12] =	ssyncset.done $0x0;
	(pc) =	sbr.rel @p0 .LBB2_4-.Ltmp1, $4  }
0x4e: {  	s23 =	sadd.s32 $0x1400, s24;
	[sflag:s12] =	ssyncadd.s32 $0xFFFFC000  }
0x4f: {  	[spmem:s2] =	stream.indirect.scatter.add.f32 [tilespmem:s18], [sflag:$0x1], $0x80, s23, s17, $0xb8;
	[tilespmem:$0x1A800] =	vst v63  }
0x50: {  	_ =	swait.ge [sflag:s12], $0x4000  }
0x51: {  	s23 =	smov.u32 s25;
	[sflag:s12] =	ssyncset.done $0x0  }
0x52: {  	s22 =	sshra.s32 s22, $0x2;
	[sflag:s12] =	ssyncadd.s32 $0xFFFFC000  }
0x53: {  	[tilespmem:s18], [sflag:$0x1] =	stream.indirect.gather [hbm4b:s8+s17], $0x80, s22, s17, $0xb8;
	[tilespmem:$0x1A800] =	vst v63  }
0x54: {  	_ =	swait.ge [sflag:s12], $0x4000  }
0x55: {  	[sflag:s12] =	ssyncset.done $0x0  }
0x56: {  	s22 =	sadd.s32 $0x1400, s22;
	[sflag:s12] =	ssyncadd.s32 $0xFFFFC000  }
0x57: {  	[spmem:s2] =	stream.indirect.scatter.add.f32 [tilespmem:s18], [sflag:$0x1], $0x80, s22, s17, $0xb8;
	[tilespmem:$0x1A800] =	vst v63  }
0x58: {  	_ =	swait.ge [sflag:s12], $0x4000  }
0x59: {  	[sflag:s12] =	ssyncset.done $0x0  }
0x5a: {  	[sflag:s12] =	ssyncadd.s32 $0xFFFFC000  }
0x5b: {  	[bflag:$0x0] =	sbarrier.arrive $0xFFFF  }
0x5c: {  	[hbm:s20], [sflag:s15] =	dma.local [spmem:s16], $0x2800  }
0x5d: {  	_ =	swait.ge [sflag:s12], $0x2800  }
0x5e: {  	[sflag:s12] =	ssyncset.done $0x0  }
0x5f: {  	[sflag:s12] =	ssyncadd.s32 $0xFFFFD800  }
0x60: {  	[bflag:$0x0] =	sbarrier.arrive $0xFFFF  }
0x61: {  	[spmem:s16], [sflag:s15] =	dma.local [hbm:s5], $0x2800  }
0x62: {  	_ =	swait.ge [sflag:s12], $0x2800  }
0x63: {  	[sflag:s12] =	ssyncset.done $0x0  }
0x64: {  	[sflag:s12] =	ssyncadd.s32 $0xFFFFD800  }
0x65: {  	s30 =	simm.s32 $0x0;
	[bflag:$0x0] =	sbarrier.arrive $0xFFFF  }
0x66: {  	[tilespmem:s18], [sflag:$0x1] =	stream.indirect.gather [hbm4b:s9+s17], $0x80, s30, s17, $0xb8;
	[tilespmem:$0x1A800] =	vst v63  }
0x67: {  	_ =	swait.ge [sflag:s12], $0x4000  }
0x68: {  	[sflag:s12] =	ssyncset.done $0x0  }
0x69: {  	s31 =	simm.s32 $0x1400;
	[sflag:s12] =	ssyncadd.s32 $0xFFFFC000  }
0x6a: {  	[spmem:s2] =	stream.indirect.scatter.add.f32 [tilespmem:s18], [sflag:$0x1], $0x80, s31, s17, $0xb8;
	[tilespmem:$0x1A800] =	vst v63  }
0x6b: {  	_ =	swait.ge [sflag:s12], $0x4000  }
0x6c: {  	s23 =	simm.s32 $0x400;
	s22 =	simm.s32 $0x200;
	[sflag:s12] =	ssyncset.done $0x0  }
.LBB2_6:
0x6d: {  	s24 =	sshra.s32 s22, $0x2  }
0x6e: {  	[sflag:s12] =	ssyncadd.s32 $0xFFFFC000;
	s22 =	smov.u32 s23;
	s25 =	sadd.s32 $0x200, s23  }
0x6f: {  	[tilespmem:s18], [sflag:$0x1] =	stream.indirect.gather [hbm4b:s9+s17], $0x80, s24, s17, $0xb8;
	[tilespmem:$0x1A800] =	vst v63  }
0x70: {  	p0 =	sne.s32 s23, $0x4E00;
	_ =	swait.ge [sflag:s12], $0x4000  }
.Ltmp2:
0x71: {  	[sflag:s12] =	ssyncset.done $0x0;
	(pc) =	sbr.rel @p0 .LBB2_6-.Ltmp2, $4  }
0x72: {  	s23 =	sadd.s32 $0x1400, s24;
	[sflag:s12] =	ssyncadd.s32 $0xFFFFC000  }
0x73: {  	[spmem:s2] =	stream.indirect.scatter.add.f32 [tilespmem:s18], [sflag:$0x1], $0x80, s23, s17, $0xb8;
	[tilespmem:$0x1A800] =	vst v63  }
0x74: {  	_ =	swait.ge [sflag:s12], $0x4000  }
0x75: {  	s23 =	smov.u32 s25;
	[sflag:s12] =	ssyncset.done $0x0  }
0x76: {  	s22 =	sshra.s32 s22, $0x2;
	[sflag:s12] =	ssyncadd.s32 $0xFFFFC000  }
0x77: {  	[tilespmem:s18], [sflag:$0x1] =	stream.indirect.gather [hbm4b:s9+s17], $0x80, s22, s17, $0xb8;
	[tilespmem:$0x1A800] =	vst v63  }
0x78: {  	_ =	swait.ge [sflag:s12], $0x4000  }
0x79: {  	[sflag:s12] =	ssyncset.done $0x0  }
0x7a: {  	s22 =	sadd.s32 $0x1400, s22;
	[sflag:s12] =	ssyncadd.s32 $0xFFFFC000  }
0x7b: {  	[spmem:s2] =	stream.indirect.scatter.add.f32 [tilespmem:s18], [sflag:$0x1], $0x80, s22, s17, $0xb8;
	[tilespmem:$0x1A800] =	vst v63  }
0x7c: {  	_ =	swait.ge [sflag:s12], $0x4000  }
0x7d: {  	[sflag:s12] =	ssyncset.done $0x0  }
0x7e: {  	[sflag:s12] =	ssyncadd.s32 $0xFFFFC000  }
0x7f: {  	s29 =	sadd.s32 $0x50000, s19;
	[bflag:$0x0] =	sbarrier.arrive $0xFFFF  }
0x80: {  	[hbm:s29], [sflag:s15] =	dma.local [spmem:s16], $0x2800  }
0x81: {  	_ =	swait.ge [sflag:s12], $0x2800  }
0x82: {  	[sflag:s12] =	ssyncset.done $0x0  }
0x83: {  	[sflag:s12] =	ssyncadd.s32 $0xFFFFD800  }
0x84: {  	[bflag:$0x0] =	sbarrier.arrive $0xFFFF  }
0x85: {  	[spmem:s16], [sflag:s15] =	dma.local [hbm:s5], $0x2800  }
0x86: {  	_ =	swait.ge [sflag:s12], $0x2800  }
0x87: {  	[sflag:s12] =	ssyncset.done $0x0  }
0x88: {  	[sflag:s12] =	ssyncadd.s32 $0xFFFFD800  }
0x89: {  	s30 =	simm.s32 $0x0;
	[bflag:$0x0] =	sbarrier.arrive $0xFFFF  }
0x8a: {  	[tilespmem:s18], [sflag:$0x1] =	stream.indirect.gather [hbm4b:s10+s17], $0x80, s30, s17, $0xb8;
	[tilespmem:$0x1A800] =	vst v63  }
0x8b: {  	_ =	swait.ge [sflag:s12], $0x4000  }
0x8c: {  	[sflag:s12] =	ssyncset.done $0x0  }
0x8d: {  	s31 =	simm.s32 $0x1400;
	[sflag:s12] =	ssyncadd.s32 $0xFFFFC000  }
0x8e: {  	[spmem:s2] =	stream.indirect.scatter.add.f32 [tilespmem:s18], [sflag:$0x1], $0x80, s31, s17, $0xb8;
	[tilespmem:$0x1A800] =	vst v63  }
0x8f: {  	_ =	swait.ge [sflag:s12], $0x4000  }
0x90: {  	s23 =	simm.s32 $0x400;
	s22 =	simm.s32 $0x200;
	[sflag:s12] =	ssyncset.done $0x0  }
.LBB2_8:
0x91: {  	s24 =	sshra.s32 s22, $0x2  }
0x92: {  	[sflag:s12] =	ssyncadd.s32 $0xFFFFC000;
	s22 =	smov.u32 s23;
	s25 =	sadd.s32 $0x200, s23  }
0x93: {  	[tilespmem:s18], [sflag:$0x1] =	stream.indirect.gather [hbm4b:s10+s17], $0x80, s24, s17, $0xb8;
	[tilespmem:$0x1A800] =	vst v63  }
0x94: {  	p0 =	sne.s32 s23, $0x4E00;
	_ =	swait.ge [sflag:s12], $0x4000  }
.Ltmp3:
0x95: {  	[sflag:s12] =	ssyncset.done $0x0;
	(pc) =	sbr.rel @p0 .LBB2_8-.Ltmp3, $4  }
0x96: {  	s23 =	sadd.s32 $0x1400, s24;
	[sflag:s12] =	ssyncadd.s32 $0xFFFFC000  }
0x97: {  	[spmem:s2] =	stream.indirect.scatter.add.f32 [tilespmem:s18], [sflag:$0x1], $0x80, s23, s17, $0xb8;
	[tilespmem:$0x1A800] =	vst v63  }
0x98: {  	_ =	swait.ge [sflag:s12], $0x4000  }
0x99: {  	s23 =	smov.u32 s25;
	[sflag:s12] =	ssyncset.done $0x0  }
0x9a: {  	s22 =	sshra.s32 s22, $0x2;
	[sflag:s12] =	ssyncadd.s32 $0xFFFFC000  }
0x9b: {  	[tilespmem:s18], [sflag:$0x1] =	stream.indirect.gather [hbm4b:s10+s17], $0x80, s22, s17, $0xb8;
	[tilespmem:$0x1A800] =	vst v63  }
0x9c: {  	_ =	swait.ge [sflag:s12], $0x4000  }
0x9d: {  	[sflag:s12] =	ssyncset.done $0x0  }
0x9e: {  	s22 =	sadd.s32 $0x1400, s22;
	[sflag:s12] =	ssyncadd.s32 $0xFFFFC000  }
0x9f: {  	[spmem:s2] =	stream.indirect.scatter.add.f32 [tilespmem:s18], [sflag:$0x1], $0x80, s22, s17, $0xb8;
	[tilespmem:$0x1A800] =	vst v63  }
0xa0: {  	_ =	swait.ge [sflag:s12], $0x4000  }
0xa1: {  	[sflag:s12] =	ssyncset.done $0x0  }
0xa2: {  	s21 =	sadd.s32 $0x1, s21;
	[sflag:s12] =	ssyncadd.s32 $0xFFFFC000  }
0xa3: {  	s31 =	sadd.s32 $0x78000, s19;
	p0 =	sne.s32 s21, s11;
	[bflag:$0x0] =	sbarrier.arrive $0xFFFF  }
0xa4: {  	[hbm:s31], [sflag:s15] =	dma.local [spmem:s16], $0x2800  }
.Ltmp4:
0xa5: {  	_ =	swait.ge [sflag:s12], $0x2800;
	(pc) =	sbr.rel @p0 .LBB2_1-.Ltmp4, $3  }
0xa6: {  	[sflag:s12] =	ssyncset.done $0x0  }
0xa7: {  	[sflag:s12] =	ssyncadd.s32 $0xFFFFD800  }
0xa8: {  	[bflag:$0x0] =	sbarrier.arrive $0xFFFF;
	_ =	sdelay $0x1  }
0xa9: {  	_ =	sfence.sel $0x180000  }
0xaa: {  	[bflag:$0x0] =	sbarrier.arrive $0xFFFF  }
0xab: {  	p0 =	sne.s32 s0, $0x0;
	_ =	strace $0x90000050  }
0xac: {  	s0 =	sadd.s32 @!p0 $0x100000, s1;
	[bflag:$0x2] =	sbarrier.arrive $0xFFFF  }
0xad: {  	[sflag:s0] =	ssyncadd.tile.s32 @!p0 $0x1;
	_ =	shalt  }
.Lfunc_end2:
_tile_overlayer_lowered:
.L_overlay_start_2:
0xae: {  	(tag) =	ssettag $0x2  }
0xaf: {  	s0 =	rddreg [dreg:$0x0];
	s2 =	stileid.u32  }
0xb0: {  	s1 =	rddreg [dreg:$0x1];
	p0 =	sne.s32 s2, $0x0  }
0xb1: {  	s3 =	rddreg [dreg:$0x2];
	[bflag:$0x3] =	sbarrier.arrive $0xFFFF;
	s2 =	simm.s32 @!p0 $0x1C01  }
0xb2: {  	[timem:s3], [sflag:s2] =	dma.local @!p0 [hbm:s0], s1  }
0xb3: {  	s0 =	simm.s32 @!p0 $0x1  }
0xb4: {  	_ =	swait.ge @!p0 [sflag:s0], s1  }
0xb5: {  	s1 =	ssub.s32 @!p0 $0x0, s1;
	[sflag:s0] =	ssyncset.done @!p0 $0x0  }
0xb6: {  	[sflag:s0] =	ssyncadd.s32 @!p0 s1  }
0xb7: {  	[bflag:$0x3] =	sbarrier.arrive $0xFFFF  }
0xb8: {  	_ =	shalt  }

// kernel: kernel.30.cloned.1.call-start
scs
__scs_entry_jumppad:
0x0: {  	(pc) =	sbr.rel $0x88, $3  }
0x1: {  	(tag) =	ssettag $0x0;
	lr =	simm.s32 $0x1  }
0x2: {  	[smem:$0x3F88] =	sst lr;
	_ =	strace $0xD0000000  }
0x3: {  	_ = 	snop  }
0x4: {  	_ = 	snop  }
0x5: {  	_ = 	snop  }
0x6: {  	_ = 	snop  }
0x7: {  	_ = 	snop  }
__scs_overlays_trampoline_lowered:
0x8: {  	[smem:$0x3F97] =	sst s0  }
0x9: {  	[smem:$0x3F98] =	sst s1  }
0xa: {  	[smem:$0x3F99] =	sst s2  }
0xb: {  	[smem:$0x3F9A] =	sst s3  }
0xc: {  	[smem:$0x3F9B] =	sst s4  }
0xd: {  	[smem:$0x3F9C] =	sst s5  }
0xe: {  	[smem:$0x3F9D] =	sst s6  }
0xf: {  	[smem:$0x3F9E] =	sst s7  }
0x10: {  	[smem:$0x3F9F] =	sst s8  }
0x11: {  	[smem:$0x3FA0] =	sst s9;
	s0 =	simm.s32 @!p0 $0x0  }
0x12: {  	s1 =	sld [smem:$0x3F86];
	s0 =	simm.s32 @p0 $0x1  }
0x13: {  	[smem:$0x3FA1] =	sst s0;
	s0 =	simm.s32 @!p1 $0x0  }
0x14: {  	s2 =	sld [smem:$0x3F85];
	s0 =	simm.s32 @p1 $0x1  }
0x15: {  	[smem:$0x3FA2] =	sst s0;
	s0 =	simm.s32 @!p2 $0x0  }
0x16: {  	s3 =	sld [smem:$0x3FDB];
	s0 =	simm.s32 @p2 $0x1  }
0x17: {  	s4 =	simm.s32 $0x1BF5;
	[smem:$0x3FA4] =	sst s0  }
0x18: {  	s0 =	sld [smem:$0x3F87];
	_ =	swait.ge [sflag:s4], $0x0  }
0x19: {  	s7 =	sld [smem:$0x3F88]  }
0x1a: {  	s8 =	sadd.s32 $0xFFFFE003, lr  }
0x1b: {  	s9 =	sadd.s32 $0xFFFFFEF7, lr;
	s5 =	simm.s32 $0xFFFFFFFF;
	p2 =	slt.u32 s8, $0xFFFFF086  }
0x1c: {  	p1 =	slt.u32 s9, $0xF7A;
	s5 =	simm.s32 @!p2 $0x0  }
0x1d: {  	s5 =	simm.s32 @p1 $0x1;
	p0 =	seq.s32 s7, s2  }
0x1e: {  	s7 =	smul.u32 @!p0 $0xF7A, s2;
	p2 =	seq.s32 @!p0 s5, $0x0  }
0x1f: {  	s9 =	smul.u32 $0xF7A, s1;
	s8 =	simm.s32 @!p0 $0x1BF5;
	p2 =	por !p2, p0  }
0x20: {  	[sflag:s8] =	ssyncset.s32 @!p0 $0xFFFFF086;
	s6 =	sadd.s32 @!p0 s3, s7;
	s7 =	simm.s32 @!p0 $0x108  }
0x21: {  	s3 =	sadd.s32 s3, s9;
	s6 =	sadd.s32 @!p0 $0x88, s6;
	s7 =	simm.s32 @p2 $0x1082  }
0x22: {  	[simem:s7], [sflag:s8] =	dma.local @!p0 [hbm:s6], $0xF7A  }
0x23: {  	s9 =	sor.u32 $0xD0000000, s2;
	s6 =	simm.s32 $0x108;
	_ =	swait.ge @!p0 [sflag:s8], $0x0  }
0x24: {  	s3 =	sadd.s32 $0x88, s3;
	s6 =	simm.s32 @!p1 $0x1082;
	[sflag:s4] =	ssyncset.s32 $0xFFFFF086  }
0x25: {  	[simem:s6], [sflag:s4] =	dma.local [hbm:s3], $0xF7A  }
0x26: {  	[smem:$0x3F88] =	sst s1;
	(tag) =	ssettag s2;
	_ =	strace s9  }
0x27: {  	s1 =	sld [smem:$0x3F98]  }
0x28: {  	s2 =	sld [smem:$0x3F99]  }
0x29: {  	s4 =	sld [smem:$0x3F9B]  }
0x2a: {  	p0 =	seq.s32 s5, $0x0;
	s5 =	sld [smem:$0x3F9C]  }
0x2b: {  	s6 =	sld [smem:$0x3F9D]  }
0x2c: {  	s7 =	sld [smem:$0x3F9E]  }
0x2d: {  	s3 =	simm.s32 $0x108;
	s8 =	sld [smem:$0x3F9F]  }
0x2e: {  	s3 =	simm.s32 @!p0 $0x1082;
	s9 =	sld [smem:$0x3FA0]  }
0x2f: {  	lr =	sadd.s32 s0, s3;
	s0 =	sld [smem:$0x3F97]  }
0x30: {  	s3 =	sld [smem:$0x3F9A]  }
0x31: {  	[smem:$0x3FA3] =	sst s10  }
0x32: {  	s10 =	sld [smem:$0x3FA1];
	_ =	sdelay $0x3  }
0x33: {  	p0 =	seq.s32 s10, $0x1;
	s10 =	sld [smem:$0x3FA3];
	_ =	sdelay $0x3  }
0x34: {  	[smem:$0x3FA3] =	sst s10  }
0x35: {  	s10 =	sld [smem:$0x3FA2];
	_ =	sdelay $0x3  }
0x36: {  	p1 =	seq.s32 s10, $0x1;
	s10 =	sld [smem:$0x3FA3];
	_ =	sdelay $0x3  }
0x37: {  	[smem:$0x3FA3] =	sst s10  }
0x38: {  	s10 =	sld [smem:$0x3FA4]  }
0x39: {  	_ = 	snop;
	(pc) =	sbr.ind lr, $3  }
0x3a: {  	_ = 	snop  }
0x3b: {  	_ = 	snop  }
0x3c: {  	p2 =	seq.s32 s10, $0x1;
	s10 =	sld [smem:$0x3FA3]  }
0x3d: {  	_ =	shalt  }
0x3e: {  	_ =	shalt  }
0x3f: {  	_ =	shalt  }
0x40: {  	_ =	shalt  }
0x41: {  	_ =	shalt  }
0x42: {  	_ =	shalt  }
0x43: {  	_ =	shalt  }
0x44: {  	_ =	shalt  }
0x45: {  	_ =	shalt  }
0x46: {  	_ =	shalt  }
0x47: {  	_ =	shalt  }
0x48: {  	_ =	shalt  }
0x49: {  	_ =	shalt  }
0x4a: {  	_ =	shalt  }
0x4b: {  	_ =	shalt  }
0x4c: {  	_ =	shalt  }
0x4d: {  	_ =	shalt  }
0x4e: {  	_ =	shalt  }
0x4f: {  	_ =	shalt  }
0x50: {  	_ =	shalt  }
0x51: {  	_ =	shalt  }
0x52: {  	_ =	shalt  }
0x53: {  	_ =	shalt  }
0x54: {  	_ =	shalt  }
0x55: {  	_ =	shalt  }
0x56: {  	_ =	shalt  }
0x57: {  	_ =	shalt  }
0x58: {  	_ =	shalt  }
0x59: {  	_ =	shalt  }
0x5a: {  	_ =	shalt  }
0x5b: {  	_ =	shalt  }
0x5c: {  	_ =	shalt  }
0x5d: {  	_ =	shalt  }
0x5e: {  	_ =	shalt  }
0x5f: {  	_ =	shalt  }
0x60: {  	_ =	shalt  }
0x61: {  	_ =	shalt  }
0x62: {  	_ =	shalt  }
0x63: {  	_ =	shalt  }
0x64: {  	_ =	shalt  }
0x65: {  	_ =	shalt  }
0x66: {  	_ =	shalt  }
0x67: {  	_ =	shalt  }
0x68: {  	_ =	shalt  }
0x69: {  	_ =	shalt  }
0x6a: {  	_ =	shalt  }
0x6b: {  	_ =	shalt  }
0x6c: {  	_ =	shalt  }
0x6d: {  	_ =	shalt  }
0x6e: {  	_ =	shalt  }
0x6f: {  	_ =	shalt  }
0x70: {  	_ =	shalt  }
0x71: {  	_ =	shalt  }
0x72: {  	_ =	shalt  }
0x73: {  	_ =	shalt  }
0x74: {  	_ =	shalt  }
0x75: {  	_ =	shalt  }
0x76: {  	_ =	shalt  }
0x77: {  	_ =	shalt  }
0x78: {  	_ =	shalt  }
0x79: {  	_ =	shalt  }
0x7a: {  	_ =	shalt  }
0x7b: {  	_ =	shalt  }
0x7c: {  	_ =	shalt  }
0x7d: {  	_ =	shalt  }
0x7e: {  	_ =	shalt  }
0x7f: {  	_ =	shalt  }
0x80: {  	_ =	shalt  }
0x81: {  	_ =	shalt  }
0x82: {  	_ =	shalt  }
0x83: {  	_ =	shalt  }
0x84: {  	_ =	shalt  }
0x85: {  	_ =	shalt  }
0x86: {  	_ =	shalt  }
0x87: {  	_ =	shalt  }
.Lfunc_end0:
.L_simem_size_0:
called_computation.4_lowered:
.L_overlay_start_0:
0x88: {  	s2 =	sld [smem:$0x3FD9]  }
0x89: {  	s3 =	sld [smem:$0x3FFE];
	_ =	sdelay $0x1  }
0x8a: {  	s1 =	srdreg.scid  }
0x8b: {  	s0 =	sand.u32 $0x1, s1  }
0x8c: {  	s16 =	sshll.u32 s0, $0xA;
	s2 =	sadd.s32 s3, s2  }
0x8d: {  	s2 =	sadd.s32 s2, s16  }
0x8e: {  	[smem:$0x3FAF] =	sst s2  }
0x8f: {  	_ = 	snop  }
0x90: {  	(tm) =	ssettm $0x1  }
0x91: {  	s17 =	sld [smem:$0x3FFB];
	_ =	sdelay $0x3  }
0x92: {  	_ =	strace s17  }
0x93: {  	s2 =	sld [smem:$0x3FFC];
	_ =	sdelay $0x3  }
0x94: {  	_ =	strace s2  }
0x95: {  	s2 =	sld [smem:$0x3FFD];
	_ =	sdelay $0x3  }
0x96: {  	_ =	strace s2  }
0x97: {  	_ =	strace $0x8FFFFFFF  }
0x98: {  	s18 =	sld [smem:$0x3FDB];
	_ =	sdelay $0x1  }
0x99: {  	s19 =	simm.s32 $_scs_section_size  }
0x9a: {  	s4 =	simm.s32 $_size__tile_overlayer_lowered;
	s5 =	simm.s32 $_tile_overlayer_lowered  }
0x9b: {  	s22 =	simm.s32 $0x1BFF;
	s21 =	sshll.u32 s5, $0x1;
	s2 =	sadd.s32 s19, s18  }
0x9c: {  	s6 =	simm.s32 $0x0;
	s20 =	sshll.u32 s4, $0x1;
	s4 =	sadd.s32 s21, s2  }
0x9d: {  	[timem:s6], [sflag:s22] =	dma.local [hbm:s4], s20  }
0x9e: {  	_ =	swait.ge [sflag:s22], s20  }
0x9f: {  	s3 =	ssub.s32 $0x0, s20;
	[sflag:s22] =	ssyncset.done $0x0  }
0xa0: {  	[sflag:s22] =	ssyncadd.s32 s3;
	_ =	sdelay $0x1  }
0xa1: {  	s23 =	simm.s32 $0x1B8B  }
0xa2: {  	_ =	swait.ge [sflag:s23], $0x1  }
0xa3: {  	[sflag:s23] =	ssyncset.done $0x0  }
0xa4: {  	s25 =	simm.s32 $0x1B8E;
	s24 =	sld [smem:$0x3FFE];
	[sflag:s23] =	ssyncadd.s32 $0xFFFFFFFF  }
0xa5: {  	s26 =	simm.s32 $execute0_lowered;
	[smem:$0x3FD2] =	sst s25  }
0xa6: {  	s4 =	sshll.u32 s26, $0x1;
	_ =	strace $0x80000052;
	[dreg:$0x1] =	wrdreg $0xFFFFFFFF  }
0xa7: {  	s28 =	simm.s32 $_size_execute0_lowered;
	s2 =	sadd.s32 s2, s4;
	[dreg:$0x0] =	wrdreg $0x0  }
0xa8: {  	s4 =	sshll.u32 s28, $0x1;
	[dreg:$0x2] =	wrdreg s2  }
0xa9: {  	[dreg:$0x3] =	wrdreg s4  }
0xaa: {  	[dreg:$0x4] =	wrdreg $0xC0  }
0xab: {  	_ =	task [dreg:s6], $0x5FFFF  }
0xac: {  	[dreg:$0x1] =	wrdreg $0xFFFFFFFF  }
0xad: {  	[dreg:$0x0] =	wrdreg $0x60  }
0xae: {  	[dreg:$0x2] =	wrdreg s24  }
0xaf: {  	[dreg:$0x3] =	wrdreg $0x68000  }
0xb0: {  	[dreg:$0x4] =	wrdreg $0x9  }
0xb1: {  	_ =	task.clear_ibuf [dreg:s6], $0x5FFFF;
	_ =	strace $0x90000052  }
0xb2: {  	s29 =	simm.s32 $0x9;
	_ =	strace $0x80000054  }
0xb3: {  	_ =	swait.ge [sflag:s29], $0x1  }
0xb4: {  	[sflag:s29] =	ssyncadd.s32 $0xFFFFFFFF  }
0xb5: {  	_ =	strace $0x90000054  }
0xb6: {  	_ =	sfence  }
0xb7: {  	s30 =	sld [smem:$0x0];
	_ =	sdelay $0x2  }
0xb8: {  	s31 =	sshll.u32 s1, $0xD;
	s1 =	sshrl.u32 s1, $0x2  }
0xb9: {  	s3 =	sand.u32 $0x4000, s31;
	s1 =	sadd.s32 s1, s30  }
0xba: {  	s0 =	sor.u32 s3, s0;
	s1 =	sshll.u32 s1, $0x11  }
0xbb: {  	s0 =	sor.u32 s1, s0  }
0xbc: {  	s0 =	sadd.s32 $0x8F2B, s0  }
0xbd: {  	[sflag:s0] =	ssyncadd.remote.s32 $0x1  }
0xbe: {  	_ =	sfence.sel $0xFFFF  }
0xbf: {  	[dreg:$0x0] =	wrdreg $0xFFFFFFFF;
	(pc) =	sbr.abs _section_cstart, $3  }
0xc0: {  	[dreg:$0x1] =	wrdreg $0xFFFFFFFF  }
0xc1: {  	_ =	task.clear_ibuf [dreg:s6], $0x2FFFF;
	_ =	strace $0x9FFFFFFF  }
0xc2: {  	(tm) =	ssettm $0x7FFFFFFF  }
0xc3: {  	_ =	shalt  }
tec
execute0_lowered:
.L_overlay_start_1:
0x0: {  	(tag) =	ssettag $0x1  }
0x1: {  	s10 =	rddreg [dreg:$0x0]  }
0x2: {  	s1 =	srdreg.scid;
	s0 =	stileid.u32  }
0x3: {  	s2 =	rddreg [dreg:$0x1];
	s3 =	simm.s32 $0x0;
	s12 =	simm.s32 $0x1  }
0x4: {  	s18 =	simm.s32 $0x2800;
	s13 =	sand.u32 $0x1, s1;
	s1 =	rddreg [dreg:$0x2]  }
0x5: {  	s4 =	sshll.u32 s0, $0x1;
	[smem:$0x7FF] =	sst s3;
	s9 =	smul.u32 $0x50000, s0  }
0x6: {  	s17 =	sadd.s32 $0x12A000, s10;
	s19 =	smul.u32 $0x2800, s0;
	s20 =	sadd.s32 $0x1CA000, s10  }
0x7: {  	s15 =	sshll.u32 s0, $0x6;
	s4 =	sor.u32 s13, s4;
	_ =	strace $0x80000053  }
0x8: {  	s6 =	ssub.s32 $0x2, s13;
	p0 =	seq.s32 s13, $0x0;
	s13 =	simm.s32 $0x1400  }
0x9: {  	s15 =	sor.u32 $0x1C01, s15;
	s5 =	smul.u32 $0x280, s4;
	s4 =	sadd.s32 $0x8A000, s10  }
0xa: {  	s8 =	sshrl.u32 s6, $0x1;
	s31 =	sshrl.u32 s9, $0x2;
	s21 =	sadd.s32 s17, s19  }
0xb: {  	s9 =	sadd.s32 $0xDA000, s10;
	s14 =	sadd.s32 @!p0 s19, s20;
	s20 =	smov.u32 @p0 s17  }
0xc: {  	s17 =	simm.s32 $0x80;
	s11 =	ssub.s32 s6, s8;
	s16 =	sadd.s32 s31, s2  }
0xd: {  	s8 =	sadd.s32 $0xB2000, s10;
	s19 =	sadd.s32 s19, s20;
	s14 =	smov.u32 @p0 s21  }
0xe: {  	s21 =	simm.s32 $0x0;
	s7 =	sadd.s32 s5, s10;
	s5 =	sadd.s32 $0x87800, s10  }
0xf: {  	s10 =	sadd.s32 $0x102000, s10;
	s11 =	smax.u32 s11, $0x1;
	s16 =	sshrl.u32 s16, $0x3  }
0x10: {  	s20 =	sadd.s32 $0x28000, s19;
	s6 =	sadd.s32 $0xA800, s7;
	s7 =	sadd.s32 $0x5800, s7  }
.LBB2_1:
0x11: {  	[tilespmem:s3], [sflag:$0x1] =	stream.linear.gather [hbm4b:s6+s3], $0x1400, $0x38;
	[tilespmem:$0x1A800] =	vst v63  }
0x12: {  	_ =	swait.ge [sflag:s12], $0x1400  }
0x13: {  	[sflag:s12] =	ssyncset.done $0x0  }
0x14: {  	[sflag:s12] =	ssyncadd.s32 $0xFFFFEC00  }
0x15: {  	[tilespmem:s13], [sflag:$0x1] =	stream.linear.gather [hbm4b:s7+s3], $0x1400, $0x38;
	[tilespmem:$0x1A800] =	vst v63  }
0x16: {  	_ =	swait.ge [sflag:s12], $0x1400  }
0x17: {  	[sflag:s12] =	ssyncset.done $0x0  }
0x18: {  	[sflag:s12] =	ssyncadd.s32 $0xFFFFEC00  }
0x19: {  	[spmem:s16], [sflag:s15] =	dma.local [hbm:s5], $0x2800  }
0x1a: {  	_ =	swait.ge [sflag:s12], $0x2800  }
0x1b: {  	[sflag:s12] =	ssyncset.done $0x0  }
0x1c: {  	[sflag:s12] =	ssyncadd.s32 $0xFFFFD800  }
0x1d: {  	s22 =	simm.s32 $0x0;
	[bflag:$0x0] =	sbarrier.arrive $0xFFFF  }
0x1e: {  	[tilespmem:s18], [sflag:$0x1] =	stream.indirect.gather [hbm4b:s4+s17], $0x80, s22, s17, $0xb8;
	[tilespmem:$0x1A800] =	vst v63  }
0x1f: {  	_ =	swait.ge [sflag:s12], $0x4000  }
0x20: {  	[sflag:s12] =	ssyncset.done $0x0  }
0x21: {  	s31 =	simm.s32 $0x1400;
	[sflag:s12] =	ssyncadd.s32 $0xFFFFC000  }
0x22: {  	[spmem:s2] =	stream.indirect.scatter.add.f32 [tilespmem:s18], [sflag:$0x1], $0x80, s31, s17, $0xb8;
	[tilespmem:$0x1A800] =	vst v63  }
0x23: {  	_ =	swait.ge [sflag:s12], $0x4000  }
0x24: {  	s23 =	simm.s32 $0x400;
	s22 =	simm.s32 $0x200;
	[sflag:s12] =	ssyncset.done $0x0  }
.LBB2_2:
0x25: {  	s24 =	sshra.s32 s22, $0x2  }
0x26: {  	[sflag:s12] =	ssyncadd.s32 $0xFFFFC000;
	s22 =	smov.u32 s23;
	s25 =	sadd.s32 $0x200, s23  }
0x27: {  	[tilespmem:s18], [sflag:$0x1] =	stream.indirect.gather [hbm4b:s4+s17], $0x80, s24, s17, $0xb8;
	[tilespmem:$0x1A800] =	vst v63  }
0x28: {  	p0 =	sne.s32 s23, $0x4E00;
	_ =	swait.ge [sflag:s12], $0x4000  }
.Ltmp0:
0x29: {  	[sflag:s12] =	ssyncset.done $0x0;
	(pc) =	sbr.rel @p0 .LBB2_2-.Ltmp0, $4  }
0x2a: {  	s23 =	sadd.s32 $0x1400, s24;
	[sflag:s12] =	ssyncadd.s32 $0xFFFFC000  }
0x2b: {  	[spmem:s2] =	stream.indirect.scatter.add.f32 [tilespmem:s18], [sflag:$0x1], $0x80, s23, s17, $0xb8;
	[tilespmem:$0x1A800] =	vst v63  }
0x2c: {  	_ =	swait.ge [sflag:s12], $0x4000  }
0x2d: {  	s23 =	smov.u32 s25;
	[sflag:s12] =	ssyncset.done $0x0  }
0x2e: {  	s22 =	sshra.s32 s22, $0x2;
	[sflag:s12] =	ssyncadd.s32 $0xFFFFC000  }
0x2f: {  	[tilespmem:s18], [sflag:$0x1] =	stream.indirect.gather [hbm4b:s4+s17], $0x80, s22, s17, $0xb8;
	[tilespmem:$0x1A800] =	vst v63  }
0x30: {  	_ =	swait.ge [sflag:s12], $0x4000  }
0x31: {  	[sflag:s12] =	ssyncset.done $0x0  }
0x32: {  	s22 =	sadd.s32 $0x1400, s22;
	[sflag:s12] =	ssyncadd.s32 $0xFFFFC000  }
0x33: {  	[spmem:s2] =	stream.indirect.scatter.add.f32 [tilespmem:s18], [sflag:$0x1], $0x80, s22, s17, $0xb8;
	[tilespmem:$0x1A800] =	vst v63  }
0x34: {  	_ =	swait.ge [sflag:s12], $0x4000  }
0x35: {  	[sflag:s12] =	ssyncset.done $0x0  }
0x36: {  	[sflag:s12] =	ssyncadd.s32 $0xFFFFC000  }
0x37: {  	[bflag:$0x0] =	sbarrier.arrive $0xFFFF  }
0x38: {  	[hbm:s14], [sflag:s15] =	dma.local [spmem:s16], $0x2800  }
0x39: {  	_ =	swait.ge [sflag:s12], $0x2800  }
0x3a: {  	[sflag:s12] =	ssyncset.done $0x0  }
0x3b: {  	[sflag:s12] =	ssyncadd.s32 $0xFFFFD800  }
0x3c: {  	[bflag:$0x0] =	sbarrier.arrive $0xFFFF  }
0x3d: {  	[spmem:s16], [sflag:s15] =	dma.local [hbm:s5], $0x2800  }
0x3e: {  	_ =	swait.ge [sflag:s12], $0x2800  }
0x3f: {  	[sflag:s12] =	ssyncset.done $0x0  }
0x40: {  	[sflag:s12] =	ssyncadd.s32 $0xFFFFD800  }
0x41: {  	s30 =	simm.s32 $0x0;
	[bflag:$0x0] =	sbarrier.arrive $0xFFFF  }
0x42: {  	[tilespmem:s18], [sflag:$0x1] =	stream.indirect.gather [hbm4b:s8+s17], $0x80, s30, s17, $0xb8;
	[tilespmem:$0x1A800] =	vst v63  }
0x43: {  	_ =	swait.ge [sflag:s12], $0x4000  }
0x44: {  	[sflag:s12] =	ssyncset.done $0x0  }
0x45: {  	s31 =	simm.s32 $0x1400;
	[sflag:s12] =	ssyncadd.s32 $0xFFFFC000  }
0x46: {  	[spmem:s2] =	stream.indirect.scatter.add.f32 [tilespmem:s18], [sflag:$0x1], $0x80, s31, s17, $0xb8;
	[tilespmem:$0x1A800] =	vst v63  }
0x47: {  	_ =	swait.ge [sflag:s12], $0x4000  }
0x48: {  	s23 =	simm.s32 $0x400;
	s22 =	simm.s32 $0x200;
	[sflag:s12] =	ssyncset.done $0x0  }
.LBB2_4:
0x49: {  	s24 =	sshra.s32 s22, $0x2  }
0x4a: {  	[sflag:s12] =	ssyncadd.s32 $0xFFFFC000;
	s22 =	smov.u32 s23;
	s25 =	sadd.s32 $0x200, s23  }
0x4b: {  	[tilespmem:s18], [sflag:$0x1] =	stream.indirect.gather [hbm4b:s8+s17], $0x80, s24, s17, $0xb8;
	[tilespmem:$0x1A800] =	vst v63  }
0x4c: {  	p0 =	sne.s32 s23, $0x4E00;
	_ =	swait.ge [sflag:s12], $0x4000  }
.Ltmp1:
0x4d: {  	[sflag:s12] =	ssyncset.done $0x0;
	(pc) =	sbr.rel @p0 .LBB2_4-.Ltmp1, $4  }
0x4e: {  	s23 =	sadd.s32 $0x1400, s24;
	[sflag:s12] =	ssyncadd.s32 $0xFFFFC000  }
0x4f: {  	[spmem:s2] =	stream.indirect.scatter.add.f32 [tilespmem:s18], [sflag:$0x1], $0x80, s23, s17, $0xb8;
	[tilespmem:$0x1A800] =	vst v63  }
0x50: {  	_ =	swait.ge [sflag:s12], $0x4000  }
0x51: {  	s23 =	smov.u32 s25;
	[sflag:s12] =	ssyncset.done $0x0  }
0x52: {  	s22 =	sshra.s32 s22, $0x2;
	[sflag:s12] =	ssyncadd.s32 $0xFFFFC000  }
0x53: {  	[tilespmem:s18], [sflag:$0x1] =	stream.indirect.gather [hbm4b:s8+s17], $0x80, s22, s17, $0xb8;
	[tilespmem:$0x1A800] =	vst v63  }
0x54: {  	_ =	swait.ge [sflag:s12], $0x4000  }
0x55: {  	[sflag:s12] =	ssyncset.done $0x0  }
0x56: {  	s22 =	sadd.s32 $0x1400, s22;
	[sflag:s12] =	ssyncadd.s32 $0xFFFFC000  }
0x57: {  	[spmem:s2] =	stream.indirect.scatter.add.f32 [tilespmem:s18], [sflag:$0x1], $0x80, s22, s17, $0xb8;
	[tilespmem:$0x1A800] =	vst v63  }
0x58: {  	_ =	swait.ge [sflag:s12], $0x4000  }
0x59: {  	[sflag:s12] =	ssyncset.done $0x0  }
0x5a: {  	[sflag:s12] =	ssyncadd.s32 $0xFFFFC000  }
0x5b: {  	[bflag:$0x0] =	sbarrier.arrive $0xFFFF  }
0x5c: {  	[hbm:s20], [sflag:s15] =	dma.local [spmem:s16], $0x2800  }
0x5d: {  	_ =	swait.ge [sflag:s12], $0x2800  }
0x5e: {  	[sflag:s12] =	ssyncset.done $0x0  }
0x5f: {  	[sflag:s12] =	ssyncadd.s32 $0xFFFFD800  }
0x60: {  	[bflag:$0x0] =	sbarrier.arrive $0xFFFF  }
0x61: {  	[spmem:s16], [sflag:s15] =	dma.local [hbm:s5], $0x2800  }
0x62: {  	_ =	swait.ge [sflag:s12], $0x2800  }
0x63: {  	[sflag:s12] =	ssyncset.done $0x0  }
0x64: {  	[sflag:s12] =	ssyncadd.s32 $0xFFFFD800  }
0x65: {  	s30 =	simm.s32 $0x0;
	[bflag:$0x0] =	sbarrier.arrive $0xFFFF  }
0x66: {  	[tilespmem:s18], [sflag:$0x1] =	stream.indirect.gather [hbm4b:s9+s17], $0x80, s30, s17, $0xb8;
	[tilespmem:$0x1A800] =	vst v63  }
0x67: {  	_ =	swait.ge [sflag:s12], $0x4000  }
0x68: {  	[sflag:s12] =	ssyncset.done $0x0  }
0x69: {  	s31 =	simm.s32 $0x1400;
	[sflag:s12] =	ssyncadd.s32 $0xFFFFC000  }
0x6a: {  	[spmem:s2] =	stream.indirect.scatter.add.f32 [tilespmem:s18], [sflag:$0x1], $0x80, s31, s17, $0xb8;
	[tilespmem:$0x1A800] =	vst v63  }
0x6b: {  	_ =	swait.ge [sflag:s12], $0x4000  }
0x6c: {  	s23 =	simm.s32 $0x400;
	s22 =	simm.s32 $0x200;
	[sflag:s12] =	ssyncset.done $0x0  }
.LBB2_6:
0x6d: {  	s24 =	sshra.s32 s22, $0x2  }
0x6e: {  	[sflag:s12] =	ssyncadd.s32 $0xFFFFC000;
	s22 =	smov.u32 s23;
	s25 =	sadd.s32 $0x200, s23  }
0x6f: {  	[tilespmem:s18], [sflag:$0x1] =	stream.indirect.gather [hbm4b:s9+s17], $0x80, s24, s17, $0xb8;
	[tilespmem:$0x1A800] =	vst v63  }
0x70: {  	p0 =	sne.s32 s23, $0x4E00;
	_ =	swait.ge [sflag:s12], $0x4000  }
.Ltmp2:
0x71: {  	[sflag:s12] =	ssyncset.done $0x0;
	(pc) =	sbr.rel @p0 .LBB2_6-.Ltmp2, $4  }
0x72: {  	s23 =	sadd.s32 $0x1400, s24;
	[sflag:s12] =	ssyncadd.s32 $0xFFFFC000  }
0x73: {  	[spmem:s2] =	stream.indirect.scatter.add.f32 [tilespmem:s18], [sflag:$0x1], $0x80, s23, s17, $0xb8;
	[tilespmem:$0x1A800] =	vst v63  }
0x74: {  	_ =	swait.ge [sflag:s12], $0x4000  }
0x75: {  	s23 =	smov.u32 s25;
	[sflag:s12] =	ssyncset.done $0x0  }
0x76: {  	s22 =	sshra.s32 s22, $0x2;
	[sflag:s12] =	ssyncadd.s32 $0xFFFFC000  }
0x77: {  	[tilespmem:s18], [sflag:$0x1] =	stream.indirect.gather [hbm4b:s9+s17], $0x80, s22, s17, $0xb8;
	[tilespmem:$0x1A800] =	vst v63  }
0x78: {  	_ =	swait.ge [sflag:s12], $0x4000  }
0x79: {  	[sflag:s12] =	ssyncset.done $0x0  }
0x7a: {  	s22 =	sadd.s32 $0x1400, s22;
	[sflag:s12] =	ssyncadd.s32 $0xFFFFC000  }
0x7b: {  	[spmem:s2] =	stream.indirect.scatter.add.f32 [tilespmem:s18], [sflag:$0x1], $0x80, s22, s17, $0xb8;
	[tilespmem:$0x1A800] =	vst v63  }
0x7c: {  	_ =	swait.ge [sflag:s12], $0x4000  }
0x7d: {  	[sflag:s12] =	ssyncset.done $0x0  }
0x7e: {  	[sflag:s12] =	ssyncadd.s32 $0xFFFFC000  }
0x7f: {  	s29 =	sadd.s32 $0x50000, s19;
	[bflag:$0x0] =	sbarrier.arrive $0xFFFF  }
0x80: {  	[hbm:s29], [sflag:s15] =	dma.local [spmem:s16], $0x2800  }
0x81: {  	_ =	swait.ge [sflag:s12], $0x2800  }
0x82: {  	[sflag:s12] =	ssyncset.done $0x0  }
0x83: {  	[sflag:s12] =	ssyncadd.s32 $0xFFFFD800  }
0x84: {  	[bflag:$0x0] =	sbarrier.arrive $0xFFFF  }
0x85: {  	[spmem:s16], [sflag:s15] =	dma.local [hbm:s5], $0x2800  }
0x86: {  	_ =	swait.ge [sflag:s12], $0x2800  }
0x87: {  	[sflag:s12] =	ssyncset.done $0x0  }
0x88: {  	[sflag:s12] =	ssyncadd.s32 $0xFFFFD800  }
0x89: {  	s30 =	simm.s32 $0x0;
	[bflag:$0x0] =	sbarrier.arrive $0xFFFF  }
0x8a: {  	[tilespmem:s18], [sflag:$0x1] =	stream.indirect.gather [hbm4b:s10+s17], $0x80, s30, s17, $0xb8;
	[tilespmem:$0x1A800] =	vst v63  }
0x8b: {  	_ =	swait.ge [sflag:s12], $0x4000  }
0x8c: {  	[sflag:s12] =	ssyncset.done $0x0  }
0x8d: {  	s31 =	simm.s32 $0x1400;
	[sflag:s12] =	ssyncadd.s32 $0xFFFFC000  }
0x8e: {  	[spmem:s2] =	stream.indirect.scatter.add.f32 [tilespmem:s18], [sflag:$0x1], $0x80, s31, s17, $0xb8;
	[tilespmem:$0x1A800] =	vst v63  }
0x8f: {  	_ =	swait.ge [sflag:s12], $0x4000  }
0x90: {  	s23 =	simm.s32 $0x400;
	s22 =	simm.s32 $0x200;
	[sflag:s12] =	ssyncset.done $0x0  }
.LBB2_8:
0x91: {  	s24 =	sshra.s32 s22, $0x2  }
0x92: {  	[sflag:s12] =	ssyncadd.s32 $0xFFFFC000;
	s22 =	smov.u32 s23;
	s25 =	sadd.s32 $0x200, s23  }
0x93: {  	[tilespmem:s18], [sflag:$0x1] =	stream.indirect.gather [hbm4b:s10+s17], $0x80, s24, s17, $0xb8;
	[tilespmem:$0x1A800] =	vst v63  }
0x94: {  	p0 =	sne.s32 s23, $0x4E00;
	_ =	swait.ge [sflag:s12], $0x4000  }
.Ltmp3:
0x95: {  	[sflag:s12] =	ssyncset.done $0x0;
	(pc) =	sbr.rel @p0 .LBB2_8-.Ltmp3, $4  }
0x96: {  	s23 =	sadd.s32 $0x1400, s24;
	[sflag:s12] =	ssyncadd.s32 $0xFFFFC000  }
0x97: {  	[spmem:s2] =	stream.indirect.scatter.add.f32 [tilespmem:s18], [sflag:$0x1], $0x80, s23, s17, $0xb8;
	[tilespmem:$0x1A800] =	vst v63  }
0x98: {  	_ =	swait.ge [sflag:s12], $0x4000  }
0x99: {  	s23 =	smov.u32 s25;
	[sflag:s12] =	ssyncset.done $0x0  }
0x9a: {  	s22 =	sshra.s32 s22, $0x2;
	[sflag:s12] =	ssyncadd.s32 $0xFFFFC000  }
0x9b: {  	[tilespmem:s18], [sflag:$0x1] =	stream.indirect.gather [hbm4b:s10+s17], $0x80, s22, s17, $0xb8;
	[tilespmem:$0x1A800] =	vst v63  }
0x9c: {  	_ =	swait.ge [sflag:s12], $0x4000  }
0x9d: {  	[sflag:s12] =	ssyncset.done $0x0  }
0x9e: {  	s22 =	sadd.s32 $0x1400, s22;
	[sflag:s12] =	ssyncadd.s32 $0xFFFFC000  }
0x9f: {  	[spmem:s2] =	stream.indirect.scatter.add.f32 [tilespmem:s18], [sflag:$0x1], $0x80, s22, s17, $0xb8;
	[tilespmem:$0x1A800] =	vst v63  }
0xa0: {  	_ =	swait.ge [sflag:s12], $0x4000  }
0xa1: {  	[sflag:s12] =	ssyncset.done $0x0  }
0xa2: {  	s21 =	sadd.s32 $0x1, s21;
	[sflag:s12] =	ssyncadd.s32 $0xFFFFC000  }
0xa3: {  	s31 =	sadd.s32 $0x78000, s19;
	p0 =	sne.s32 s21, s11;
	[bflag:$0x0] =	sbarrier.arrive $0xFFFF  }
0xa4: {  	[hbm:s31], [sflag:s15] =	dma.local [spmem:s16], $0x2800  }
.Ltmp4:
0xa5: {  	_ =	swait.ge [sflag:s12], $0x2800;
	(pc) =	sbr.rel @p0 .LBB2_1-.Ltmp4, $3  }
0xa6: {  	[sflag:s12] =	ssyncset.done $0x0  }
0xa7: {  	[sflag:s12] =	ssyncadd.s32 $0xFFFFD800  }
0xa8: {  	[bflag:$0x0] =	sbarrier.arrive $0xFFFF;
	_ =	sdelay $0x1  }
0xa9: {  	_ =	sfence.sel $0x180000  }
0xaa: {  	[bflag:$0x0] =	sbarrier.arrive $0xFFFF  }
0xab: {  	p0 =	sne.s32 s0, $0x0;
	_ =	strace $0x90000053  }
0xac: {  	s0 =	sadd.s32 @!p0 $0x100000, s1;
	[bflag:$0x2] =	sbarrier.arrive $0xFFFF  }
0xad: {  	[sflag:s0] =	ssyncadd.tile.s32 @!p0 $0x1;
	_ =	shalt  }
.Lfunc_end2:
_tile_overlayer_lowered:
.L_overlay_start_2:
0xae: {  	(tag) =	ssettag $0x2  }
0xaf: {  	s0 =	rddreg [dreg:$0x0];
	s2 =	stileid.u32  }
0xb0: {  	s1 =	rddreg [dreg:$0x1];
	p0 =	sne.s32 s2, $0x0  }
0xb1: {  	s3 =	rddreg [dreg:$0x2];
	[bflag:$0x3] =	sbarrier.arrive $0xFFFF;
	s2 =	simm.s32 @!p0 $0x1C01  }
0xb2: {  	[timem:s3], [sflag:s2] =	dma.local @!p0 [hbm:s0], s1  }
0xb3: {  	s0 =	simm.s32 @!p0 $0x1  }
0xb4: {  	_ =	swait.ge @!p0 [sflag:s0], s1  }
0xb5: {  	s1 =	ssub.s32 @!p0 $0x0, s1;
	[sflag:s0] =	ssyncset.done @!p0 $0x0  }
0xb6: {  	[sflag:s0] =	ssyncadd.s32 @!p0 s1  }
0xb7: {  	[bflag:$0x3] =	sbarrier.arrive $0xFFFF  }
0xb8: {  	_ =	shalt  }

</sc_bundles>
